<compile_context>
chip_gen: v7x
topology: tpu7x:2x2x1
jax: 0.10.2.dev20260603
libtpu: 0.0.44.dev20260713+nightly
codegen_flags: <defaults>
</compile_context>

<pallas_src>
import functools

import jax
import jax.numpy as jnp
from jax import lax
from jax.experimental import pallas as pl
from jax.experimental.pallas import tpu as pltpu
from jax.experimental.pallas import tpu_sc as plsc

_N = 10000
_E = 320000
_D = 128
_H = 64
_C = 2

_NC = 2
_NS = 16
_NW = _NC * _NS
_EPT = _E // _NW
_CH = 80
_NCHUNK = _EPT // _CH
_NPAD = 10240
_ROWS = _NPAD // _NS

_NB = 5
_NBLK = _NCHUNK // _NB
_NPAIR = (_NBLK - 1) // 2


def _make_edge_scatter(W, gather):
  mesh = plsc.VectorSubcoreMesh(core_axis_name="c", subcore_axis_name="s")
  lanes = W // 16

  @functools.partial(
      pl.kernel,
      out_type=jax.ShapeDtypeStruct((_NC, _NPAD, W), jnp.float32),
      mesh=mesh,
      compiler_params=pltpu.CompilerParams(use_tc_tiling_on_sc=False),
      scratch_types=[
          pltpu.VMEM((_NCHUNK, _CH), jnp.int32),
          pltpu.VMEM((_NCHUNK, _CH), jnp.int32),
          pltpu.VMEM((2, _NB, _CH, W), jnp.float32),
          pltpu.VMEM_SHARED((_NPAD, W), jnp.float32),
          pltpu.SemaphoreType.DMA,
          pltpu.SemaphoreType.DMA,
          pltpu.SemaphoreType.DMA,
          pltpu.SemaphoreType.DMA,
      ],
  )
  def k(ei3_hbm, rows_hbm, out_hbm,
        sidx2, didx2, rows, acc, gsem, gsem1, ssem0, ssem1):
    c = lax.axis_index("c")
    s = lax.axis_index("s")
    tile = c * _NS + s
    r0 = s * _ROWS

    def zfill(j, carry):
      rows[1, 0, j // lanes, pl.ds((j % lanes) * 16, 16)] = (
          jnp.zeros((16,), jnp.float32))
      return carry

    lax.fori_loop(0, _CH * lanes, zfill, 0)
    zh = [pltpu.async_copy(rows.at[1, 0], acc.at[pl.ds(r0 + i * _CH, _CH)],
                           gsem)
          for i in range(_ROWS // _CH)]
    cb = tile * _NCHUNK
    if gather:
      pltpu.sync_copy(ei3_hbm.at[0, pl.ds(cb, _NCHUNK)], sidx2)
    else:
      pltpu.sync_copy(rows_hbm, rows.at[0, 0])
    pltpu.sync_copy(ei3_hbm.at[1, pl.ds(cb, _NCHUNK)], didx2)
    for h in zh:
      h.wait()
    plsc.subcore_barrier()

    def fire_gathers(setp, q0):
      sem = gsem1 if setp else gsem
      return [pltpu.async_copy(rows_hbm.at[sidx2.at[q0 + b]],
                               rows.at[setp, b], sem)
              for b in range(_NB)]

    def gather_block(setp, q0):
      for h in fire_gathers(setp, q0):
        h.wait()

    def fire_scatters(setp, q0, sem):
      for b in range(_NB):
        pltpu.async_copy(rows.at[setp, b], acc.at[didx2.at[q0 + b]],
                         sem, add=True)

    def drain_scatters(setp, sem):
      dummy = rows_hbm.at[pl.ds(0, _CH)] if gather else rows_hbm
      for b in range(_NB):
        pltpu.make_async_copy(dummy, rows.at[setp, b], sem).wait()

    if gather:
      def pair(i, carry):
        qa = (2 * i) * _NB
        qb = (2 * i + 1) * _NB

        @pl.when(i > 0)
        def _():
          drain_scatters(0, ssem0)
        gather_block(0, qa)
        fire_scatters(0, qa, ssem0)

        @pl.when(i > 0)
        def _():
          drain_scatters(1, ssem1)
        gather_block(1, qb)
        fire_scatters(1, qb, ssem1)
        return carry

      lax.fori_loop(0, _NPAIR, pair, 0)
      qe = (_NBLK - 1) * _NB
      drain_scatters(0, ssem0)
      gather_block(0, qe)
      fire_scatters(0, qe, ssem0)
      drain_scatters(0, ssem0)
      drain_scatters(1, ssem1)
    else:
      def blockd(i, carry):
        for b in range(_NB):
          pltpu.async_copy(rows.at[0, 0], acc.at[didx2.at[i * _NB + b]],
                           ssem0, add=True)

        @pl.when(i > 0)
        def _():
          drain_scatters(0, ssem0)
        return carry

      lax.fori_loop(0, _NBLK, blockd, 0)
      drain_scatters(0, ssem0)

    plsc.subcore_barrier()
    pltpu.sync_copy(acc.at[pl.ds(r0, _ROWS)], out_hbm.at[c, pl.ds(r0, _ROWS)])

  return k


_deg_scatter = _make_edge_scatter(16, gather=False)
_pass1_scatter = _make_edge_scatter(_H, gather=True)
_pass2_scatter = _make_edge_scatter(16, gather=True)

_BN = 2000
_G = _N // _BN


def _tc_mm_body(x_ref, w1, b1r, w2, b2r, wg1, xw_ref, mlp_ref):
  xv = x_ref[...]
  xw_ref[...] = jnp.dot(xv, wg1[...], preferred_element_type=jnp.float32)
  mh = jnp.maximum(
      jnp.dot(xv, w1[...], preferred_element_type=jnp.float32) + b1r[...], 0.0)
  mlp_ref[...] = jnp.dot(mh, w2[...], preferred_element_type=jnp.float32) + b2r[...]


_tc_mm = pl.pallas_call(
    _tc_mm_body,
    grid=(_G,),
    in_specs=[
        pl.BlockSpec((_BN, _D), lambda i: (i, 0)),
        pl.BlockSpec((_D, _H), lambda i: (0, 0)),
        pl.BlockSpec((1, _H), lambda i: (0, 0)),
        pl.BlockSpec((_H, _C), lambda i: (0, 0)),
        pl.BlockSpec((1, _C), lambda i: (0, 0)),
        pl.BlockSpec((_D, _H), lambda i: (0, 0)),
    ],
    out_specs=[
        pl.BlockSpec((_BN, _H), lambda i: (i, 0)),
        pl.BlockSpec((_BN, _C), lambda i: (i, 0)),
    ],
    out_shape=[
        jax.ShapeDtypeStruct((_N, _H), jnp.float32),
        jax.ShapeDtypeStruct((_N, _C), jnp.float32),
    ],
)


def _tc_scale_body(degp_ref, xw_ref, y_ref, dinv_ref):
  deg1 = degp_ref[0, :, 0:1] + degp_ref[1, :, 0:1] + 1.0
  dinv = lax.rsqrt(jnp.maximum(deg1, 1e-12))
  y_ref[...] = xw_ref[...] * dinv
  dinv_ref[...] = dinv


_tc_scale = pl.pallas_call(
    _tc_scale_body,
    grid=(_G,),
    in_specs=[
        pl.BlockSpec((2, _BN, 16), lambda i: (0, i, 0)),
        pl.BlockSpec((_BN, _H), lambda i: (i, 0)),
    ],
    out_specs=[
        pl.BlockSpec((_BN, _H), lambda i: (i, 0)),
        pl.BlockSpec((_BN, 1), lambda i: (i, 0)),
    ],
    out_shape=[
        jax.ShapeDtypeStruct((_N, _H), jnp.float32),
        jax.ShapeDtypeStruct((_N, 1), jnp.float32),
    ],
)


def _tc_mid_body(hp_ref, y_ref, dinv_ref, bg1r, wg2, up_ref, us_ref):
  hpre = hp_ref[0] + hp_ref[1] + y_ref[...]
  h = hpre * dinv_ref[...] + bg1r[...]
  hr = jnp.maximum(h, 0.0)
  u = jnp.dot(hr, wg2[...], preferred_element_type=jnp.float32)
  us = u * dinv_ref[...]
  us_ref[...] = us
  up_ref[...] = jnp.concatenate(
      [us, jnp.zeros((_BN, 16 - _C), jnp.float32)], axis=1)


_tc_mid = pl.pallas_call(
    _tc_mid_body,
    grid=(_G,),
    in_specs=[
        pl.BlockSpec((2, _BN, _H), lambda i: (0, i, 0)),
        pl.BlockSpec((_BN, _H), lambda i: (i, 0)),
        pl.BlockSpec((_BN, 1), lambda i: (i, 0)),
        pl.BlockSpec((1, _H), lambda i: (0, 0)),
        pl.BlockSpec((_H, _C), lambda i: (0, 0)),
    ],
    out_specs=[
        pl.BlockSpec((_BN, 16), lambda i: (i, 0)),
        pl.BlockSpec((_BN, _C), lambda i: (i, 0)),
    ],
    out_shape=[
        jax.ShapeDtypeStruct((_N, 16), jnp.float32),
        jax.ShapeDtypeStruct((_N, _C), jnp.float32),
    ],
)


def _tc_final_body(sp_ref, us_ref, dinv_ref, mlp_ref, bg2r, out_ref):
  spc = sp_ref[0, :, 0:_C] + sp_ref[1, :, 0:_C]
  o = mlp_ref[...] + (spc + us_ref[...]) * dinv_ref[...] + bg2r[...]
  m = jnp.max(o, axis=1, keepdims=True)
  lse = m + jnp.log(jnp.sum(jnp.exp(o - m), axis=1, keepdims=True))
  out_ref[...] = o - lse


_tc_final = pl.pallas_call(
    _tc_final_body,
    grid=(_G,),
    in_specs=[
        pl.BlockSpec((2, _BN, 16), lambda i: (0, i, 0)),
        pl.BlockSpec((_BN, _C), lambda i: (i, 0)),
        pl.BlockSpec((_BN, 1), lambda i: (i, 0)),
        pl.BlockSpec((_BN, _C), lambda i: (i, 0)),
        pl.BlockSpec((1, _C), lambda i: (0, 0)),
    ],
    out_specs=pl.BlockSpec((_BN, _C), lambda i: (i, 0)),
    out_shape=jax.ShapeDtypeStruct((_N, _C), jnp.float32),
)


def kernel(x, edge_index, W1, b1, W2, b2, Wg1, bg1, Wg2, bg2):
  ei3 = edge_index.reshape(2, _E // _CH, _CH)
  ones = jnp.ones((_CH, 16), jnp.float32)
  b1r = b1.reshape(1, _H)
  b2r = b2.reshape(1, _C)
  bg1r = bg1.reshape(1, _H)
  bg2r = bg2.reshape(1, _C)

  degp = _deg_scatter(ei3, ones)
  xw, mlp = _tc_mm(x, W1, b1r, W2, b2r, Wg1)
  y, dinv = _tc_scale(degp, xw)
  hp = _pass1_scatter(ei3, y)
  up, us = _tc_mid(hp, y, dinv, bg1r, Wg2)
  sp = _pass2_scatter(ei3, up)
  return _tc_final(sp, us, dinv, mlp, bg2r)

# --- scband reference (transcript-rebuilt; emitter-appended) ---
"""Pipeline reference for scband-hybrid-model-74294344286956 (READ-ONLY COPY).

The authoritative reference and input builder live on the scoring server;
editing this copy changes nothing except your own understanding.
"""

import jax, jax.numpy as jnp
import numpy as np

N = 10000
E = 320000
D = 128
H = 64
C = 2


def _gcn_conv(x, W, b, src, dst, n_nodes):
    # GCNConv (Kipf & Welling): add self-loops, symmetric normalization, sum-aggregate
    xw = x @ W
    loop = jnp.arange(n_nodes, dtype=src.dtype)
    src_full = jnp.concatenate([src, loop])
    dst_full = jnp.concatenate([dst, loop])
    deg = jnp.zeros((n_nodes,), dtype=x.dtype).at[dst_full].add(1.0)
    dinv = jax.lax.rsqrt(jnp.maximum(deg, 1e-12))
    norm = dinv[src_full] * dinv[dst_full]
    msg = xw[src_full] * norm[:, None]
    out = jnp.zeros((n_nodes, W.shape[1]), dtype=x.dtype).at[dst_full].add(msg)
    return out + b


def setup_inputs(seed: int = 0) -> dict:
    key = jax.random.key(seed)
    ks = jax.random.split(key, 12)
    x = jax.random.normal(ks[0], (N, D), dtype=jnp.float32)
    edge_index = jax.random.randint(ks[1], (2, E), 0, N, dtype=jnp.int32)
    s1 = 1.0 / np.sqrt(D)
    s2 = 1.0 / np.sqrt(H)
    W1 = jax.random.normal(ks[2], (D, H), dtype=jnp.float32) * s1
    b1 = jnp.zeros((H,), dtype=jnp.float32)
    W2 = jax.random.normal(ks[3], (H, C), dtype=jnp.float32) * s2
    b2 = jnp.zeros((C,), dtype=jnp.float32)
    Wg1 = jax.random.normal(ks[4], (D, H), dtype=jnp.float32) * s1
    bg1 = jnp.zeros((H,), dtype=jnp.float32)
    Wg2 = jax.random.normal(ks[5], (H, C), dtype=jnp.float32) * s2
    bg2 = jnp.zeros((C,), dtype=jnp.float32)
    return {"x": x, "edge_index": edge_index, "W1": W1, "b1": b1, "W2": W2,
            "b2": b2, "Wg1": Wg1, "bg1": bg1, "Wg2": Wg2, "bg2": bg2}


def reference(x, edge_index, W1, b1, W2, b2, Wg1, bg1, Wg2, bg2):
    # MLP branch (dropout is identity in eval mode)
    mlp_h = jnp.maximum(x @ W1 + b1, 0.0)
    mlp_out = mlp_h @ W2 + b2
    # GCN branch: conv1 -> relu -> conv2
    src = edge_index[0]
    dst = edge_index[1]
    h = _gcn_conv(x, Wg1, bg1, src, dst, x.shape[0])
    h = jnp.maximum(h, 0.0)
    gcn_out = _gcn_conv(h, Wg2, bg2, src, dst, x.shape[0])
    out = mlp_out + gcn_out
    return jax.nn.log_softmax(out, axis=1)

if __name__ == "__main__":
    import jax
    _d = setup_inputs()
    print(jax.jit(kernel)(*tuple(_d.values())))

</pallas_src>

<mosaic_0001>
#map = affine_map<(d0, d1) -> (0, 0, 0)>
#map1 = affine_map<(d0, d1) -> (0, 0)>
module attributes {stable_mosaic.version = 14 : i64} {
  func.func @k(%arg0: i32, %arg1: i32, %arg2: memref<2x4000x80xi32, #tpu.memory_space<hbm>>, %arg3: memref<10000x64xf32, #tpu.memory_space<hbm>>, %arg4: memref<2x10240x64xf32, #tpu.memory_space<hbm>>, %arg5: memref<125x80xi32, #tpu.memory_space<vmem>>, %arg6: memref<125x80xi32, #tpu.memory_space<vmem>>, %arg7: memref<2x5x80x64xf32, #tpu.memory_space<vmem>>, %arg8: memref<10240x64xf32, #tpu.memory_space<vmem_shared>>, %arg9: memref<!tpu.dma_semaphore, #tpu.memory_space<semaphore_mem>>, %arg10: memref<!tpu.dma_semaphore, #tpu.memory_space<semaphore_mem>>, %arg11: memref<!tpu.dma_semaphore, #tpu.memory_space<semaphore_mem>>, %arg12: memref<!tpu.dma_semaphore, #tpu.memory_space<semaphore_mem>>) attributes {dimension_semantics = [#tpu.dimension_semantics<core_parallel>, #tpu.dimension_semantics<subcore_parallel>], iteration_bounds = array<i64: 2, 16>, scalar_prefetch = 0 : i64, scratch_operands = 8 : i64, tpu.core_type = #tpu.core_type<sc_vector_subcore>, window_params = [{transform_indices = #map}, {transform_indices = #map1}, {transform_indices = #map}]} {
    %mul3A = arith.constant 16 : i32
    %mul3A_0 = arith.muli %arg0, %mul3A : i32
    %add3A = arith.addi %mul3A_0, %arg1 : i32
    %mul3A_1 = arith.constant 640 : i32
    %mul3A_2 = arith.muli %arg1, %mul3A_1 : i32
    %scan3A = arith.constant 0 : i32
    %scan3A_3 = arith.constant 0 : i32
    %scan3A_4 = arith.constant 320 : i32
    %scan3A_5 = arith.addi %scan3A_3, %scan3A_4 : i32
    %scan3A_6 = arith.constant 1 : i32
    scf.for %scan3A_691 = %scan3A_3 to %scan3A_5 step %scan3A_6  : i32 {
      %broadcast_in_dim3A = arith.constant 0.000000e+00 : f32
      %broadcast_in_dim3A_692 = vector.broadcast %broadcast_in_dim3A : f32 to vector<16xf32>
      %jit3A = arith.constant 4 : i32
      %div3A = arith.divsi %scan3A_691, %jit3A : i32
      %sign3A = arith.constant 0 : i32
      %sign3A_693 = arith.cmpi sgt, %scan3A_691, %sign3A : i32
      %sign3A_694 = arith.extui %sign3A_693 : i1 to i32
      %sign3A_695 = arith.constant 0 : i32
      %sign3A_696 = arith.cmpi slt, %scan3A_691, %sign3A_695 : i32
      %sign3A_697 = arith.extui %sign3A_696 : i1 to i32
      %sign3A_698 = arith.subi %sign3A_694, %sign3A_697 : i32
      %sign3A_699 = arith.constant 0 : i32
      %sign3A_700 = arith.cmpi sgt, %jit3A, %sign3A_699 : i32
      %sign3A_701 = arith.extui %sign3A_700 : i1 to i32
      %sign3A_702 = arith.constant 0 : i32
      %sign3A_703 = arith.cmpi slt, %jit3A, %sign3A_702 : i32
      %sign3A_704 = arith.extui %sign3A_703 : i1 to i32
      %sign3A_705 = arith.subi %sign3A_701, %sign3A_704 : i32
      %ne3A = arith.cmpi ne, %sign3A_698, %sign3A_705 : i32
      %rem3A = arith.remsi %scan3A_691, %jit3A : i32
      %ne3A_706 = arith.constant 0 : i32
      %ne3A_707 = arith.cmpi ne, %rem3A, %ne3A_706 : i32
      %and3A = arith.andi %ne3A, %ne3A_707 : i1
      %sub3A = arith.constant 1 : i32
      %sub3A_708 = arith.subi %div3A, %sub3A : i32
      %select_n3A = arith.select %and3A, %sub3A_708, %div3A : i32
      %jit3A_709 = arith.constant 4 : i32
      %eq3A = arith.constant 0 : i32
      %eq3A_710 = arith.cmpi eq, %jit3A_709, %eq3A : i32
      %jit3A_711 = arith.constant 1 : i32
      %select_n3A_712 = arith.select %eq3A_710, %jit3A_711, %jit3A_709 : i32
      %rem3A_713 = arith.remsi %scan3A_691, %select_n3A_712 : i32
      %ne3A_714 = arith.constant 0 : i32
      %ne3A_715 = arith.cmpi ne, %rem3A_713, %ne3A_714 : i32
      %lt3A = arith.constant 0 : i32
      %lt3A_716 = arith.cmpi slt, %rem3A_713, %lt3A : i32
      %lt3A_717 = arith.constant 0 : i32
      %lt3A_718 = arith.cmpi slt, %select_n3A_712, %lt3A_717 : i32
      %ne3A_719 = arith.xori %lt3A_716, %lt3A_718 : i1
      %and3A_720 = arith.andi %ne3A_719, %ne3A_715 : i1
      %add3A_721 = arith.addi %rem3A_713, %select_n3A_712 : i32
      %select_n3A_722 = arith.select %and3A_720, %add3A_721, %rem3A_713 : i32
      %mul3A_723 = arith.constant 16 : i32
      %mul3A_724 = arith.muli %select_n3A_722, %mul3A_723 : i32
      %swap3A = arith.constant 1 : i32
      %swap3A_725 = arith.constant 0 : i32
      %swap3A_726 = arith.index_cast %swap3A : i32 to index
      %swap3A_727 = arith.index_cast %swap3A_725 : i32 to index
      %swap3A_728 = arith.index_cast %select_n3A : i32 to index
      %swap3A_729 = arith.index_cast %mul3A_724 : i32 to index
      %swap3A_730 = tpu.vector_load %arg7[%swap3A_726, %swap3A_727, %swap3A_728, %swap3A_729] {strides = array<i32>} : memref<2x5x80x64xf32, #tpu.memory_space<vmem>>, vector<1x1x1x16xf32>,
      %swap3A_731 = vector.shape_cast %swap3A_730 : vector<1x1x1x16xf32> to vector<16xf32>
      %swap3A_732 = vector.shape_cast %broadcast_in_dim3A_692 : vector<16xf32> to vector<1x1x1x16xf32>
      tpu.vector_store %arg7[%swap3A_726, %swap3A_727, %swap3A_728, %swap3A_729], %swap3A_732 {strides = array<i32>} : memref<2x5x80x64xf32, #tpu.memory_space<vmem>>, vector<1x1x1x16xf32>,
    }
    %scan3A_7 = arith.constant 320 : i32
    %add3A_8 = arith.constant 0 : i32
    %add3A_9 = arith.addi %mul3A_2, %add3A_8 : i32
    %dma_start3A = arith.constant 1 : i32
    %dma_start3A_10 = arith.constant 0 : i32
    %dma_start3A_11 = arith.constant 0 : i32
    %dma_start3A_12 = arith.constant 0 : i32
    %dma_start3A_13 = tpu.memref_slice %arg7[%dma_start3A, %dma_start3A_10, %dma_start3A_11, %dma_start3A_12] : memref<2x5x80x64xf32, #tpu.memory_space<vmem>> -> memref<1x1x80x64xf32, #tpu.memory_space<vmem>>
    %dma_start3A_14 = tpu.memref_squeeze %dma_start3A_13 : memref<1x1x80x64xf32, #tpu.memory_space<vmem>> -> memref<80x64xf32, #tpu.memory_space<vmem>>
    %dma_start3A_15 = arith.constant 0 : i32
    %dma_start3A_16 = tpu.memref_slice %arg8[%add3A_9, %dma_start3A_15] : memref<10240x64xf32, #tpu.memory_space<vmem_shared>> -> memref<80x64xf32, #tpu.memory_space<vmem_shared>>
    %dma_start3A_17 = arith.constant 0 : i32
    %dma_start3A_18 = tpu.memref_slice %arg8[%add3A_9, %dma_start3A_17] : memref<10240x64xf32, #tpu.memory_space<vmem_shared>> -> memref<80x64xf32, #tpu.memory_space<vmem_shared>>
    %dma_start3A_19 = arith.constant 0 : i32
    %dma_start3A_20 = arith.constant 0 : i32
    %dma_start3A_21 = tpu.memref_slice %arg7[%dma_start3A, %dma_start3A_10, %dma_start3A_19, %dma_start3A_20] : memref<2x5x80x64xf32, #tpu.memory_space<vmem>> -> memref<1x1x80x64xf32, #tpu.memory_space<vmem>>
    %dma_start3A_22 = tpu.memref_squeeze %dma_start3A_21 : memref<1x1x80x64xf32, #tpu.memory_space<vmem>> -> memref<80x64xf32, #tpu.memory_space<vmem>>
    tpu.enqueue_dma source(%dma_start3A_22 : memref<80x64xf32, #tpu.memory_space<vmem>>) target(%dma_start3A_18 : memref<80x64xf32, #tpu.memory_space<vmem_shared>>) target_semaphore(%arg9 : memref<!tpu.dma_semaphore, #tpu.memory_space<semaphore_mem>>)
    %add3A_23 = arith.constant 80 : i32
    %add3A_24 = arith.addi %mul3A_2, %add3A_23 : i32
    %dma_start3A_25 = arith.constant 1 : i32
    %dma_start3A_26 = arith.constant 0 : i32
    %dma_start3A_27 = arith.constant 0 : i32
    %dma_start3A_28 = arith.constant 0 : i32
    %dma_start3A_29 = tpu.memref_slice %arg7[%dma_start3A_25, %dma_start3A_26, %dma_start3A_27, %dma_start3A_28] : memref<2x5x80x64xf32, #tpu.memory_space<vmem>> -> memref<1x1x80x64xf32, #tpu.memory_space<vmem>>
    %dma_start3A_30 = tpu.memref_squeeze %dma_start3A_29 : memref<1x1x80x64xf32, #tpu.memory_space<vmem>> -> memref<80x64xf32, #tpu.memory_space<vmem>>
    %dma_start3A_31 = arith.constant 0 : i32
    %dma_start3A_32 = tpu.memref_slice %arg8[%add3A_24, %dma_start3A_31] : memref<10240x64xf32, #tpu.memory_space<vmem_shared>> -> memref<80x64xf32, #tpu.memory_space<vmem_shared>>
    %dma_start3A_33 = arith.constant 0 : i32
    %dma_start3A_34 = tpu.memref_slice %arg8[%add3A_24, %dma_start3A_33] : memref<10240x64xf32, #tpu.memory_space<vmem_shared>> -> memref<80x64xf32, #tpu.memory_space<vmem_shared>>
    %dma_start3A_35 = arith.constant 0 : i32
    %dma_start3A_36 = arith.constant 0 : i32
    %dma_start3A_37 = tpu.memref_slice %arg7[%dma_start3A_25, %dma_start3A_26, %dma_start3A_35, %dma_start3A_36] : memref<2x5x80x64xf32, #tpu.memory_space<vmem>> -> memref<1x1x80x64xf32, #tpu.memory_space<vmem>>
    %dma_start3A_38 = tpu.memref_squeeze %dma_start3A_37 : memref<1x1x80x64xf32, #tpu.memory_space<vmem>> -> memref<80x64xf32, #tpu.memory_space<vmem>>
    tpu.enqueue_dma source(%dma_start3A_38 : memref<80x64xf32, #tpu.memory_space<vmem>>) target(%dma_start3A_34 : memref<80x64xf32, #tpu.memory_space<vmem_shared>>) target_semaphore(%arg9 : memref<!tpu.dma_semaphore, #tpu.memory_space<semaphore_mem>>)
    %add3A_39 = arith.constant 160 : i32
    %add3A_40 = arith.addi %mul3A_2, %add3A_39 : i32
    %dma_start3A_41 = arith.constant 1 : i32
    %dma_start3A_42 = arith.constant 0 : i32
    %dma_start3A_43 = arith.constant 0 : i32
    %dma_start3A_44 = arith.constant 0 : i32
    %dma_start3A_45 = tpu.memref_slice %arg7[%dma_start3A_41, %dma_start3A_42, %dma_start3A_43, %dma_start3A_44] : memref<2x5x80x64xf32, #tpu.memory_space<vmem>> -> memref<1x1x80x64xf32, #tpu.memory_space<vmem>>
    %dma_start3A_46 = tpu.memref_squeeze %dma_start3A_45 : memref<1x1x80x64xf32, #tpu.memory_space<vmem>> -> memref<80x64xf32, #tpu.memory_space<vmem>>
    %dma_start3A_47 = arith.constant 0 : i32
    %dma_start3A_48 = tpu.memref_slice %arg8[%add3A_40, %dma_start3A_47] : memref<10240x64xf32, #tpu.memory_space<vmem_shared>> -> memref<80x64xf32, #tpu.memory_space<vmem_shared>>
    %dma_start3A_49 = arith.constant 0 : i32
    %dma_start3A_50 = tpu.memref_slice %arg8[%add3A_40, %dma_start3A_49] : memref<10240x64xf32, #tpu.memory_space<vmem_shared>> -> memref<80x64xf32, #tpu.memory_space<vmem_shared>>
    %dma_start3A_51 = arith.constant 0 : i32
    %dma_start3A_52 = arith.constant 0 : i32
    %dma_start3A_53 = tpu.memref_slice %arg7[%dma_start3A_41, %dma_start3A_42, %dma_start3A_51, %dma_start3A_52] : memref<2x5x80x64xf32, #tpu.memory_space<vmem>> -> memref<1x1x80x64xf32, #tpu.memory_space<vmem>>
    %dma_start3A_54 = tpu.memref_squeeze %dma_start3A_53 : memref<1x1x80x64xf32, #tpu.memory_space<vmem>> -> memref<80x64xf32, #tpu.memory_space<vmem>>
    tpu.enqueue_dma source(%dma_start3A_54 : memref<80x64xf32, #tpu.memory_space<vmem>>) target(%dma_start3A_50 : memref<80x64xf32, #tpu.memory_space<vmem_shared>>) target_semaphore(%arg9 : memref<!tpu.dma_semaphore, #tpu.memory_space<semaphore_mem>>)
    %add3A_55 = arith.constant 240 : i32
    %add3A_56 = arith.addi %mul3A_2, %add3A_55 : i32
    %dma_start3A_57 = arith.constant 1 : i32
    %dma_start3A_58 = arith.constant 0 : i32
    %dma_start3A_59 = arith.constant 0 : i32
    %dma_start3A_60 = arith.constant 0 : i32
    %dma_start3A_61 = tpu.memref_slice %arg7[%dma_start3A_57, %dma_start3A_58, %dma_start3A_59, %dma_start3A_60] : memref<2x5x80x64xf32, #tpu.memory_space<vmem>> -> memref<1x1x80x64xf32, #tpu.memory_space<vmem>>
    %dma_start3A_62 = tpu.memref_squeeze %dma_start3A_61 : memref<1x1x80x64xf32, #tpu.memory_space<vmem>> -> memref<80x64xf32, #tpu.memory_space<vmem>>
    %dma_start3A_63 = arith.constant 0 : i32
    %dma_start3A_64 = tpu.memref_slice %arg8[%add3A_56, %dma_start3A_63] : memref<10240x64xf32, #tpu.memory_space<vmem_shared>> -> memref<80x64xf32, #tpu.memory_space<vmem_shared>>
    %dma_start3A_65 = arith.constant 0 : i32
    %dma_start3A_66 = tpu.memref_slice %arg8[%add3A_56, %dma_start3A_65] : memref<10240x64xf32, #tpu.memory_space<vmem_shared>> -> memref<80x64xf32, #tpu.memory_space<vmem_shared>>
    %dma_start3A_67 = arith.constant 0 : i32
    %dma_start3A_68 = arith.constant 0 : i32
    %dma_start3A_69 = tpu.memref_slice %arg7[%dma_start3A_57, %dma_start3A_58, %dma_start3A_67, %dma_start3A_68] : memref<2x5x80x64xf32, #tpu.memory_space<vmem>> -> memref<1x1x80x64xf32, #tpu.memory_space<vmem>>
    %dma_start3A_70 = tpu.memref_squeeze %dma_start3A_69 : memref<1x1x80x64xf32, #tpu.memory_space<vmem>> -> memref<80x64xf32, #tpu.memory_space<vmem>>
    tpu.enqueue_dma source(%dma_start3A_70 : memref<80x64xf32, #tpu.memory_space<vmem>>) target(%dma_start3A_66 : memref<80x64xf32, #tpu.memory_space<vmem_shared>>) target_semaphore(%arg9 : memref<!tpu.dma_semaphore, #tpu.memory_space<semaphore_mem>>)
    %add3A_71 = arith.constant 320 : i32
    %add3A_72 = arith.addi %mul3A_2, %add3A_71 : i32
    %dma_start3A_73 = arith.constant 1 : i32
    %dma_start3A_74 = arith.constant 0 : i32
    %dma_start3A_75 = arith.constant 0 : i32
    %dma_start3A_76 = arith.constant 0 : i32
    %dma_start3A_77 = tpu.memref_slice %arg7[%dma_start3A_73, %dma_start3A_74, %dma_start3A_75, %dma_start3A_76] : memref<2x5x80x64xf32, #tpu.memory_space<vmem>> -> memref<1x1x80x64xf32, #tpu.memory_space<vmem>>
    %dma_start3A_78 = tpu.memref_squeeze %dma_start3A_77 : memref<1x1x80x64xf32, #tpu.memory_space<vmem>> -> memref<80x64xf32, #tpu.memory_space<vmem>>
    %dma_start3A_79 = arith.constant 0 : i32
    %dma_start3A_80 = tpu.memref_slice %arg8[%add3A_72, %dma_start3A_79] : memref<10240x64xf32, #tpu.memory_space<vmem_shared>> -> memref<80x64xf32, #tpu.memory_space<vmem_shared>>
    %dma_start3A_81 = arith.constant 0 : i32
    %dma_start3A_82 = tpu.memref_slice %arg8[%add3A_72, %dma_start3A_81] : memref<10240x64xf32, #tpu.memory_space<vmem_shared>> -> memref<80x64xf32, #tpu.memory_space<vmem_shared>>
    %dma_start3A_83 = arith.constant 0 : i32
    %dma_start3A_84 = arith.constant 0 : i32
    %dma_start3A_85 = tpu.memref_slice %arg7[%dma_start3A_73, %dma_start3A_74, %dma_start3A_83, %dma_start3A_84] : memref<2x5x80x64xf32, #tpu.memory_space<vmem>> -> memref<1x1x80x64xf32, #tpu.memory_space<vmem>>
    %dma_start3A_86 = tpu.memref_squeeze %dma_start3A_85 : memref<1x1x80x64xf32, #tpu.memory_space<vmem>> -> memref<80x64xf32, #tpu.memory_space<vmem>>
    tpu.enqueue_dma source(%dma_start3A_86 : memref<80x64xf32, #tpu.memory_space<vmem>>) target(%dma_start3A_82 : memref<80x64xf32, #tpu.memory_space<vmem_shared>>) target_semaphore(%arg9 : memref<!tpu.dma_semaphore, #tpu.memory_space<semaphore_mem>>)
    %add3A_87 = arith.constant 400 : i32
    %add3A_88 = arith.addi %mul3A_2, %add3A_87 : i32
    %dma_start3A_89 = arith.constant 1 : i32
    %dma_start3A_90 = arith.constant 0 : i32
    %dma_start3A_91 = arith.constant 0 : i32
    %dma_start3A_92 = arith.constant 0 : i32
    %dma_start3A_93 = tpu.memref_slice %arg7[%dma_start3A_89, %dma_start3A_90, %dma_start3A_91, %dma_start3A_92] : memref<2x5x80x64xf32, #tpu.memory_space<vmem>> -> memref<1x1x80x64xf32, #tpu.memory_space<vmem>>
    %dma_start3A_94 = tpu.memref_squeeze %dma_start3A_93 : memref<1x1x80x64xf32, #tpu.memory_space<vmem>> -> memref<80x64xf32, #tpu.memory_space<vmem>>
    %dma_start3A_95 = arith.constant 0 : i32
    %dma_start3A_96 = tpu.memref_slice %arg8[%add3A_88, %dma_start3A_95] : memref<10240x64xf32, #tpu.memory_space<vmem_shared>> -> memref<80x64xf32, #tpu.memory_space<vmem_shared>>
    %dma_start3A_97 = arith.constant 0 : i32
    %dma_start3A_98 = tpu.memref_slice %arg8[%add3A_88, %dma_start3A_97] : memref<10240x64xf32, #tpu.memory_space<vmem_shared>> -> memref<80x64xf32, #tpu.memory_space<vmem_shared>>
    %dma_start3A_99 = arith.constant 0 : i32
    %dma_start3A_100 = arith.constant 0 : i32
    %dma_start3A_101 = tpu.memref_slice %arg7[%dma_start3A_89, %dma_start3A_90, %dma_start3A_99, %dma_start3A_100] : memref<2x5x80x64xf32, #tpu.memory_space<vmem>> -> memref<1x1x80x64xf32, #tpu.memory_space<vmem>>
    %dma_start3A_102 = tpu.memref_squeeze %dma_start3A_101 : memref<1x1x80x64xf32, #tpu.memory_space<vmem>> -> memref<80x64xf32, #tpu.memory_space<vmem>>
    tpu.enqueue_dma source(%dma_start3A_102 : memref<80x64xf32, #tpu.memory_space<vmem>>) target(%dma_start3A_98 : memref<80x64xf32, #tpu.memory_space<vmem_shared>>) target_semaphore(%arg9 : memref<!tpu.dma_semaphore, #tpu.memory_space<semaphore_mem>>)
    %add3A_103 = arith.constant 480 : i32
    %add3A_104 = arith.addi %mul3A_2, %add3A_103 : i32
    %dma_start3A_105 = arith.constant 1 : i32
    %dma_start3A_106 = arith.constant 0 : i32
    %dma_start3A_107 = arith.constant 0 : i32
    %dma_start3A_108 = arith.constant 0 : i32
    %dma_start3A_109 = tpu.memref_slice %arg7[%dma_start3A_105, %dma_start3A_106, %dma_start3A_107, %dma_start3A_108] : memref<2x5x80x64xf32, #tpu.memory_space<vmem>> -> memref<1x1x80x64xf32, #tpu.memory_space<vmem>>
    %dma_start3A_110 = tpu.memref_squeeze %dma_start3A_109 : memref<1x1x80x64xf32, #tpu.memory_space<vmem>> -> memref<80x64xf32, #tpu.memory_space<vmem>>
    %dma_start3A_111 = arith.constant 0 : i32
    %dma_start3A_112 = tpu.memref_slice %arg8[%add3A_104, %dma_start3A_111] : memref<10240x64xf32, #tpu.memory_space<vmem_shared>> -> memref<80x64xf32, #tpu.memory_space<vmem_shared>>
    %dma_start3A_113 = arith.constant 0 : i32
    %dma_start3A_114 = tpu.memref_slice %arg8[%add3A_104, %dma_start3A_113] : memref<10240x64xf32, #tpu.memory_space<vmem_shared>> -> memref<80x64xf32, #tpu.memory_space<vmem_shared>>
    %dma_start3A_115 = arith.constant 0 : i32
    %dma_start3A_116 = arith.constant 0 : i32
    %dma_start3A_117 = tpu.memref_slice %arg7[%dma_start3A_105, %dma_start3A_106, %dma_start3A_115, %dma_start3A_116] : memref<2x5x80x64xf32, #tpu.memory_space<vmem>> -> memref<1x1x80x64xf32, #tpu.memory_space<vmem>>
    %dma_start3A_118 = tpu.memref_squeeze %dma_start3A_117 : memref<1x1x80x64xf32, #tpu.memory_space<vmem>> -> memref<80x64xf32, #tpu.memory_space<vmem>>
    tpu.enqueue_dma source(%dma_start3A_118 : memref<80x64xf32, #tpu.memory_space<vmem>>) target(%dma_start3A_114 : memref<80x64xf32, #tpu.memory_space<vmem_shared>>) target_semaphore(%arg9 : memref<!tpu.dma_semaphore, #tpu.memory_space<semaphore_mem>>)
    %add3A_119 = arith.constant 560 : i32
    %add3A_120 = arith.addi %mul3A_2, %add3A_119 : i32
    %dma_start3A_121 = arith.constant 1 : i32
    %dma_start3A_122 = arith.constant 0 : i32
    %dma_start3A_123 = arith.constant 0 : i32
    %dma_start3A_124 = arith.constant 0 : i32
    %dma_start3A_125 = tpu.memref_slice %arg7[%dma_start3A_121, %dma_start3A_122, %dma_start3A_123, %dma_start3A_124] : memref<2x5x80x64xf32, #tpu.memory_space<vmem>> -> memref<1x1x80x64xf32, #tpu.memory_space<vmem>>
    %dma_start3A_126 = tpu.memref_squeeze %dma_start3A_125 : memref<1x1x80x64xf32, #tpu.memory_space<vmem>> -> memref<80x64xf32, #tpu.memory_space<vmem>>
    %dma_start3A_127 = arith.constant 0 : i32
    %dma_start3A_128 = tpu.memref_slice %arg8[%add3A_120, %dma_start3A_127] : memref<10240x64xf32, #tpu.memory_space<vmem_shared>> -> memref<80x64xf32, #tpu.memory_space<vmem_shared>>
    %dma_start3A_129 = arith.constant 0 : i32
    %dma_start3A_130 = tpu.memref_slice %arg8[%add3A_120, %dma_start3A_129] : memref<10240x64xf32, #tpu.memory_space<vmem_shared>> -> memref<80x64xf32, #tpu.memory_space<vmem_shared>>
    %dma_start3A_131 = arith.constant 0 : i32
    %dma_start3A_132 = arith.constant 0 : i32
    %dma_start3A_133 = tpu.memref_slice %arg7[%dma_start3A_121, %dma_start3A_122, %dma_start3A_131, %dma_start3A_132] : memref<2x5x80x64xf32, #tpu.memory_space<vmem>> -> memref<1x1x80x64xf32, #tpu.memory_space<vmem>>
    %dma_start3A_134 = tpu.memref_squeeze %dma_start3A_133 : memref<1x1x80x64xf32, #tpu.memory_space<vmem>> -> memref<80x64xf32, #tpu.memory_space<vmem>>
    tpu.enqueue_dma source(%dma_start3A_134 : memref<80x64xf32, #tpu.memory_space<vmem>>) target(%dma_start3A_130 : memref<80x64xf32, #tpu.memory_space<vmem_shared>>) target_semaphore(%arg9 : memref<!tpu.dma_semaphore, #tpu.memory_space<semaphore_mem>>)
    %mul3A_135 = arith.constant 125 : i32
    %mul3A_136 = arith.muli %add3A, %mul3A_135 : i32
    %run_scoped3A = arith.constant 0 : i32
    "tpu.region"() ({
      %run_scoped3A_691 = tpu.sem_alloc : memref<!tpu.dma_semaphore, #tpu.memory_space<semaphore_mem>>
      %dma_start3A_692 = arith.constant 0 : i32
      %dma_start3A_693 = tpu.memref_slice %arg2[%run_scoped3A, %mul3A_136, %dma_start3A_692] : memref<2x4000x80xi32, #tpu.memory_space<hbm>> -> memref<1x125x80xi32, #tpu.memory_space<hbm>>
      %dma_start3A_694 = tpu.memref_squeeze %dma_start3A_693 : memref<1x125x80xi32, #tpu.memory_space<hbm>> -> memref<125x80xi32, #tpu.memory_space<hbm>>
      %dma_start3A_695 = arith.constant 0 : i32
      %dma_start3A_696 = tpu.memref_slice %arg2[%run_scoped3A, %mul3A_136, %dma_start3A_695] : memref<2x4000x80xi32, #tpu.memory_space<hbm>> -> memref<1x125x80xi32, #tpu.memory_space<hbm>>
      %dma_start3A_697 = tpu.memref_squeeze %dma_start3A_696 : memref<1x125x80xi32, #tpu.memory_space<hbm>> -> memref<125x80xi32, #tpu.memory_space<hbm>>
      tpu.enqueue_dma source(%dma_start3A_697 : memref<125x80xi32, #tpu.memory_space<hbm>>) target(%arg5 : memref<125x80xi32, #tpu.memory_space<vmem>>) target_semaphore(%run_scoped3A_691 : memref<!tpu.dma_semaphore, #tpu.memory_space<semaphore_mem>>)
      %dma_wait3A_698 = arith.constant 0 : i32
      %dma_wait3A_699 = tpu.memref_slice %arg2[%run_scoped3A, %mul3A_136, %dma_wait3A_698] : memref<2x4000x80xi32, #tpu.memory_space<hbm>> -> memref<1x125x80xi32, #tpu.memory_space<hbm>>
      %dma_wait3A_700 = tpu.memref_squeeze %dma_wait3A_699 : memref<1x125x80xi32, #tpu.memory_space<hbm>> -> memref<125x80xi32, #tpu.memory_space<hbm>>
      %dma_wait3A_701 = arith.constant 0 : i32
      %dma_wait3A_702 = tpu.memref_slice %arg2[%run_scoped3A, %mul3A_136, %dma_wait3A_701] : memref<2x4000x80xi32, #tpu.memory_space<hbm>> -> memref<1x125x80xi32, #tpu.memory_space<hbm>>
      %dma_wait3A_703 = tpu.memref_squeeze %dma_wait3A_702 : memref<1x125x80xi32, #tpu.memory_space<hbm>> -> memref<125x80xi32, #tpu.memory_space<hbm>>
      tpu.wait_dma2 semaphore(%run_scoped3A_691 : memref<!tpu.dma_semaphore, #tpu.memory_space<semaphore_mem>>) src(%dma_wait3A_703 : memref<125x80xi32, #tpu.memory_space<hbm>>) dst(%arg5 : memref<125x80xi32, #tpu.memory_space<vmem>>)
      tpu.yield
    }) : () -> ()
    %run_scoped3A_137 = arith.constant 1 : i32
    "tpu.region"() ({
      %run_scoped3A_691 = tpu.sem_alloc : memref<!tpu.dma_semaphore, #tpu.memory_space<semaphore_mem>>
      %dma_start3A_692 = arith.constant 0 : i32
      %dma_start3A_693 = tpu.memref_slice %arg2[%run_scoped3A_137, %mul3A_136, %dma_start3A_692] : memref<2x4000x80xi32, #tpu.memory_space<hbm>> -> memref<1x125x80xi32, #tpu.memory_space<hbm>>
      %dma_start3A_694 = tpu.memref_squeeze %dma_start3A_693 : memref<1x125x80xi32, #tpu.memory_space<hbm>> -> memref<125x80xi32, #tpu.memory_space<hbm>>
      %dma_start3A_695 = arith.constant 0 : i32
      %dma_start3A_696 = tpu.memref_slice %arg2[%run_scoped3A_137, %mul3A_136, %dma_start3A_695] : memref<2x4000x80xi32, #tpu.memory_space<hbm>> -> memref<1x125x80xi32, #tpu.memory_space<hbm>>
      %dma_start3A_697 = tpu.memref_squeeze %dma_start3A_696 : memref<1x125x80xi32, #tpu.memory_space<hbm>> -> memref<125x80xi32, #tpu.memory_space<hbm>>
      tpu.enqueue_dma source(%dma_start3A_697 : memref<125x80xi32, #tpu.memory_space<hbm>>) target(%arg6 : memref<125x80xi32, #tpu.memory_space<vmem>>) target_semaphore(%run_scoped3A_691 : memref<!tpu.dma_semaphore, #tpu.memory_space<semaphore_mem>>)
      %dma_wait3A_698 = arith.constant 0 : i32
      %dma_wait3A_699 = tpu.memref_slice %arg2[%run_scoped3A_137, %mul3A_136, %dma_wait3A_698] : memref<2x4000x80xi32, #tpu.memory_space<hbm>> -> memref<1x125x80xi32, #tpu.memory_space<hbm>>
      %dma_wait3A_700 = tpu.memref_squeeze %dma_wait3A_699 : memref<1x125x80xi32, #tpu.memory_space<hbm>> -> memref<125x80xi32, #tpu.memory_space<hbm>>
      %dma_wait3A_701 = arith.constant 0 : i32
      %dma_wait3A_702 = tpu.memref_slice %arg2[%run_scoped3A_137, %mul3A_136, %dma_wait3A_701] : memref<2x4000x80xi32, #tpu.memory_space<hbm>> -> memref<1x125x80xi32, #tpu.memory_space<hbm>>
      %dma_wait3A_703 = tpu.memref_squeeze %dma_wait3A_702 : memref<1x125x80xi32, #tpu.memory_space<hbm>> -> memref<125x80xi32, #tpu.memory_space<hbm>>
      tpu.wait_dma2 semaphore(%run_scoped3A_691 : memref<!tpu.dma_semaphore, #tpu.memory_space<semaphore_mem>>) src(%dma_wait3A_703 : memref<125x80xi32, #tpu.memory_space<hbm>>) dst(%arg6 : memref<125x80xi32, #tpu.memory_space<vmem>>)
      tpu.yield
    }) : () -> ()
    %dma_wait3A = arith.constant 1 : i32
    %dma_wait3A_138 = arith.constant 0 : i32
    %dma_wait3A_139 = arith.constant 0 : i32
    %dma_wait3A_140 = arith.constant 0 : i32
    %dma_wait3A_141 = tpu.memref_slice %arg7[%dma_wait3A, %dma_wait3A_138, %dma_wait3A_139, %dma_wait3A_140] : memref<2x5x80x64xf32, #tpu.memory_space<vmem>> -> memref<1x1x80x64xf32, #tpu.memory_space<vmem>>
    %dma_wait3A_142 = tpu.memref_squeeze %dma_wait3A_141 : memref<1x1x80x64xf32, #tpu.memory_space<vmem>> -> memref<80x64xf32, #tpu.memory_space<vmem>>
    %dma_wait3A_143 = arith.constant 0 : i32
    %dma_wait3A_144 = tpu.memref_slice %arg8[%add3A_9, %dma_wait3A_143] : memref<10240x64xf32, #tpu.memory_space<vmem_shared>> -> memref<80x64xf32, #tpu.memory_space<vmem_shared>>
    %dma_wait3A_145 = arith.constant 0 : i32
    %dma_wait3A_146 = tpu.memref_slice %arg8[%add3A_9, %dma_wait3A_145] : memref<10240x64xf32, #tpu.memory_space<vmem_shared>> -> memref<80x64xf32, #tpu.memory_space<vmem_shared>>
    %dma_wait3A_147 = arith.constant 0 : i32
    %dma_wait3A_148 = arith.constant 0 : i32
    %dma_wait3A_149 = tpu.memref_slice %arg7[%dma_wait3A, %dma_wait3A_138, %dma_wait3A_147, %dma_wait3A_148] : memref<2x5x80x64xf32, #tpu.memory_space<vmem>> -> memref<1x1x80x64xf32, #tpu.memory_space<vmem>>
    %dma_wait3A_150 = tpu.memref_squeeze %dma_wait3A_149 : memref<1x1x80x64xf32, #tpu.memory_space<vmem>> -> memref<80x64xf32, #tpu.memory_space<vmem>>
    tpu.wait_dma2 semaphore(%arg9 : memref<!tpu.dma_semaphore, #tpu.memory_space<semaphore_mem>>) src(%dma_wait3A_150 : memref<80x64xf32, #tpu.memory_space<vmem>>) dst(%dma_wait3A_146 : memref<80x64xf32, #tpu.memory_space<vmem_shared>>)
    %dma_wait3A_151 = arith.constant 1 : i32
    %dma_wait3A_152 = arith.constant 0 : i32
    %dma_wait3A_153 = arith.constant 0 : i32
    %dma_wait3A_154 = arith.constant 0 : i32
    %dma_wait3A_155 = tpu.memref_slice %arg7[%dma_wait3A_151, %dma_wait3A_152, %dma_wait3A_153, %dma_wait3A_154] : memref<2x5x80x64xf32, #tpu.memory_space<vmem>> -> memref<1x1x80x64xf32, #tpu.memory_space<vmem>>
    %dma_wait3A_156 = tpu.memref_squeeze %dma_wait3A_155 : memref<1x1x80x64xf32, #tpu.memory_space<vmem>> -> memref<80x64xf32, #tpu.memory_space<vmem>>
    %dma_wait3A_157 = arith.constant 0 : i32
    %dma_wait3A_158 = tpu.memref_slice %arg8[%add3A_24, %dma_wait3A_157] : memref<10240x64xf32, #tpu.memory_space<vmem_shared>> -> memref<80x64xf32, #tpu.memory_space<vmem_shared>>
    %dma_wait3A_159 = arith.constant 0 : i32
    %dma_wait3A_160 = tpu.memref_slice %arg8[%add3A_24, %dma_wait3A_159] : memref<10240x64xf32, #tpu.memory_space<vmem_shared>> -> memref<80x64xf32, #tpu.memory_space<vmem_shared>>
    %dma_wait3A_161 = arith.constant 0 : i32
    %dma_wait3A_162 = arith.constant 0 : i32
    %dma_wait3A_163 = tpu.memref_slice %arg7[%dma_wait3A_151, %dma_wait3A_152, %dma_wait3A_161, %dma_wait3A_162] : memref<2x5x80x64xf32, #tpu.memory_space<vmem>> -> memref<1x1x80x64xf32, #tpu.memory_space<vmem>>
    %dma_wait3A_164 = tpu.memref_squeeze %dma_wait3A_163 : memref<1x1x80x64xf32, #tpu.memory_space<vmem>> -> memref<80x64xf32, #tpu.memory_space<vmem>>
    tpu.wait_dma2 semaphore(%arg9 : memref<!tpu.dma_semaphore, #tpu.memory_space<semaphore_mem>>) src(%dma_wait3A_164 : memref<80x64xf32, #tpu.memory_space<vmem>>) dst(%dma_wait3A_160 : memref<80x64xf32, #tpu.memory_space<vmem_shared>>)
    %dma_wait3A_165 = arith.constant 1 : i32
    %dma_wait3A_166 = arith.constant 0 : i32
    %dma_wait3A_167 = arith.constant 0 : i32
    %dma_wait3A_168 = arith.constant 0 : i32
    %dma_wait3A_169 = tpu.memref_slice %arg7[%dma_wait3A_165, %dma_wait3A_166, %dma_wait3A_167, %dma_wait3A_168] : memref<2x5x80x64xf32, #tpu.memory_space<vmem>> -> memref<1x1x80x64xf32, #tpu.memory_space<vmem>>
    %dma_wait3A_170 = tpu.memref_squeeze %dma_wait3A_169 : memref<1x1x80x64xf32, #tpu.memory_space<vmem>> -> memref<80x64xf32, #tpu.memory_space<vmem>>
    %dma_wait3A_171 = arith.constant 0 : i32
    %dma_wait3A_172 = tpu.memref_slice %arg8[%add3A_40, %dma_wait3A_171] : memref<10240x64xf32, #tpu.memory_space<vmem_shared>> -> memref<80x64xf32, #tpu.memory_space<vmem_shared>>
    %dma_wait3A_173 = arith.constant 0 : i32
    %dma_wait3A_174 = tpu.memref_slice %arg8[%add3A_40, %dma_wait3A_173] : memref<10240x64xf32, #tpu.memory_space<vmem_shared>> -> memref<80x64xf32, #tpu.memory_space<vmem_shared>>
    %dma_wait3A_175 = arith.constant 0 : i32
    %dma_wait3A_176 = arith.constant 0 : i32
    %dma_wait3A_177 = tpu.memref_slice %arg7[%dma_wait3A_165, %dma_wait3A_166, %dma_wait3A_175, %dma_wait3A_176] : memref<2x5x80x64xf32, #tpu.memory_space<vmem>> -> memref<1x1x80x64xf32, #tpu.memory_space<vmem>>
    %dma_wait3A_178 = tpu.memref_squeeze %dma_wait3A_177 : memref<1x1x80x64xf32, #tpu.memory_space<vmem>> -> memref<80x64xf32, #tpu.memory_space<vmem>>
    tpu.wait_dma2 semaphore(%arg9 : memref<!tpu.dma_semaphore, #tpu.memory_space<semaphore_mem>>) src(%dma_wait3A_178 : memref<80x64xf32, #tpu.memory_space<vmem>>) dst(%dma_wait3A_174 : memref<80x64xf32, #tpu.memory_space<vmem_shared>>)
    %dma_wait3A_179 = arith.constant 1 : i32
    %dma_wait3A_180 = arith.constant 0 : i32
    %dma_wait3A_181 = arith.constant 0 : i32
    %dma_wait3A_182 = arith.constant 0 : i32
    %dma_wait3A_183 = tpu.memref_slice %arg7[%dma_wait3A_179, %dma_wait3A_180, %dma_wait3A_181, %dma_wait3A_182] : memref<2x5x80x64xf32, #tpu.memory_space<vmem>> -> memref<1x1x80x64xf32, #tpu.memory_space<vmem>>
    %dma_wait3A_184 = tpu.memref_squeeze %dma_wait3A_183 : memref<1x1x80x64xf32, #tpu.memory_space<vmem>> -> memref<80x64xf32, #tpu.memory_space<vmem>>
    %dma_wait3A_185 = arith.constant 0 : i32
    %dma_wait3A_186 = tpu.memref_slice %arg8[%add3A_56, %dma_wait3A_185] : memref<10240x64xf32, #tpu.memory_space<vmem_shared>> -> memref<80x64xf32, #tpu.memory_space<vmem_shared>>
    %dma_wait3A_187 = arith.constant 0 : i32
    %dma_wait3A_188 = tpu.memref_slice %arg8[%add3A_56, %dma_wait3A_187] : memref<10240x64xf32, #tpu.memory_space<vmem_shared>> -> memref<80x64xf32, #tpu.memory_space<vmem_shared>>
    %dma_wait3A_189 = arith.constant 0 : i32
    %dma_wait3A_190 = arith.constant 0 : i32
    %dma_wait3A_191 = tpu.memref_slice %arg7[%dma_wait3A_179, %dma_wait3A_180, %dma_wait3A_189, %dma_wait3A_190] : memref<2x5x80x64xf32, #tpu.memory_space<vmem>> -> memref<1x1x80x64xf32, #tpu.memory_space<vmem>>
    %dma_wait3A_192 = tpu.memref_squeeze %dma_wait3A_191 : memref<1x1x80x64xf32, #tpu.memory_space<vmem>> -> memref<80x64xf32, #tpu.memory_space<vmem>>
    tpu.wait_dma2 semaphore(%arg9 : memref<!tpu.dma_semaphore, #tpu.memory_space<semaphore_mem>>) src(%dma_wait3A_192 : memref<80x64xf32, #tpu.memory_space<vmem>>) dst(%dma_wait3A_188 : memref<80x64xf32, #tpu.memory_space<vmem_shared>>)
    %dma_wait3A_193 = arith.constant 1 : i32
    %dma_wait3A_194 = arith.constant 0 : i32
    %dma_wait3A_195 = arith.constant 0 : i32
    %dma_wait3A_196 = arith.constant 0 : i32
    %dma_wait3A_197 = tpu.memref_slice %arg7[%dma_wait3A_193, %dma_wait3A_194, %dma_wait3A_195, %dma_wait3A_196] : memref<2x5x80x64xf32, #tpu.memory_space<vmem>> -> memref<1x1x80x64xf32, #tpu.memory_space<vmem>>
    %dma_wait3A_198 = tpu.memref_squeeze %dma_wait3A_197 : memref<1x1x80x64xf32, #tpu.memory_space<vmem>> -> memref<80x64xf32, #tpu.memory_space<vmem>>
    %dma_wait3A_199 = arith.constant 0 : i32
    %dma_wait3A_200 = tpu.memref_slice %arg8[%add3A_72, %dma_wait3A_199] : memref<10240x64xf32, #tpu.memory_space<vmem_shared>> -> memref<80x64xf32, #tpu.memory_space<vmem_shared>>
    %dma_wait3A_201 = arith.constant 0 : i32
    %dma_wait3A_202 = tpu.memref_slice %arg8[%add3A_72, %dma_wait3A_201] : memref<10240x64xf32, #tpu.memory_space<vmem_shared>> -> memref<80x64xf32, #tpu.memory_space<vmem_shared>>
    %dma_wait3A_203 = arith.constant 0 : i32
    %dma_wait3A_204 = arith.constant 0 : i32
    %dma_wait3A_205 = tpu.memref_slice %arg7[%dma_wait3A_193, %dma_wait3A_194, %dma_wait3A_203, %dma_wait3A_204] : memref<2x5x80x64xf32, #tpu.memory_space<vmem>> -> memref<1x1x80x64xf32, #tpu.memory_space<vmem>>
    %dma_wait3A_206 = tpu.memref_squeeze %dma_wait3A_205 : memref<1x1x80x64xf32, #tpu.memory_space<vmem>> -> memref<80x64xf32, #tpu.memory_space<vmem>>
    tpu.wait_dma2 semaphore(%arg9 : memref<!tpu.dma_semaphore, #tpu.memory_space<semaphore_mem>>) src(%dma_wait3A_206 : memref<80x64xf32, #tpu.memory_space<vmem>>) dst(%dma_wait3A_202 : memref<80x64xf32, #tpu.memory_space<vmem_shared>>)
    %dma_wait3A_207 = arith.constant 1 : i32
    %dma_wait3A_208 = arith.constant 0 : i32
    %dma_wait3A_209 = arith.constant 0 : i32
    %dma_wait3A_210 = arith.constant 0 : i32
    %dma_wait3A_211 = tpu.memref_slice %arg7[%dma_wait3A_207, %dma_wait3A_208, %dma_wait3A_209, %dma_wait3A_210] : memref<2x5x80x64xf32, #tpu.memory_space<vmem>> -> memref<1x1x80x64xf32, #tpu.memory_space<vmem>>
    %dma_wait3A_212 = tpu.memref_squeeze %dma_wait3A_211 : memref<1x1x80x64xf32, #tpu.memory_space<vmem>> -> memref<80x64xf32, #tpu.memory_space<vmem>>
    %dma_wait3A_213 = arith.constant 0 : i32
    %dma_wait3A_214 = tpu.memref_slice %arg8[%add3A_88, %dma_wait3A_213] : memref<10240x64xf32, #tpu.memory_space<vmem_shared>> -> memref<80x64xf32, #tpu.memory_space<vmem_shared>>
    %dma_wait3A_215 = arith.constant 0 : i32
    %dma_wait3A_216 = tpu.memref_slice %arg8[%add3A_88, %dma_wait3A_215] : memref<10240x64xf32, #tpu.memory_space<vmem_shared>> -> memref<80x64xf32, #tpu.memory_space<vmem_shared>>
    %dma_wait3A_217 = arith.constant 0 : i32
    %dma_wait3A_218 = arith.constant 0 : i32
    %dma_wait3A_219 = tpu.memref_slice %arg7[%dma_wait3A_207, %dma_wait3A_208, %dma_wait3A_217, %dma_wait3A_218] : memref<2x5x80x64xf32, #tpu.memory_space<vmem>> -> memref<1x1x80x64xf32, #tpu.memory_space<vmem>>
    %dma_wait3A_220 = tpu.memref_squeeze %dma_wait3A_219 : memref<1x1x80x64xf32, #tpu.memory_space<vmem>> -> memref<80x64xf32, #tpu.memory_space<vmem>>
    tpu.wait_dma2 semaphore(%arg9 : memref<!tpu.dma_semaphore, #tpu.memory_space<semaphore_mem>>) src(%dma_wait3A_220 : memref<80x64xf32, #tpu.memory_space<vmem>>) dst(%dma_wait3A_216 : memref<80x64xf32, #tpu.memory_space<vmem_shared>>)
    %dma_wait3A_221 = arith.constant 1 : i32
    %dma_wait3A_222 = arith.constant 0 : i32
    %dma_wait3A_223 = arith.constant 0 : i32
    %dma_wait3A_224 = arith.constant 0 : i32
    %dma_wait3A_225 = tpu.memref_slice %arg7[%dma_wait3A_221, %dma_wait3A_222, %dma_wait3A_223, %dma_wait3A_224] : memref<2x5x80x64xf32, #tpu.memory_space<vmem>> -> memref<1x1x80x64xf32, #tpu.memory_space<vmem>>
    %dma_wait3A_226 = tpu.memref_squeeze %dma_wait3A_225 : memref<1x1x80x64xf32, #tpu.memory_space<vmem>> -> memref<80x64xf32, #tpu.memory_space<vmem>>
    %dma_wait3A_227 = arith.constant 0 : i32
    %dma_wait3A_228 = tpu.memref_slice %arg8[%add3A_104, %dma_wait3A_227] : memref<10240x64xf32, #tpu.memory_space<vmem_shared>> -> memref<80x64xf32, #tpu.memory_space<vmem_shared>>
    %dma_wait3A_229 = arith.constant 0 : i32
    %dma_wait3A_230 = tpu.memref_slice %arg8[%add3A_104, %dma_wait3A_229] : memref<10240x64xf32, #tpu.memory_space<vmem_shared>> -> memref<80x64xf32, #tpu.memory_space<vmem_shared>>
    %dma_wait3A_231 = arith.constant 0 : i32
    %dma_wait3A_232 = arith.constant 0 : i32
    %dma_wait3A_233 = tpu.memref_slice %arg7[%dma_wait3A_221, %dma_wait3A_222, %dma_wait3A_231, %dma_wait3A_232] : memref<2x5x80x64xf32, #tpu.memory_space<vmem>> -> memref<1x1x80x64xf32, #tpu.memory_space<vmem>>
    %dma_wait3A_234 = tpu.memref_squeeze %dma_wait3A_233 : memref<1x1x80x64xf32, #tpu.memory_space<vmem>> -> memref<80x64xf32, #tpu.memory_space<vmem>>
    tpu.wait_dma2 semaphore(%arg9 : memref<!tpu.dma_semaphore, #tpu.memory_space<semaphore_mem>>) src(%dma_wait3A_234 : memref<80x64xf32, #tpu.memory_space<vmem>>) dst(%dma_wait3A_230 : memref<80x64xf32, #tpu.memory_space<vmem_shared>>)
    %dma_wait3A_235 = arith.constant 1 : i32
    %dma_wait3A_236 = arith.constant 0 : i32
    %dma_wait3A_237 = arith.constant 0 : i32
    %dma_wait3A_238 = arith.constant 0 : i32
    %dma_wait3A_239 = tpu.memref_slice %arg7[%dma_wait3A_235, %dma_wait3A_236, %dma_wait3A_237, %dma_wait3A_238] : memref<2x5x80x64xf32, #tpu.memory_space<vmem>> -> memref<1x1x80x64xf32, #tpu.memory_space<vmem>>
    %dma_wait3A_240 = tpu.memref_squeeze %dma_wait3A_239 : memref<1x1x80x64xf32, #tpu.memory_space<vmem>> -> memref<80x64xf32, #tpu.memory_space<vmem>>
    %dma_wait3A_241 = arith.constant 0 : i32
    %dma_wait3A_242 = tpu.memref_slice %arg8[%add3A_120, %dma_wait3A_241] : memref<10240x64xf32, #tpu.memory_space<vmem_shared>> -> memref<80x64xf32, #tpu.memory_space<vmem_shared>>
    %dma_wait3A_243 = arith.constant 0 : i32
    %dma_wait3A_244 = tpu.memref_slice %arg8[%add3A_120, %dma_wait3A_243] : memref<10240x64xf32, #tpu.memory_space<vmem_shared>> -> memref<80x64xf32, #tpu.memory_space<vmem_shared>>
    %dma_wait3A_245 = arith.constant 0 : i32
    %dma_wait3A_246 = arith.constant 0 : i32
    %dma_wait3A_247 = tpu.memref_slice %arg7[%dma_wait3A_235, %dma_wait3A_236, %dma_wait3A_245, %dma_wait3A_246] : memref<2x5x80x64xf32, #tpu.memory_space<vmem>> -> memref<1x1x80x64xf32, #tpu.memory_space<vmem>>
    %dma_wait3A_248 = tpu.memref_squeeze %dma_wait3A_247 : memref<1x1x80x64xf32, #tpu.memory_space<vmem>> -> memref<80x64xf32, #tpu.memory_space<vmem>>
    tpu.wait_dma2 semaphore(%arg9 : memref<!tpu.dma_semaphore, #tpu.memory_space<semaphore_mem>>) src(%dma_wait3A_248 : memref<80x64xf32, #tpu.memory_space<vmem>>) dst(%dma_wait3A_244 : memref<80x64xf32, #tpu.memory_space<vmem_shared>>)
    %barrier3A = arith.constant 0 : index
    tpu.barrier barrier_id(%barrier3A)
    %scan3A_249 = arith.constant 0 : i32
    %scan3A_250 = arith.constant 0 : i32
    %scan3A_251 = arith.constant 12 : i32
    %scan3A_252 = arith.addi %scan3A_250, %scan3A_251 : i32
    %scan3A_253 = arith.constant 1 : i32
    scf.for %scan3A_691 = %scan3A_250 to %scan3A_252 step %scan3A_253  : i32 {
      %mul3A_692 = arith.constant 2 : i32
      %mul3A_693 = arith.muli %mul3A_692, %scan3A_691 : i32
      %mul3A_694 = arith.constant 5 : i32
      %mul3A_695 = arith.muli %mul3A_693, %mul3A_694 : i32
      %mul3A_696 = arith.constant 2 : i32
      %mul3A_697 = arith.muli %mul3A_696, %scan3A_691 : i32
      %add3A_698 = arith.constant 1 : i32
      %add3A_699 = arith.addi %mul3A_697, %add3A_698 : i32
      %mul3A_700 = arith.constant 5 : i32
      %mul3A_701 = arith.muli %add3A_699, %mul3A_700 : i32
      %gt3A = arith.constant 0 : i32
      %gt3A_702 = arith.cmpi sgt, %scan3A_691, %gt3A : i32
      %convert_element_type3A = arith.extui %gt3A_702 : i1 to i32
      %cond3A = arith.constant 0 : i32
      %cond3A_703 = arith.cmpi ne, %convert_element_type3A, %cond3A : i32
      scf.if %cond3A_703 {
        %dma_wait3A_1109 = arith.constant 0 : i32
        %dma_wait3A_1110 = arith.constant 0 : i32
        %dma_wait3A_1111 = arith.constant 0 : i32
        %dma_wait3A_1112 = arith.constant 0 : i32
        %dma_wait3A_1113 = tpu.memref_slice %arg7[%dma_wait3A_1109, %dma_wait3A_1110, %dma_wait3A_1111, %dma_wait3A_1112] : memref<2x5x80x64xf32, #tpu.memory_space<vmem>> -> memref<1x1x80x64xf32, #tpu.memory_space<vmem>>
        %dma_wait3A_1114 = tpu.memref_squeeze %dma_wait3A_1113 : memref<1x1x80x64xf32, #tpu.memory_space<vmem>> -> memref<80x64xf32, #tpu.memory_space<vmem>>
        %dma_wait3A_1115 = arith.constant 0 : i32
        %dma_wait3A_1116 = arith.constant 0 : i32
        %dma_wait3A_1117 = tpu.memref_slice %arg3[%dma_wait3A_1115, %dma_wait3A_1116] : memref<10000x64xf32, #tpu.memory_space<hbm>> -> memref<80x64xf32, #tpu.memory_space<hbm>>
        %dma_wait3A_1118 = arith.constant 0 : i32
        %dma_wait3A_1119 = arith.constant 0 : i32
        %dma_wait3A_1120 = tpu.memref_slice %arg7[%dma_wait3A_1109, %dma_wait3A_1110, %dma_wait3A_1118, %dma_wait3A_1119] : memref<2x5x80x64xf32, #tpu.memory_space<vmem>> -> memref<1x1x80x64xf32, #tpu.memory_space<vmem>>
        %dma_wait3A_1121 = tpu.memref_squeeze %dma_wait3A_1120 : memref<1x1x80x64xf32, #tpu.memory_space<vmem>> -> memref<80x64xf32, #tpu.memory_space<vmem>>
        %dma_wait3A_1122 = arith.constant 0 : i32
        %dma_wait3A_1123 = arith.constant 0 : i32
        %dma_wait3A_1124 = tpu.memref_slice %arg3[%dma_wait3A_1122, %dma_wait3A_1123] : memref<10000x64xf32, #tpu.memory_space<hbm>> -> memref<80x64xf32, #tpu.memory_space<hbm>>
        tpu.wait_dma2 semaphore(%arg11 : memref<!tpu.dma_semaphore, #tpu.memory_space<semaphore_mem>>) src(%dma_wait3A_1124 : memref<80x64xf32, #tpu.memory_space<hbm>>) dst(%dma_wait3A_1121 : memref<80x64xf32, #tpu.memory_space<vmem>>)
        %dma_wait3A_1125 = arith.constant 0 : i32
        %dma_wait3A_1126 = arith.constant 1 : i32
        %dma_wait3A_1127 = arith.constant 0 : i32
        %dma_wait3A_1128 = arith.constant 0 : i32
        %dma_wait3A_1129 = tpu.memref_slice %arg7[%dma_wait3A_1125, %dma_wait3A_1126, %dma_wait3A_1127, %dma_wait3A_1128] : memref<2x5x80x64xf32, #tpu.memory_space<vmem>> -> memref<1x1x80x64xf32, #tpu.memory_space<vmem>>
        %dma_wait3A_1130 = tpu.memref_squeeze %dma_wait3A_1129 : memref<1x1x80x64xf32, #tpu.memory_space<vmem>> -> memref<80x64xf32, #tpu.memory_space<vmem>>
        %dma_wait3A_1131 = arith.constant 0 : i32
        %dma_wait3A_1132 = arith.constant 0 : i32
        %dma_wait3A_1133 = tpu.memref_slice %arg3[%dma_wait3A_1131, %dma_wait3A_1132] : memref<10000x64xf32, #tpu.memory_space<hbm>> -> memref<80x64xf32, #tpu.memory_space<hbm>>
        %dma_wait3A_1134 = arith.constant 0 : i32
        %dma_wait3A_1135 = arith.constant 0 : i32
        %dma_wait3A_1136 = tpu.memref_slice %arg7[%dma_wait3A_1125, %dma_wait3A_1126, %dma_wait3A_1134, %dma_wait3A_1135] : memref<2x5x80x64xf32, #tpu.memory_space<vmem>> -> memref<1x1x80x64xf32, #tpu.memory_space<vmem>>
        %dma_wait3A_1137 = tpu.memref_squeeze %dma_wait3A_1136 : memref<1x1x80x64xf32, #tpu.memory_space<vmem>> -> memref<80x64xf32, #tpu.memory_space<vmem>>
        %dma_wait3A_1138 = arith.constant 0 : i32
        %dma_wait3A_1139 = arith.constant 0 : i32
        %dma_wait3A_1140 = tpu.memref_slice %arg3[%dma_wait3A_1138, %dma_wait3A_1139] : memref<10000x64xf32, #tpu.memory_space<hbm>> -> memref<80x64xf32, #tpu.memory_space<hbm>>
        tpu.wait_dma2 semaphore(%arg11 : memref<!tpu.dma_semaphore, #tpu.memory_space<semaphore_mem>>) src(%dma_wait3A_1140 : memref<80x64xf32, #tpu.memory_space<hbm>>) dst(%dma_wait3A_1137 : memref<80x64xf32, #tpu.memory_space<vmem>>)
        %dma_wait3A_1141 = arith.constant 0 : i32
        %dma_wait3A_1142 = arith.constant 2 : i32
        %dma_wait3A_1143 = arith.constant 0 : i32
        %dma_wait3A_1144 = arith.constant 0 : i32
        %dma_wait3A_1145 = tpu.memref_slice %arg7[%dma_wait3A_1141, %dma_wait3A_1142, %dma_wait3A_1143, %dma_wait3A_1144] : memref<2x5x80x64xf32, #tpu.memory_space<vmem>> -> memref<1x1x80x64xf32, #tpu.memory_space<vmem>>
        %dma_wait3A_1146 = tpu.memref_squeeze %dma_wait3A_1145 : memref<1x1x80x64xf32, #tpu.memory_space<vmem>> -> memref<80x64xf32, #tpu.memory_space<vmem>>
        %dma_wait3A_1147 = arith.constant 0 : i32
        %dma_wait3A_1148 = arith.constant 0 : i32
        %dma_wait3A_1149 = tpu.memref_slice %arg3[%dma_wait3A_1147, %dma_wait3A_1148] : memref<10000x64xf32, #tpu.memory_space<hbm>> -> memref<80x64xf32, #tpu.memory_space<hbm>>
        %dma_wait3A_1150 = arith.constant 0 : i32
        %dma_wait3A_1151 = arith.constant 0 : i32
        %dma_wait3A_1152 = tpu.memref_slice %arg7[%dma_wait3A_1141, %dma_wait3A_1142, %dma_wait3A_1150, %dma_wait3A_1151] : memref<2x5x80x64xf32, #tpu.memory_space<vmem>> -> memref<1x1x80x64xf32, #tpu.memory_space<vmem>>
        %dma_wait3A_1153 = tpu.memref_squeeze %dma_wait3A_1152 : memref<1x1x80x64xf32, #tpu.memory_space<vmem>> -> memref<80x64xf32, #tpu.memory_space<vmem>>
        %dma_wait3A_1154 = arith.constant 0 : i32
        %dma_wait3A_1155 = arith.constant 0 : i32
        %dma_wait3A_1156 = tpu.memref_slice %arg3[%dma_wait3A_1154, %dma_wait3A_1155] : memref<10000x64xf32, #tpu.memory_space<hbm>> -> memref<80x64xf32, #tpu.memory_space<hbm>>
        tpu.wait_dma2 semaphore(%arg11 : memref<!tpu.dma_semaphore, #tpu.memory_space<semaphore_mem>>) src(%dma_wait3A_1156 : memref<80x64xf32, #tpu.memory_space<hbm>>) dst(%dma_wait3A_1153 : memref<80x64xf32, #tpu.memory_space<vmem>>)
        %dma_wait3A_1157 = arith.constant 0 : i32
        %dma_wait3A_1158 = arith.constant 3 : i32
        %dma_wait3A_1159 = arith.constant 0 : i32
        %dma_wait3A_1160 = arith.constant 0 : i32
        %dma_wait3A_1161 = tpu.memref_slice %arg7[%dma_wait3A_1157, %dma_wait3A_1158, %dma_wait3A_1159, %dma_wait3A_1160] : memref<2x5x80x64xf32, #tpu.memory_space<vmem>> -> memref<1x1x80x64xf32, #tpu.memory_space<vmem>>
        %dma_wait3A_1162 = tpu.memref_squeeze %dma_wait3A_1161 : memref<1x1x80x64xf32, #tpu.memory_space<vmem>> -> memref<80x64xf32, #tpu.memory_space<vmem>>
        %dma_wait3A_1163 = arith.constant 0 : i32
        %dma_wait3A_1164 = arith.constant 0 : i32
        %dma_wait3A_1165 = tpu.memref_slice %arg3[%dma_wait3A_1163, %dma_wait3A_1164] : memref<10000x64xf32, #tpu.memory_space<hbm>> -> memref<80x64xf32, #tpu.memory_space<hbm>>
        %dma_wait3A_1166 = arith.constant 0 : i32
        %dma_wait3A_1167 = arith.constant 0 : i32
        %dma_wait3A_1168 = tpu.memref_slice %arg7[%dma_wait3A_1157, %dma_wait3A_1158, %dma_wait3A_1166, %dma_wait3A_1167] : memref<2x5x80x64xf32, #tpu.memory_space<vmem>> -> memref<1x1x80x64xf32, #tpu.memory_space<vmem>>
        %dma_wait3A_1169 = tpu.memref_squeeze %dma_wait3A_1168 : memref<1x1x80x64xf32, #tpu.memory_space<vmem>> -> memref<80x64xf32, #tpu.memory_space<vmem>>
        %dma_wait3A_1170 = arith.constant 0 : i32
        %dma_wait3A_1171 = arith.constant 0 : i32
        %dma_wait3A_1172 = tpu.memref_slice %arg3[%dma_wait3A_1170, %dma_wait3A_1171] : memref<10000x64xf32, #tpu.memory_space<hbm>> -> memref<80x64xf32, #tpu.memory_space<hbm>>
        tpu.wait_dma2 semaphore(%arg11 : memref<!tpu.dma_semaphore, #tpu.memory_space<semaphore_mem>>) src(%dma_wait3A_1172 : memref<80x64xf32, #tpu.memory_space<hbm>>) dst(%dma_wait3A_1169 : memref<80x64xf32, #tpu.memory_space<vmem>>)
        %dma_wait3A_1173 = arith.constant 0 : i32
        %dma_wait3A_1174 = arith.constant 4 : i32
        %dma_wait3A_1175 = arith.constant 0 : i32
        %dma_wait3A_1176 = arith.constant 0 : i32
        %dma_wait3A_1177 = tpu.memref_slice %arg7[%dma_wait3A_1173, %dma_wait3A_1174, %dma_wait3A_1175, %dma_wait3A_1176] : memref<2x5x80x64xf32, #tpu.memory_space<vmem>> -> memref<1x1x80x64xf32, #tpu.memory_space<vmem>>
        %dma_wait3A_1178 = tpu.memref_squeeze %dma_wait3A_1177 : memref<1x1x80x64xf32, #tpu.memory_space<vmem>> -> memref<80x64xf32, #tpu.memory_space<vmem>>
        %dma_wait3A_1179 = arith.constant 0 : i32
        %dma_wait3A_1180 = arith.constant 0 : i32
        %dma_wait3A_1181 = tpu.memref_slice %arg3[%dma_wait3A_1179, %dma_wait3A_1180] : memref<10000x64xf32, #tpu.memory_space<hbm>> -> memref<80x64xf32, #tpu.memory_space<hbm>>
        %dma_wait3A_1182 = arith.constant 0 : i32
        %dma_wait3A_1183 = arith.constant 0 : i32
        %dma_wait3A_1184 = tpu.memref_slice %arg7[%dma_wait3A_1173, %dma_wait3A_1174, %dma_wait3A_1182, %dma_wait3A_1183] : memref<2x5x80x64xf32, #tpu.memory_space<vmem>> -> memref<1x1x80x64xf32, #tpu.memory_space<vmem>>
        %dma_wait3A_1185 = tpu.memref_squeeze %dma_wait3A_1184 : memref<1x1x80x64xf32, #tpu.memory_space<vmem>> -> memref<80x64xf32, #tpu.memory_space<vmem>>
        %dma_wait3A_1186 = arith.constant 0 : i32
        %dma_wait3A_1187 = arith.constant 0 : i32
        %dma_wait3A_1188 = tpu.memref_slice %arg3[%dma_wait3A_1186, %dma_wait3A_1187] : memref<10000x64xf32, #tpu.memory_space<hbm>> -> memref<80x64xf32, #tpu.memory_space<hbm>>
        tpu.wait_dma2 semaphore(%arg11 : memref<!tpu.dma_semaphore, #tpu.memory_space<semaphore_mem>>) src(%dma_wait3A_1188 : memref<80x64xf32, #tpu.memory_space<hbm>>) dst(%dma_wait3A_1185 : memref<80x64xf32, #tpu.memory_space<vmem>>)
      } else {
      }
      %add3A_704 = arith.constant 0 : i32
      %add3A_705 = arith.addi %mul3A_695, %add3A_704 : i32
      %dma_start3A_706 = arith.constant 0 : i32
      %dma_start3A_707 = arith.constant 0 : i32
      %dma_start3A_708 = arith.constant 0 : i32
      %dma_start3A_709 = arith.constant 0 : i32
      %dma_start3A_710 = tpu.memref_slice %arg7[%dma_start3A_706, %dma_start3A_707, %dma_start3A_708, %dma_start3A_709] : memref<2x5x80x64xf32, #tpu.memory_space<vmem>> -> memref<1x1x80x64xf32, #tpu.memory_space<vmem>>
      %dma_start3A_711 = tpu.memref_squeeze %dma_start3A_710 : memref<1x1x80x64xf32, #tpu.memory_space<vmem>> -> memref<80x64xf32, #tpu.memory_space<vmem>>
      %dma_start3A_712 = arith.constant 0 : i32
      %dma_start3A_713 = tpu.memref_slice %arg5[%add3A_705, %dma_start3A_712] : memref<125x80xi32, #tpu.memory_space<vmem>> -> memref<1x80xi32, #tpu.memory_space<vmem>>
      %dma_start3A_714 = tpu.memref_squeeze %dma_start3A_713 : memref<1x80xi32, #tpu.memory_space<vmem>> -> memref<80xi32, #tpu.memory_space<vmem>>
      %dma_start3A_715 = arith.constant 0 : i32
      %dma_start3A_716 = arith.constant 0 : i32
      %dma_start3A_717 = tpu.memref_slice %arg3[%dma_start3A_715, %dma_start3A_716] : memref<10000x64xf32, #tpu.memory_space<hbm>> -> memref<10000x64xf32, #tpu.memory_space<hbm>>
      tpu.enqueue_indirect_dma source(%dma_start3A_717 : memref<10000x64xf32, #tpu.memory_space<hbm>>) target(%dma_start3A_711 : memref<80x64xf32, #tpu.memory_space<vmem>>) offsets(%dma_start3A_714 : memref<80xi32, #tpu.memory_space<vmem>>) semaphore(%arg9 : memref<!tpu.dma_semaphore, #tpu.memory_space<semaphore_mem>>)
      %add3A_718 = arith.constant 1 : i32
      %add3A_719 = arith.addi %mul3A_695, %add3A_718 : i32
      %dma_start3A_720 = arith.constant 0 : i32
      %dma_start3A_721 = arith.constant 1 : i32
      %dma_start3A_722 = arith.constant 0 : i32
      %dma_start3A_723 = arith.constant 0 : i32
      %dma_start3A_724 = tpu.memref_slice %arg7[%dma_start3A_720, %dma_start3A_721, %dma_start3A_722, %dma_start3A_723] : memref<2x5x80x64xf32, #tpu.memory_space<vmem>> -> memref<1x1x80x64xf32, #tpu.memory_space<vmem>>
      %dma_start3A_725 = tpu.memref_squeeze %dma_start3A_724 : memref<1x1x80x64xf32, #tpu.memory_space<vmem>> -> memref<80x64xf32, #tpu.memory_space<vmem>>
      %dma_start3A_726 = arith.constant 0 : i32
      %dma_start3A_727 = tpu.memref_slice %arg5[%add3A_719, %dma_start3A_726] : memref<125x80xi32, #tpu.memory_space<vmem>> -> memref<1x80xi32, #tpu.memory_space<vmem>>
      %dma_start3A_728 = tpu.memref_squeeze %dma_start3A_727 : memref<1x80xi32, #tpu.memory_space<vmem>> -> memref<80xi32, #tpu.memory_space<vmem>>
      %dma_start3A_729 = arith.constant 0 : i32
      %dma_start3A_730 = arith.constant 0 : i32
      %dma_start3A_731 = tpu.memref_slice %arg3[%dma_start3A_729, %dma_start3A_730] : memref<10000x64xf32, #tpu.memory_space<hbm>> -> memref<10000x64xf32, #tpu.memory_space<hbm>>
      tpu.enqueue_indirect_dma source(%dma_start3A_731 : memref<10000x64xf32, #tpu.memory_space<hbm>>) target(%dma_start3A_725 : memref<80x64xf32, #tpu.memory_space<vmem>>) offsets(%dma_start3A_728 : memref<80xi32, #tpu.memory_space<vmem>>) semaphore(%arg9 : memref<!tpu.dma_semaphore, #tpu.memory_space<semaphore_mem>>)
      %add3A_732 = arith.constant 2 : i32
      %add3A_733 = arith.addi %mul3A_695, %add3A_732 : i32
      %dma_start3A_734 = arith.constant 0 : i32
      %dma_start3A_735 = arith.constant 2 : i32
      %dma_start3A_736 = arith.constant 0 : i32
      %dma_start3A_737 = arith.constant 0 : i32
      %dma_start3A_738 = tpu.memref_slice %arg7[%dma_start3A_734, %dma_start3A_735, %dma_start3A_736, %dma_start3A_737] : memref<2x5x80x64xf32, #tpu.memory_space<vmem>> -> memref<1x1x80x64xf32, #tpu.memory_space<vmem>>
      %dma_start3A_739 = tpu.memref_squeeze %dma_start3A_738 : memref<1x1x80x64xf32, #tpu.memory_space<vmem>> -> memref<80x64xf32, #tpu.memory_space<vmem>>
      %dma_start3A_740 = arith.constant 0 : i32
      %dma_start3A_741 = tpu.memref_slice %arg5[%add3A_733, %dma_start3A_740] : memref<125x80xi32, #tpu.memory_space<vmem>> -> memref<1x80xi32, #tpu.memory_space<vmem>>
      %dma_start3A_742 = tpu.memref_squeeze %dma_start3A_741 : memref<1x80xi32, #tpu.memory_space<vmem>> -> memref<80xi32, #tpu.memory_space<vmem>>
      %dma_start3A_743 = arith.constant 0 : i32
      %dma_start3A_744 = arith.constant 0 : i32
      %dma_start3A_745 = tpu.memref_slice %arg3[%dma_start3A_743, %dma_start3A_744] : memref<10000x64xf32, #tpu.memory_space<hbm>> -> memref<10000x64xf32, #tpu.memory_space<hbm>>
      tpu.enqueue_indirect_dma source(%dma_start3A_745 : memref<10000x64xf32, #tpu.memory_space<hbm>>) target(%dma_start3A_739 : memref<80x64xf32, #tpu.memory_space<vmem>>) offsets(%dma_start3A_742 : memref<80xi32, #tpu.memory_space<vmem>>) semaphore(%arg9 : memref<!tpu.dma_semaphore, #tpu.memory_space<semaphore_mem>>)
      %add3A_746 = arith.constant 3 : i32
      %add3A_747 = arith.addi %mul3A_695, %add3A_746 : i32
      %dma_start3A_748 = arith.constant 0 : i32
      %dma_start3A_749 = arith.constant 3 : i32
      %dma_start3A_750 = arith.constant 0 : i32
      %dma_start3A_751 = arith.constant 0 : i32
      %dma_start3A_752 = tpu.memref_slice %arg7[%dma_start3A_748, %dma_start3A_749, %dma_start3A_750, %dma_start3A_751] : memref<2x5x80x64xf32, #tpu.memory_space<vmem>> -> memref<1x1x80x64xf32, #tpu.memory_space<vmem>>
      %dma_start3A_753 = tpu.memref_squeeze %dma_start3A_752 : memref<1x1x80x64xf32, #tpu.memory_space<vmem>> -> memref<80x64xf32, #tpu.memory_space<vmem>>
      %dma_start3A_754 = arith.constant 0 : i32
      %dma_start3A_755 = tpu.memref_slice %arg5[%add3A_747, %dma_start3A_754] : memref<125x80xi32, #tpu.memory_space<vmem>> -> memref<1x80xi32, #tpu.memory_space<vmem>>
      %dma_start3A_756 = tpu.memref_squeeze %dma_start3A_755 : memref<1x80xi32, #tpu.memory_space<vmem>> -> memref<80xi32, #tpu.memory_space<vmem>>
      %dma_start3A_757 = arith.constant 0 : i32
      %dma_start3A_758 = arith.constant 0 : i32
      %dma_start3A_759 = tpu.memref_slice %arg3[%dma_start3A_757, %dma_start3A_758] : memref<10000x64xf32, #tpu.memory_space<hbm>> -> memref<10000x64xf32, #tpu.memory_space<hbm>>
      tpu.enqueue_indirect_dma source(%dma_start3A_759 : memref<10000x64xf32, #tpu.memory_space<hbm>>) target(%dma_start3A_753 : memref<80x64xf32, #tpu.memory_space<vmem>>) offsets(%dma_start3A_756 : memref<80xi32, #tpu.memory_space<vmem>>) semaphore(%arg9 : memref<!tpu.dma_semaphore, #tpu.memory_space<semaphore_mem>>)
      %add3A_760 = arith.constant 4 : i32
      %add3A_761 = arith.addi %mul3A_695, %add3A_760 : i32
      %dma_start3A_762 = arith.constant 0 : i32
      %dma_start3A_763 = arith.constant 4 : i32
      %dma_start3A_764 = arith.constant 0 : i32
      %dma_start3A_765 = arith.constant 0 : i32
      %dma_start3A_766 = tpu.memref_slice %arg7[%dma_start3A_762, %dma_start3A_763, %dma_start3A_764, %dma_start3A_765] : memref<2x5x80x64xf32, #tpu.memory_space<vmem>> -> memref<1x1x80x64xf32, #tpu.memory_space<vmem>>
      %dma_start3A_767 = tpu.memref_squeeze %dma_start3A_766 : memref<1x1x80x64xf32, #tpu.memory_space<vmem>> -> memref<80x64xf32, #tpu.memory_space<vmem>>
      %dma_start3A_768 = arith.constant 0 : i32
      %dma_start3A_769 = tpu.memref_slice %arg5[%add3A_761, %dma_start3A_768] : memref<125x80xi32, #tpu.memory_space<vmem>> -> memref<1x80xi32, #tpu.memory_space<vmem>>
      %dma_start3A_770 = tpu.memref_squeeze %dma_start3A_769 : memref<1x80xi32, #tpu.memory_space<vmem>> -> memref<80xi32, #tpu.memory_space<vmem>>
      %dma_start3A_771 = arith.constant 0 : i32
      %dma_start3A_772 = arith.constant 0 : i32
      %dma_start3A_773 = tpu.memref_slice %arg3[%dma_start3A_771, %dma_start3A_772] : memref<10000x64xf32, #tpu.memory_space<hbm>> -> memref<10000x64xf32, #tpu.memory_space<hbm>>
      tpu.enqueue_indirect_dma source(%dma_start3A_773 : memref<10000x64xf32, #tpu.memory_space<hbm>>) target(%dma_start3A_767 : memref<80x64xf32, #tpu.memory_space<vmem>>) offsets(%dma_start3A_770 : memref<80xi32, #tpu.memory_space<vmem>>) semaphore(%arg9 : memref<!tpu.dma_semaphore, #tpu.memory_space<semaphore_mem>>)
      %dma_wait3A_774 = arith.constant 0 : i32
      %dma_wait3A_775 = arith.constant 0 : i32
      %dma_wait3A_776 = arith.constant 0 : i32
      %dma_wait3A_777 = arith.constant 0 : i32
      %dma_wait3A_778 = tpu.memref_slice %arg7[%dma_wait3A_774, %dma_wait3A_775, %dma_wait3A_776, %dma_wait3A_777] : memref<2x5x80x64xf32, #tpu.memory_space<vmem>> -> memref<1x1x80x64xf32, #tpu.memory_space<vmem>>
      %dma_wait3A_779 = tpu.memref_squeeze %dma_wait3A_778 : memref<1x1x80x64xf32, #tpu.memory_space<vmem>> -> memref<80x64xf32, #tpu.memory_space<vmem>>
      %dma_wait3A_780 = arith.constant 0 : i32
      %dma_wait3A_781 = tpu.memref_slice %arg5[%add3A_705, %dma_wait3A_780] : memref<125x80xi32, #tpu.memory_space<vmem>> -> memref<1x80xi32, #tpu.memory_space<vmem>>
      %dma_wait3A_782 = tpu.memref_squeeze %dma_wait3A_781 : memref<1x80xi32, #tpu.memory_space<vmem>> -> memref<80xi32, #tpu.memory_space<vmem>>
      %dma_wait3A_783 = arith.constant 0 : i32
      %dma_wait3A_784 = arith.constant 0 : i32
      %dma_wait3A_785 = tpu.memref_slice %arg3[%dma_wait3A_783, %dma_wait3A_784] : memref<10000x64xf32, #tpu.memory_space<hbm>> -> memref<10000x64xf32, #tpu.memory_space<hbm>>
      tpu.wait_indirect_dma semaphore(%arg9 : memref<!tpu.dma_semaphore, #tpu.memory_space<semaphore_mem>>) src(%dma_wait3A_785 : memref<10000x64xf32, #tpu.memory_space<hbm>>) dst(%dma_wait3A_779 : memref<80x64xf32, #tpu.memory_space<vmem>>)
      %dma_wait3A_786 = arith.constant 0 : i32
      %dma_wait3A_787 = arith.constant 1 : i32
      %dma_wait3A_788 = arith.constant 0 : i32
      %dma_wait3A_789 = arith.constant 0 : i32
      %dma_wait3A_790 = tpu.memref_slice %arg7[%dma_wait3A_786, %dma_wait3A_787, %dma_wait3A_788, %dma_wait3A_789] : memref<2x5x80x64xf32, #tpu.memory_space<vmem>> -> memref<1x1x80x64xf32, #tpu.memory_space<vmem>>
      %dma_wait3A_791 = tpu.memref_squeeze %dma_wait3A_790 : memref<1x1x80x64xf32, #tpu.memory_space<vmem>> -> memref<80x64xf32, #tpu.memory_space<vmem>>
      %dma_wait3A_792 = arith.constant 0 : i32
      %dma_wait3A_793 = tpu.memref_slice %arg5[%add3A_719, %dma_wait3A_792] : memref<125x80xi32, #tpu.memory_space<vmem>> -> memref<1x80xi32, #tpu.memory_space<vmem>>
      %dma_wait3A_794 = tpu.memref_squeeze %dma_wait3A_793 : memref<1x80xi32, #tpu.memory_space<vmem>> -> memref<80xi32, #tpu.memory_space<vmem>>
      %dma_wait3A_795 = arith.constant 0 : i32
      %dma_wait3A_796 = arith.constant 0 : i32
      %dma_wait3A_797 = tpu.memref_slice %arg3[%dma_wait3A_795, %dma_wait3A_796] : memref<10000x64xf32, #tpu.memory_space<hbm>> -> memref<10000x64xf32, #tpu.memory_space<hbm>>
      tpu.wait_indirect_dma semaphore(%arg9 : memref<!tpu.dma_semaphore, #tpu.memory_space<semaphore_mem>>) src(%dma_wait3A_797 : memref<10000x64xf32, #tpu.memory_space<hbm>>) dst(%dma_wait3A_791 : memref<80x64xf32, #tpu.memory_space<vmem>>)
      %dma_wait3A_798 = arith.constant 0 : i32
      %dma_wait3A_799 = arith.constant 2 : i32
      %dma_wait3A_800 = arith.constant 0 : i32
      %dma_wait3A_801 = arith.constant 0 : i32
      %dma_wait3A_802 = tpu.memref_slice %arg7[%dma_wait3A_798, %dma_wait3A_799, %dma_wait3A_800, %dma_wait3A_801] : memref<2x5x80x64xf32, #tpu.memory_space<vmem>> -> memref<1x1x80x64xf32, #tpu.memory_space<vmem>>
      %dma_wait3A_803 = tpu.memref_squeeze %dma_wait3A_802 : memref<1x1x80x64xf32, #tpu.memory_space<vmem>> -> memref<80x64xf32, #tpu.memory_space<vmem>>
      %dma_wait3A_804 = arith.constant 0 : i32
      %dma_wait3A_805 = tpu.memref_slice %arg5[%add3A_733, %dma_wait3A_804] : memref<125x80xi32, #tpu.memory_space<vmem>> -> memref<1x80xi32, #tpu.memory_space<vmem>>
      %dma_wait3A_806 = tpu.memref_squeeze %dma_wait3A_805 : memref<1x80xi32, #tpu.memory_space<vmem>> -> memref<80xi32, #tpu.memory_space<vmem>>
      %dma_wait3A_807 = arith.constant 0 : i32
      %dma_wait3A_808 = arith.constant 0 : i32
      %dma_wait3A_809 = tpu.memref_slice %arg3[%dma_wait3A_807, %dma_wait3A_808] : memref<10000x64xf32, #tpu.memory_space<hbm>> -> memref<10000x64xf32, #tpu.memory_space<hbm>>
      tpu.wait_indirect_dma semaphore(%arg9 : memref<!tpu.dma_semaphore, #tpu.memory_space<semaphore_mem>>) src(%dma_wait3A_809 : memref<10000x64xf32, #tpu.memory_space<hbm>>) dst(%dma_wait3A_803 : memref<80x64xf32, #tpu.memory_space<vmem>>)
      %dma_wait3A_810 = arith.constant 0 : i32
      %dma_wait3A_811 = arith.constant 3 : i32
      %dma_wait3A_812 = arith.constant 0 : i32
      %dma_wait3A_813 = arith.constant 0 : i32
      %dma_wait3A_814 = tpu.memref_slice %arg7[%dma_wait3A_810, %dma_wait3A_811, %dma_wait3A_812, %dma_wait3A_813] : memref<2x5x80x64xf32, #tpu.memory_space<vmem>> -> memref<1x1x80x64xf32, #tpu.memory_space<vmem>>
      %dma_wait3A_815 = tpu.memref_squeeze %dma_wait3A_814 : memref<1x1x80x64xf32, #tpu.memory_space<vmem>> -> memref<80x64xf32, #tpu.memory_space<vmem>>
      %dma_wait3A_816 = arith.constant 0 : i32
      %dma_wait3A_817 = tpu.memref_slice %arg5[%add3A_747, %dma_wait3A_816] : memref<125x80xi32, #tpu.memory_space<vmem>> -> memref<1x80xi32, #tpu.memory_space<vmem>>
      %dma_wait3A_818 = tpu.memref_squeeze %dma_wait3A_817 : memref<1x80xi32, #tpu.memory_space<vmem>> -> memref<80xi32, #tpu.memory_space<vmem>>
      %dma_wait3A_819 = arith.constant 0 : i32
      %dma_wait3A_820 = arith.constant 0 : i32
      %dma_wait3A_821 = tpu.memref_slice %arg3[%dma_wait3A_819, %dma_wait3A_820] : memref<10000x64xf32, #tpu.memory_space<hbm>> -> memref<10000x64xf32, #tpu.memory_space<hbm>>
      tpu.wait_indirect_dma semaphore(%arg9 : memref<!tpu.dma_semaphore, #tpu.memory_space<semaphore_mem>>) src(%dma_wait3A_821 : memref<10000x64xf32, #tpu.memory_space<hbm>>) dst(%dma_wait3A_815 : memref<80x64xf32, #tpu.memory_space<vmem>>)
      %dma_wait3A_822 = arith.constant 0 : i32
      %dma_wait3A_823 = arith.constant 4 : i32
      %dma_wait3A_824 = arith.constant 0 : i32
      %dma_wait3A_825 = arith.constant 0 : i32
      %dma_wait3A_826 = tpu.memref_slice %arg7[%dma_wait3A_822, %dma_wait3A_823, %dma_wait3A_824, %dma_wait3A_825] : memref<2x5x80x64xf32, #tpu.memory_space<vmem>> -> memref<1x1x80x64xf32, #tpu.memory_space<vmem>>
      %dma_wait3A_827 = tpu.memref_squeeze %dma_wait3A_826 : memref<1x1x80x64xf32, #tpu.memory_space<vmem>> -> memref<80x64xf32, #tpu.memory_space<vmem>>
      %dma_wait3A_828 = arith.constant 0 : i32
      %dma_wait3A_829 = tpu.memref_slice %arg5[%add3A_761, %dma_wait3A_828] : memref<125x80xi32, #tpu.memory_space<vmem>> -> memref<1x80xi32, #tpu.memory_space<vmem>>
      %dma_wait3A_830 = tpu.memref_squeeze %dma_wait3A_829 : memref<1x80xi32, #tpu.memory_space<vmem>> -> memref<80xi32, #tpu.memory_space<vmem>>
      %dma_wait3A_831 = arith.constant 0 : i32
      %dma_wait3A_832 = arith.constant 0 : i32
      %dma_wait3A_833 = tpu.memref_slice %arg3[%dma_wait3A_831, %dma_wait3A_832] : memref<10000x64xf32, #tpu.memory_space<hbm>> -> memref<10000x64xf32, #tpu.memory_space<hbm>>
      tpu.wait_indirect_dma semaphore(%arg9 : memref<!tpu.dma_semaphore, #tpu.memory_space<semaphore_mem>>) src(%dma_wait3A_833 : memref<10000x64xf32, #tpu.memory_space<hbm>>) dst(%dma_wait3A_827 : memref<80x64xf32, #tpu.memory_space<vmem>>)
      %add3A_834 = arith.constant 0 : i32
      %add3A_835 = arith.addi %mul3A_695, %add3A_834 : i32
      %dma_start3A_836 = arith.constant 0 : i32
      %dma_start3A_837 = arith.constant 0 : i32
      %dma_start3A_838 = arith.constant 0 : i32
      %dma_start3A_839 = arith.constant 0 : i32
      %dma_start3A_840 = tpu.memref_slice %arg7[%dma_start3A_836, %dma_start3A_837, %dma_start3A_838, %dma_start3A_839] : memref<2x5x80x64xf32, #tpu.memory_space<vmem>> -> memref<1x1x80x64xf32, #tpu.memory_space<vmem>>
      %dma_start3A_841 = tpu.memref_squeeze %dma_start3A_840 : memref<1x1x80x64xf32, #tpu.memory_space<vmem>> -> memref<80x64xf32, #tpu.memory_space<vmem>>
      %dma_start3A_842 = arith.constant 0 : i32
      %dma_start3A_843 = tpu.memref_slice %arg6[%add3A_835, %dma_start3A_842] : memref<125x80xi32, #tpu.memory_space<vmem>> -> memref<1x80xi32, #tpu.memory_space<vmem>>
      %dma_start3A_844 = tpu.memref_squeeze %dma_start3A_843 : memref<1x80xi32, #tpu.memory_space<vmem>> -> memref<80xi32, #tpu.memory_space<vmem>>
      %dma_start3A_845 = arith.constant 0 : i32
      %dma_start3A_846 = arith.constant 0 : i32
      %dma_start3A_847 = tpu.memref_slice %arg8[%dma_start3A_845, %dma_start3A_846] : memref<10240x64xf32, #tpu.memory_space<vmem_shared>> -> memref<10240x64xf32, #tpu.memory_space<vmem_shared>>
      tpu.enqueue_indirect_dma source(%dma_start3A_841 : memref<80x64xf32, #tpu.memory_space<vmem>>) target(%dma_start3A_847 : memref<10240x64xf32, #tpu.memory_space<vmem_shared>>) offsets(%dma_start3A_844 : memref<80xi32, #tpu.memory_space<vmem>>) semaphore(%arg11 : memref<!tpu.dma_semaphore, #tpu.memory_space<semaphore_mem>>) {add = true}
      %add3A_848 = arith.constant 1 : i32
      %add3A_849 = arith.addi %mul3A_695, %add3A_848 : i32
      %dma_start3A_850 = arith.constant 0 : i32
      %dma_start3A_851 = arith.constant 1 : i32
      %dma_start3A_852 = arith.constant 0 : i32
      %dma_start3A_853 = arith.constant 0 : i32
      %dma_start3A_854 = tpu.memref_slice %arg7[%dma_start3A_850, %dma_start3A_851, %dma_start3A_852, %dma_start3A_853] : memref<2x5x80x64xf32, #tpu.memory_space<vmem>> -> memref<1x1x80x64xf32, #tpu.memory_space<vmem>>
      %dma_start3A_855 = tpu.memref_squeeze %dma_start3A_854 : memref<1x1x80x64xf32, #tpu.memory_space<vmem>> -> memref<80x64xf32, #tpu.memory_space<vmem>>
      %dma_start3A_856 = arith.constant 0 : i32
      %dma_start3A_857 = tpu.memref_slice %arg6[%add3A_849, %dma_start3A_856] : memref<125x80xi32, #tpu.memory_space<vmem>> -> memref<1x80xi32, #tpu.memory_space<vmem>>
      %dma_start3A_858 = tpu.memref_squeeze %dma_start3A_857 : memref<1x80xi32, #tpu.memory_space<vmem>> -> memref<80xi32, #tpu.memory_space<vmem>>
      %dma_start3A_859 = arith.constant 0 : i32
      %dma_start3A_860 = arith.constant 0 : i32
      %dma_start3A_861 = tpu.memref_slice %arg8[%dma_start3A_859, %dma_start3A_860] : memref<10240x64xf32, #tpu.memory_space<vmem_shared>> -> memref<10240x64xf32, #tpu.memory_space<vmem_shared>>
      tpu.enqueue_indirect_dma source(%dma_start3A_855 : memref<80x64xf32, #tpu.memory_space<vmem>>) target(%dma_start3A_861 : memref<10240x64xf32, #tpu.memory_space<vmem_shared>>) offsets(%dma_start3A_858 : memref<80xi32, #tpu.memory_space<vmem>>) semaphore(%arg11 : memref<!tpu.dma_semaphore, #tpu.memory_space<semaphore_mem>>) {add = true}
      %add3A_862 = arith.constant 2 : i32
      %add3A_863 = arith.addi %mul3A_695, %add3A_862 : i32
      %dma_start3A_864 = arith.constant 0 : i32
      %dma_start3A_865 = arith.constant 2 : i32
      %dma_start3A_866 = arith.constant 0 : i32
      %dma_start3A_867 = arith.constant 0 : i32
      %dma_start3A_868 = tpu.memref_slice %arg7[%dma_start3A_864, %dma_start3A_865, %dma_start3A_866, %dma_start3A_867] : memref<2x5x80x64xf32, #tpu.memory_space<vmem>> -> memref<1x1x80x64xf32, #tpu.memory_space<vmem>>
      %dma_start3A_869 = tpu.memref_squeeze %dma_start3A_868 : memref<1x1x80x64xf32, #tpu.memory_space<vmem>> -> memref<80x64xf32, #tpu.memory_space<vmem>>
      %dma_start3A_870 = arith.constant 0 : i32
      %dma_start3A_871 = tpu.memref_slice %arg6[%add3A_863, %dma_start3A_870] : memref<125x80xi32, #tpu.memory_space<vmem>> -> memref<1x80xi32, #tpu.memory_space<vmem>>
      %dma_start3A_872 = tpu.memref_squeeze %dma_start3A_871 : memref<1x80xi32, #tpu.memory_space<vmem>> -> memref<80xi32, #tpu.memory_space<vmem>>
      %dma_start3A_873 = arith.constant 0 : i32
      %dma_start3A_874 = arith.constant 0 : i32
      %dma_start3A_875 = tpu.memref_slice %arg8[%dma_start3A_873, %dma_start3A_874] : memref<10240x64xf32, #tpu.memory_space<vmem_shared>> -> memref<10240x64xf32, #tpu.memory_space<vmem_shared>>
      tpu.enqueue_indirect_dma source(%dma_start3A_869 : memref<80x64xf32, #tpu.memory_space<vmem>>) target(%dma_start3A_875 : memref<10240x64xf32, #tpu.memory_space<vmem_shared>>) offsets(%dma_start3A_872 : memref<80xi32, #tpu.memory_space<vmem>>) semaphore(%arg11 : memref<!tpu.dma_semaphore, #tpu.memory_space<semaphore_mem>>) {add = true}
      %add3A_876 = arith.constant 3 : i32
      %add3A_877 = arith.addi %mul3A_695, %add3A_876 : i32
      %dma_start3A_878 = arith.constant 0 : i32
      %dma_start3A_879 = arith.constant 3 : i32
      %dma_start3A_880 = arith.constant 0 : i32
      %dma_start3A_881 = arith.constant 0 : i32
      %dma_start3A_882 = tpu.memref_slice %arg7[%dma_start3A_878, %dma_start3A_879, %dma_start3A_880, %dma_start3A_881] : memref<2x5x80x64xf32, #tpu.memory_space<vmem>> -> memref<1x1x80x64xf32, #tpu.memory_space<vmem>>
      %dma_start3A_883 = tpu.memref_squeeze %dma_start3A_882 : memref<1x1x80x64xf32, #tpu.memory_space<vmem>> -> memref<80x64xf32, #tpu.memory_space<vmem>>
      %dma_start3A_884 = arith.constant 0 : i32
      %dma_start3A_885 = tpu.memref_slice %arg6[%add3A_877, %dma_start3A_884] : memref<125x80xi32, #tpu.memory_space<vmem>> -> memref<1x80xi32, #tpu.memory_space<vmem>>
      %dma_start3A_886 = tpu.memref_squeeze %dma_start3A_885 : memref<1x80xi32, #tpu.memory_space<vmem>> -> memref<80xi32, #tpu.memory_space<vmem>>
      %dma_start3A_887 = arith.constant 0 : i32
      %dma_start3A_888 = arith.constant 0 : i32
      %dma_start3A_889 = tpu.memref_slice %arg8[%dma_start3A_887, %dma_start3A_888] : memref<10240x64xf32, #tpu.memory_space<vmem_shared>> -> memref<10240x64xf32, #tpu.memory_space<vmem_shared>>
      tpu.enqueue_indirect_dma source(%dma_start3A_883 : memref<80x64xf32, #tpu.memory_space<vmem>>) target(%dma_start3A_889 : memref<10240x64xf32, #tpu.memory_space<vmem_shared>>) offsets(%dma_start3A_886 : memref<80xi32, #tpu.memory_space<vmem>>) semaphore(%arg11 : memref<!tpu.dma_semaphore, #tpu.memory_space<semaphore_mem>>) {add = true}
      %add3A_890 = arith.constant 4 : i32
      %add3A_891 = arith.addi %mul3A_695, %add3A_890 : i32
      %dma_start3A_892 = arith.constant 0 : i32
      %dma_start3A_893 = arith.constant 4 : i32
      %dma_start3A_894 = arith.constant 0 : i32
      %dma_start3A_895 = arith.constant 0 : i32
      %dma_start3A_896 = tpu.memref_slice %arg7[%dma_start3A_892, %dma_start3A_893, %dma_start3A_894, %dma_start3A_895] : memref<2x5x80x64xf32, #tpu.memory_space<vmem>> -> memref<1x1x80x64xf32, #tpu.memory_space<vmem>>
      %dma_start3A_897 = tpu.memref_squeeze %dma_start3A_896 : memref<1x1x80x64xf32, #tpu.memory_space<vmem>> -> memref<80x64xf32, #tpu.memory_space<vmem>>
      %dma_start3A_898 = arith.constant 0 : i32
      %dma_start3A_899 = tpu.memref_slice %arg6[%add3A_891, %dma_start3A_898] : memref<125x80xi32, #tpu.memory_space<vmem>> -> memref<1x80xi32, #tpu.memory_space<vmem>>
      %dma_start3A_900 = tpu.memref_squeeze %dma_start3A_899 : memref<1x80xi32, #tpu.memory_space<vmem>> -> memref<80xi32, #tpu.memory_space<vmem>>
      %dma_start3A_901 = arith.constant 0 : i32
      %dma_start3A_902 = arith.constant 0 : i32
      %dma_start3A_903 = tpu.memref_slice %arg8[%dma_start3A_901, %dma_start3A_902] : memref<10240x64xf32, #tpu.memory_space<vmem_shared>> -> memref<10240x64xf32, #tpu.memory_space<vmem_shared>>
      tpu.enqueue_indirect_dma source(%dma_start3A_897 : memref<80x64xf32, #tpu.memory_space<vmem>>) target(%dma_start3A_903 : memref<10240x64xf32, #tpu.memory_space<vmem_shared>>) offsets(%dma_start3A_900 : memref<80xi32, #tpu.memory_space<vmem>>) semaphore(%arg11 : memref<!tpu.dma_semaphore, #tpu.memory_space<semaphore_mem>>) {add = true}
      %gt3A_904 = arith.constant 0 : i32
      %gt3A_905 = arith.cmpi sgt, %scan3A_691, %gt3A_904 : i32
      %convert_element_type3A_906 = arith.extui %gt3A_905 : i1 to i32
      %cond3A_907 = arith.constant 0 : i32
      %cond3A_908 = arith.cmpi ne, %convert_element_type3A_906, %cond3A_907 : i32
      scf.if %cond3A_908 {
        %dma_wait3A_1109 = arith.constant 1 : i32
        %dma_wait3A_1110 = arith.constant 0 : i32
        %dma_wait3A_1111 = arith.constant 0 : i32
        %dma_wait3A_1112 = arith.constant 0 : i32
        %dma_wait3A_1113 = tpu.memref_slice %arg7[%dma_wait3A_1109, %dma_wait3A_1110, %dma_wait3A_1111, %dma_wait3A_1112] : memref<2x5x80x64xf32, #tpu.memory_space<vmem>> -> memref<1x1x80x64xf32, #tpu.memory_space<vmem>>
        %dma_wait3A_1114 = tpu.memref_squeeze %dma_wait3A_1113 : memref<1x1x80x64xf32, #tpu.memory_space<vmem>> -> memref<80x64xf32, #tpu.memory_space<vmem>>
        %dma_wait3A_1115 = arith.constant 0 : i32
        %dma_wait3A_1116 = arith.constant 0 : i32
        %dma_wait3A_1117 = tpu.memref_slice %arg3[%dma_wait3A_1115, %dma_wait3A_1116] : memref<10000x64xf32, #tpu.memory_space<hbm>> -> memref<80x64xf32, #tpu.memory_space<hbm>>
        %dma_wait3A_1118 = arith.constant 0 : i32
        %dma_wait3A_1119 = arith.constant 0 : i32
        %dma_wait3A_1120 = tpu.memref_slice %arg7[%dma_wait3A_1109, %dma_wait3A_1110, %dma_wait3A_1118, %dma_wait3A_1119] : memref<2x5x80x64xf32, #tpu.memory_space<vmem>> -> memref<1x1x80x64xf32, #tpu.memory_space<vmem>>
        %dma_wait3A_1121 = tpu.memref_squeeze %dma_wait3A_1120 : memref<1x1x80x64xf32, #tpu.memory_space<vmem>> -> memref<80x64xf32, #tpu.memory_space<vmem>>
        %dma_wait3A_1122 = arith.constant 0 : i32
        %dma_wait3A_1123 = arith.constant 0 : i32
        %dma_wait3A_1124 = tpu.memref_slice %arg3[%dma_wait3A_1122, %dma_wait3A_1123] : memref<10000x64xf32, #tpu.memory_space<hbm>> -> memref<80x64xf32, #tpu.memory_space<hbm>>
        tpu.wait_dma2 semaphore(%arg12 : memref<!tpu.dma_semaphore, #tpu.memory_space<semaphore_mem>>) src(%dma_wait3A_1124 : memref<80x64xf32, #tpu.memory_space<hbm>>) dst(%dma_wait3A_1121 : memref<80x64xf32, #tpu.memory_space<vmem>>)
        %dma_wait3A_1125 = arith.constant 1 : i32
        %dma_wait3A_1126 = arith.constant 1 : i32
        %dma_wait3A_1127 = arith.constant 0 : i32
        %dma_wait3A_1128 = arith.constant 0 : i32
        %dma_wait3A_1129 = tpu.memref_slice %arg7[%dma_wait3A_1125, %dma_wait3A_1126, %dma_wait3A_1127, %dma_wait3A_1128] : memref<2x5x80x64xf32, #tpu.memory_space<vmem>> -> memref<1x1x80x64xf32, #tpu.memory_space<vmem>>
        %dma_wait3A_1130 = tpu.memref_squeeze %dma_wait3A_1129 : memref<1x1x80x64xf32, #tpu.memory_space<vmem>> -> memref<80x64xf32, #tpu.memory_space<vmem>>
        %dma_wait3A_1131 = arith.constant 0 : i32
        %dma_wait3A_1132 = arith.constant 0 : i32
        %dma_wait3A_1133 = tpu.memref_slice %arg3[%dma_wait3A_1131, %dma_wait3A_1132] : memref<10000x64xf32, #tpu.memory_space<hbm>> -> memref<80x64xf32, #tpu.memory_space<hbm>>
        %dma_wait3A_1134 = arith.constant 0 : i32
        %dma_wait3A_1135 = arith.constant 0 : i32
        %dma_wait3A_1136 = tpu.memref_slice %arg7[%dma_wait3A_1125, %dma_wait3A_1126, %dma_wait3A_1134, %dma_wait3A_1135] : memref<2x5x80x64xf32, #tpu.memory_space<vmem>> -> memref<1x1x80x64xf32, #tpu.memory_space<vmem>>
        %dma_wait3A_1137 = tpu.memref_squeeze %dma_wait3A_1136 : memref<1x1x80x64xf32, #tpu.memory_space<vmem>> -> memref<80x64xf32, #tpu.memory_space<vmem>>
        %dma_wait3A_1138 = arith.constant 0 : i32
        %dma_wait3A_1139 = arith.constant 0 : i32
        %dma_wait3A_1140 = tpu.memref_slice %arg3[%dma_wait3A_1138, %dma_wait3A_1139] : memref<10000x64xf32, #tpu.memory_space<hbm>> -> memref<80x64xf32, #tpu.memory_space<hbm>>
        tpu.wait_dma2 semaphore(%arg12 : memref<!tpu.dma_semaphore, #tpu.memory_space<semaphore_mem>>) src(%dma_wait3A_1140 : memref<80x64xf32, #tpu.memory_space<hbm>>) dst(%dma_wait3A_1137 : memref<80x64xf32, #tpu.memory_space<vmem>>)
        %dma_wait3A_1141 = arith.constant 1 : i32
        %dma_wait3A_1142 = arith.constant 2 : i32
        %dma_wait3A_1143 = arith.constant 0 : i32
        %dma_wait3A_1144 = arith.constant 0 : i32
        %dma_wait3A_1145 = tpu.memref_slice %arg7[%dma_wait3A_1141, %dma_wait3A_1142, %dma_wait3A_1143, %dma_wait3A_1144] : memref<2x5x80x64xf32, #tpu.memory_space<vmem>> -> memref<1x1x80x64xf32, #tpu.memory_space<vmem>>
        %dma_wait3A_1146 = tpu.memref_squeeze %dma_wait3A_1145 : memref<1x1x80x64xf32, #tpu.memory_space<vmem>> -> memref<80x64xf32, #tpu.memory_space<vmem>>
        %dma_wait3A_1147 = arith.constant 0 : i32
        %dma_wait3A_1148 = arith.constant 0 : i32
        %dma_wait3A_1149 = tpu.memref_slice %arg3[%dma_wait3A_1147, %dma_wait3A_1148] : memref<10000x64xf32, #tpu.memory_space<hbm>> -> memref<80x64xf32, #tpu.memory_space<hbm>>
        %dma_wait3A_1150 = arith.constant 0 : i32
        %dma_wait3A_1151 = arith.constant 0 : i32
        %dma_wait3A_1152 = tpu.memref_slice %arg7[%dma_wait3A_1141, %dma_wait3A_1142, %dma_wait3A_1150, %dma_wait3A_1151] : memref<2x5x80x64xf32, #tpu.memory_space<vmem>> -> memref<1x1x80x64xf32, #tpu.memory_space<vmem>>
        %dma_wait3A_1153 = tpu.memref_squeeze %dma_wait3A_1152 : memref<1x1x80x64xf32, #tpu.memory_space<vmem>> -> memref<80x64xf32, #tpu.memory_space<vmem>>
        %dma_wait3A_1154 = arith.constant 0 : i32
        %dma_wait3A_1155 = arith.constant 0 : i32
        %dma_wait3A_1156 = tpu.memref_slice %arg3[%dma_wait3A_1154, %dma_wait3A_1155] : memref<10000x64xf32, #tpu.memory_space<hbm>> -> memref<80x64xf32, #tpu.memory_space<hbm>>
        tpu.wait_dma2 semaphore(%arg12 : memref<!tpu.dma_semaphore, #tpu.memory_space<semaphore_mem>>) src(%dma_wait3A_1156 : memref<80x64xf32, #tpu.memory_space<hbm>>) dst(%dma_wait3A_1153 : memref<80x64xf32, #tpu.memory_space<vmem>>)
        %dma_wait3A_1157 = arith.constant 1 : i32
        %dma_wait3A_1158 = arith.constant 3 : i32
        %dma_wait3A_1159 = arith.constant 0 : i32
        %dma_wait3A_1160 = arith.constant 0 : i32
        %dma_wait3A_1161 = tpu.memref_slice %arg7[%dma_wait3A_1157, %dma_wait3A_1158, %dma_wait3A_1159, %dma_wait3A_1160] : memref<2x5x80x64xf32, #tpu.memory_space<vmem>> -> memref<1x1x80x64xf32, #tpu.memory_space<vmem>>
        %dma_wait3A_1162 = tpu.memref_squeeze %dma_wait3A_1161 : memref<1x1x80x64xf32, #tpu.memory_space<vmem>> -> memref<80x64xf32, #tpu.memory_space<vmem>>
        %dma_wait3A_1163 = arith.constant 0 : i32
        %dma_wait3A_1164 = arith.constant 0 : i32
        %dma_wait3A_1165 = tpu.memref_slice %arg3[%dma_wait3A_1163, %dma_wait3A_1164] : memref<10000x64xf32, #tpu.memory_space<hbm>> -> memref<80x64xf32, #tpu.memory_space<hbm>>
        %dma_wait3A_1166 = arith.constant 0 : i32
        %dma_wait3A_1167 = arith.constant 0 : i32
        %dma_wait3A_1168 = tpu.memref_slice %arg7[%dma_wait3A_1157, %dma_wait3A_1158, %dma_wait3A_1166, %dma_wait3A_1167] : memref<2x5x80x64xf32, #tpu.memory_space<vmem>> -> memref<1x1x80x64xf32, #tpu.memory_space<vmem>>
        %dma_wait3A_1169 = tpu.memref_squeeze %dma_wait3A_1168 : memref<1x1x80x64xf32, #tpu.memory_space<vmem>> -> memref<80x64xf32, #tpu.memory_space<vmem>>
        %dma_wait3A_1170 = arith.constant 0 : i32
        %dma_wait3A_1171 = arith.constant 0 : i32
        %dma_wait3A_1172 = tpu.memref_slice %arg3[%dma_wait3A_1170, %dma_wait3A_1171] : memref<10000x64xf32, #tpu.memory_space<hbm>> -> memref<80x64xf32, #tpu.memory_space<hbm>>
        tpu.wait_dma2 semaphore(%arg12 : memref<!tpu.dma_semaphore, #tpu.memory_space<semaphore_mem>>) src(%dma_wait3A_1172 : memref<80x64xf32, #tpu.memory_space<hbm>>) dst(%dma_wait3A_1169 : memref<80x64xf32, #tpu.memory_space<vmem>>)
        %dma_wait3A_1173 = arith.constant 1 : i32
        %dma_wait3A_1174 = arith.constant 4 : i32
        %dma_wait3A_1175 = arith.constant 0 : i32
        %dma_wait3A_1176 = arith.constant 0 : i32
        %dma_wait3A_1177 = tpu.memref_slice %arg7[%dma_wait3A_1173, %dma_wait3A_1174, %dma_wait3A_1175, %dma_wait3A_1176] : memref<2x5x80x64xf32, #tpu.memory_space<vmem>> -> memref<1x1x80x64xf32, #tpu.memory_space<vmem>>
        %dma_wait3A_1178 = tpu.memref_squeeze %dma_wait3A_1177 : memref<1x1x80x64xf32, #tpu.memory_space<vmem>> -> memref<80x64xf32, #tpu.memory_space<vmem>>
        %dma_wait3A_1179 = arith.constant 0 : i32
        %dma_wait3A_1180 = arith.constant 0 : i32
        %dma_wait3A_1181 = tpu.memref_slice %arg3[%dma_wait3A_1179, %dma_wait3A_1180] : memref<10000x64xf32, #tpu.memory_space<hbm>> -> memref<80x64xf32, #tpu.memory_space<hbm>>
        %dma_wait3A_1182 = arith.constant 0 : i32
        %dma_wait3A_1183 = arith.constant 0 : i32
        %dma_wait3A_1184 = tpu.memref_slice %arg7[%dma_wait3A_1173, %dma_wait3A_1174, %dma_wait3A_1182, %dma_wait3A_1183] : memref<2x5x80x64xf32, #tpu.memory_space<vmem>> -> memref<1x1x80x64xf32, #tpu.memory_space<vmem>>
        %dma_wait3A_1185 = tpu.memref_squeeze %dma_wait3A_1184 : memref<1x1x80x64xf32, #tpu.memory_space<vmem>> -> memref<80x64xf32, #tpu.memory_space<vmem>>
        %dma_wait3A_1186 = arith.constant 0 : i32
        %dma_wait3A_1187 = arith.constant 0 : i32
        %dma_wait3A_1188 = tpu.memref_slice %arg3[%dma_wait3A_1186, %dma_wait3A_1187] : memref<10000x64xf32, #tpu.memory_space<hbm>> -> memref<80x64xf32, #tpu.memory_space<hbm>>
        tpu.wait_dma2 semaphore(%arg12 : memref<!tpu.dma_semaphore, #tpu.memory_space<semaphore_mem>>) src(%dma_wait3A_1188 : memref<80x64xf32, #tpu.memory_space<hbm>>) dst(%dma_wait3A_1185 : memref<80x64xf32, #tpu.memory_space<vmem>>)
      } else {
      }
      %add3A_909 = arith.constant 0 : i32
      %add3A_910 = arith.addi %mul3A_701, %add3A_909 : i32
      %dma_start3A_911 = arith.constant 1 : i32
      %dma_start3A_912 = arith.constant 0 : i32
      %dma_start3A_913 = arith.constant 0 : i32
      %dma_start3A_914 = arith.constant 0 : i32
      %dma_start3A_915 = tpu.memref_slice %arg7[%dma_start3A_911, %dma_start3A_912, %dma_start3A_913, %dma_start3A_914] : memref<2x5x80x64xf32, #tpu.memory_space<vmem>> -> memref<1x1x80x64xf32, #tpu.memory_space<vmem>>
      %dma_start3A_916 = tpu.memref_squeeze %dma_start3A_915 : memref<1x1x80x64xf32, #tpu.memory_space<vmem>> -> memref<80x64xf32, #tpu.memory_space<vmem>>
      %dma_start3A_917 = arith.constant 0 : i32
      %dma_start3A_918 = tpu.memref_slice %arg5[%add3A_910, %dma_start3A_917] : memref<125x80xi32, #tpu.memory_space<vmem>> -> memref<1x80xi32, #tpu.memory_space<vmem>>
      %dma_start3A_919 = tpu.memref_squeeze %dma_start3A_918 : memref<1x80xi32, #tpu.memory_space<vmem>> -> memref<80xi32, #tpu.memory_space<vmem>>
      %dma_start3A_920 = arith.constant 0 : i32
      %dma_start3A_921 = arith.constant 0 : i32
      %dma_start3A_922 = tpu.memref_slice %arg3[%dma_start3A_920, %dma_start3A_921] : memref<10000x64xf32, #tpu.memory_space<hbm>> -> memref<10000x64xf32, #tpu.memory_space<hbm>>
      tpu.enqueue_indirect_dma source(%dma_start3A_922 : memref<10000x64xf32, #tpu.memory_space<hbm>>) target(%dma_start3A_916 : memref<80x64xf32, #tpu.memory_space<vmem>>) offsets(%dma_start3A_919 : memref<80xi32, #tpu.memory_space<vmem>>) semaphore(%arg10 : memref<!tpu.dma_semaphore, #tpu.memory_space<semaphore_mem>>)
      %add3A_923 = arith.constant 1 : i32
      %add3A_924 = arith.addi %mul3A_701, %add3A_923 : i32
      %dma_start3A_925 = arith.constant 1 : i32
      %dma_start3A_926 = arith.constant 1 : i32
      %dma_start3A_927 = arith.constant 0 : i32
      %dma_start3A_928 = arith.constant 0 : i32
      %dma_start3A_929 = tpu.memref_slice %arg7[%dma_start3A_925, %dma_start3A_926, %dma_start3A_927, %dma_start3A_928] : memref<2x5x80x64xf32, #tpu.memory_space<vmem>> -> memref<1x1x80x64xf32, #tpu.memory_space<vmem>>
      %dma_start3A_930 = tpu.memref_squeeze %dma_start3A_929 : memref<1x1x80x64xf32, #tpu.memory_space<vmem>> -> memref<80x64xf32, #tpu.memory_space<vmem>>
      %dma_start3A_931 = arith.constant 0 : i32
      %dma_start3A_932 = tpu.memref_slice %arg5[%add3A_924, %dma_start3A_931] : memref<125x80xi32, #tpu.memory_space<vmem>> -> memref<1x80xi32, #tpu.memory_space<vmem>>
      %dma_start3A_933 = tpu.memref_squeeze %dma_start3A_932 : memref<1x80xi32, #tpu.memory_space<vmem>> -> memref<80xi32, #tpu.memory_space<vmem>>
      %dma_start3A_934 = arith.constant 0 : i32
      %dma_start3A_935 = arith.constant 0 : i32
      %dma_start3A_936 = tpu.memref_slice %arg3[%dma_start3A_934, %dma_start3A_935] : memref<10000x64xf32, #tpu.memory_space<hbm>> -> memref<10000x64xf32, #tpu.memory_space<hbm>>
      tpu.enqueue_indirect_dma source(%dma_start3A_936 : memref<10000x64xf32, #tpu.memory_space<hbm>>) target(%dma_start3A_930 : memref<80x64xf32, #tpu.memory_space<vmem>>) offsets(%dma_start3A_933 : memref<80xi32, #tpu.memory_space<vmem>>) semaphore(%arg10 : memref<!tpu.dma_semaphore, #tpu.memory_space<semaphore_mem>>)
      %add3A_937 = arith.constant 2 : i32
      %add3A_938 = arith.addi %mul3A_701, %add3A_937 : i32
      %dma_start3A_939 = arith.constant 1 : i32
      %dma_start3A_940 = arith.constant 2 : i32
      %dma_start3A_941 = arith.constant 0 : i32
      %dma_start3A_942 = arith.constant 0 : i32
      %dma_start3A_943 = tpu.memref_slice %arg7[%dma_start3A_939, %dma_start3A_940, %dma_start3A_941, %dma_start3A_942] : memref<2x5x80x64xf32, #tpu.memory_space<vmem>> -> memref<1x1x80x64xf32, #tpu.memory_space<vmem>>
      %dma_start3A_944 = tpu.memref_squeeze %dma_start3A_943 : memref<1x1x80x64xf32, #tpu.memory_space<vmem>> -> memref<80x64xf32, #tpu.memory_space<vmem>>
      %dma_start3A_945 = arith.constant 0 : i32
      %dma_start3A_946 = tpu.memref_slice %arg5[%add3A_938, %dma_start3A_945] : memref<125x80xi32, #tpu.memory_space<vmem>> -> memref<1x80xi32, #tpu.memory_space<vmem>>
      %dma_start3A_947 = tpu.memref_squeeze %dma_start3A_946 : memref<1x80xi32, #tpu.memory_space<vmem>> -> memref<80xi32, #tpu.memory_space<vmem>>
      %dma_start3A_948 = arith.constant 0 : i32
      %dma_start3A_949 = arith.constant 0 : i32
      %dma_start3A_950 = tpu.memref_slice %arg3[%dma_start3A_948, %dma_start3A_949] : memref<10000x64xf32, #tpu.memory_space<hbm>> -> memref<10000x64xf32, #tpu.memory_space<hbm>>
      tpu.enqueue_indirect_dma source(%dma_start3A_950 : memref<10000x64xf32, #tpu.memory_space<hbm>>) target(%dma_start3A_944 : memref<80x64xf32, #tpu.memory_space<vmem>>) offsets(%dma_start3A_947 : memref<80xi32, #tpu.memory_space<vmem>>) semaphore(%arg10 : memref<!tpu.dma_semaphore, #tpu.memory_space<semaphore_mem>>)
      %add3A_951 = arith.constant 3 : i32
      %add3A_952 = arith.addi %mul3A_701, %add3A_951 : i32
      %dma_start3A_953 = arith.constant 1 : i32
      %dma_start3A_954 = arith.constant 3 : i32
      %dma_start3A_955 = arith.constant 0 : i32
      %dma_start3A_956 = arith.constant 0 : i32
      %dma_start3A_957 = tpu.memref_slice %arg7[%dma_start3A_953, %dma_start3A_954, %dma_start3A_955, %dma_start3A_956] : memref<2x5x80x64xf32, #tpu.memory_space<vmem>> -> memref<1x1x80x64xf32, #tpu.memory_space<vmem>>
      %dma_start3A_958 = tpu.memref_squeeze %dma_start3A_957 : memref<1x1x80x64xf32, #tpu.memory_space<vmem>> -> memref<80x64xf32, #tpu.memory_space<vmem>>
      %dma_start3A_959 = arith.constant 0 : i32
      %dma_start3A_960 = tpu.memref_slice %arg5[%add3A_952, %dma_start3A_959] : memref<125x80xi32, #tpu.memory_space<vmem>> -> memref<1x80xi32, #tpu.memory_space<vmem>>
      %dma_start3A_961 = tpu.memref_squeeze %dma_start3A_960 : memref<1x80xi32, #tpu.memory_space<vmem>> -> memref<80xi32, #tpu.memory_space<vmem>>
      %dma_start3A_962 = arith.constant 0 : i32
      %dma_start3A_963 = arith.constant 0 : i32
      %dma_start3A_964 = tpu.memref_slice %arg3[%dma_start3A_962, %dma_start3A_963] : memref<10000x64xf32, #tpu.memory_space<hbm>> -> memref<10000x64xf32, #tpu.memory_space<hbm>>
      tpu.enqueue_indirect_dma source(%dma_start3A_964 : memref<10000x64xf32, #tpu.memory_space<hbm>>) target(%dma_start3A_958 : memref<80x64xf32, #tpu.memory_space<vmem>>) offsets(%dma_start3A_961 : memref<80xi32, #tpu.memory_space<vmem>>) semaphore(%arg10 : memref<!tpu.dma_semaphore, #tpu.memory_space<semaphore_mem>>)
      %add3A_965 = arith.constant 4 : i32
      %add3A_966 = arith.addi %mul3A_701, %add3A_965 : i32
      %dma_start3A_967 = arith.constant 1 : i32
      %dma_start3A_968 = arith.constant 4 : i32
      %dma_start3A_969 = arith.constant 0 : i32
      %dma_start3A_970 = arith.constant 0 : i32
      %dma_start3A_971 = tpu.memref_slice %arg7[%dma_start3A_967, %dma_start3A_968, %dma_start3A_969, %dma_start3A_970] : memref<2x5x80x64xf32, #tpu.memory_space<vmem>> -> memref<1x1x80x64xf32, #tpu.memory_space<vmem>>
      %dma_start3A_972 = tpu.memref_squeeze %dma_start3A_971 : memref<1x1x80x64xf32, #tpu.memory_space<vmem>> -> memref<80x64xf32, #tpu.memory_space<vmem>>
      %dma_start3A_973 = arith.constant 0 : i32
      %dma_start3A_974 = tpu.memref_slice %arg5[%add3A_966, %dma_start3A_973] : memref<125x80xi32, #tpu.memory_space<vmem>> -> memref<1x80xi32, #tpu.memory_space<vmem>>
      %dma_start3A_975 = tpu.memref_squeeze %dma_start3A_974 : memref<1x80xi32, #tpu.memory_space<vmem>> -> memref<80xi32, #tpu.memory_space<vmem>>
      %dma_start3A_976 = arith.constant 0 : i32
      %dma_start3A_977 = arith.constant 0 : i32
      %dma_start3A_978 = tpu.memref_slice %arg3[%dma_start3A_976, %dma_start3A_977] : memref<10000x64xf32, #tpu.memory_space<hbm>> -> memref<10000x64xf32, #tpu.memory_space<hbm>>
      tpu.enqueue_indirect_dma source(%dma_start3A_978 : memref<10000x64xf32, #tpu.memory_space<hbm>>) target(%dma_start3A_972 : memref<80x64xf32, #tpu.memory_space<vmem>>) offsets(%dma_start3A_975 : memref<80xi32, #tpu.memory_space<vmem>>) semaphore(%arg10 : memref<!tpu.dma_semaphore, #tpu.memory_space<semaphore_mem>>)
      %dma_wait3A_979 = arith.constant 1 : i32
      %dma_wait3A_980 = arith.constant 0 : i32
      %dma_wait3A_981 = arith.constant 0 : i32
      %dma_wait3A_982 = arith.constant 0 : i32
      %dma_wait3A_983 = tpu.memref_slice %arg7[%dma_wait3A_979, %dma_wait3A_980, %dma_wait3A_981, %dma_wait3A_982] : memref<2x5x80x64xf32, #tpu.memory_space<vmem>> -> memref<1x1x80x64xf32, #tpu.memory_space<vmem>>
      %dma_wait3A_984 = tpu.memref_squeeze %dma_wait3A_983 : memref<1x1x80x64xf32, #tpu.memory_space<vmem>> -> memref<80x64xf32, #tpu.memory_space<vmem>>
      %dma_wait3A_985 = arith.constant 0 : i32
      %dma_wait3A_986 = tpu.memref_slice %arg5[%add3A_910, %dma_wait3A_985] : memref<125x80xi32, #tpu.memory_space<vmem>> -> memref<1x80xi32, #tpu.memory_space<vmem>>
      %dma_wait3A_987 = tpu.memref_squeeze %dma_wait3A_986 : memref<1x80xi32, #tpu.memory_space<vmem>> -> memref<80xi32, #tpu.memory_space<vmem>>
      %dma_wait3A_988 = arith.constant 0 : i32
      %dma_wait3A_989 = arith.constant 0 : i32
      %dma_wait3A_990 = tpu.memref_slice %arg3[%dma_wait3A_988, %dma_wait3A_989] : memref<10000x64xf32, #tpu.memory_space<hbm>> -> memref<10000x64xf32, #tpu.memory_space<hbm>>
      tpu.wait_indirect_dma semaphore(%arg10 : memref<!tpu.dma_semaphore, #tpu.memory_space<semaphore_mem>>) src(%dma_wait3A_990 : memref<10000x64xf32, #tpu.memory_space<hbm>>) dst(%dma_wait3A_984 : memref<80x64xf32, #tpu.memory_space<vmem>>)
      %dma_wait3A_991 = arith.constant 1 : i32
      %dma_wait3A_992 = arith.constant 1 : i32
      %dma_wait3A_993 = arith.constant 0 : i32
      %dma_wait3A_994 = arith.constant 0 : i32
      %dma_wait3A_995 = tpu.memref_slice %arg7[%dma_wait3A_991, %dma_wait3A_992, %dma_wait3A_993, %dma_wait3A_994] : memref<2x5x80x64xf32, #tpu.memory_space<vmem>> -> memref<1x1x80x64xf32, #tpu.memory_space<vmem>>
      %dma_wait3A_996 = tpu.memref_squeeze %dma_wait3A_995 : memref<1x1x80x64xf32, #tpu.memory_space<vmem>> -> memref<80x64xf32, #tpu.memory_space<vmem>>
      %dma_wait3A_997 = arith.constant 0 : i32
      %dma_wait3A_998 = tpu.memref_slice %arg5[%add3A_924, %dma_wait3A_997] : memref<125x80xi32, #tpu.memory_space<vmem>> -> memref<1x80xi32, #tpu.memory_space<vmem>>
      %dma_wait3A_999 = tpu.memref_squeeze %dma_wait3A_998 : memref<1x80xi32, #tpu.memory_space<vmem>> -> memref<80xi32, #tpu.memory_space<vmem>>
      %dma_wait3A_1000 = arith.constant 0 : i32
      %dma_wait3A_1001 = arith.constant 0 : i32
      %dma_wait3A_1002 = tpu.memref_slice %arg3[%dma_wait3A_1000, %dma_wait3A_1001] : memref<10000x64xf32, #tpu.memory_space<hbm>> -> memref<10000x64xf32, #tpu.memory_space<hbm>>
      tpu.wait_indirect_dma semaphore(%arg10 : memref<!tpu.dma_semaphore, #tpu.memory_space<semaphore_mem>>) src(%dma_wait3A_1002 : memref<10000x64xf32, #tpu.memory_space<hbm>>) dst(%dma_wait3A_996 : memref<80x64xf32, #tpu.memory_space<vmem>>)
      %dma_wait3A_1003 = arith.constant 1 : i32
      %dma_wait3A_1004 = arith.constant 2 : i32
      %dma_wait3A_1005 = arith.constant 0 : i32
      %dma_wait3A_1006 = arith.constant 0 : i32
      %dma_wait3A_1007 = tpu.memref_slice %arg7[%dma_wait3A_1003, %dma_wait3A_1004, %dma_wait3A_1005, %dma_wait3A_1006] : memref<2x5x80x64xf32, #tpu.memory_space<vmem>> -> memref<1x1x80x64xf32, #tpu.memory_space<vmem>>
      %dma_wait3A_1008 = tpu.memref_squeeze %dma_wait3A_1007 : memref<1x1x80x64xf32, #tpu.memory_space<vmem>> -> memref<80x64xf32, #tpu.memory_space<vmem>>
      %dma_wait3A_1009 = arith.constant 0 : i32
      %dma_wait3A_1010 = tpu.memref_slice %arg5[%add3A_938, %dma_wait3A_1009] : memref<125x80xi32, #tpu.memory_space<vmem>> -> memref<1x80xi32, #tpu.memory_space<vmem>>
      %dma_wait3A_1011 = tpu.memref_squeeze %dma_wait3A_1010 : memref<1x80xi32, #tpu.memory_space<vmem>> -> memref<80xi32, #tpu.memory_space<vmem>>
      %dma_wait3A_1012 = arith.constant 0 : i32
      %dma_wait3A_1013 = arith.constant 0 : i32
      %dma_wait3A_1014 = tpu.memref_slice %arg3[%dma_wait3A_1012, %dma_wait3A_1013] : memref<10000x64xf32, #tpu.memory_space<hbm>> -> memref<10000x64xf32, #tpu.memory_space<hbm>>
      tpu.wait_indirect_dma semaphore(%arg10 : memref<!tpu.dma_semaphore, #tpu.memory_space<semaphore_mem>>) src(%dma_wait3A_1014 : memref<10000x64xf32, #tpu.memory_space<hbm>>) dst(%dma_wait3A_1008 : memref<80x64xf32, #tpu.memory_space<vmem>>)
      %dma_wait3A_1015 = arith.constant 1 : i32
      %dma_wait3A_1016 = arith.constant 3 : i32
      %dma_wait3A_1017 = arith.constant 0 : i32
      %dma_wait3A_1018 = arith.constant 0 : i32
      %dma_wait3A_1019 = tpu.memref_slice %arg7[%dma_wait3A_1015, %dma_wait3A_1016, %dma_wait3A_1017, %dma_wait3A_1018] : memref<2x5x80x64xf32, #tpu.memory_space<vmem>> -> memref<1x1x80x64xf32, #tpu.memory_space<vmem>>
      %dma_wait3A_1020 = tpu.memref_squeeze %dma_wait3A_1019 : memref<1x1x80x64xf32, #tpu.memory_space<vmem>> -> memref<80x64xf32, #tpu.memory_space<vmem>>
      %dma_wait3A_1021 = arith.constant 0 : i32
      %dma_wait3A_1022 = tpu.memref_slice %arg5[%add3A_952, %dma_wait3A_1021] : memref<125x80xi32, #tpu.memory_space<vmem>> -> memref<1x80xi32, #tpu.memory_space<vmem>>
      %dma_wait3A_1023 = tpu.memref_squeeze %dma_wait3A_1022 : memref<1x80xi32, #tpu.memory_space<vmem>> -> memref<80xi32, #tpu.memory_space<vmem>>
      %dma_wait3A_1024 = arith.constant 0 : i32
      %dma_wait3A_1025 = arith.constant 0 : i32
      %dma_wait3A_1026 = tpu.memref_slice %arg3[%dma_wait3A_1024, %dma_wait3A_1025] : memref<10000x64xf32, #tpu.memory_space<hbm>> -> memref<10000x64xf32, #tpu.memory_space<hbm>>
      tpu.wait_indirect_dma semaphore(%arg10 : memref<!tpu.dma_semaphore, #tpu.memory_space<semaphore_mem>>) src(%dma_wait3A_1026 : memref<10000x64xf32, #tpu.memory_space<hbm>>) dst(%dma_wait3A_1020 : memref<80x64xf32, #tpu.memory_space<vmem>>)
      %dma_wait3A_1027 = arith.constant 1 : i32
      %dma_wait3A_1028 = arith.constant 4 : i32
      %dma_wait3A_1029 = arith.constant 0 : i32
      %dma_wait3A_1030 = arith.constant 0 : i32
      %dma_wait3A_1031 = tpu.memref_slice %arg7[%dma_wait3A_1027, %dma_wait3A_1028, %dma_wait3A_1029, %dma_wait3A_1030] : memref<2x5x80x64xf32, #tpu.memory_space<vmem>> -> memref<1x1x80x64xf32, #tpu.memory_space<vmem>>
      %dma_wait3A_1032 = tpu.memref_squeeze %dma_wait3A_1031 : memref<1x1x80x64xf32, #tpu.memory_space<vmem>> -> memref<80x64xf32, #tpu.memory_space<vmem>>
      %dma_wait3A_1033 = arith.constant 0 : i32
      %dma_wait3A_1034 = tpu.memref_slice %arg5[%add3A_966, %dma_wait3A_1033] : memref<125x80xi32, #tpu.memory_space<vmem>> -> memref<1x80xi32, #tpu.memory_space<vmem>>
      %dma_wait3A_1035 = tpu.memref_squeeze %dma_wait3A_1034 : memref<1x80xi32, #tpu.memory_space<vmem>> -> memref<80xi32, #tpu.memory_space<vmem>>
      %dma_wait3A_1036 = arith.constant 0 : i32
      %dma_wait3A_1037 = arith.constant 0 : i32
      %dma_wait3A_1038 = tpu.memref_slice %arg3[%dma_wait3A_1036, %dma_wait3A_1037] : memref<10000x64xf32, #tpu.memory_space<hbm>> -> memref<10000x64xf32, #tpu.memory_space<hbm>>
      tpu.wait_indirect_dma semaphore(%arg10 : memref<!tpu.dma_semaphore, #tpu.memory_space<semaphore_mem>>) src(%dma_wait3A_1038 : memref<10000x64xf32, #tpu.memory_space<hbm>>) dst(%dma_wait3A_1032 : memref<80x64xf32, #tpu.memory_space<vmem>>)
      %add3A_1039 = arith.constant 0 : i32
      %add3A_1040 = arith.addi %mul3A_701, %add3A_1039 : i32
      %dma_start3A_1041 = arith.constant 1 : i32
      %dma_start3A_1042 = arith.constant 0 : i32
      %dma_start3A_1043 = arith.constant 0 : i32
      %dma_start3A_1044 = arith.constant 0 : i32
      %dma_start3A_1045 = tpu.memref_slice %arg7[%dma_start3A_1041, %dma_start3A_1042, %dma_start3A_1043, %dma_start3A_1044] : memref<2x5x80x64xf32, #tpu.memory_space<vmem>> -> memref<1x1x80x64xf32, #tpu.memory_space<vmem>>
      %dma_start3A_1046 = tpu.memref_squeeze %dma_start3A_1045 : memref<1x1x80x64xf32, #tpu.memory_space<vmem>> -> memref<80x64xf32, #tpu.memory_space<vmem>>
      %dma_start3A_1047 = arith.constant 0 : i32
      %dma_start3A_1048 = tpu.memref_slice %arg6[%add3A_1040, %dma_start3A_1047] : memref<125x80xi32, #tpu.memory_space<vmem>> -> memref<1x80xi32, #tpu.memory_space<vmem>>
      %dma_start3A_1049 = tpu.memref_squeeze %dma_start3A_1048 : memref<1x80xi32, #tpu.memory_space<vmem>> -> memref<80xi32, #tpu.memory_space<vmem>>
      %dma_start3A_1050 = arith.constant 0 : i32
      %dma_start3A_1051 = arith.constant 0 : i32
      %dma_start3A_1052 = tpu.memref_slice %arg8[%dma_start3A_1050, %dma_start3A_1051] : memref<10240x64xf32, #tpu.memory_space<vmem_shared>> -> memref<10240x64xf32, #tpu.memory_space<vmem_shared>>
      tpu.enqueue_indirect_dma source(%dma_start3A_1046 : memref<80x64xf32, #tpu.memory_space<vmem>>) target(%dma_start3A_1052 : memref<10240x64xf32, #tpu.memory_space<vmem_shared>>) offsets(%dma_start3A_1049 : memref<80xi32, #tpu.memory_space<vmem>>) semaphore(%arg12 : memref<!tpu.dma_semaphore, #tpu.memory_space<semaphore_mem>>) {add = true}
      %add3A_1053 = arith.constant 1 : i32
      %add3A_1054 = arith.addi %mul3A_701, %add3A_1053 : i32
      %dma_start3A_1055 = arith.constant 1 : i32
      %dma_start3A_1056 = arith.constant 1 : i32
      %dma_start3A_1057 = arith.constant 0 : i32
      %dma_start3A_1058 = arith.constant 0 : i32
      %dma_start3A_1059 = tpu.memref_slice %arg7[%dma_start3A_1055, %dma_start3A_1056, %dma_start3A_1057, %dma_start3A_1058] : memref<2x5x80x64xf32, #tpu.memory_space<vmem>> -> memref<1x1x80x64xf32, #tpu.memory_space<vmem>>
      %dma_start3A_1060 = tpu.memref_squeeze %dma_start3A_1059 : memref<1x1x80x64xf32, #tpu.memory_space<vmem>> -> memref<80x64xf32, #tpu.memory_space<vmem>>
      %dma_start3A_1061 = arith.constant 0 : i32
      %dma_start3A_1062 = tpu.memref_slice %arg6[%add3A_1054, %dma_start3A_1061] : memref<125x80xi32, #tpu.memory_space<vmem>> -> memref<1x80xi32, #tpu.memory_space<vmem>>
      %dma_start3A_1063 = tpu.memref_squeeze %dma_start3A_1062 : memref<1x80xi32, #tpu.memory_space<vmem>> -> memref<80xi32, #tpu.memory_space<vmem>>
      %dma_start3A_1064 = arith.constant 0 : i32
      %dma_start3A_1065 = arith.constant 0 : i32
      %dma_start3A_1066 = tpu.memref_slice %arg8[%dma_start3A_1064, %dma_start3A_1065] : memref<10240x64xf32, #tpu.memory_space<vmem_shared>> -> memref<10240x64xf32, #tpu.memory_space<vmem_shared>>
      tpu.enqueue_indirect_dma source(%dma_start3A_1060 : memref<80x64xf32, #tpu.memory_space<vmem>>) target(%dma_start3A_1066 : memref<10240x64xf32, #tpu.memory_space<vmem_shared>>) offsets(%dma_start3A_1063 : memref<80xi32, #tpu.memory_space<vmem>>) semaphore(%arg12 : memref<!tpu.dma_semaphore, #tpu.memory_space<semaphore_mem>>) {add = true}
      %add3A_1067 = arith.constant 2 : i32
      %add3A_1068 = arith.addi %mul3A_701, %add3A_1067 : i32
      %dma_start3A_1069 = arith.constant 1 : i32
      %dma_start3A_1070 = arith.constant 2 : i32
      %dma_start3A_1071 = arith.constant 0 : i32
      %dma_start3A_1072 = arith.constant 0 : i32
      %dma_start3A_1073 = tpu.memref_slice %arg7[%dma_start3A_1069, %dma_start3A_1070, %dma_start3A_1071, %dma_start3A_1072] : memref<2x5x80x64xf32, #tpu.memory_space<vmem>> -> memref<1x1x80x64xf32, #tpu.memory_space<vmem>>
      %dma_start3A_1074 = tpu.memref_squeeze %dma_start3A_1073 : memref<1x1x80x64xf32, #tpu.memory_space<vmem>> -> memref<80x64xf32, #tpu.memory_space<vmem>>
      %dma_start3A_1075 = arith.constant 0 : i32
      %dma_start3A_1076 = tpu.memref_slice %arg6[%add3A_1068, %dma_start3A_1075] : memref<125x80xi32, #tpu.memory_space<vmem>> -> memref<1x80xi32, #tpu.memory_space<vmem>>
      %dma_start3A_1077 = tpu.memref_squeeze %dma_start3A_1076 : memref<1x80xi32, #tpu.memory_space<vmem>> -> memref<80xi32, #tpu.memory_space<vmem>>
      %dma_start3A_1078 = arith.constant 0 : i32
      %dma_start3A_1079 = arith.constant 0 : i32
      %dma_start3A_1080 = tpu.memref_slice %arg8[%dma_start3A_1078, %dma_start3A_1079] : memref<10240x64xf32, #tpu.memory_space<vmem_shared>> -> memref<10240x64xf32, #tpu.memory_space<vmem_shared>>
      tpu.enqueue_indirect_dma source(%dma_start3A_1074 : memref<80x64xf32, #tpu.memory_space<vmem>>) target(%dma_start3A_1080 : memref<10240x64xf32, #tpu.memory_space<vmem_shared>>) offsets(%dma_start3A_1077 : memref<80xi32, #tpu.memory_space<vmem>>) semaphore(%arg12 : memref<!tpu.dma_semaphore, #tpu.memory_space<semaphore_mem>>) {add = true}
      %add3A_1081 = arith.constant 3 : i32
      %add3A_1082 = arith.addi %mul3A_701, %add3A_1081 : i32
      %dma_start3A_1083 = arith.constant 1 : i32
      %dma_start3A_1084 = arith.constant 3 : i32
      %dma_start3A_1085 = arith.constant 0 : i32
      %dma_start3A_1086 = arith.constant 0 : i32
      %dma_start3A_1087 = tpu.memref_slice %arg7[%dma_start3A_1083, %dma_start3A_1084, %dma_start3A_1085, %dma_start3A_1086] : memref<2x5x80x64xf32, #tpu.memory_space<vmem>> -> memref<1x1x80x64xf32, #tpu.memory_space<vmem>>
      %dma_start3A_1088 = tpu.memref_squeeze %dma_start3A_1087 : memref<1x1x80x64xf32, #tpu.memory_space<vmem>> -> memref<80x64xf32, #tpu.memory_space<vmem>>
      %dma_start3A_1089 = arith.constant 0 : i32
      %dma_start3A_1090 = tpu.memref_slice %arg6[%add3A_1082, %dma_start3A_1089] : memref<125x80xi32, #tpu.memory_space<vmem>> -> memref<1x80xi32, #tpu.memory_space<vmem>>
      %dma_start3A_1091 = tpu.memref_squeeze %dma_start3A_1090 : memref<1x80xi32, #tpu.memory_space<vmem>> -> memref<80xi32, #tpu.memory_space<vmem>>
      %dma_start3A_1092 = arith.constant 0 : i32
      %dma_start3A_1093 = arith.constant 0 : i32
      %dma_start3A_1094 = tpu.memref_slice %arg8[%dma_start3A_1092, %dma_start3A_1093] : memref<10240x64xf32, #tpu.memory_space<vmem_shared>> -> memref<10240x64xf32, #tpu.memory_space<vmem_shared>>
      tpu.enqueue_indirect_dma source(%dma_start3A_1088 : memref<80x64xf32, #tpu.memory_space<vmem>>) target(%dma_start3A_1094 : memref<10240x64xf32, #tpu.memory_space<vmem_shared>>) offsets(%dma_start3A_1091 : memref<80xi32, #tpu.memory_space<vmem>>) semaphore(%arg12 : memref<!tpu.dma_semaphore, #tpu.memory_space<semaphore_mem>>) {add = true}
      %add3A_1095 = arith.constant 4 : i32
      %add3A_1096 = arith.addi %mul3A_701, %add3A_1095 : i32
      %dma_start3A_1097 = arith.constant 1 : i32
      %dma_start3A_1098 = arith.constant 4 : i32
      %dma_start3A_1099 = arith.constant 0 : i32
      %dma_start3A_1100 = arith.constant 0 : i32
      %dma_start3A_1101 = tpu.memref_slice %arg7[%dma_start3A_1097, %dma_start3A_1098, %dma_start3A_1099, %dma_start3A_1100] : memref<2x5x80x64xf32, #tpu.memory_space<vmem>> -> memref<1x1x80x64xf32, #tpu.memory_space<vmem>>
      %dma_start3A_1102 = tpu.memref_squeeze %dma_start3A_1101 : memref<1x1x80x64xf32, #tpu.memory_space<vmem>> -> memref<80x64xf32, #tpu.memory_space<vmem>>
      %dma_start3A_1103 = arith.constant 0 : i32
      %dma_start3A_1104 = tpu.memref_slice %arg6[%add3A_1096, %dma_start3A_1103] : memref<125x80xi32, #tpu.memory_space<vmem>> -> memref<1x80xi32, #tpu.memory_space<vmem>>
      %dma_start3A_1105 = tpu.memref_squeeze %dma_start3A_1104 : memref<1x80xi32, #tpu.memory_space<vmem>> -> memref<80xi32, #tpu.memory_space<vmem>>
      %dma_start3A_1106 = arith.constant 0 : i32
      %dma_start3A_1107 = arith.constant 0 : i32
      %dma_start3A_1108 = tpu.memref_slice %arg8[%dma_start3A_1106, %dma_start3A_1107] : memref<10240x64xf32, #tpu.memory_space<vmem_shared>> -> memref<10240x64xf32, #tpu.memory_space<vmem_shared>>
      tpu.enqueue_indirect_dma source(%dma_start3A_1102 : memref<80x64xf32, #tpu.memory_space<vmem>>) target(%dma_start3A_1108 : memref<10240x64xf32, #tpu.memory_space<vmem_shared>>) offsets(%dma_start3A_1105 : memref<80xi32, #tpu.memory_space<vmem>>) semaphore(%arg12 : memref<!tpu.dma_semaphore, #tpu.memory_space<semaphore_mem>>) {add = true}
    }
    %scan3A_254 = arith.constant 12 : i32
    %dma_wait3A_255 = arith.constant 0 : i32
    %dma_wait3A_256 = arith.constant 0 : i32
    %dma_wait3A_257 = arith.constant 0 : i32
    %dma_wait3A_258 = arith.constant 0 : i32
    %dma_wait3A_259 = tpu.memref_slice %arg7[%dma_wait3A_255, %dma_wait3A_256, %dma_wait3A_257, %dma_wait3A_258] : memref<2x5x80x64xf32, #tpu.memory_space<vmem>> -> memref<1x1x80x64xf32, #tpu.memory_space<vmem>>
    %dma_wait3A_260 = tpu.memref_squeeze %dma_wait3A_259 : memref<1x1x80x64xf32, #tpu.memory_space<vmem>> -> memref<80x64xf32, #tpu.memory_space<vmem>>
    %dma_wait3A_261 = arith.constant 0 : i32
    %dma_wait3A_262 = arith.constant 0 : i32
    %dma_wait3A_263 = tpu.memref_slice %arg3[%dma_wait3A_261, %dma_wait3A_262] : memref<10000x64xf32, #tpu.memory_space<hbm>> -> memref<80x64xf32, #tpu.memory_space<hbm>>
    %dma_wait3A_264 = arith.constant 0 : i32
    %dma_wait3A_265 = arith.constant 0 : i32
    %dma_wait3A_266 = tpu.memref_slice %arg7[%dma_wait3A_255, %dma_wait3A_256, %dma_wait3A_264, %dma_wait3A_265] : memref<2x5x80x64xf32, #tpu.memory_space<vmem>> -> memref<1x1x80x64xf32, #tpu.memory_space<vmem>>
    %dma_wait3A_267 = tpu.memref_squeeze %dma_wait3A_266 : memref<1x1x80x64xf32, #tpu.memory_space<vmem>> -> memref<80x64xf32, #tpu.memory_space<vmem>>
    %dma_wait3A_268 = arith.constant 0 : i32
    %dma_wait3A_269 = arith.constant 0 : i32
    %dma_wait3A_270 = tpu.memref_slice %arg3[%dma_wait3A_268, %dma_wait3A_269] : memref<10000x64xf32, #tpu.memory_space<hbm>> -> memref<80x64xf32, #tpu.memory_space<hbm>>
    tpu.wait_dma2 semaphore(%arg11 : memref<!tpu.dma_semaphore, #tpu.memory_space<semaphore_mem>>) src(%dma_wait3A_270 : memref<80x64xf32, #tpu.memory_space<hbm>>) dst(%dma_wait3A_267 : memref<80x64xf32, #tpu.memory_space<vmem>>)
    %dma_wait3A_271 = arith.constant 0 : i32
    %dma_wait3A_272 = arith.constant 1 : i32
    %dma_wait3A_273 = arith.constant 0 : i32
    %dma_wait3A_274 = arith.constant 0 : i32
    %dma_wait3A_275 = tpu.memref_slice %arg7[%dma_wait3A_271, %dma_wait3A_272, %dma_wait3A_273, %dma_wait3A_274] : memref<2x5x80x64xf32, #tpu.memory_space<vmem>> -> memref<1x1x80x64xf32, #tpu.memory_space<vmem>>
    %dma_wait3A_276 = tpu.memref_squeeze %dma_wait3A_275 : memref<1x1x80x64xf32, #tpu.memory_space<vmem>> -> memref<80x64xf32, #tpu.memory_space<vmem>>
    %dma_wait3A_277 = arith.constant 0 : i32
    %dma_wait3A_278 = arith.constant 0 : i32
    %dma_wait3A_279 = tpu.memref_slice %arg3[%dma_wait3A_277, %dma_wait3A_278] : memref<10000x64xf32, #tpu.memory_space<hbm>> -> memref<80x64xf32, #tpu.memory_space<hbm>>
    %dma_wait3A_280 = arith.constant 0 : i32
    %dma_wait3A_281 = arith.constant 0 : i32
    %dma_wait3A_282 = tpu.memref_slice %arg7[%dma_wait3A_271, %dma_wait3A_272, %dma_wait3A_280, %dma_wait3A_281] : memref<2x5x80x64xf32, #tpu.memory_space<vmem>> -> memref<1x1x80x64xf32, #tpu.memory_space<vmem>>
    %dma_wait3A_283 = tpu.memref_squeeze %dma_wait3A_282 : memref<1x1x80x64xf32, #tpu.memory_space<vmem>> -> memref<80x64xf32, #tpu.memory_space<vmem>>
    %dma_wait3A_284 = arith.constant 0 : i32
    %dma_wait3A_285 = arith.constant 0 : i32
    %dma_wait3A_286 = tpu.memref_slice %arg3[%dma_wait3A_284, %dma_wait3A_285] : memref<10000x64xf32, #tpu.memory_space<hbm>> -> memref<80x64xf32, #tpu.memory_space<hbm>>
    tpu.wait_dma2 semaphore(%arg11 : memref<!tpu.dma_semaphore, #tpu.memory_space<semaphore_mem>>) src(%dma_wait3A_286 : memref<80x64xf32, #tpu.memory_space<hbm>>) dst(%dma_wait3A_283 : memref<80x64xf32, #tpu.memory_space<vmem>>)
    %dma_wait3A_287 = arith.constant 0 : i32
    %dma_wait3A_288 = arith.constant 2 : i32
    %dma_wait3A_289 = arith.constant 0 : i32
    %dma_wait3A_290 = arith.constant 0 : i32
    %dma_wait3A_291 = tpu.memref_slice %arg7[%dma_wait3A_287, %dma_wait3A_288, %dma_wait3A_289, %dma_wait3A_290] : memref<2x5x80x64xf32, #tpu.memory_space<vmem>> -> memref<1x1x80x64xf32, #tpu.memory_space<vmem>>
    %dma_wait3A_292 = tpu.memref_squeeze %dma_wait3A_291 : memref<1x1x80x64xf32, #tpu.memory_space<vmem>> -> memref<80x64xf32, #tpu.memory_space<vmem>>
    %dma_wait3A_293 = arith.constant 0 : i32
    %dma_wait3A_294 = arith.constant 0 : i32
    %dma_wait3A_295 = tpu.memref_slice %arg3[%dma_wait3A_293, %dma_wait3A_294] : memref<10000x64xf32, #tpu.memory_space<hbm>> -> memref<80x64xf32, #tpu.memory_space<hbm>>
    %dma_wait3A_296 = arith.constant 0 : i32
    %dma_wait3A_297 = arith.constant 0 : i32
    %dma_wait3A_298 = tpu.memref_slice %arg7[%dma_wait3A_287, %dma_wait3A_288, %dma_wait3A_296, %dma_wait3A_297] : memref<2x5x80x64xf32, #tpu.memory_space<vmem>> -> memref<1x1x80x64xf32, #tpu.memory_space<vmem>>
    %dma_wait3A_299 = tpu.memref_squeeze %dma_wait3A_298 : memref<1x1x80x64xf32, #tpu.memory_space<vmem>> -> memref<80x64xf32, #tpu.memory_space<vmem>>
    %dma_wait3A_300 = arith.constant 0 : i32
    %dma_wait3A_301 = arith.constant 0 : i32
    %dma_wait3A_302 = tpu.memref_slice %arg3[%dma_wait3A_300, %dma_wait3A_301] : memref<10000x64xf32, #tpu.memory_space<hbm>> -> memref<80x64xf32, #tpu.memory_space<hbm>>
    tpu.wait_dma2 semaphore(%arg11 : memref<!tpu.dma_semaphore, #tpu.memory_space<semaphore_mem>>) src(%dma_wait3A_302 : memref<80x64xf32, #tpu.memory_space<hbm>>) dst(%dma_wait3A_299 : memref<80x64xf32, #tpu.memory_space<vmem>>)
    %dma_wait3A_303 = arith.constant 0 : i32
    %dma_wait3A_304 = arith.constant 3 : i32
    %dma_wait3A_305 = arith.constant 0 : i32
    %dma_wait3A_306 = arith.constant 0 : i32
    %dma_wait3A_307 = tpu.memref_slice %arg7[%dma_wait3A_303, %dma_wait3A_304, %dma_wait3A_305, %dma_wait3A_306] : memref<2x5x80x64xf32, #tpu.memory_space<vmem>> -> memref<1x1x80x64xf32, #tpu.memory_space<vmem>>
    %dma_wait3A_308 = tpu.memref_squeeze %dma_wait3A_307 : memref<1x1x80x64xf32, #tpu.memory_space<vmem>> -> memref<80x64xf32, #tpu.memory_space<vmem>>
    %dma_wait3A_309 = arith.constant 0 : i32
    %dma_wait3A_310 = arith.constant 0 : i32
    %dma_wait3A_311 = tpu.memref_slice %arg3[%dma_wait3A_309, %dma_wait3A_310] : memref<10000x64xf32, #tpu.memory_space<hbm>> -> memref<80x64xf32, #tpu.memory_space<hbm>>
    %dma_wait3A_312 = arith.constant 0 : i32
    %dma_wait3A_313 = arith.constant 0 : i32
    %dma_wait3A_314 = tpu.memref_slice %arg7[%dma_wait3A_303, %dma_wait3A_304, %dma_wait3A_312, %dma_wait3A_313] : memref<2x5x80x64xf32, #tpu.memory_space<vmem>> -> memref<1x1x80x64xf32, #tpu.memory_space<vmem>>
    %dma_wait3A_315 = tpu.memref_squeeze %dma_wait3A_314 : memref<1x1x80x64xf32, #tpu.memory_space<vmem>> -> memref<80x64xf32, #tpu.memory_space<vmem>>
    %dma_wait3A_316 = arith.constant 0 : i32
    %dma_wait3A_317 = arith.constant 0 : i32
    %dma_wait3A_318 = tpu.memref_slice %arg3[%dma_wait3A_316, %dma_wait3A_317] : memref<10000x64xf32, #tpu.memory_space<hbm>> -> memref<80x64xf32, #tpu.memory_space<hbm>>
    tpu.wait_dma2 semaphore(%arg11 : memref<!tpu.dma_semaphore, #tpu.memory_space<semaphore_mem>>) src(%dma_wait3A_318 : memref<80x64xf32, #tpu.memory_space<hbm>>) dst(%dma_wait3A_315 : memref<80x64xf32, #tpu.memory_space<vmem>>)
    %dma_wait3A_319 = arith.constant 0 : i32
    %dma_wait3A_320 = arith.constant 4 : i32
    %dma_wait3A_321 = arith.constant 0 : i32
    %dma_wait3A_322 = arith.constant 0 : i32
    %dma_wait3A_323 = tpu.memref_slice %arg7[%dma_wait3A_319, %dma_wait3A_320, %dma_wait3A_321, %dma_wait3A_322] : memref<2x5x80x64xf32, #tpu.memory_space<vmem>> -> memref<1x1x80x64xf32, #tpu.memory_space<vmem>>
    %dma_wait3A_324 = tpu.memref_squeeze %dma_wait3A_323 : memref<1x1x80x64xf32, #tpu.memory_space<vmem>> -> memref<80x64xf32, #tpu.memory_space<vmem>>
    %dma_wait3A_325 = arith.constant 0 : i32
    %dma_wait3A_326 = arith.constant 0 : i32
    %dma_wait3A_327 = tpu.memref_slice %arg3[%dma_wait3A_325, %dma_wait3A_326] : memref<10000x64xf32, #tpu.memory_space<hbm>> -> memref<80x64xf32, #tpu.memory_space<hbm>>
    %dma_wait3A_328 = arith.constant 0 : i32
    %dma_wait3A_329 = arith.constant 0 : i32
    %dma_wait3A_330 = tpu.memref_slice %arg7[%dma_wait3A_319, %dma_wait3A_320, %dma_wait3A_328, %dma_wait3A_329] : memref<2x5x80x64xf32, #tpu.memory_space<vmem>> -> memref<1x1x80x64xf32, #tpu.memory_space<vmem>>
    %dma_wait3A_331 = tpu.memref_squeeze %dma_wait3A_330 : memref<1x1x80x64xf32, #tpu.memory_space<vmem>> -> memref<80x64xf32, #tpu.memory_space<vmem>>
    %dma_wait3A_332 = arith.constant 0 : i32
    %dma_wait3A_333 = arith.constant 0 : i32
    %dma_wait3A_334 = tpu.memref_slice %arg3[%dma_wait3A_332, %dma_wait3A_333] : memref<10000x64xf32, #tpu.memory_space<hbm>> -> memref<80x64xf32, #tpu.memory_space<hbm>>
    tpu.wait_dma2 semaphore(%arg11 : memref<!tpu.dma_semaphore, #tpu.memory_space<semaphore_mem>>) src(%dma_wait3A_334 : memref<80x64xf32, #tpu.memory_space<hbm>>) dst(%dma_wait3A_331 : memref<80x64xf32, #tpu.memory_space<vmem>>)
    %dma_start3A_335 = arith.constant 120 : i32
    %dma_start3A_336 = arith.constant 0 : i32
    %dma_start3A_337 = arith.constant 0 : i32
    %dma_start3A_338 = arith.constant 0 : i32
    %dma_start3A_339 = arith.constant 0 : i32
    %dma_start3A_340 = tpu.memref_slice %arg7[%dma_start3A_336, %dma_start3A_337, %dma_start3A_338, %dma_start3A_339] : memref<2x5x80x64xf32, #tpu.memory_space<vmem>> -> memref<1x1x80x64xf32, #tpu.memory_space<vmem>>
    %dma_start3A_341 = tpu.memref_squeeze %dma_start3A_340 : memref<1x1x80x64xf32, #tpu.memory_space<vmem>> -> memref<80x64xf32, #tpu.memory_space<vmem>>
    %dma_start3A_342 = arith.constant 0 : i32
    %dma_start3A_343 = tpu.memref_slice %arg5[%dma_start3A_335, %dma_start3A_342] : memref<125x80xi32, #tpu.memory_space<vmem>> -> memref<1x80xi32, #tpu.memory_space<vmem>>
    %dma_start3A_344 = tpu.memref_squeeze %dma_start3A_343 : memref<1x80xi32, #tpu.memory_space<vmem>> -> memref<80xi32, #tpu.memory_space<vmem>>
    %dma_start3A_345 = arith.constant 0 : i32
    %dma_start3A_346 = arith.constant 0 : i32
    %dma_start3A_347 = tpu.memref_slice %arg3[%dma_start3A_345, %dma_start3A_346] : memref<10000x64xf32, #tpu.memory_space<hbm>> -> memref<10000x64xf32, #tpu.memory_space<hbm>>
    tpu.enqueue_indirect_dma source(%dma_start3A_347 : memref<10000x64xf32, #tpu.memory_space<hbm>>) target(%dma_start3A_341 : memref<80x64xf32, #tpu.memory_space<vmem>>) offsets(%dma_start3A_344 : memref<80xi32, #tpu.memory_space<vmem>>) semaphore(%arg9 : memref<!tpu.dma_semaphore, #tpu.memory_space<semaphore_mem>>)
    %dma_start3A_348 = arith.constant 121 : i32
    %dma_start3A_349 = arith.constant 0 : i32
    %dma_start3A_350 = arith.constant 1 : i32
    %dma_start3A_351 = arith.constant 0 : i32
    %dma_start3A_352 = arith.constant 0 : i32
    %dma_start3A_353 = tpu.memref_slice %arg7[%dma_start3A_349, %dma_start3A_350, %dma_start3A_351, %dma_start3A_352] : memref<2x5x80x64xf32, #tpu.memory_space<vmem>> -> memref<1x1x80x64xf32, #tpu.memory_space<vmem>>
    %dma_start3A_354 = tpu.memref_squeeze %dma_start3A_353 : memref<1x1x80x64xf32, #tpu.memory_space<vmem>> -> memref<80x64xf32, #tpu.memory_space<vmem>>
    %dma_start3A_355 = arith.constant 0 : i32
    %dma_start3A_356 = tpu.memref_slice %arg5[%dma_start3A_348, %dma_start3A_355] : memref<125x80xi32, #tpu.memory_space<vmem>> -> memref<1x80xi32, #tpu.memory_space<vmem>>
    %dma_start3A_357 = tpu.memref_squeeze %dma_start3A_356 : memref<1x80xi32, #tpu.memory_space<vmem>> -> memref<80xi32, #tpu.memory_space<vmem>>
    %dma_start3A_358 = arith.constant 0 : i32
    %dma_start3A_359 = arith.constant 0 : i32
    %dma_start3A_360 = tpu.memref_slice %arg3[%dma_start3A_358, %dma_start3A_359] : memref<10000x64xf32, #tpu.memory_space<hbm>> -> memref<10000x64xf32, #tpu.memory_space<hbm>>
    tpu.enqueue_indirect_dma source(%dma_start3A_360 : memref<10000x64xf32, #tpu.memory_space<hbm>>) target(%dma_start3A_354 : memref<80x64xf32, #tpu.memory_space<vmem>>) offsets(%dma_start3A_357 : memref<80xi32, #tpu.memory_space<vmem>>) semaphore(%arg9 : memref<!tpu.dma_semaphore, #tpu.memory_space<semaphore_mem>>)
    %dma_start3A_361 = arith.constant 122 : i32
    %dma_start3A_362 = arith.constant 0 : i32
    %dma_start3A_363 = arith.constant 2 : i32
    %dma_start3A_364 = arith.constant 0 : i32
    %dma_start3A_365 = arith.constant 0 : i32
    %dma_start3A_366 = tpu.memref_slice %arg7[%dma_start3A_362, %dma_start3A_363, %dma_start3A_364, %dma_start3A_365] : memref<2x5x80x64xf32, #tpu.memory_space<vmem>> -> memref<1x1x80x64xf32, #tpu.memory_space<vmem>>
    %dma_start3A_367 = tpu.memref_squeeze %dma_start3A_366 : memref<1x1x80x64xf32, #tpu.memory_space<vmem>> -> memref<80x64xf32, #tpu.memory_space<vmem>>
    %dma_start3A_368 = arith.constant 0 : i32
    %dma_start3A_369 = tpu.memref_slice %arg5[%dma_start3A_361, %dma_start3A_368] : memref<125x80xi32, #tpu.memory_space<vmem>> -> memref<1x80xi32, #tpu.memory_space<vmem>>
    %dma_start3A_370 = tpu.memref_squeeze %dma_start3A_369 : memref<1x80xi32, #tpu.memory_space<vmem>> -> memref<80xi32, #tpu.memory_space<vmem>>
    %dma_start3A_371 = arith.constant 0 : i32
    %dma_start3A_372 = arith.constant 0 : i32
    %dma_start3A_373 = tpu.memref_slice %arg3[%dma_start3A_371, %dma_start3A_372] : memref<10000x64xf32, #tpu.memory_space<hbm>> -> memref<10000x64xf32, #tpu.memory_space<hbm>>
    tpu.enqueue_indirect_dma source(%dma_start3A_373 : memref<10000x64xf32, #tpu.memory_space<hbm>>) target(%dma_start3A_367 : memref<80x64xf32, #tpu.memory_space<vmem>>) offsets(%dma_start3A_370 : memref<80xi32, #tpu.memory_space<vmem>>) semaphore(%arg9 : memref<!tpu.dma_semaphore, #tpu.memory_space<semaphore_mem>>)
    %dma_start3A_374 = arith.constant 123 : i32
    %dma_start3A_375 = arith.constant 0 : i32
    %dma_start3A_376 = arith.constant 3 : i32
    %dma_start3A_377 = arith.constant 0 : i32
    %dma_start3A_378 = arith.constant 0 : i32
    %dma_start3A_379 = tpu.memref_slice %arg7[%dma_start3A_375, %dma_start3A_376, %dma_start3A_377, %dma_start3A_378] : memref<2x5x80x64xf32, #tpu.memory_space<vmem>> -> memref<1x1x80x64xf32, #tpu.memory_space<vmem>>
    %dma_start3A_380 = tpu.memref_squeeze %dma_start3A_379 : memref<1x1x80x64xf32, #tpu.memory_space<vmem>> -> memref<80x64xf32, #tpu.memory_space<vmem>>
    %dma_start3A_381 = arith.constant 0 : i32
    %dma_start3A_382 = tpu.memref_slice %arg5[%dma_start3A_374, %dma_start3A_381] : memref<125x80xi32, #tpu.memory_space<vmem>> -> memref<1x80xi32, #tpu.memory_space<vmem>>
    %dma_start3A_383 = tpu.memref_squeeze %dma_start3A_382 : memref<1x80xi32, #tpu.memory_space<vmem>> -> memref<80xi32, #tpu.memory_space<vmem>>
    %dma_start3A_384 = arith.constant 0 : i32
    %dma_start3A_385 = arith.constant 0 : i32
    %dma_start3A_386 = tpu.memref_slice %arg3[%dma_start3A_384, %dma_start3A_385] : memref<10000x64xf32, #tpu.memory_space<hbm>> -> memref<10000x64xf32, #tpu.memory_space<hbm>>
    tpu.enqueue_indirect_dma source(%dma_start3A_386 : memref<10000x64xf32, #tpu.memory_space<hbm>>) target(%dma_start3A_380 : memref<80x64xf32, #tpu.memory_space<vmem>>) offsets(%dma_start3A_383 : memref<80xi32, #tpu.memory_space<vmem>>) semaphore(%arg9 : memref<!tpu.dma_semaphore, #tpu.memory_space<semaphore_mem>>)
    %dma_start3A_387 = arith.constant 124 : i32
    %dma_start3A_388 = arith.constant 0 : i32
    %dma_start3A_389 = arith.constant 4 : i32
    %dma_start3A_390 = arith.constant 0 : i32
    %dma_start3A_391 = arith.constant 0 : i32
    %dma_start3A_392 = tpu.memref_slice %arg7[%dma_start3A_388, %dma_start3A_389, %dma_start3A_390, %dma_start3A_391] : memref<2x5x80x64xf32, #tpu.memory_space<vmem>> -> memref<1x1x80x64xf32, #tpu.memory_space<vmem>>
    %dma_start3A_393 = tpu.memref_squeeze %dma_start3A_392 : memref<1x1x80x64xf32, #tpu.memory_space<vmem>> -> memref<80x64xf32, #tpu.memory_space<vmem>>
    %dma_start3A_394 = arith.constant 0 : i32
    %dma_start3A_395 = tpu.memref_slice %arg5[%dma_start3A_387, %dma_start3A_394] : memref<125x80xi32, #tpu.memory_space<vmem>> -> memref<1x80xi32, #tpu.memory_space<vmem>>
    %dma_start3A_396 = tpu.memref_squeeze %dma_start3A_395 : memref<1x80xi32, #tpu.memory_space<vmem>> -> memref<80xi32, #tpu.memory_space<vmem>>
    %dma_start3A_397 = arith.constant 0 : i32
    %dma_start3A_398 = arith.constant 0 : i32
    %dma_start3A_399 = tpu.memref_slice %arg3[%dma_start3A_397, %dma_start3A_398] : memref<10000x64xf32, #tpu.memory_space<hbm>> -> memref<10000x64xf32, #tpu.memory_space<hbm>>
    tpu.enqueue_indirect_dma source(%dma_start3A_399 : memref<10000x64xf32, #tpu.memory_space<hbm>>) target(%dma_start3A_393 : memref<80x64xf32, #tpu.memory_space<vmem>>) offsets(%dma_start3A_396 : memref<80xi32, #tpu.memory_space<vmem>>) semaphore(%arg9 : memref<!tpu.dma_semaphore, #tpu.memory_space<semaphore_mem>>)
    %dma_wait3A_400 = arith.constant 120 : i32
    %dma_wait3A_401 = arith.constant 0 : i32
    %dma_wait3A_402 = arith.constant 0 : i32
    %dma_wait3A_403 = arith.constant 0 : i32
    %dma_wait3A_404 = arith.constant 0 : i32
    %dma_wait3A_405 = tpu.memref_slice %arg7[%dma_wait3A_401, %dma_wait3A_402, %dma_wait3A_403, %dma_wait3A_404] : memref<2x5x80x64xf32, #tpu.memory_space<vmem>> -> memref<1x1x80x64xf32, #tpu.memory_space<vmem>>
    %dma_wait3A_406 = tpu.memref_squeeze %dma_wait3A_405 : memref<1x1x80x64xf32, #tpu.memory_space<vmem>> -> memref<80x64xf32, #tpu.memory_space<vmem>>
    %dma_wait3A_407 = arith.constant 0 : i32
    %dma_wait3A_408 = tpu.memref_slice %arg5[%dma_wait3A_400, %dma_wait3A_407] : memref<125x80xi32, #tpu.memory_space<vmem>> -> memref<1x80xi32, #tpu.memory_space<vmem>>
    %dma_wait3A_409 = tpu.memref_squeeze %dma_wait3A_408 : memref<1x80xi32, #tpu.memory_space<vmem>> -> memref<80xi32, #tpu.memory_space<vmem>>
    %dma_wait3A_410 = arith.constant 0 : i32
    %dma_wait3A_411 = arith.constant 0 : i32
    %dma_wait3A_412 = tpu.memref_slice %arg3[%dma_wait3A_410, %dma_wait3A_411] : memref<10000x64xf32, #tpu.memory_space<hbm>> -> memref<10000x64xf32, #tpu.memory_space<hbm>>
    tpu.wait_indirect_dma semaphore(%arg9 : memref<!tpu.dma_semaphore, #tpu.memory_space<semaphore_mem>>) src(%dma_wait3A_412 : memref<10000x64xf32, #tpu.memory_space<hbm>>) dst(%dma_wait3A_406 : memref<80x64xf32, #tpu.memory_space<vmem>>)
    %dma_wait3A_413 = arith.constant 121 : i32
    %dma_wait3A_414 = arith.constant 0 : i32
    %dma_wait3A_415 = arith.constant 1 : i32
    %dma_wait3A_416 = arith.constant 0 : i32
    %dma_wait3A_417 = arith.constant 0 : i32
    %dma_wait3A_418 = tpu.memref_slice %arg7[%dma_wait3A_414, %dma_wait3A_415, %dma_wait3A_416, %dma_wait3A_417] : memref<2x5x80x64xf32, #tpu.memory_space<vmem>> -> memref<1x1x80x64xf32, #tpu.memory_space<vmem>>
    %dma_wait3A_419 = tpu.memref_squeeze %dma_wait3A_418 : memref<1x1x80x64xf32, #tpu.memory_space<vmem>> -> memref<80x64xf32, #tpu.memory_space<vmem>>
    %dma_wait3A_420 = arith.constant 0 : i32
    %dma_wait3A_421 = tpu.memref_slice %arg5[%dma_wait3A_413, %dma_wait3A_420] : memref<125x80xi32, #tpu.memory_space<vmem>> -> memref<1x80xi32, #tpu.memory_space<vmem>>
    %dma_wait3A_422 = tpu.memref_squeeze %dma_wait3A_421 : memref<1x80xi32, #tpu.memory_space<vmem>> -> memref<80xi32, #tpu.memory_space<vmem>>
    %dma_wait3A_423 = arith.constant 0 : i32
    %dma_wait3A_424 = arith.constant 0 : i32
    %dma_wait3A_425 = tpu.memref_slice %arg3[%dma_wait3A_423, %dma_wait3A_424] : memref<10000x64xf32, #tpu.memory_space<hbm>> -> memref<10000x64xf32, #tpu.memory_space<hbm>>
    tpu.wait_indirect_dma semaphore(%arg9 : memref<!tpu.dma_semaphore, #tpu.memory_space<semaphore_mem>>) src(%dma_wait3A_425 : memref<10000x64xf32, #tpu.memory_space<hbm>>) dst(%dma_wait3A_419 : memref<80x64xf32, #tpu.memory_space<vmem>>)
    %dma_wait3A_426 = arith.constant 122 : i32
    %dma_wait3A_427 = arith.constant 0 : i32
    %dma_wait3A_428 = arith.constant 2 : i32
    %dma_wait3A_429 = arith.constant 0 : i32
    %dma_wait3A_430 = arith.constant 0 : i32
    %dma_wait3A_431 = tpu.memref_slice %arg7[%dma_wait3A_427, %dma_wait3A_428, %dma_wait3A_429, %dma_wait3A_430] : memref<2x5x80x64xf32, #tpu.memory_space<vmem>> -> memref<1x1x80x64xf32, #tpu.memory_space<vmem>>
    %dma_wait3A_432 = tpu.memref_squeeze %dma_wait3A_431 : memref<1x1x80x64xf32, #tpu.memory_space<vmem>> -> memref<80x64xf32, #tpu.memory_space<vmem>>
    %dma_wait3A_433 = arith.constant 0 : i32
    %dma_wait3A_434 = tpu.memref_slice %arg5[%dma_wait3A_426, %dma_wait3A_433] : memref<125x80xi32, #tpu.memory_space<vmem>> -> memref<1x80xi32, #tpu.memory_space<vmem>>
    %dma_wait3A_435 = tpu.memref_squeeze %dma_wait3A_434 : memref<1x80xi32, #tpu.memory_space<vmem>> -> memref<80xi32, #tpu.memory_space<vmem>>
    %dma_wait3A_436 = arith.constant 0 : i32
    %dma_wait3A_437 = arith.constant 0 : i32
    %dma_wait3A_438 = tpu.memref_slice %arg3[%dma_wait3A_436, %dma_wait3A_437] : memref<10000x64xf32, #tpu.memory_space<hbm>> -> memref<10000x64xf32, #tpu.memory_space<hbm>>
    tpu.wait_indirect_dma semaphore(%arg9 : memref<!tpu.dma_semaphore, #tpu.memory_space<semaphore_mem>>) src(%dma_wait3A_438 : memref<10000x64xf32, #tpu.memory_space<hbm>>) dst(%dma_wait3A_432 : memref<80x64xf32, #tpu.memory_space<vmem>>)
    %dma_wait3A_439 = arith.constant 123 : i32
    %dma_wait3A_440 = arith.constant 0 : i32
    %dma_wait3A_441 = arith.constant 3 : i32
    %dma_wait3A_442 = arith.constant 0 : i32
    %dma_wait3A_443 = arith.constant 0 : i32
    %dma_wait3A_444 = tpu.memref_slice %arg7[%dma_wait3A_440, %dma_wait3A_441, %dma_wait3A_442, %dma_wait3A_443] : memref<2x5x80x64xf32, #tpu.memory_space<vmem>> -> memref<1x1x80x64xf32, #tpu.memory_space<vmem>>
    %dma_wait3A_445 = tpu.memref_squeeze %dma_wait3A_444 : memref<1x1x80x64xf32, #tpu.memory_space<vmem>> -> memref<80x64xf32, #tpu.memory_space<vmem>>
    %dma_wait3A_446 = arith.constant 0 : i32
    %dma_wait3A_447 = tpu.memref_slice %arg5[%dma_wait3A_439, %dma_wait3A_446] : memref<125x80xi32, #tpu.memory_space<vmem>> -> memref<1x80xi32, #tpu.memory_space<vmem>>
    %dma_wait3A_448 = tpu.memref_squeeze %dma_wait3A_447 : memref<1x80xi32, #tpu.memory_space<vmem>> -> memref<80xi32, #tpu.memory_space<vmem>>
    %dma_wait3A_449 = arith.constant 0 : i32
    %dma_wait3A_450 = arith.constant 0 : i32
    %dma_wait3A_451 = tpu.memref_slice %arg3[%dma_wait3A_449, %dma_wait3A_450] : memref<10000x64xf32, #tpu.memory_space<hbm>> -> memref<10000x64xf32, #tpu.memory_space<hbm>>
    tpu.wait_indirect_dma semaphore(%arg9 : memref<!tpu.dma_semaphore, #tpu.memory_space<semaphore_mem>>) src(%dma_wait3A_451 : memref<10000x64xf32, #tpu.memory_space<hbm>>) dst(%dma_wait3A_445 : memref<80x64xf32, #tpu.memory_space<vmem>>)
    %dma_wait3A_452 = arith.constant 124 : i32
    %dma_wait3A_453 = arith.constant 0 : i32
    %dma_wait3A_454 = arith.constant 4 : i32
    %dma_wait3A_455 = arith.constant 0 : i32
    %dma_wait3A_456 = arith.constant 0 : i32
    %dma_wait3A_457 = tpu.memref_slice %arg7[%dma_wait3A_453, %dma_wait3A_454, %dma_wait3A_455, %dma_wait3A_456] : memref<2x5x80x64xf32, #tpu.memory_space<vmem>> -> memref<1x1x80x64xf32, #tpu.memory_space<vmem>>
    %dma_wait3A_458 = tpu.memref_squeeze %dma_wait3A_457 : memref<1x1x80x64xf32, #tpu.memory_space<vmem>> -> memref<80x64xf32, #tpu.memory_space<vmem>>
    %dma_wait3A_459 = arith.constant 0 : i32
    %dma_wait3A_460 = tpu.memref_slice %arg5[%dma_wait3A_452, %dma_wait3A_459] : memref<125x80xi32, #tpu.memory_space<vmem>> -> memref<1x80xi32, #tpu.memory_space<vmem>>
    %dma_wait3A_461 = tpu.memref_squeeze %dma_wait3A_460 : memref<1x80xi32, #tpu.memory_space<vmem>> -> memref<80xi32, #tpu.memory_space<vmem>>
    %dma_wait3A_462 = arith.constant 0 : i32
    %dma_wait3A_463 = arith.constant 0 : i32
    %dma_wait3A_464 = tpu.memref_slice %arg3[%dma_wait3A_462, %dma_wait3A_463] : memref<10000x64xf32, #tpu.memory_space<hbm>> -> memref<10000x64xf32, #tpu.memory_space<hbm>>
    tpu.wait_indirect_dma semaphore(%arg9 : memref<!tpu.dma_semaphore, #tpu.memory_space<semaphore_mem>>) src(%dma_wait3A_464 : memref<10000x64xf32, #tpu.memory_space<hbm>>) dst(%dma_wait3A_458 : memref<80x64xf32, #tpu.memory_space<vmem>>)
    %dma_start3A_465 = arith.constant 0 : i32
    %dma_start3A_466 = arith.constant 0 : i32
    %dma_start3A_467 = arith.constant 120 : i32
    %dma_start3A_468 = arith.constant 0 : i32
    %dma_start3A_469 = arith.constant 0 : i32
    %dma_start3A_470 = tpu.memref_slice %arg7[%dma_start3A_465, %dma_start3A_466, %dma_start3A_468, %dma_start3A_469] : memref<2x5x80x64xf32, #tpu.memory_space<vmem>> -> memref<1x1x80x64xf32, #tpu.memory_space<vmem>>
    %dma_start3A_471 = tpu.memref_squeeze %dma_start3A_470 : memref<1x1x80x64xf32, #tpu.memory_space<vmem>> -> memref<80x64xf32, #tpu.memory_space<vmem>>
    %dma_start3A_472 = arith.constant 0 : i32
    %dma_start3A_473 = tpu.memref_slice %arg6[%dma_start3A_467, %dma_start3A_472] : memref<125x80xi32, #tpu.memory_space<vmem>> -> memref<1x80xi32, #tpu.memory_space<vmem>>
    %dma_start3A_474 = tpu.memref_squeeze %dma_start3A_473 : memref<1x80xi32, #tpu.memory_space<vmem>> -> memref<80xi32, #tpu.memory_space<vmem>>
    %dma_start3A_475 = arith.constant 0 : i32
    %dma_start3A_476 = arith.constant 0 : i32
    %dma_start3A_477 = tpu.memref_slice %arg8[%dma_start3A_475, %dma_start3A_476] : memref<10240x64xf32, #tpu.memory_space<vmem_shared>> -> memref<10240x64xf32, #tpu.memory_space<vmem_shared>>
    tpu.enqueue_indirect_dma source(%dma_start3A_471 : memref<80x64xf32, #tpu.memory_space<vmem>>) target(%dma_start3A_477 : memref<10240x64xf32, #tpu.memory_space<vmem_shared>>) offsets(%dma_start3A_474 : memref<80xi32, #tpu.memory_space<vmem>>) semaphore(%arg11 : memref<!tpu.dma_semaphore, #tpu.memory_space<semaphore_mem>>) {add = true}
    %dma_start3A_478 = arith.constant 0 : i32
    %dma_start3A_479 = arith.constant 1 : i32
    %dma_start3A_480 = arith.constant 121 : i32
    %dma_start3A_481 = arith.constant 0 : i32
    %dma_start3A_482 = arith.constant 0 : i32
    %dma_start3A_483 = tpu.memref_slice %arg7[%dma_start3A_478, %dma_start3A_479, %dma_start3A_481, %dma_start3A_482] : memref<2x5x80x64xf32, #tpu.memory_space<vmem>> -> memref<1x1x80x64xf32, #tpu.memory_space<vmem>>
    %dma_start3A_484 = tpu.memref_squeeze %dma_start3A_483 : memref<1x1x80x64xf32, #tpu.memory_space<vmem>> -> memref<80x64xf32, #tpu.memory_space<vmem>>
    %dma_start3A_485 = arith.constant 0 : i32
    %dma_start3A_486 = tpu.memref_slice %arg6[%dma_start3A_480, %dma_start3A_485] : memref<125x80xi32, #tpu.memory_space<vmem>> -> memref<1x80xi32, #tpu.memory_space<vmem>>
    %dma_start3A_487 = tpu.memref_squeeze %dma_start3A_486 : memref<1x80xi32, #tpu.memory_space<vmem>> -> memref<80xi32, #tpu.memory_space<vmem>>
    %dma_start3A_488 = arith.constant 0 : i32
    %dma_start3A_489 = arith.constant 0 : i32
    %dma_start3A_490 = tpu.memref_slice %arg8[%dma_start3A_488, %dma_start3A_489] : memref<10240x64xf32, #tpu.memory_space<vmem_shared>> -> memref<10240x64xf32, #tpu.memory_space<vmem_shared>>
    tpu.enqueue_indirect_dma source(%dma_start3A_484 : memref<80x64xf32, #tpu.memory_space<vmem>>) target(%dma_start3A_490 : memref<10240x64xf32, #tpu.memory_space<vmem_shared>>) offsets(%dma_start3A_487 : memref<80xi32, #tpu.memory_space<vmem>>) semaphore(%arg11 : memref<!tpu.dma_semaphore, #tpu.memory_space<semaphore_mem>>) {add = true}
    %dma_start3A_491 = arith.constant 0 : i32
    %dma_start3A_492 = arith.constant 2 : i32
    %dma_start3A_493 = arith.constant 122 : i32
    %dma_start3A_494 = arith.constant 0 : i32
    %dma_start3A_495 = arith.constant 0 : i32
    %dma_start3A_496 = tpu.memref_slice %arg7[%dma_start3A_491, %dma_start3A_492, %dma_start3A_494, %dma_start3A_495] : memref<2x5x80x64xf32, #tpu.memory_space<vmem>> -> memref<1x1x80x64xf32, #tpu.memory_space<vmem>>
    %dma_start3A_497 = tpu.memref_squeeze %dma_start3A_496 : memref<1x1x80x64xf32, #tpu.memory_space<vmem>> -> memref<80x64xf32, #tpu.memory_space<vmem>>
    %dma_start3A_498 = arith.constant 0 : i32
    %dma_start3A_499 = tpu.memref_slice %arg6[%dma_start3A_493, %dma_start3A_498] : memref<125x80xi32, #tpu.memory_space<vmem>> -> memref<1x80xi32, #tpu.memory_space<vmem>>
    %dma_start3A_500 = tpu.memref_squeeze %dma_start3A_499 : memref<1x80xi32, #tpu.memory_space<vmem>> -> memref<80xi32, #tpu.memory_space<vmem>>
    %dma_start3A_501 = arith.constant 0 : i32
    %dma_start3A_502 = arith.constant 0 : i32
    %dma_start3A_503 = tpu.memref_slice %arg8[%dma_start3A_501, %dma_start3A_502] : memref<10240x64xf32, #tpu.memory_space<vmem_shared>> -> memref<10240x64xf32, #tpu.memory_space<vmem_shared>>
    tpu.enqueue_indirect_dma source(%dma_start3A_497 : memref<80x64xf32, #tpu.memory_space<vmem>>) target(%dma_start3A_503 : memref<10240x64xf32, #tpu.memory_space<vmem_shared>>) offsets(%dma_start3A_500 : memref<80xi32, #tpu.memory_space<vmem>>) semaphore(%arg11 : memref<!tpu.dma_semaphore, #tpu.memory_space<semaphore_mem>>) {add = true}
    %dma_start3A_504 = arith.constant 0 : i32
    %dma_start3A_505 = arith.constant 3 : i32
    %dma_start3A_506 = arith.constant 123 : i32
    %dma_start3A_507 = arith.constant 0 : i32
    %dma_start3A_508 = arith.constant 0 : i32
    %dma_start3A_509 = tpu.memref_slice %arg7[%dma_start3A_504, %dma_start3A_505, %dma_start3A_507, %dma_start3A_508] : memref<2x5x80x64xf32, #tpu.memory_space<vmem>> -> memref<1x1x80x64xf32, #tpu.memory_space<vmem>>
    %dma_start3A_510 = tpu.memref_squeeze %dma_start3A_509 : memref<1x1x80x64xf32, #tpu.memory_space<vmem>> -> memref<80x64xf32, #tpu.memory_space<vmem>>
    %dma_start3A_511 = arith.constant 0 : i32
    %dma_start3A_512 = tpu.memref_slice %arg6[%dma_start3A_506, %dma_start3A_511] : memref<125x80xi32, #tpu.memory_space<vmem>> -> memref<1x80xi32, #tpu.memory_space<vmem>>
    %dma_start3A_513 = tpu.memref_squeeze %dma_start3A_512 : memref<1x80xi32, #tpu.memory_space<vmem>> -> memref<80xi32, #tpu.memory_space<vmem>>
    %dma_start3A_514 = arith.constant 0 : i32
    %dma_start3A_515 = arith.constant 0 : i32
    %dma_start3A_516 = tpu.memref_slice %arg8[%dma_start3A_514, %dma_start3A_515] : memref<10240x64xf32, #tpu.memory_space<vmem_shared>> -> memref<10240x64xf32, #tpu.memory_space<vmem_shared>>
    tpu.enqueue_indirect_dma source(%dma_start3A_510 : memref<80x64xf32, #tpu.memory_space<vmem>>) target(%dma_start3A_516 : memref<10240x64xf32, #tpu.memory_space<vmem_shared>>) offsets(%dma_start3A_513 : memref<80xi32, #tpu.memory_space<vmem>>) semaphore(%arg11 : memref<!tpu.dma_semaphore, #tpu.memory_space<semaphore_mem>>) {add = true}
    %dma_start3A_517 = arith.constant 0 : i32
    %dma_start3A_518 = arith.constant 4 : i32
    %dma_start3A_519 = arith.constant 124 : i32
    %dma_start3A_520 = arith.constant 0 : i32
    %dma_start3A_521 = arith.constant 0 : i32
    %dma_start3A_522 = tpu.memref_slice %arg7[%dma_start3A_517, %dma_start3A_518, %dma_start3A_520, %dma_start3A_521] : memref<2x5x80x64xf32, #tpu.memory_space<vmem>> -> memref<1x1x80x64xf32, #tpu.memory_space<vmem>>
    %dma_start3A_523 = tpu.memref_squeeze %dma_start3A_522 : memref<1x1x80x64xf32, #tpu.memory_space<vmem>> -> memref<80x64xf32, #tpu.memory_space<vmem>>
    %dma_start3A_524 = arith.constant 0 : i32
    %dma_start3A_525 = tpu.memref_slice %arg6[%dma_start3A_519, %dma_start3A_524] : memref<125x80xi32, #tpu.memory_space<vmem>> -> memref<1x80xi32, #tpu.memory_space<vmem>>
    %dma_start3A_526 = tpu.memref_squeeze %dma_start3A_525 : memref<1x80xi32, #tpu.memory_space<vmem>> -> memref<80xi32, #tpu.memory_space<vmem>>
    %dma_start3A_527 = arith.constant 0 : i32
    %dma_start3A_528 = arith.constant 0 : i32
    %dma_start3A_529 = tpu.memref_slice %arg8[%dma_start3A_527, %dma_start3A_528] : memref<10240x64xf32, #tpu.memory_space<vmem_shared>> -> memref<10240x64xf32, #tpu.memory_space<vmem_shared>>
    tpu.enqueue_indirect_dma source(%dma_start3A_523 : memref<80x64xf32, #tpu.memory_space<vmem>>) target(%dma_start3A_529 : memref<10240x64xf32, #tpu.memory_space<vmem_shared>>) offsets(%dma_start3A_526 : memref<80xi32, #tpu.memory_space<vmem>>) semaphore(%arg11 : memref<!tpu.dma_semaphore, #tpu.memory_space<semaphore_mem>>) {add = true}
    %dma_wait3A_530 = arith.constant 0 : i32
    %dma_wait3A_531 = arith.constant 0 : i32
    %dma_wait3A_532 = arith.constant 0 : i32
    %dma_wait3A_533 = arith.constant 0 : i32
    %dma_wait3A_534 = tpu.memref_slice %arg7[%dma_wait3A_530, %dma_wait3A_531, %dma_wait3A_532, %dma_wait3A_533] : memref<2x5x80x64xf32, #tpu.memory_space<vmem>> -> memref<1x1x80x64xf32, #tpu.memory_space<vmem>>
    %dma_wait3A_535 = tpu.memref_squeeze %dma_wait3A_534 : memref<1x1x80x64xf32, #tpu.memory_space<vmem>> -> memref<80x64xf32, #tpu.memory_space<vmem>>
    %dma_wait3A_536 = arith.constant 0 : i32
    %dma_wait3A_537 = arith.constant 0 : i32
    %dma_wait3A_538 = tpu.memref_slice %arg3[%dma_wait3A_536, %dma_wait3A_537] : memref<10000x64xf32, #tpu.memory_space<hbm>> -> memref<80x64xf32, #tpu.memory_space<hbm>>
    %dma_wait3A_539 = arith.constant 0 : i32
    %dma_wait3A_540 = arith.constant 0 : i32
    %dma_wait3A_541 = tpu.memref_slice %arg7[%dma_wait3A_530, %dma_wait3A_531, %dma_wait3A_539, %dma_wait3A_540] : memref<2x5x80x64xf32, #tpu.memory_space<vmem>> -> memref<1x1x80x64xf32, #tpu.memory_space<vmem>>
    %dma_wait3A_542 = tpu.memref_squeeze %dma_wait3A_541 : memref<1x1x80x64xf32, #tpu.memory_space<vmem>> -> memref<80x64xf32, #tpu.memory_space<vmem>>
    %dma_wait3A_543 = arith.constant 0 : i32
    %dma_wait3A_544 = arith.constant 0 : i32
    %dma_wait3A_545 = tpu.memref_slice %arg3[%dma_wait3A_543, %dma_wait3A_544] : memref<10000x64xf32, #tpu.memory_space<hbm>> -> memref<80x64xf32, #tpu.memory_space<hbm>>
    tpu.wait_dma2 semaphore(%arg11 : memref<!tpu.dma_semaphore, #tpu.memory_space<semaphore_mem>>) src(%dma_wait3A_545 : memref<80x64xf32, #tpu.memory_space<hbm>>) dst(%dma_wait3A_542 : memref<80x64xf32, #tpu.memory_space<vmem>>)
    %dma_wait3A_546 = arith.constant 0 : i32
    %dma_wait3A_547 = arith.constant 1 : i32
    %dma_wait3A_548 = arith.constant 0 : i32
    %dma_wait3A_549 = arith.constant 0 : i32
    %dma_wait3A_550 = tpu.memref_slice %arg7[%dma_wait3A_546, %dma_wait3A_547, %dma_wait3A_548, %dma_wait3A_549] : memref<2x5x80x64xf32, #tpu.memory_space<vmem>> -> memref<1x1x80x64xf32, #tpu.memory_space<vmem>>
    %dma_wait3A_551 = tpu.memref_squeeze %dma_wait3A_550 : memref<1x1x80x64xf32, #tpu.memory_space<vmem>> -> memref<80x64xf32, #tpu.memory_space<vmem>>
    %dma_wait3A_552 = arith.constant 0 : i32
    %dma_wait3A_553 = arith.constant 0 : i32
    %dma_wait3A_554 = tpu.memref_slice %arg3[%dma_wait3A_552, %dma_wait3A_553] : memref<10000x64xf32, #tpu.memory_space<hbm>> -> memref<80x64xf32, #tpu.memory_space<hbm>>
    %dma_wait3A_555 = arith.constant 0 : i32
    %dma_wait3A_556 = arith.constant 0 : i32
    %dma_wait3A_557 = tpu.memref_slice %arg7[%dma_wait3A_546, %dma_wait3A_547, %dma_wait3A_555, %dma_wait3A_556] : memref<2x5x80x64xf32, #tpu.memory_space<vmem>> -> memref<1x1x80x64xf32, #tpu.memory_space<vmem>>
    %dma_wait3A_558 = tpu.memref_squeeze %dma_wait3A_557 : memref<1x1x80x64xf32, #tpu.memory_space<vmem>> -> memref<80x64xf32, #tpu.memory_space<vmem>>
    %dma_wait3A_559 = arith.constant 0 : i32
    %dma_wait3A_560 = arith.constant 0 : i32
    %dma_wait3A_561 = tpu.memref_slice %arg3[%dma_wait3A_559, %dma_wait3A_560] : memref<10000x64xf32, #tpu.memory_space<hbm>> -> memref<80x64xf32, #tpu.memory_space<hbm>>
    tpu.wait_dma2 semaphore(%arg11 : memref<!tpu.dma_semaphore, #tpu.memory_space<semaphore_mem>>) src(%dma_wait3A_561 : memref<80x64xf32, #tpu.memory_space<hbm>>) dst(%dma_wait3A_558 : memref<80x64xf32, #tpu.memory_space<vmem>>)
    %dma_wait3A_562 = arith.constant 0 : i32
    %dma_wait3A_563 = arith.constant 2 : i32
    %dma_wait3A_564 = arith.constant 0 : i32
    %dma_wait3A_565 = arith.constant 0 : i32
    %dma_wait3A_566 = tpu.memref_slice %arg7[%dma_wait3A_562, %dma_wait3A_563, %dma_wait3A_564, %dma_wait3A_565] : memref<2x5x80x64xf32, #tpu.memory_space<vmem>> -> memref<1x1x80x64xf32, #tpu.memory_space<vmem>>
    %dma_wait3A_567 = tpu.memref_squeeze %dma_wait3A_566 : memref<1x1x80x64xf32, #tpu.memory_space<vmem>> -> memref<80x64xf32, #tpu.memory_space<vmem>>
    %dma_wait3A_568 = arith.constant 0 : i32
    %dma_wait3A_569 = arith.constant 0 : i32
    %dma_wait3A_570 = tpu.memref_slice %arg3[%dma_wait3A_568, %dma_wait3A_569] : memref<10000x64xf32, #tpu.memory_space<hbm>> -> memref<80x64xf32, #tpu.memory_space<hbm>>
    %dma_wait3A_571 = arith.constant 0 : i32
    %dma_wait3A_572 = arith.constant 0 : i32
    %dma_wait3A_573 = tpu.memref_slice %arg7[%dma_wait3A_562, %dma_wait3A_563, %dma_wait3A_571, %dma_wait3A_572] : memref<2x5x80x64xf32, #tpu.memory_space<vmem>> -> memref<1x1x80x64xf32, #tpu.memory_space<vmem>>
    %dma_wait3A_574 = tpu.memref_squeeze %dma_wait3A_573 : memref<1x1x80x64xf32, #tpu.memory_space<vmem>> -> memref<80x64xf32, #tpu.memory_space<vmem>>
    %dma_wait3A_575 = arith.constant 0 : i32
    %dma_wait3A_576 = arith.constant 0 : i32
    %dma_wait3A_577 = tpu.memref_slice %arg3[%dma_wait3A_575, %dma_wait3A_576] : memref<10000x64xf32, #tpu.memory_space<hbm>> -> memref<80x64xf32, #tpu.memory_space<hbm>>
    tpu.wait_dma2 semaphore(%arg11 : memref<!tpu.dma_semaphore, #tpu.memory_space<semaphore_mem>>) src(%dma_wait3A_577 : memref<80x64xf32, #tpu.memory_space<hbm>>) dst(%dma_wait3A_574 : memref<80x64xf32, #tpu.memory_space<vmem>>)
    %dma_wait3A_578 = arith.constant 0 : i32
    %dma_wait3A_579 = arith.constant 3 : i32
    %dma_wait3A_580 = arith.constant 0 : i32
    %dma_wait3A_581 = arith.constant 0 : i32
    %dma_wait3A_582 = tpu.memref_slice %arg7[%dma_wait3A_578, %dma_wait3A_579, %dma_wait3A_580, %dma_wait3A_581] : memref<2x5x80x64xf32, #tpu.memory_space<vmem>> -> memref<1x1x80x64xf32, #tpu.memory_space<vmem>>
    %dma_wait3A_583 = tpu.memref_squeeze %dma_wait3A_582 : memref<1x1x80x64xf32, #tpu.memory_space<vmem>> -> memref<80x64xf32, #tpu.memory_space<vmem>>
    %dma_wait3A_584 = arith.constant 0 : i32
    %dma_wait3A_585 = arith.constant 0 : i32
    %dma_wait3A_586 = tpu.memref_slice %arg3[%dma_wait3A_584, %dma_wait3A_585] : memref<10000x64xf32, #tpu.memory_space<hbm>> -> memref<80x64xf32, #tpu.memory_space<hbm>>
    %dma_wait3A_587 = arith.constant 0 : i32
    %dma_wait3A_588 = arith.constant 0 : i32
    %dma_wait3A_589 = tpu.memref_slice %arg7[%dma_wait3A_578, %dma_wait3A_579, %dma_wait3A_587, %dma_wait3A_588] : memref<2x5x80x64xf32, #tpu.memory_space<vmem>> -> memref<1x1x80x64xf32, #tpu.memory_space<vmem>>
    %dma_wait3A_590 = tpu.memref_squeeze %dma_wait3A_589 : memref<1x1x80x64xf32, #tpu.memory_space<vmem>> -> memref<80x64xf32, #tpu.memory_space<vmem>>
    %dma_wait3A_591 = arith.constant 0 : i32
    %dma_wait3A_592 = arith.constant 0 : i32
    %dma_wait3A_593 = tpu.memref_slice %arg3[%dma_wait3A_591, %dma_wait3A_592] : memref<10000x64xf32, #tpu.memory_space<hbm>> -> memref<80x64xf32, #tpu.memory_space<hbm>>
    tpu.wait_dma2 semaphore(%arg11 : memref<!tpu.dma_semaphore, #tpu.memory_space<semaphore_mem>>) src(%dma_wait3A_593 : memref<80x64xf32, #tpu.memory_space<hbm>>) dst(%dma_wait3A_590 : memref<80x64xf32, #tpu.memory_space<vmem>>)
    %dma_wait3A_594 = arith.constant 0 : i32
    %dma_wait3A_595 = arith.constant 4 : i32
    %dma_wait3A_596 = arith.constant 0 : i32
    %dma_wait3A_597 = arith.constant 0 : i32
    %dma_wait3A_598 = tpu.memref_slice %arg7[%dma_wait3A_594, %dma_wait3A_595, %dma_wait3A_596, %dma_wait3A_597] : memref<2x5x80x64xf32, #tpu.memory_space<vmem>> -> memref<1x1x80x64xf32, #tpu.memory_space<vmem>>
    %dma_wait3A_599 = tpu.memref_squeeze %dma_wait3A_598 : memref<1x1x80x64xf32, #tpu.memory_space<vmem>> -> memref<80x64xf32, #tpu.memory_space<vmem>>
    %dma_wait3A_600 = arith.constant 0 : i32
    %dma_wait3A_601 = arith.constant 0 : i32
    %dma_wait3A_602 = tpu.memref_slice %arg3[%dma_wait3A_600, %dma_wait3A_601] : memref<10000x64xf32, #tpu.memory_space<hbm>> -> memref<80x64xf32, #tpu.memory_space<hbm>>
    %dma_wait3A_603 = arith.constant 0 : i32
    %dma_wait3A_604 = arith.constant 0 : i32
    %dma_wait3A_605 = tpu.memref_slice %arg7[%dma_wait3A_594, %dma_wait3A_595, %dma_wait3A_603, %dma_wait3A_604] : memref<2x5x80x64xf32, #tpu.memory_space<vmem>> -> memref<1x1x80x64xf32, #tpu.memory_space<vmem>>
    %dma_wait3A_606 = tpu.memref_squeeze %dma_wait3A_605 : memref<1x1x80x64xf32, #tpu.memory_space<vmem>> -> memref<80x64xf32, #tpu.memory_space<vmem>>
    %dma_wait3A_607 = arith.constant 0 : i32
    %dma_wait3A_608 = arith.constant 0 : i32
    %dma_wait3A_609 = tpu.memref_slice %arg3[%dma_wait3A_607, %dma_wait3A_608] : memref<10000x64xf32, #tpu.memory_space<hbm>> -> memref<80x64xf32, #tpu.memory_space<hbm>>
    tpu.wait_dma2 semaphore(%arg11 : memref<!tpu.dma_semaphore, #tpu.memory_space<semaphore_mem>>) src(%dma_wait3A_609 : memref<80x64xf32, #tpu.memory_space<hbm>>) dst(%dma_wait3A_606 : memref<80x64xf32, #tpu.memory_space<vmem>>)
    %dma_wait3A_610 = arith.constant 1 : i32
    %dma_wait3A_611 = arith.constant 0 : i32
    %dma_wait3A_612 = arith.constant 0 : i32
    %dma_wait3A_613 = arith.constant 0 : i32
    %dma_wait3A_614 = tpu.memref_slice %arg7[%dma_wait3A_610, %dma_wait3A_611, %dma_wait3A_612, %dma_wait3A_613] : memref<2x5x80x64xf32, #tpu.memory_space<vmem>> -> memref<1x1x80x64xf32, #tpu.memory_space<vmem>>
    %dma_wait3A_615 = tpu.memref_squeeze %dma_wait3A_614 : memref<1x1x80x64xf32, #tpu.memory_space<vmem>> -> memref<80x64xf32, #tpu.memory_space<vmem>>
    %dma_wait3A_616 = arith.constant 0 : i32
    %dma_wait3A_617 = arith.constant 0 : i32
    %dma_wait3A_618 = tpu.memref_slice %arg3[%dma_wait3A_616, %dma_wait3A_617] : memref<10000x64xf32, #tpu.memory_space<hbm>> -> memref<80x64xf32, #tpu.memory_space<hbm>>
    %dma_wait3A_619 = arith.constant 0 : i32
    %dma_wait3A_620 = arith.constant 0 : i32
    %dma_wait3A_621 = tpu.memref_slice %arg7[%dma_wait3A_610, %dma_wait3A_611, %dma_wait3A_619, %dma_wait3A_620] : memref<2x5x80x64xf32, #tpu.memory_space<vmem>> -> memref<1x1x80x64xf32, #tpu.memory_space<vmem>>
    %dma_wait3A_622 = tpu.memref_squeeze %dma_wait3A_621 : memref<1x1x80x64xf32, #tpu.memory_space<vmem>> -> memref<80x64xf32, #tpu.memory_space<vmem>>
    %dma_wait3A_623 = arith.constant 0 : i32
    %dma_wait3A_624 = arith.constant 0 : i32
    %dma_wait3A_625 = tpu.memref_slice %arg3[%dma_wait3A_623, %dma_wait3A_624] : memref<10000x64xf32, #tpu.memory_space<hbm>> -> memref<80x64xf32, #tpu.memory_space<hbm>>
    tpu.wait_dma2 semaphore(%arg12 : memref<!tpu.dma_semaphore, #tpu.memory_space<semaphore_mem>>) src(%dma_wait3A_625 : memref<80x64xf32, #tpu.memory_space<hbm>>) dst(%dma_wait3A_622 : memref<80x64xf32, #tpu.memory_space<vmem>>)
    %dma_wait3A_626 = arith.constant 1 : i32
    %dma_wait3A_627 = arith.constant 1 : i32
    %dma_wait3A_628 = arith.constant 0 : i32
    %dma_wait3A_629 = arith.constant 0 : i32
    %dma_wait3A_630 = tpu.memref_slice %arg7[%dma_wait3A_626, %dma_wait3A_627, %dma_wait3A_628, %dma_wait3A_629] : memref<2x5x80x64xf32, #tpu.memory_space<vmem>> -> memref<1x1x80x64xf32, #tpu.memory_space<vmem>>
    %dma_wait3A_631 = tpu.memref_squeeze %dma_wait3A_630 : memref<1x1x80x64xf32, #tpu.memory_space<vmem>> -> memref<80x64xf32, #tpu.memory_space<vmem>>
    %dma_wait3A_632 = arith.constant 0 : i32
    %dma_wait3A_633 = arith.constant 0 : i32
    %dma_wait3A_634 = tpu.memref_slice %arg3[%dma_wait3A_632, %dma_wait3A_633] : memref<10000x64xf32, #tpu.memory_space<hbm>> -> memref<80x64xf32, #tpu.memory_space<hbm>>
    %dma_wait3A_635 = arith.constant 0 : i32
    %dma_wait3A_636 = arith.constant 0 : i32
    %dma_wait3A_637 = tpu.memref_slice %arg7[%dma_wait3A_626, %dma_wait3A_627, %dma_wait3A_635, %dma_wait3A_636] : memref<2x5x80x64xf32, #tpu.memory_space<vmem>> -> memref<1x1x80x64xf32, #tpu.memory_space<vmem>>
    %dma_wait3A_638 = tpu.memref_squeeze %dma_wait3A_637 : memref<1x1x80x64xf32, #tpu.memory_space<vmem>> -> memref<80x64xf32, #tpu.memory_space<vmem>>
    %dma_wait3A_639 = arith.constant 0 : i32
    %dma_wait3A_640 = arith.constant 0 : i32
    %dma_wait3A_641 = tpu.memref_slice %arg3[%dma_wait3A_639, %dma_wait3A_640] : memref<10000x64xf32, #tpu.memory_space<hbm>> -> memref<80x64xf32, #tpu.memory_space<hbm>>
    tpu.wait_dma2 semaphore(%arg12 : memref<!tpu.dma_semaphore, #tpu.memory_space<semaphore_mem>>) src(%dma_wait3A_641 : memref<80x64xf32, #tpu.memory_space<hbm>>) dst(%dma_wait3A_638 : memref<80x64xf32, #tpu.memory_space<vmem>>)
    %dma_wait3A_642 = arith.constant 1 : i32
    %dma_wait3A_643 = arith.constant 2 : i32
    %dma_wait3A_644 = arith.constant 0 : i32
    %dma_wait3A_645 = arith.constant 0 : i32
    %dma_wait3A_646 = tpu.memref_slice %arg7[%dma_wait3A_642, %dma_wait3A_643, %dma_wait3A_644, %dma_wait3A_645] : memref<2x5x80x64xf32, #tpu.memory_space<vmem>> -> memref<1x1x80x64xf32, #tpu.memory_space<vmem>>
    %dma_wait3A_647 = tpu.memref_squeeze %dma_wait3A_646 : memref<1x1x80x64xf32, #tpu.memory_space<vmem>> -> memref<80x64xf32, #tpu.memory_space<vmem>>
    %dma_wait3A_648 = arith.constant 0 : i32
    %dma_wait3A_649 = arith.constant 0 : i32
    %dma_wait3A_650 = tpu.memref_slice %arg3[%dma_wait3A_648, %dma_wait3A_649] : memref<10000x64xf32, #tpu.memory_space<hbm>> -> memref<80x64xf32, #tpu.memory_space<hbm>>
    %dma_wait3A_651 = arith.constant 0 : i32
    %dma_wait3A_652 = arith.constant 0 : i32
    %dma_wait3A_653 = tpu.memref_slice %arg7[%dma_wait3A_642, %dma_wait3A_643, %dma_wait3A_651, %dma_wait3A_652] : memref<2x5x80x64xf32, #tpu.memory_space<vmem>> -> memref<1x1x80x64xf32, #tpu.memory_space<vmem>>
    %dma_wait3A_654 = tpu.memref_squeeze %dma_wait3A_653 : memref<1x1x80x64xf32, #tpu.memory_space<vmem>> -> memref<80x64xf32, #tpu.memory_space<vmem>>
    %dma_wait3A_655 = arith.constant 0 : i32
    %dma_wait3A_656 = arith.constant 0 : i32
    %dma_wait3A_657 = tpu.memref_slice %arg3[%dma_wait3A_655, %dma_wait3A_656] : memref<10000x64xf32, #tpu.memory_space<hbm>> -> memref<80x64xf32, #tpu.memory_space<hbm>>
    tpu.wait_dma2 semaphore(%arg12 : memref<!tpu.dma_semaphore, #tpu.memory_space<semaphore_mem>>) src(%dma_wait3A_657 : memref<80x64xf32, #tpu.memory_space<hbm>>) dst(%dma_wait3A_654 : memref<80x64xf32, #tpu.memory_space<vmem>>)
    %dma_wait3A_658 = arith.constant 1 : i32
    %dma_wait3A_659 = arith.constant 3 : i32
    %dma_wait3A_660 = arith.constant 0 : i32
    %dma_wait3A_661 = arith.constant 0 : i32
    %dma_wait3A_662 = tpu.memref_slice %arg7[%dma_wait3A_658, %dma_wait3A_659, %dma_wait3A_660, %dma_wait3A_661] : memref<2x5x80x64xf32, #tpu.memory_space<vmem>> -> memref<1x1x80x64xf32, #tpu.memory_space<vmem>>
    %dma_wait3A_663 = tpu.memref_squeeze %dma_wait3A_662 : memref<1x1x80x64xf32, #tpu.memory_space<vmem>> -> memref<80x64xf32, #tpu.memory_space<vmem>>
    %dma_wait3A_664 = arith.constant 0 : i32
    %dma_wait3A_665 = arith.constant 0 : i32
    %dma_wait3A_666 = tpu.memref_slice %arg3[%dma_wait3A_664, %dma_wait3A_665] : memref<10000x64xf32, #tpu.memory_space<hbm>> -> memref<80x64xf32, #tpu.memory_space<hbm>>
    %dma_wait3A_667 = arith.constant 0 : i32
    %dma_wait3A_668 = arith.constant 0 : i32
    %dma_wait3A_669 = tpu.memref_slice %arg7[%dma_wait3A_658, %dma_wait3A_659, %dma_wait3A_667, %dma_wait3A_668] : memref<2x5x80x64xf32, #tpu.memory_space<vmem>> -> memref<1x1x80x64xf32, #tpu.memory_space<vmem>>
    %dma_wait3A_670 = tpu.memref_squeeze %dma_wait3A_669 : memref<1x1x80x64xf32, #tpu.memory_space<vmem>> -> memref<80x64xf32, #tpu.memory_space<vmem>>
    %dma_wait3A_671 = arith.constant 0 : i32
    %dma_wait3A_672 = arith.constant 0 : i32
    %dma_wait3A_673 = tpu.memref_slice %arg3[%dma_wait3A_671, %dma_wait3A_672] : memref<10000x64xf32, #tpu.memory_space<hbm>> -> memref<80x64xf32, #tpu.memory_space<hbm>>
    tpu.wait_dma2 semaphore(%arg12 : memref<!tpu.dma_semaphore, #tpu.memory_space<semaphore_mem>>) src(%dma_wait3A_673 : memref<80x64xf32, #tpu.memory_space<hbm>>) dst(%dma_wait3A_670 : memref<80x64xf32, #tpu.memory_space<vmem>>)
    %dma_wait3A_674 = arith.constant 1 : i32
    %dma_wait3A_675 = arith.constant 4 : i32
    %dma_wait3A_676 = arith.constant 0 : i32
    %dma_wait3A_677 = arith.constant 0 : i32
    %dma_wait3A_678 = tpu.memref_slice %arg7[%dma_wait3A_674, %dma_wait3A_675, %dma_wait3A_676, %dma_wait3A_677] : memref<2x5x80x64xf32, #tpu.memory_space<vmem>> -> memref<1x1x80x64xf32, #tpu.memory_space<vmem>>
    %dma_wait3A_679 = tpu.memref_squeeze %dma_wait3A_678 : memref<1x1x80x64xf32, #tpu.memory_space<vmem>> -> memref<80x64xf32, #tpu.memory_space<vmem>>
    %dma_wait3A_680 = arith.constant 0 : i32
    %dma_wait3A_681 = arith.constant 0 : i32
    %dma_wait3A_682 = tpu.memref_slice %arg3[%dma_wait3A_680, %dma_wait3A_681] : memref<10000x64xf32, #tpu.memory_space<hbm>> -> memref<80x64xf32, #tpu.memory_space<hbm>>
    %dma_wait3A_683 = arith.constant 0 : i32
    %dma_wait3A_684 = arith.constant 0 : i32
    %dma_wait3A_685 = tpu.memref_slice %arg7[%dma_wait3A_674, %dma_wait3A_675, %dma_wait3A_683, %dma_wait3A_684] : memref<2x5x80x64xf32, #tpu.memory_space<vmem>> -> memref<1x1x80x64xf32, #tpu.memory_space<vmem>>
    %dma_wait3A_686 = tpu.memref_squeeze %dma_wait3A_685 : memref<1x1x80x64xf32, #tpu.memory_space<vmem>> -> memref<80x64xf32, #tpu.memory_space<vmem>>
    %dma_wait3A_687 = arith.constant 0 : i32
    %dma_wait3A_688 = arith.constant 0 : i32
    %dma_wait3A_689 = tpu.memref_slice %arg3[%dma_wait3A_687, %dma_wait3A_688] : memref<10000x64xf32, #tpu.memory_space<hbm>> -> memref<80x64xf32, #tpu.memory_space<hbm>>
    tpu.wait_dma2 semaphore(%arg12 : memref<!tpu.dma_semaphore, #tpu.memory_space<semaphore_mem>>) src(%dma_wait3A_689 : memref<80x64xf32, #tpu.memory_space<hbm>>) dst(%dma_wait3A_686 : memref<80x64xf32, #tpu.memory_space<vmem>>)
    %barrier3A_690 = arith.constant 0 : index
    tpu.barrier barrier_id(%barrier3A_690)
    "tpu.region"() ({
      %run_scoped3A_691 = tpu.sem_alloc : memref<!tpu.dma_semaphore, #tpu.memory_space<semaphore_mem>>
      %dma_start3A_692 = arith.constant 0 : i32
      %dma_start3A_693 = tpu.memref_slice %arg4[%arg0, %mul3A_2, %dma_start3A_692] : memref<2x10240x64xf32, #tpu.memory_space<hbm>> -> memref<1x640x64xf32, #tpu.memory_space<hbm>>
      %dma_start3A_694 = tpu.memref_squeeze %dma_start3A_693 : memref<1x640x64xf32, #tpu.memory_space<hbm>> -> memref<640x64xf32, #tpu.memory_space<hbm>>
      %dma_start3A_695 = arith.constant 0 : i32
      %dma_start3A_696 = tpu.memref_slice %arg8[%mul3A_2, %dma_start3A_695] : memref<10240x64xf32, #tpu.memory_space<vmem_shared>> -> memref<640x64xf32, #tpu.memory_space<vmem_shared>>
      tpu.enqueue_dma source(%dma_start3A_696 : memref<640x64xf32, #tpu.memory_space<vmem_shared>>) target(%dma_start3A_694 : memref<640x64xf32, #tpu.memory_space<hbm>>) target_semaphore(%run_scoped3A_691 : memref<!tpu.dma_semaphore, #tpu.memory_space<semaphore_mem>>)
      %dma_wait3A_697 = arith.constant 0 : i32
      %dma_wait3A_698 = tpu.memref_slice %arg4[%arg0, %mul3A_2, %dma_wait3A_697] : memref<2x10240x64xf32, #tpu.memory_space<hbm>> -> memref<1x640x64xf32, #tpu.memory_space<hbm>>
      %dma_wait3A_699 = tpu.memref_squeeze %dma_wait3A_698 : memref<1x640x64xf32, #tpu.memory_space<hbm>> -> memref<640x64xf32, #tpu.memory_space<hbm>>
      %dma_wait3A_700 = arith.constant 0 : i32
      %dma_wait3A_701 = tpu.memref_slice %arg8[%mul3A_2, %dma_wait3A_700] : memref<10240x64xf32, #tpu.memory_space<vmem_shared>> -> memref<640x64xf32, #tpu.memory_space<vmem_shared>>
      tpu.wait_dma2 semaphore(%run_scoped3A_691 : memref<!tpu.dma_semaphore, #tpu.memory_space<semaphore_mem>>) src(%dma_wait3A_701 : memref<640x64xf32, #tpu.memory_space<vmem_shared>>) dst(%dma_wait3A_699 : memref<640x64xf32, #tpu.memory_space<hbm>>)
      tpu.yield
    }) : () -> ()
    return
  }
}

#map = affine_map<(d0, d1) -> (0, 0, 0)>
#map1 = affine_map<(d0, d1) -> (0, 0)>
module attributes {stable_mosaic.version = 14 : i64} {
  func.func @k(%arg0: i32, %arg1: i32, %arg2: memref<2x4000x80xi32, #tpu.memory_space<hbm>>, %arg3: memref<10000x16xf32, #tpu.memory_space<hbm>>, %arg4: memref<2x10240x16xf32, #tpu.memory_space<hbm>>, %arg5: memref<125x80xi32, #tpu.memory_space<vmem>>, %arg6: memref<125x80xi32, #tpu.memory_space<vmem>>, %arg7: memref<2x5x80x16xf32, #tpu.memory_space<vmem>>, %arg8: memref<10240x16xf32, #tpu.memory_space<vmem_shared>>, %arg9: memref<!tpu.dma_semaphore, #tpu.memory_space<semaphore_mem>>, %arg10: memref<!tpu.dma_semaphore, #tpu.memory_space<semaphore_mem>>, %arg11: memref<!tpu.dma_semaphore, #tpu.memory_space<semaphore_mem>>, %arg12: memref<!tpu.dma_semaphore, #tpu.memory_space<semaphore_mem>>) attributes {dimension_semantics = [#tpu.dimension_semantics<core_parallel>, #tpu.dimension_semantics<subcore_parallel>], iteration_bounds = array<i64: 2, 16>, scalar_prefetch = 0 : i64, scratch_operands = 8 : i64, tpu.core_type = #tpu.core_type<sc_vector_subcore>, window_params = [{transform_indices = #map}, {transform_indices = #map1}, {transform_indices = #map}]} {
    %mul3A = arith.constant 16 : i32
    %mul3A_0 = arith.muli %arg0, %mul3A : i32
    %add3A = arith.addi %mul3A_0, %arg1 : i32
    %mul3A_1 = arith.constant 640 : i32
    %mul3A_2 = arith.muli %arg1, %mul3A_1 : i32
    %scan3A = arith.constant 0 : i32
    %scan3A_3 = arith.constant 0 : i32
    %scan3A_4 = arith.constant 80 : i32
    %scan3A_5 = arith.addi %scan3A_3, %scan3A_4 : i32
    %scan3A_6 = arith.constant 1 : i32
    scf.for %scan3A_691 = %scan3A_3 to %scan3A_5 step %scan3A_6  : i32 {
      %broadcast_in_dim3A = arith.constant 0.000000e+00 : f32
      %broadcast_in_dim3A_692 = vector.broadcast %broadcast_in_dim3A : f32 to vector<16xf32>
      %jit3A = arith.constant 1 : i32
      %div3A = arith.divsi %scan3A_691, %jit3A : i32
      %sign3A = arith.constant 0 : i32
      %sign3A_693 = arith.cmpi sgt, %scan3A_691, %sign3A : i32
      %sign3A_694 = arith.extui %sign3A_693 : i1 to i32
      %sign3A_695 = arith.constant 0 : i32
      %sign3A_696 = arith.cmpi slt, %scan3A_691, %sign3A_695 : i32
      %sign3A_697 = arith.extui %sign3A_696 : i1 to i32
      %sign3A_698 = arith.subi %sign3A_694, %sign3A_697 : i32
      %sign3A_699 = arith.constant 0 : i32
      %sign3A_700 = arith.cmpi sgt, %jit3A, %sign3A_699 : i32
      %sign3A_701 = arith.extui %sign3A_700 : i1 to i32
      %sign3A_702 = arith.constant 0 : i32
      %sign3A_703 = arith.cmpi slt, %jit3A, %sign3A_702 : i32
      %sign3A_704 = arith.extui %sign3A_703 : i1 to i32
      %sign3A_705 = arith.subi %sign3A_701, %sign3A_704 : i32
      %ne3A = arith.cmpi ne, %sign3A_698, %sign3A_705 : i32
      %rem3A = arith.remsi %scan3A_691, %jit3A : i32
      %ne3A_706 = arith.constant 0 : i32
      %ne3A_707 = arith.cmpi ne, %rem3A, %ne3A_706 : i32
      %and3A = arith.andi %ne3A, %ne3A_707 : i1
      %sub3A = arith.constant 1 : i32
      %sub3A_708 = arith.subi %div3A, %sub3A : i32
      %select_n3A = arith.select %and3A, %sub3A_708, %div3A : i32
      %jit3A_709 = arith.constant 1 : i32
      %eq3A = arith.constant 0 : i32
      %eq3A_710 = arith.cmpi eq, %jit3A_709, %eq3A : i32
      %jit3A_711 = arith.constant 1 : i32
      %select_n3A_712 = arith.select %eq3A_710, %jit3A_711, %jit3A_709 : i32
      %rem3A_713 = arith.remsi %scan3A_691, %select_n3A_712 : i32
      %ne3A_714 = arith.constant 0 : i32
      %ne3A_715 = arith.cmpi ne, %rem3A_713, %ne3A_714 : i32
      %lt3A = arith.constant 0 : i32
      %lt3A_716 = arith.cmpi slt, %rem3A_713, %lt3A : i32
      %lt3A_717 = arith.constant 0 : i32
      %lt3A_718 = arith.cmpi slt, %select_n3A_712, %lt3A_717 : i32
      %ne3A_719 = arith.xori %lt3A_716, %lt3A_718 : i1
      %and3A_720 = arith.andi %ne3A_719, %ne3A_715 : i1
      %add3A_721 = arith.addi %rem3A_713, %select_n3A_712 : i32
      %select_n3A_722 = arith.select %and3A_720, %add3A_721, %rem3A_713 : i32
      %mul3A_723 = arith.constant 16 : i32
      %mul3A_724 = arith.muli %select_n3A_722, %mul3A_723 : i32
      %swap3A = arith.constant 1 : i32
      %swap3A_725 = arith.constant 0 : i32
      %swap3A_726 = arith.index_cast %swap3A : i32 to index
      %swap3A_727 = arith.index_cast %swap3A_725 : i32 to index
      %swap3A_728 = arith.index_cast %select_n3A : i32 to index
      %swap3A_729 = arith.index_cast %mul3A_724 : i32 to index
      %swap3A_730 = tpu.vector_load %arg7[%swap3A_726, %swap3A_727, %swap3A_728, %swap3A_729] {strides = array<i32>} : memref<2x5x80x16xf32, #tpu.memory_space<vmem>>, vector<1x1x1x16xf32>,
      %swap3A_731 = vector.shape_cast %swap3A_730 : vector<1x1x1x16xf32> to vector<16xf32>
      %swap3A_732 = vector.shape_cast %broadcast_in_dim3A_692 : vector<16xf32> to vector<1x1x1x16xf32>
      tpu.vector_store %arg7[%swap3A_726, %swap3A_727, %swap3A_728, %swap3A_729], %swap3A_732 {strides = array<i32>} : memref<2x5x80x16xf32, #tpu.memory_space<vmem>>, vector<1x1x1x16xf32>,
    }
    %scan3A_7 = arith.constant 80 : i32
    %add3A_8 = arith.constant 0 : i32
    %add3A_9 = arith.addi %mul3A_2, %add3A_8 : i32
    %dma_start3A = arith.constant 1 : i32
    %dma_start3A_10 = arith.constant 0 : i32
    %dma_start3A_11 = arith.constant 0 : i32
    %dma_start3A_12 = arith.constant 0 : i32
    %dma_start3A_13 = tpu.memref_slice %arg7[%dma_start3A, %dma_start3A_10, %dma_start3A_11, %dma_start3A_12] : memref<2x5x80x16xf32, #tpu.memory_space<vmem>> -> memref<1x1x80x16xf32, #tpu.memory_space<vmem>>
    %dma_start3A_14 = tpu.memref_squeeze %dma_start3A_13 : memref<1x1x80x16xf32, #tpu.memory_space<vmem>> -> memref<80x16xf32, #tpu.memory_space<vmem>>
    %dma_start3A_15 = arith.constant 0 : i32
    %dma_start3A_16 = tpu.memref_slice %arg8[%add3A_9, %dma_start3A_15] : memref<10240x16xf32, #tpu.memory_space<vmem_shared>> -> memref<80x16xf32, #tpu.memory_space<vmem_shared>>
    %dma_start3A_17 = arith.constant 0 : i32
    %dma_start3A_18 = tpu.memref_slice %arg8[%add3A_9, %dma_start3A_17] : memref<10240x16xf32, #tpu.memory_space<vmem_shared>> -> memref<80x16xf32, #tpu.memory_space<vmem_shared>>
    %dma_start3A_19 = arith.constant 0 : i32
    %dma_start3A_20 = arith.constant 0 : i32
    %dma_start3A_21 = tpu.memref_slice %arg7[%dma_start3A, %dma_start3A_10, %dma_start3A_19, %dma_start3A_20] : memref<2x5x80x16xf32, #tpu.memory_space<vmem>> -> memref<1x1x80x16xf32, #tpu.memory_space<vmem>>
    %dma_start3A_22 = tpu.memref_squeeze %dma_start3A_21 : memref<1x1x80x16xf32, #tpu.memory_space<vmem>> -> memref<80x16xf32, #tpu.memory_space<vmem>>
    tpu.enqueue_dma source(%dma_start3A_22 : memref<80x16xf32, #tpu.memory_space<vmem>>) target(%dma_start3A_18 : memref<80x16xf32, #tpu.memory_space<vmem_shared>>) target_semaphore(%arg9 : memref<!tpu.dma_semaphore, #tpu.memory_space<semaphore_mem>>)
    %add3A_23 = arith.constant 80 : i32
    %add3A_24 = arith.addi %mul3A_2, %add3A_23 : i32
    %dma_start3A_25 = arith.constant 1 : i32
    %dma_start3A_26 = arith.constant 0 : i32
    %dma_start3A_27 = arith.constant 0 : i32
    %dma_start3A_28 = arith.constant 0 : i32
    %dma_start3A_29 = tpu.memref_slice %arg7[%dma_start3A_25, %dma_start3A_26, %dma_start3A_27, %dma_start3A_28] : memref<2x5x80x16xf32, #tpu.memory_space<vmem>> -> memref<1x1x80x16xf32, #tpu.memory_space<vmem>>
    %dma_start3A_30 = tpu.memref_squeeze %dma_start3A_29 : memref<1x1x80x16xf32, #tpu.memory_space<vmem>> -> memref<80x16xf32, #tpu.memory_space<vmem>>
    %dma_start3A_31 = arith.constant 0 : i32
    %dma_start3A_32 = tpu.memref_slice %arg8[%add3A_24, %dma_start3A_31] : memref<10240x16xf32, #tpu.memory_space<vmem_shared>> -> memref<80x16xf32, #tpu.memory_space<vmem_shared>>
    %dma_start3A_33 = arith.constant 0 : i32
    %dma_start3A_34 = tpu.memref_slice %arg8[%add3A_24, %dma_start3A_33] : memref<10240x16xf32, #tpu.memory_space<vmem_shared>> -> memref<80x16xf32, #tpu.memory_space<vmem_shared>>
    %dma_start3A_35 = arith.constant 0 : i32
    %dma_start3A_36 = arith.constant 0 : i32
    %dma_start3A_37 = tpu.memref_slice %arg7[%dma_start3A_25, %dma_start3A_26, %dma_start3A_35, %dma_start3A_36] : memref<2x5x80x16xf32, #tpu.memory_space<vmem>> -> memref<1x1x80x16xf32, #tpu.memory_space<vmem>>
    %dma_start3A_38 = tpu.memref_squeeze %dma_start3A_37 : memref<1x1x80x16xf32, #tpu.memory_space<vmem>> -> memref<80x16xf32, #tpu.memory_space<vmem>>
    tpu.enqueue_dma source(%dma_start3A_38 : memref<80x16xf32, #tpu.memory_space<vmem>>) target(%dma_start3A_34 : memref<80x16xf32, #tpu.memory_space<vmem_shared>>) target_semaphore(%arg9 : memref<!tpu.dma_semaphore, #tpu.memory_space<semaphore_mem>>)
    %add3A_39 = arith.constant 160 : i32
    %add3A_40 = arith.addi %mul3A_2, %add3A_39 : i32
    %dma_start3A_41 = arith.constant 1 : i32
    %dma_start3A_42 = arith.constant 0 : i32
    %dma_start3A_43 = arith.constant 0 : i32
    %dma_start3A_44 = arith.constant 0 : i32
    %dma_start3A_45 = tpu.memref_slice %arg7[%dma_start3A_41, %dma_start3A_42, %dma_start3A_43, %dma_start3A_44] : memref<2x5x80x16xf32, #tpu.memory_space<vmem>> -> memref<1x1x80x16xf32, #tpu.memory_space<vmem>>
    %dma_start3A_46 = tpu.memref_squeeze %dma_start3A_45 : memref<1x1x80x16xf32, #tpu.memory_space<vmem>> -> memref<80x16xf32, #tpu.memory_space<vmem>>
    %dma_start3A_47 = arith.constant 0 : i32
    %dma_start3A_48 = tpu.memref_slice %arg8[%add3A_40, %dma_start3A_47] : memref<10240x16xf32, #tpu.memory_space<vmem_shared>> -> memref<80x16xf32, #tpu.memory_space<vmem_shared>>
    %dma_start3A_49 = arith.constant 0 : i32
    %dma_start3A_50 = tpu.memref_slice %arg8[%add3A_40, %dma_start3A_49] : memref<10240x16xf32, #tpu.memory_space<vmem_shared>> -> memref<80x16xf32, #tpu.memory_space<vmem_shared>>
    %dma_start3A_51 = arith.constant 0 : i32
    %dma_start3A_52 = arith.constant 0 : i32
    %dma_start3A_53 = tpu.memref_slice %arg7[%dma_start3A_41, %dma_start3A_42, %dma_start3A_51, %dma_start3A_52] : memref<2x5x80x16xf32, #tpu.memory_space<vmem>> -> memref<1x1x80x16xf32, #tpu.memory_space<vmem>>
    %dma_start3A_54 = tpu.memref_squeeze %dma_start3A_53 : memref<1x1x80x16xf32, #tpu.memory_space<vmem>> -> memref<80x16xf32, #tpu.memory_space<vmem>>
    tpu.enqueue_dma source(%dma_start3A_54 : memref<80x16xf32, #tpu.memory_space<vmem>>) target(%dma_start3A_50 : memref<80x16xf32, #tpu.memory_space<vmem_shared>>) target_semaphore(%arg9 : memref<!tpu.dma_semaphore, #tpu.memory_space<semaphore_mem>>)
    %add3A_55 = arith.constant 240 : i32
    %add3A_56 = arith.addi %mul3A_2, %add3A_55 : i32
    %dma_start3A_57 = arith.constant 1 : i32
    %dma_start3A_58 = arith.constant 0 : i32
    %dma_start3A_59 = arith.constant 0 : i32
    %dma_start3A_60 = arith.constant 0 : i32
    %dma_start3A_61 = tpu.memref_slice %arg7[%dma_start3A_57, %dma_start3A_58, %dma_start3A_59, %dma_start3A_60] : memref<2x5x80x16xf32, #tpu.memory_space<vmem>> -> memref<1x1x80x16xf32, #tpu.memory_space<vmem>>
    %dma_start3A_62 = tpu.memref_squeeze %dma_start3A_61 : memref<1x1x80x16xf32, #tpu.memory_space<vmem>> -> memref<80x16xf32, #tpu.memory_space<vmem>>
    %dma_start3A_63 = arith.constant 0 : i32
    %dma_start3A_64 = tpu.memref_slice %arg8[%add3A_56, %dma_start3A_63] : memref<10240x16xf32, #tpu.memory_space<vmem_shared>> -> memref<80x16xf32, #tpu.memory_space<vmem_shared>>
    %dma_start3A_65 = arith.constant 0 : i32
    %dma_start3A_66 = tpu.memref_slice %arg8[%add3A_56, %dma_start3A_65] : memref<10240x16xf32, #tpu.memory_space<vmem_shared>> -> memref<80x16xf32, #tpu.memory_space<vmem_shared>>
    %dma_start3A_67 = arith.constant 0 : i32
    %dma_start3A_68 = arith.constant 0 : i32
    %dma_start3A_69 = tpu.memref_slice %arg7[%dma_start3A_57, %dma_start3A_58, %dma_start3A_67, %dma_start3A_68] : memref<2x5x80x16xf32, #tpu.memory_space<vmem>> -> memref<1x1x80x16xf32, #tpu.memory_space<vmem>>
    %dma_start3A_70 = tpu.memref_squeeze %dma_start3A_69 : memref<1x1x80x16xf32, #tpu.memory_space<vmem>> -> memref<80x16xf32, #tpu.memory_space<vmem>>
    tpu.enqueue_dma source(%dma_start3A_70 : memref<80x16xf32, #tpu.memory_space<vmem>>) target(%dma_start3A_66 : memref<80x16xf32, #tpu.memory_space<vmem_shared>>) target_semaphore(%arg9 : memref<!tpu.dma_semaphore, #tpu.memory_space<semaphore_mem>>)
    %add3A_71 = arith.constant 320 : i32
    %add3A_72 = arith.addi %mul3A_2, %add3A_71 : i32
    %dma_start3A_73 = arith.constant 1 : i32
    %dma_start3A_74 = arith.constant 0 : i32
    %dma_start3A_75 = arith.constant 0 : i32
    %dma_start3A_76 = arith.constant 0 : i32
    %dma_start3A_77 = tpu.memref_slice %arg7[%dma_start3A_73, %dma_start3A_74, %dma_start3A_75, %dma_start3A_76] : memref<2x5x80x16xf32, #tpu.memory_space<vmem>> -> memref<1x1x80x16xf32, #tpu.memory_space<vmem>>
    %dma_start3A_78 = tpu.memref_squeeze %dma_start3A_77 : memref<1x1x80x16xf32, #tpu.memory_space<vmem>> -> memref<80x16xf32, #tpu.memory_space<vmem>>
    %dma_start3A_79 = arith.constant 0 : i32
    %dma_start3A_80 = tpu.memref_slice %arg8[%add3A_72, %dma_start3A_79] : memref<10240x16xf32, #tpu.memory_space<vmem_shared>> -> memref<80x16xf32, #tpu.memory_space<vmem_shared>>
    %dma_start3A_81 = arith.constant 0 : i32
    %dma_start3A_82 = tpu.memref_slice %arg8[%add3A_72, %dma_start3A_81] : memref<10240x16xf32, #tpu.memory_space<vmem_shared>> -> memref<80x16xf32, #tpu.memory_space<vmem_shared>>
    %dma_start3A_83 = arith.constant 0 : i32
    %dma_start3A_84 = arith.constant 0 : i32
    %dma_start3A_85 = tpu.memref_slice %arg7[%dma_start3A_73, %dma_start3A_74, %dma_start3A_83, %dma_start3A_84] : memref<2x5x80x16xf32, #tpu.memory_space<vmem>> -> memref<1x1x80x16xf32, #tpu.memory_space<vmem>>
    %dma_start3A_86 = tpu.memref_squeeze %dma_start3A_85 : memref<1x1x80x16xf32, #tpu.memory_space<vmem>> -> memref<80x16xf32, #tpu.memory_space<vmem>>
    tpu.enqueue_dma source(%dma_start3A_86 : memref<80x16xf32, #tpu.memory_space<vmem>>) target(%dma_start3A_82 : memref<80x16xf32, #tpu.memory_space<vmem_shared>>) target_semaphore(%arg9 : memref<!tpu.dma_semaphore, #tpu.memory_space<semaphore_mem>>)
    %add3A_87 = arith.constant 400 : i32
    %add3A_88 = arith.addi %mul3A_2, %add3A_87 : i32
    %dma_start3A_89 = arith.constant 1 : i32
    %dma_start3A_90 = arith.constant 0 : i32
    %dma_start3A_91 = arith.constant 0 : i32
    %dma_start3A_92 = arith.constant 0 : i32
    %dma_start3A_93 = tpu.memref_slice %arg7[%dma_start3A_89, %dma_start3A_90, %dma_start3A_91, %dma_start3A_92] : memref<2x5x80x16xf32, #tpu.memory_space<vmem>> -> memref<1x1x80x16xf32, #tpu.memory_space<vmem>>
    %dma_start3A_94 = tpu.memref_squeeze %dma_start3A_93 : memref<1x1x80x16xf32, #tpu.memory_space<vmem>> -> memref<80x16xf32, #tpu.memory_space<vmem>>
    %dma_start3A_95 = arith.constant 0 : i32
    %dma_start3A_96 = tpu.memref_slice %arg8[%add3A_88, %dma_start3A_95] : memref<10240x16xf32, #tpu.memory_space<vmem_shared>> -> memref<80x16xf32, #tpu.memory_space<vmem_shared>>
    %dma_start3A_97 = arith.constant 0 : i32
    %dma_start3A_98 = tpu.memref_slice %arg8[%add3A_88, %dma_start3A_97] : memref<10240x16xf32, #tpu.memory_space<vmem_shared>> -> memref<80x16xf32, #tpu.memory_space<vmem_shared>>
    %dma_start3A_99 = arith.constant 0 : i32
    %dma_start3A_100 = arith.constant 0 : i32
    %dma_start3A_101 = tpu.memref_slice %arg7[%dma_start3A_89, %dma_start3A_90, %dma_start3A_99, %dma_start3A_100] : memref<2x5x80x16xf32, #tpu.memory_space<vmem>> -> memref<1x1x80x16xf32, #tpu.memory_space<vmem>>
    %dma_start3A_102 = tpu.memref_squeeze %dma_start3A_101 : memref<1x1x80x16xf32, #tpu.memory_space<vmem>> -> memref<80x16xf32, #tpu.memory_space<vmem>>
    tpu.enqueue_dma source(%dma_start3A_102 : memref<80x16xf32, #tpu.memory_space<vmem>>) target(%dma_start3A_98 : memref<80x16xf32, #tpu.memory_space<vmem_shared>>) target_semaphore(%arg9 : memref<!tpu.dma_semaphore, #tpu.memory_space<semaphore_mem>>)
    %add3A_103 = arith.constant 480 : i32
    %add3A_104 = arith.addi %mul3A_2, %add3A_103 : i32
    %dma_start3A_105 = arith.constant 1 : i32
    %dma_start3A_106 = arith.constant 0 : i32
    %dma_start3A_107 = arith.constant 0 : i32
    %dma_start3A_108 = arith.constant 0 : i32
    %dma_start3A_109 = tpu.memref_slice %arg7[%dma_start3A_105, %dma_start3A_106, %dma_start3A_107, %dma_start3A_108] : memref<2x5x80x16xf32, #tpu.memory_space<vmem>> -> memref<1x1x80x16xf32, #tpu.memory_space<vmem>>
    %dma_start3A_110 = tpu.memref_squeeze %dma_start3A_109 : memref<1x1x80x16xf32, #tpu.memory_space<vmem>> -> memref<80x16xf32, #tpu.memory_space<vmem>>
    %dma_start3A_111 = arith.constant 0 : i32
    %dma_start3A_112 = tpu.memref_slice %arg8[%add3A_104, %dma_start3A_111] : memref<10240x16xf32, #tpu.memory_space<vmem_shared>> -> memref<80x16xf32, #tpu.memory_space<vmem_shared>>
    %dma_start3A_113 = arith.constant 0 : i32
    %dma_start3A_114 = tpu.memref_slice %arg8[%add3A_104, %dma_start3A_113] : memref<10240x16xf32, #tpu.memory_space<vmem_shared>> -> memref<80x16xf32, #tpu.memory_space<vmem_shared>>
    %dma_start3A_115 = arith.constant 0 : i32
    %dma_start3A_116 = arith.constant 0 : i32
    %dma_start3A_117 = tpu.memref_slice %arg7[%dma_start3A_105, %dma_start3A_106, %dma_start3A_115, %dma_start3A_116] : memref<2x5x80x16xf32, #tpu.memory_space<vmem>> -> memref<1x1x80x16xf32, #tpu.memory_space<vmem>>
    %dma_start3A_118 = tpu.memref_squeeze %dma_start3A_117 : memref<1x1x80x16xf32, #tpu.memory_space<vmem>> -> memref<80x16xf32, #tpu.memory_space<vmem>>
    tpu.enqueue_dma source(%dma_start3A_118 : memref<80x16xf32, #tpu.memory_space<vmem>>) target(%dma_start3A_114 : memref<80x16xf32, #tpu.memory_space<vmem_shared>>) target_semaphore(%arg9 : memref<!tpu.dma_semaphore, #tpu.memory_space<semaphore_mem>>)
    %add3A_119 = arith.constant 560 : i32
    %add3A_120 = arith.addi %mul3A_2, %add3A_119 : i32
    %dma_start3A_121 = arith.constant 1 : i32
    %dma_start3A_122 = arith.constant 0 : i32
    %dma_start3A_123 = arith.constant 0 : i32
    %dma_start3A_124 = arith.constant 0 : i32
    %dma_start3A_125 = tpu.memref_slice %arg7[%dma_start3A_121, %dma_start3A_122, %dma_start3A_123, %dma_start3A_124] : memref<2x5x80x16xf32, #tpu.memory_space<vmem>> -> memref<1x1x80x16xf32, #tpu.memory_space<vmem>>
    %dma_start3A_126 = tpu.memref_squeeze %dma_start3A_125 : memref<1x1x80x16xf32, #tpu.memory_space<vmem>> -> memref<80x16xf32, #tpu.memory_space<vmem>>
    %dma_start3A_127 = arith.constant 0 : i32
    %dma_start3A_128 = tpu.memref_slice %arg8[%add3A_120, %dma_start3A_127] : memref<10240x16xf32, #tpu.memory_space<vmem_shared>> -> memref<80x16xf32, #tpu.memory_space<vmem_shared>>
    %dma_start3A_129 = arith.constant 0 : i32
    %dma_start3A_130 = tpu.memref_slice %arg8[%add3A_120, %dma_start3A_129] : memref<10240x16xf32, #tpu.memory_space<vmem_shared>> -> memref<80x16xf32, #tpu.memory_space<vmem_shared>>
    %dma_start3A_131 = arith.constant 0 : i32
    %dma_start3A_132 = arith.constant 0 : i32
    %dma_start3A_133 = tpu.memref_slice %arg7[%dma_start3A_121, %dma_start3A_122, %dma_start3A_131, %dma_start3A_132] : memref<2x5x80x16xf32, #tpu.memory_space<vmem>> -> memref<1x1x80x16xf32, #tpu.memory_space<vmem>>
    %dma_start3A_134 = tpu.memref_squeeze %dma_start3A_133 : memref<1x1x80x16xf32, #tpu.memory_space<vmem>> -> memref<80x16xf32, #tpu.memory_space<vmem>>
    tpu.enqueue_dma source(%dma_start3A_134 : memref<80x16xf32, #tpu.memory_space<vmem>>) target(%dma_start3A_130 : memref<80x16xf32, #tpu.memory_space<vmem_shared>>) target_semaphore(%arg9 : memref<!tpu.dma_semaphore, #tpu.memory_space<semaphore_mem>>)
    %mul3A_135 = arith.constant 125 : i32
    %mul3A_136 = arith.muli %add3A, %mul3A_135 : i32
    %run_scoped3A = arith.constant 0 : i32
    "tpu.region"() ({
      %run_scoped3A_691 = tpu.sem_alloc : memref<!tpu.dma_semaphore, #tpu.memory_space<semaphore_mem>>
      %dma_start3A_692 = arith.constant 0 : i32
      %dma_start3A_693 = tpu.memref_slice %arg2[%run_scoped3A, %mul3A_136, %dma_start3A_692] : memref<2x4000x80xi32, #tpu.memory_space<hbm>> -> memref<1x125x80xi32, #tpu.memory_space<hbm>>
      %dma_start3A_694 = tpu.memref_squeeze %dma_start3A_693 : memref<1x125x80xi32, #tpu.memory_space<hbm>> -> memref<125x80xi32, #tpu.memory_space<hbm>>
      %dma_start3A_695 = arith.constant 0 : i32
      %dma_start3A_696 = tpu.memref_slice %arg2[%run_scoped3A, %mul3A_136, %dma_start3A_695] : memref<2x4000x80xi32, #tpu.memory_space<hbm>> -> memref<1x125x80xi32, #tpu.memory_space<hbm>>
      %dma_start3A_697 = tpu.memref_squeeze %dma_start3A_696 : memref<1x125x80xi32, #tpu.memory_space<hbm>> -> memref<125x80xi32, #tpu.memory_space<hbm>>
      tpu.enqueue_dma source(%dma_start3A_697 : memref<125x80xi32, #tpu.memory_space<hbm>>) target(%arg5 : memref<125x80xi32, #tpu.memory_space<vmem>>) target_semaphore(%run_scoped3A_691 : memref<!tpu.dma_semaphore, #tpu.memory_space<semaphore_mem>>)
      %dma_wait3A_698 = arith.constant 0 : i32
      %dma_wait3A_699 = tpu.memref_slice %arg2[%run_scoped3A, %mul3A_136, %dma_wait3A_698] : memref<2x4000x80xi32, #tpu.memory_space<hbm>> -> memref<1x125x80xi32, #tpu.memory_space<hbm>>
      %dma_wait3A_700 = tpu.memref_squeeze %dma_wait3A_699 : memref<1x125x80xi32, #tpu.memory_space<hbm>> -> memref<125x80xi32, #tpu.memory_space<hbm>>
      %dma_wait3A_701 = arith.constant 0 : i32
      %dma_wait3A_702 = tpu.memref_slice %arg2[%run_scoped3A, %mul3A_136, %dma_wait3A_701] : memref<2x4000x80xi32, #tpu.memory_space<hbm>> -> memref<1x125x80xi32, #tpu.memory_space<hbm>>
      %dma_wait3A_703 = tpu.memref_squeeze %dma_wait3A_702 : memref<1x125x80xi32, #tpu.memory_space<hbm>> -> memref<125x80xi32, #tpu.memory_space<hbm>>
      tpu.wait_dma2 semaphore(%run_scoped3A_691 : memref<!tpu.dma_semaphore, #tpu.memory_space<semaphore_mem>>) src(%dma_wait3A_703 : memref<125x80xi32, #tpu.memory_space<hbm>>) dst(%arg5 : memref<125x80xi32, #tpu.memory_space<vmem>>)
      tpu.yield
    }) : () -> ()
    %run_scoped3A_137 = arith.constant 1 : i32
    "tpu.region"() ({
      %run_scoped3A_691 = tpu.sem_alloc : memref<!tpu.dma_semaphore, #tpu.memory_space<semaphore_mem>>
      %dma_start3A_692 = arith.constant 0 : i32
      %dma_start3A_693 = tpu.memref_slice %arg2[%run_scoped3A_137, %mul3A_136, %dma_start3A_692] : memref<2x4000x80xi32, #tpu.memory_space<hbm>> -> memref<1x125x80xi32, #tpu.memory_space<hbm>>
      %dma_start3A_694 = tpu.memref_squeeze %dma_start3A_693 : memref<1x125x80xi32, #tpu.memory_space<hbm>> -> memref<125x80xi32, #tpu.memory_space<hbm>>
      %dma_start3A_695 = arith.constant 0 : i32
      %dma_start3A_696 = tpu.memref_slice %arg2[%run_scoped3A_137, %mul3A_136, %dma_start3A_695] : memref<2x4000x80xi32, #tpu.memory_space<hbm>> -> memref<1x125x80xi32, #tpu.memory_space<hbm>>
      %dma_start3A_697 = tpu.memref_squeeze %dma_start3A_696 : memref<1x125x80xi32, #tpu.memory_space<hbm>> -> memref<125x80xi32, #tpu.memory_space<hbm>>
      tpu.enqueue_dma source(%dma_start3A_697 : memref<125x80xi32, #tpu.memory_space<hbm>>) target(%arg6 : memref<125x80xi32, #tpu.memory_space<vmem>>) target_semaphore(%run_scoped3A_691 : memref<!tpu.dma_semaphore, #tpu.memory_space<semaphore_mem>>)
      %dma_wait3A_698 = arith.constant 0 : i32
      %dma_wait3A_699 = tpu.memref_slice %arg2[%run_scoped3A_137, %mul3A_136, %dma_wait3A_698] : memref<2x4000x80xi32, #tpu.memory_space<hbm>> -> memref<1x125x80xi32, #tpu.memory_space<hbm>>
      %dma_wait3A_700 = tpu.memref_squeeze %dma_wait3A_699 : memref<1x125x80xi32, #tpu.memory_space<hbm>> -> memref<125x80xi32, #tpu.memory_space<hbm>>
      %dma_wait3A_701 = arith.constant 0 : i32
      %dma_wait3A_702 = tpu.memref_slice %arg2[%run_scoped3A_137, %mul3A_136, %dma_wait3A_701] : memref<2x4000x80xi32, #tpu.memory_space<hbm>> -> memref<1x125x80xi32, #tpu.memory_space<hbm>>
      %dma_wait3A_703 = tpu.memref_squeeze %dma_wait3A_702 : memref<1x125x80xi32, #tpu.memory_space<hbm>> -> memref<125x80xi32, #tpu.memory_space<hbm>>
      tpu.wait_dma2 semaphore(%run_scoped3A_691 : memref<!tpu.dma_semaphore, #tpu.memory_space<semaphore_mem>>) src(%dma_wait3A_703 : memref<125x80xi32, #tpu.memory_space<hbm>>) dst(%arg6 : memref<125x80xi32, #tpu.memory_space<vmem>>)
      tpu.yield
    }) : () -> ()
    %dma_wait3A = arith.constant 1 : i32
    %dma_wait3A_138 = arith.constant 0 : i32
    %dma_wait3A_139 = arith.constant 0 : i32
    %dma_wait3A_140 = arith.constant 0 : i32
    %dma_wait3A_141 = tpu.memref_slice %arg7[%dma_wait3A, %dma_wait3A_138, %dma_wait3A_139, %dma_wait3A_140] : memref<2x5x80x16xf32, #tpu.memory_space<vmem>> -> memref<1x1x80x16xf32, #tpu.memory_space<vmem>>
    %dma_wait3A_142 = tpu.memref_squeeze %dma_wait3A_141 : memref<1x1x80x16xf32, #tpu.memory_space<vmem>> -> memref<80x16xf32, #tpu.memory_space<vmem>>
    %dma_wait3A_143 = arith.constant 0 : i32
    %dma_wait3A_144 = tpu.memref_slice %arg8[%add3A_9, %dma_wait3A_143] : memref<10240x16xf32, #tpu.memory_space<vmem_shared>> -> memref<80x16xf32, #tpu.memory_space<vmem_shared>>
    %dma_wait3A_145 = arith.constant 0 : i32
    %dma_wait3A_146 = tpu.memref_slice %arg8[%add3A_9, %dma_wait3A_145] : memref<10240x16xf32, #tpu.memory_space<vmem_shared>> -> memref<80x16xf32, #tpu.memory_space<vmem_shared>>
    %dma_wait3A_147 = arith.constant 0 : i32
    %dma_wait3A_148 = arith.constant 0 : i32
    %dma_wait3A_149 = tpu.memref_slice %arg7[%dma_wait3A, %dma_wait3A_138, %dma_wait3A_147, %dma_wait3A_148] : memref<2x5x80x16xf32, #tpu.memory_space<vmem>> -> memref<1x1x80x16xf32, #tpu.memory_space<vmem>>
    %dma_wait3A_150 = tpu.memref_squeeze %dma_wait3A_149 : memref<1x1x80x16xf32, #tpu.memory_space<vmem>> -> memref<80x16xf32, #tpu.memory_space<vmem>>
    tpu.wait_dma2 semaphore(%arg9 : memref<!tpu.dma_semaphore, #tpu.memory_space<semaphore_mem>>) src(%dma_wait3A_150 : memref<80x16xf32, #tpu.memory_space<vmem>>) dst(%dma_wait3A_146 : memref<80x16xf32, #tpu.memory_space<vmem_shared>>)
    %dma_wait3A_151 = arith.constant 1 : i32
    %dma_wait3A_152 = arith.constant 0 : i32
    %dma_wait3A_153 = arith.constant 0 : i32
    %dma_wait3A_154 = arith.constant 0 : i32
    %dma_wait3A_155 = tpu.memref_slice %arg7[%dma_wait3A_151, %dma_wait3A_152, %dma_wait3A_153, %dma_wait3A_154] : memref<2x5x80x16xf32, #tpu.memory_space<vmem>> -> memref<1x1x80x16xf32, #tpu.memory_space<vmem>>
    %dma_wait3A_156 = tpu.memref_squeeze %dma_wait3A_155 : memref<1x1x80x16xf32, #tpu.memory_space<vmem>> -> memref<80x16xf32, #tpu.memory_space<vmem>>
    %dma_wait3A_157 = arith.constant 0 : i32
    %dma_wait3A_158 = tpu.memref_slice %arg8[%add3A_24, %dma_wait3A_157] : memref<10240x16xf32, #tpu.memory_space<vmem_shared>> -> memref<80x16xf32, #tpu.memory_space<vmem_shared>>
    %dma_wait3A_159 = arith.constant 0 : i32
    %dma_wait3A_160 = tpu.memref_slice %arg8[%add3A_24, %dma_wait3A_159] : memref<10240x16xf32, #tpu.memory_space<vmem_shared>> -> memref<80x16xf32, #tpu.memory_space<vmem_shared>>
    %dma_wait3A_161 = arith.constant 0 : i32
    %dma_wait3A_162 = arith.constant 0 : i32
    %dma_wait3A_163 = tpu.memref_slice %arg7[%dma_wait3A_151, %dma_wait3A_152, %dma_wait3A_161, %dma_wait3A_162] : memref<2x5x80x16xf32, #tpu.memory_space<vmem>> -> memref<1x1x80x16xf32, #tpu.memory_space<vmem>>
    %dma_wait3A_164 = tpu.memref_squeeze %dma_wait3A_163 : memref<1x1x80x16xf32, #tpu.memory_space<vmem>> -> memref<80x16xf32, #tpu.memory_space<vmem>>
    tpu.wait_dma2 semaphore(%arg9 : memref<!tpu.dma_semaphore, #tpu.memory_space<semaphore_mem>>) src(%dma_wait3A_164 : memref<80x16xf32, #tpu.memory_space<vmem>>) dst(%dma_wait3A_160 : memref<80x16xf32, #tpu.memory_space<vmem_shared>>)
    %dma_wait3A_165 = arith.constant 1 : i32
    %dma_wait3A_166 = arith.constant 0 : i32
    %dma_wait3A_167 = arith.constant 0 : i32
    %dma_wait3A_168 = arith.constant 0 : i32
    %dma_wait3A_169 = tpu.memref_slice %arg7[%dma_wait3A_165, %dma_wait3A_166, %dma_wait3A_167, %dma_wait3A_168] : memref<2x5x80x16xf32, #tpu.memory_space<vmem>> -> memref<1x1x80x16xf32, #tpu.memory_space<vmem>>
    %dma_wait3A_170 = tpu.memref_squeeze %dma_wait3A_169 : memref<1x1x80x16xf32, #tpu.memory_space<vmem>> -> memref<80x16xf32, #tpu.memory_space<vmem>>
    %dma_wait3A_171 = arith.constant 0 : i32
    %dma_wait3A_172 = tpu.memref_slice %arg8[%add3A_40, %dma_wait3A_171] : memref<10240x16xf32, #tpu.memory_space<vmem_shared>> -> memref<80x16xf32, #tpu.memory_space<vmem_shared>>
    %dma_wait3A_173 = arith.constant 0 : i32
    %dma_wait3A_174 = tpu.memref_slice %arg8[%add3A_40, %dma_wait3A_173] : memref<10240x16xf32, #tpu.memory_space<vmem_shared>> -> memref<80x16xf32, #tpu.memory_space<vmem_shared>>
    %dma_wait3A_175 = arith.constant 0 : i32
    %dma_wait3A_176 = arith.constant 0 : i32
    %dma_wait3A_177 = tpu.memref_slice %arg7[%dma_wait3A_165, %dma_wait3A_166, %dma_wait3A_175, %dma_wait3A_176] : memref<2x5x80x16xf32, #tpu.memory_space<vmem>> -> memref<1x1x80x16xf32, #tpu.memory_space<vmem>>
    %dma_wait3A_178 = tpu.memref_squeeze %dma_wait3A_177 : memref<1x1x80x16xf32, #tpu.memory_space<vmem>> -> memref<80x16xf32, #tpu.memory_space<vmem>>
    tpu.wait_dma2 semaphore(%arg9 : memref<!tpu.dma_semaphore, #tpu.memory_space<semaphore_mem>>) src(%dma_wait3A_178 : memref<80x16xf32, #tpu.memory_space<vmem>>) dst(%dma_wait3A_174 : memref<80x16xf32, #tpu.memory_space<vmem_shared>>)
    %dma_wait3A_179 = arith.constant 1 : i32
    %dma_wait3A_180 = arith.constant 0 : i32
    %dma_wait3A_181 = arith.constant 0 : i32
    %dma_wait3A_182 = arith.constant 0 : i32
    %dma_wait3A_183 = tpu.memref_slice %arg7[%dma_wait3A_179, %dma_wait3A_180, %dma_wait3A_181, %dma_wait3A_182] : memref<2x5x80x16xf32, #tpu.memory_space<vmem>> -> memref<1x1x80x16xf32, #tpu.memory_space<vmem>>
    %dma_wait3A_184 = tpu.memref_squeeze %dma_wait3A_183 : memref<1x1x80x16xf32, #tpu.memory_space<vmem>> -> memref<80x16xf32, #tpu.memory_space<vmem>>
    %dma_wait3A_185 = arith.constant 0 : i32
    %dma_wait3A_186 = tpu.memref_slice %arg8[%add3A_56, %dma_wait3A_185] : memref<10240x16xf32, #tpu.memory_space<vmem_shared>> -> memref<80x16xf32, #tpu.memory_space<vmem_shared>>
    %dma_wait3A_187 = arith.constant 0 : i32
    %dma_wait3A_188 = tpu.memref_slice %arg8[%add3A_56, %dma_wait3A_187] : memref<10240x16xf32, #tpu.memory_space<vmem_shared>> -> memref<80x16xf32, #tpu.memory_space<vmem_shared>>
    %dma_wait3A_189 = arith.constant 0 : i32
    %dma_wait3A_190 = arith.constant 0 : i32
    %dma_wait3A_191 = tpu.memref_slice %arg7[%dma_wait3A_179, %dma_wait3A_180, %dma_wait3A_189, %dma_wait3A_190] : memref<2x5x80x16xf32, #tpu.memory_space<vmem>> -> memref<1x1x80x16xf32, #tpu.memory_space<vmem>>
    %dma_wait3A_192 = tpu.memref_squeeze %dma_wait3A_191 : memref<1x1x80x16xf32, #tpu.memory_space<vmem>> -> memref<80x16xf32, #tpu.memory_space<vmem>>
    tpu.wait_dma2 semaphore(%arg9 : memref<!tpu.dma_semaphore, #tpu.memory_space<semaphore_mem>>) src(%dma_wait3A_192 : memref<80x16xf32, #tpu.memory_space<vmem>>) dst(%dma_wait3A_188 : memref<80x16xf32, #tpu.memory_space<vmem_shared>>)
    %dma_wait3A_193 = arith.constant 1 : i32
    %dma_wait3A_194 = arith.constant 0 : i32
    %dma_wait3A_195 = arith.constant 0 : i32
    %dma_wait3A_196 = arith.constant 0 : i32
    %dma_wait3A_197 = tpu.memref_slice %arg7[%dma_wait3A_193, %dma_wait3A_194, %dma_wait3A_195, %dma_wait3A_196] : memref<2x5x80x16xf32, #tpu.memory_space<vmem>> -> memref<1x1x80x16xf32, #tpu.memory_space<vmem>>
    %dma_wait3A_198 = tpu.memref_squeeze %dma_wait3A_197 : memref<1x1x80x16xf32, #tpu.memory_space<vmem>> -> memref<80x16xf32, #tpu.memory_space<vmem>>
    %dma_wait3A_199 = arith.constant 0 : i32
    %dma_wait3A_200 = tpu.memref_slice %arg8[%add3A_72, %dma_wait3A_199] : memref<10240x16xf32, #tpu.memory_space<vmem_shared>> -> memref<80x16xf32, #tpu.memory_space<vmem_shared>>
    %dma_wait3A_201 = arith.constant 0 : i32
    %dma_wait3A_202 = tpu.memref_slice %arg8[%add3A_72, %dma_wait3A_201] : memref<10240x16xf32, #tpu.memory_space<vmem_shared>> -> memref<80x16xf32, #tpu.memory_space<vmem_shared>>
    %dma_wait3A_203 = arith.constant 0 : i32
    %dma_wait3A_204 = arith.constant 0 : i32
    %dma_wait3A_205 = tpu.memref_slice %arg7[%dma_wait3A_193, %dma_wait3A_194, %dma_wait3A_203, %dma_wait3A_204] : memref<2x5x80x16xf32, #tpu.memory_space<vmem>> -> memref<1x1x80x16xf32, #tpu.memory_space<vmem>>
    %dma_wait3A_206 = tpu.memref_squeeze %dma_wait3A_205 : memref<1x1x80x16xf32, #tpu.memory_space<vmem>> -> memref<80x16xf32, #tpu.memory_space<vmem>>
    tpu.wait_dma2 semaphore(%arg9 : memref<!tpu.dma_semaphore, #tpu.memory_space<semaphore_mem>>) src(%dma_wait3A_206 : memref<80x16xf32, #tpu.memory_space<vmem>>) dst(%dma_wait3A_202 : memref<80x16xf32, #tpu.memory_space<vmem_shared>>)
    %dma_wait3A_207 = arith.constant 1 : i32
    %dma_wait3A_208 = arith.constant 0 : i32
    %dma_wait3A_209 = arith.constant 0 : i32
    %dma_wait3A_210 = arith.constant 0 : i32
    %dma_wait3A_211 = tpu.memref_slice %arg7[%dma_wait3A_207, %dma_wait3A_208, %dma_wait3A_209, %dma_wait3A_210] : memref<2x5x80x16xf32, #tpu.memory_space<vmem>> -> memref<1x1x80x16xf32, #tpu.memory_space<vmem>>
    %dma_wait3A_212 = tpu.memref_squeeze %dma_wait3A_211 : memref<1x1x80x16xf32, #tpu.memory_space<vmem>> -> memref<80x16xf32, #tpu.memory_space<vmem>>
    %dma_wait3A_213 = arith.constant 0 : i32
    %dma_wait3A_214 = tpu.memref_slice %arg8[%add3A_88, %dma_wait3A_213] : memref<10240x16xf32, #tpu.memory_space<vmem_shared>> -> memref<80x16xf32, #tpu.memory_space<vmem_shared>>
    %dma_wait3A_215 = arith.constant 0 : i32
    %dma_wait3A_216 = tpu.memref_slice %arg8[%add3A_88, %dma_wait3A_215] : memref<10240x16xf32, #tpu.memory_space<vmem_shared>> -> memref<80x16xf32, #tpu.memory_space<vmem_shared>>
    %dma_wait3A_217 = arith.constant 0 : i32
    %dma_wait3A_218 = arith.constant 0 : i32
    %dma_wait3A_219 = tpu.memref_slice %arg7[%dma_wait3A_207, %dma_wait3A_208, %dma_wait3A_217, %dma_wait3A_218] : memref<2x5x80x16xf32, #tpu.memory_space<vmem>> -> memref<1x1x80x16xf32, #tpu.memory_space<vmem>>
    %dma_wait3A_220 = tpu.memref_squeeze %dma_wait3A_219 : memref<1x1x80x16xf32, #tpu.memory_space<vmem>> -> memref<80x16xf32, #tpu.memory_space<vmem>>
    tpu.wait_dma2 semaphore(%arg9 : memref<!tpu.dma_semaphore, #tpu.memory_space<semaphore_mem>>) src(%dma_wait3A_220 : memref<80x16xf32, #tpu.memory_space<vmem>>) dst(%dma_wait3A_216 : memref<80x16xf32, #tpu.memory_space<vmem_shared>>)
    %dma_wait3A_221 = arith.constant 1 : i32
    %dma_wait3A_222 = arith.constant 0 : i32
    %dma_wait3A_223 = arith.constant 0 : i32
    %dma_wait3A_224 = arith.constant 0 : i32
    %dma_wait3A_225 = tpu.memref_slice %arg7[%dma_wait3A_221, %dma_wait3A_222, %dma_wait3A_223, %dma_wait3A_224] : memref<2x5x80x16xf32, #tpu.memory_space<vmem>> -> memref<1x1x80x16xf32, #tpu.memory_space<vmem>>
    %dma_wait3A_226 = tpu.memref_squeeze %dma_wait3A_225 : memref<1x1x80x16xf32, #tpu.memory_space<vmem>> -> memref<80x16xf32, #tpu.memory_space<vmem>>
    %dma_wait3A_227 = arith.constant 0 : i32
    %dma_wait3A_228 = tpu.memref_slice %arg8[%add3A_104, %dma_wait3A_227] : memref<10240x16xf32, #tpu.memory_space<vmem_shared>> -> memref<80x16xf32, #tpu.memory_space<vmem_shared>>
    %dma_wait3A_229 = arith.constant 0 : i32
    %dma_wait3A_230 = tpu.memref_slice %arg8[%add3A_104, %dma_wait3A_229] : memref<10240x16xf32, #tpu.memory_space<vmem_shared>> -> memref<80x16xf32, #tpu.memory_space<vmem_shared>>
    %dma_wait3A_231 = arith.constant 0 : i32
    %dma_wait3A_232 = arith.constant 0 : i32
    %dma_wait3A_233 = tpu.memref_slice %arg7[%dma_wait3A_221, %dma_wait3A_222, %dma_wait3A_231, %dma_wait3A_232] : memref<2x5x80x16xf32, #tpu.memory_space<vmem>> -> memref<1x1x80x16xf32, #tpu.memory_space<vmem>>
    %dma_wait3A_234 = tpu.memref_squeeze %dma_wait3A_233 : memref<1x1x80x16xf32, #tpu.memory_space<vmem>> -> memref<80x16xf32, #tpu.memory_space<vmem>>
    tpu.wait_dma2 semaphore(%arg9 : memref<!tpu.dma_semaphore, #tpu.memory_space<semaphore_mem>>) src(%dma_wait3A_234 : memref<80x16xf32, #tpu.memory_space<vmem>>) dst(%dma_wait3A_230 : memref<80x16xf32, #tpu.memory_space<vmem_shared>>)
    %dma_wait3A_235 = arith.constant 1 : i32
    %dma_wait3A_236 = arith.constant 0 : i32
    %dma_wait3A_237 = arith.constant 0 : i32
    %dma_wait3A_238 = arith.constant 0 : i32
    %dma_wait3A_239 = tpu.memref_slice %arg7[%dma_wait3A_235, %dma_wait3A_236, %dma_wait3A_237, %dma_wait3A_238] : memref<2x5x80x16xf32, #tpu.memory_space<vmem>> -> memref<1x1x80x16xf32, #tpu.memory_space<vmem>>
    %dma_wait3A_240 = tpu.memref_squeeze %dma_wait3A_239 : memref<1x1x80x16xf32, #tpu.memory_space<vmem>> -> memref<80x16xf32, #tpu.memory_space<vmem>>
    %dma_wait3A_241 = arith.constant 0 : i32
    %dma_wait3A_242 = tpu.memref_slice %arg8[%add3A_120, %dma_wait3A_241] : memref<10240x16xf32, #tpu.memory_space<vmem_shared>> -> memref<80x16xf32, #tpu.memory_space<vmem_shared>>
    %dma_wait3A_243 = arith.constant 0 : i32
    %dma_wait3A_244 = tpu.memref_slice %arg8[%add3A_120, %dma_wait3A_243] : memref<10240x16xf32, #tpu.memory_space<vmem_shared>> -> memref<80x16xf32, #tpu.memory_space<vmem_shared>>
    %dma_wait3A_245 = arith.constant 0 : i32
    %dma_wait3A_246 = arith.constant 0 : i32
    %dma_wait3A_247 = tpu.memref_slice %arg7[%dma_wait3A_235, %dma_wait3A_236, %dma_wait3A_245, %dma_wait3A_246] : memref<2x5x80x16xf32, #tpu.memory_space<vmem>> -> memref<1x1x80x16xf32, #tpu.memory_space<vmem>>
    %dma_wait3A_248 = tpu.memref_squeeze %dma_wait3A_247 : memref<1x1x80x16xf32, #tpu.memory_space<vmem>> -> memref<80x16xf32, #tpu.memory_space<vmem>>
    tpu.wait_dma2 semaphore(%arg9 : memref<!tpu.dma_semaphore, #tpu.memory_space<semaphore_mem>>) src(%dma_wait3A_248 : memref<80x16xf32, #tpu.memory_space<vmem>>) dst(%dma_wait3A_244 : memref<80x16xf32, #tpu.memory_space<vmem_shared>>)
    %barrier3A = arith.constant 0 : index
    tpu.barrier barrier_id(%barrier3A)
    %scan3A_249 = arith.constant 0 : i32
    %scan3A_250 = arith.constant 0 : i32
    %scan3A_251 = arith.constant 12 : i32
    %scan3A_252 = arith.addi %scan3A_250, %scan3A_251 : i32
    %scan3A_253 = arith.constant 1 : i32
    scf.for %scan3A_691 = %scan3A_250 to %scan3A_252 step %scan3A_253  : i32 {
      %mul3A_692 = arith.constant 2 : i32
      %mul3A_693 = arith.muli %mul3A_692, %scan3A_691 : i32
      %mul3A_694 = arith.constant 5 : i32
      %mul3A_695 = arith.muli %mul3A_693, %mul3A_694 : i32
      %mul3A_696 = arith.constant 2 : i32
      %mul3A_697 = arith.muli %mul3A_696, %scan3A_691 : i32
      %add3A_698 = arith.constant 1 : i32
      %add3A_699 = arith.addi %mul3A_697, %add3A_698 : i32
      %mul3A_700 = arith.constant 5 : i32
      %mul3A_701 = arith.muli %add3A_699, %mul3A_700 : i32
      %gt3A = arith.constant 0 : i32
      %gt3A_702 = arith.cmpi sgt, %scan3A_691, %gt3A : i32
      %convert_element_type3A = arith.extui %gt3A_702 : i1 to i32
      %cond3A = arith.constant 0 : i32
      %cond3A_703 = arith.cmpi ne, %convert_element_type3A, %cond3A : i32
      scf.if %cond3A_703 {
        %dma_wait3A_1109 = arith.constant 0 : i32
        %dma_wait3A_1110 = arith.constant 0 : i32
        %dma_wait3A_1111 = arith.constant 0 : i32
        %dma_wait3A_1112 = arith.constant 0 : i32
        %dma_wait3A_1113 = tpu.memref_slice %arg7[%dma_wait3A_1109, %dma_wait3A_1110, %dma_wait3A_1111, %dma_wait3A_1112] : memref<2x5x80x16xf32, #tpu.memory_space<vmem>> -> memref<1x1x80x16xf32, #tpu.memory_space<vmem>>
        %dma_wait3A_1114 = tpu.memref_squeeze %dma_wait3A_1113 : memref<1x1x80x16xf32, #tpu.memory_space<vmem>> -> memref<80x16xf32, #tpu.memory_space<vmem>>
        %dma_wait3A_1115 = arith.constant 0 : i32
        %dma_wait3A_1116 = arith.constant 0 : i32
        %dma_wait3A_1117 = tpu.memref_slice %arg3[%dma_wait3A_1115, %dma_wait3A_1116] : memref<10000x16xf32, #tpu.memory_space<hbm>> -> memref<80x16xf32, #tpu.memory_space<hbm>>
        %dma_wait3A_1118 = arith.constant 0 : i32
        %dma_wait3A_1119 = arith.constant 0 : i32
        %dma_wait3A_1120 = tpu.memref_slice %arg7[%dma_wait3A_1109, %dma_wait3A_1110, %dma_wait3A_1118, %dma_wait3A_1119] : memref<2x5x80x16xf32, #tpu.memory_space<vmem>> -> memref<1x1x80x16xf32, #tpu.memory_space<vmem>>
        %dma_wait3A_1121 = tpu.memref_squeeze %dma_wait3A_1120 : memref<1x1x80x16xf32, #tpu.memory_space<vmem>> -> memref<80x16xf32, #tpu.memory_space<vmem>>
        %dma_wait3A_1122 = arith.constant 0 : i32
        %dma_wait3A_1123 = arith.constant 0 : i32
        %dma_wait3A_1124 = tpu.memref_slice %arg3[%dma_wait3A_1122, %dma_wait3A_1123] : memref<10000x16xf32, #tpu.memory_space<hbm>> -> memref<80x16xf32, #tpu.memory_space<hbm>>
        tpu.wait_dma2 semaphore(%arg11 : memref<!tpu.dma_semaphore, #tpu.memory_space<semaphore_mem>>) src(%dma_wait3A_1124 : memref<80x16xf32, #tpu.memory_space<hbm>>) dst(%dma_wait3A_1121 : memref<80x16xf32, #tpu.memory_space<vmem>>)
        %dma_wait3A_1125 = arith.constant 0 : i32
        %dma_wait3A_1126 = arith.constant 1 : i32
        %dma_wait3A_1127 = arith.constant 0 : i32
        %dma_wait3A_1128 = arith.constant 0 : i32
        %dma_wait3A_1129 = tpu.memref_slice %arg7[%dma_wait3A_1125, %dma_wait3A_1126, %dma_wait3A_1127, %dma_wait3A_1128] : memref<2x5x80x16xf32, #tpu.memory_space<vmem>> -> memref<1x1x80x16xf32, #tpu.memory_space<vmem>>
        %dma_wait3A_1130 = tpu.memref_squeeze %dma_wait3A_1129 : memref<1x1x80x16xf32, #tpu.memory_space<vmem>> -> memref<80x16xf32, #tpu.memory_space<vmem>>
        %dma_wait3A_1131 = arith.constant 0 : i32
        %dma_wait3A_1132 = arith.constant 0 : i32
        %dma_wait3A_1133 = tpu.memref_slice %arg3[%dma_wait3A_1131, %dma_wait3A_1132] : memref<10000x16xf32, #tpu.memory_space<hbm>> -> memref<80x16xf32, #tpu.memory_space<hbm>>
        %dma_wait3A_1134 = arith.constant 0 : i32
        %dma_wait3A_1135 = arith.constant 0 : i32
        %dma_wait3A_1136 = tpu.memref_slice %arg7[%dma_wait3A_1125, %dma_wait3A_1126, %dma_wait3A_1134, %dma_wait3A_1135] : memref<2x5x80x16xf32, #tpu.memory_space<vmem>> -> memref<1x1x80x16xf32, #tpu.memory_space<vmem>>
        %dma_wait3A_1137 = tpu.memref_squeeze %dma_wait3A_1136 : memref<1x1x80x16xf32, #tpu.memory_space<vmem>> -> memref<80x16xf32, #tpu.memory_space<vmem>>
        %dma_wait3A_1138 = arith.constant 0 : i32
        %dma_wait3A_1139 = arith.constant 0 : i32
        %dma_wait3A_1140 = tpu.memref_slice %arg3[%dma_wait3A_1138, %dma_wait3A_1139] : memref<10000x16xf32, #tpu.memory_space<hbm>> -> memref<80x16xf32, #tpu.memory_space<hbm>>
        tpu.wait_dma2 semaphore(%arg11 : memref<!tpu.dma_semaphore, #tpu.memory_space<semaphore_mem>>) src(%dma_wait3A_1140 : memref<80x16xf32, #tpu.memory_space<hbm>>) dst(%dma_wait3A_1137 : memref<80x16xf32, #tpu.memory_space<vmem>>)
        %dma_wait3A_1141 = arith.constant 0 : i32
        %dma_wait3A_1142 = arith.constant 2 : i32
        %dma_wait3A_1143 = arith.constant 0 : i32
        %dma_wait3A_1144 = arith.constant 0 : i32
        %dma_wait3A_1145 = tpu.memref_slice %arg7[%dma_wait3A_1141, %dma_wait3A_1142, %dma_wait3A_1143, %dma_wait3A_1144] : memref<2x5x80x16xf32, #tpu.memory_space<vmem>> -> memref<1x1x80x16xf32, #tpu.memory_space<vmem>>
        %dma_wait3A_1146 = tpu.memref_squeeze %dma_wait3A_1145 : memref<1x1x80x16xf32, #tpu.memory_space<vmem>> -> memref<80x16xf32, #tpu.memory_space<vmem>>
        %dma_wait3A_1147 = arith.constant 0 : i32
        %dma_wait3A_1148 = arith.constant 0 : i32
        %dma_wait3A_1149 = tpu.memref_slice %arg3[%dma_wait3A_1147, %dma_wait3A_1148] : memref<10000x16xf32, #tpu.memory_space<hbm>> -> memref<80x16xf32, #tpu.memory_space<hbm>>
        %dma_wait3A_1150 = arith.constant 0 : i32
        %dma_wait3A_1151 = arith.constant 0 : i32
        %dma_wait3A_1152 = tpu.memref_slice %arg7[%dma_wait3A_1141, %dma_wait3A_1142, %dma_wait3A_1150, %dma_wait3A_1151] : memref<2x5x80x16xf32, #tpu.memory_space<vmem>> -> memref<1x1x80x16xf32, #tpu.memory_space<vmem>>
        %dma_wait3A_1153 = tpu.memref_squeeze %dma_wait3A_1152 : memref<1x1x80x16xf32, #tpu.memory_space<vmem>> -> memref<80x16xf32, #tpu.memory_space<vmem>>
        %dma_wait3A_1154 = arith.constant 0 : i32
        %dma_wait3A_1155 = arith.constant 0 : i32
        %dma_wait3A_1156 = tpu.memref_slice %arg3[%dma_wait3A_1154, %dma_wait3A_1155] : memref<10000x16xf32, #tpu.memory_space<hbm>> -> memref<80x16xf32, #tpu.memory_space<hbm>>
        tpu.wait_dma2 semaphore(%arg11 : memref<!tpu.dma_semaphore, #tpu.memory_space<semaphore_mem>>) src(%dma_wait3A_1156 : memref<80x16xf32, #tpu.memory_space<hbm>>) dst(%dma_wait3A_1153 : memref<80x16xf32, #tpu.memory_space<vmem>>)
        %dma_wait3A_1157 = arith.constant 0 : i32
        %dma_wait3A_1158 = arith.constant 3 : i32
        %dma_wait3A_1159 = arith.constant 0 : i32
        %dma_wait3A_1160 = arith.constant 0 : i32
        %dma_wait3A_1161 = tpu.memref_slice %arg7[%dma_wait3A_1157, %dma_wait3A_1158, %dma_wait3A_1159, %dma_wait3A_1160] : memref<2x5x80x16xf32, #tpu.memory_space<vmem>> -> memref<1x1x80x16xf32, #tpu.memory_space<vmem>>
        %dma_wait3A_1162 = tpu.memref_squeeze %dma_wait3A_1161 : memref<1x1x80x16xf32, #tpu.memory_space<vmem>> -> memref<80x16xf32, #tpu.memory_space<vmem>>
        %dma_wait3A_1163 = arith.constant 0 : i32
        %dma_wait3A_1164 = arith.constant 0 : i32
        %dma_wait3A_1165 = tpu.memref_slice %arg3[%dma_wait3A_1163, %dma_wait3A_1164] : memref<10000x16xf32, #tpu.memory_space<hbm>> -> memref<80x16xf32, #tpu.memory_space<hbm>>
        %dma_wait3A_1166 = arith.constant 0 : i32
        %dma_wait3A_1167 = arith.constant 0 : i32
        %dma_wait3A_1168 = tpu.memref_slice %arg7[%dma_wait3A_1157, %dma_wait3A_1158, %dma_wait3A_1166, %dma_wait3A_1167] : memref<2x5x80x16xf32, #tpu.memory_space<vmem>> -> memref<1x1x80x16xf32, #tpu.memory_space<vmem>>
        %dma_wait3A_1169 = tpu.memref_squeeze %dma_wait3A_1168 : memref<1x1x80x16xf32, #tpu.memory_space<vmem>> -> memref<80x16xf32, #tpu.memory_space<vmem>>
        %dma_wait3A_1170 = arith.constant 0 : i32
        %dma_wait3A_1171 = arith.constant 0 : i32
        %dma_wait3A_1172 = tpu.memref_slice %arg3[%dma_wait3A_1170, %dma_wait3A_1171] : memref<10000x16xf32, #tpu.memory_space<hbm>> -> memref<80x16xf32, #tpu.memory_space<hbm>>
        tpu.wait_dma2 semaphore(%arg11 : memref<!tpu.dma_semaphore, #tpu.memory_space<semaphore_mem>>) src(%dma_wait3A_1172 : memref<80x16xf32, #tpu.memory_space<hbm>>) dst(%dma_wait3A_1169 : memref<80x16xf32, #tpu.memory_space<vmem>>)
        %dma_wait3A_1173 = arith.constant 0 : i32
        %dma_wait3A_1174 = arith.constant 4 : i32
        %dma_wait3A_1175 = arith.constant 0 : i32
        %dma_wait3A_1176 = arith.constant 0 : i32
        %dma_wait3A_1177 = tpu.memref_slice %arg7[%dma_wait3A_1173, %dma_wait3A_1174, %dma_wait3A_1175, %dma_wait3A_1176] : memref<2x5x80x16xf32, #tpu.memory_space<vmem>> -> memref<1x1x80x16xf32, #tpu.memory_space<vmem>>
        %dma_wait3A_1178 = tpu.memref_squeeze %dma_wait3A_1177 : memref<1x1x80x16xf32, #tpu.memory_space<vmem>> -> memref<80x16xf32, #tpu.memory_space<vmem>>
        %dma_wait3A_1179 = arith.constant 0 : i32
        %dma_wait3A_1180 = arith.constant 0 : i32
        %dma_wait3A_1181 = tpu.memref_slice %arg3[%dma_wait3A_1179, %dma_wait3A_1180] : memref<10000x16xf32, #tpu.memory_space<hbm>> -> memref<80x16xf32, #tpu.memory_space<hbm>>
        %dma_wait3A_1182 = arith.constant 0 : i32
        %dma_wait3A_1183 = arith.constant 0 : i32
        %dma_wait3A_1184 = tpu.memref_slice %arg7[%dma_wait3A_1173, %dma_wait3A_1174, %dma_wait3A_1182, %dma_wait3A_1183] : memref<2x5x80x16xf32, #tpu.memory_space<vmem>> -> memref<1x1x80x16xf32, #tpu.memory_space<vmem>>
        %dma_wait3A_1185 = tpu.memref_squeeze %dma_wait3A_1184 : memref<1x1x80x16xf32, #tpu.memory_space<vmem>> -> memref<80x16xf32, #tpu.memory_space<vmem>>
        %dma_wait3A_1186 = arith.constant 0 : i32
        %dma_wait3A_1187 = arith.constant 0 : i32
        %dma_wait3A_1188 = tpu.memref_slice %arg3[%dma_wait3A_1186, %dma_wait3A_1187] : memref<10000x16xf32, #tpu.memory_space<hbm>> -> memref<80x16xf32, #tpu.memory_space<hbm>>
        tpu.wait_dma2 semaphore(%arg11 : memref<!tpu.dma_semaphore, #tpu.memory_space<semaphore_mem>>) src(%dma_wait3A_1188 : memref<80x16xf32, #tpu.memory_space<hbm>>) dst(%dma_wait3A_1185 : memref<80x16xf32, #tpu.memory_space<vmem>>)
      } else {
      }
      %add3A_704 = arith.constant 0 : i32
      %add3A_705 = arith.addi %mul3A_695, %add3A_704 : i32
      %dma_start3A_706 = arith.constant 0 : i32
      %dma_start3A_707 = arith.constant 0 : i32
      %dma_start3A_708 = arith.constant 0 : i32
      %dma_start3A_709 = arith.constant 0 : i32
      %dma_start3A_710 = tpu.memref_slice %arg7[%dma_start3A_706, %dma_start3A_707, %dma_start3A_708, %dma_start3A_709] : memref<2x5x80x16xf32, #tpu.memory_space<vmem>> -> memref<1x1x80x16xf32, #tpu.memory_space<vmem>>
      %dma_start3A_711 = tpu.memref_squeeze %dma_start3A_710 : memref<1x1x80x16xf32, #tpu.memory_space<vmem>> -> memref<80x16xf32, #tpu.memory_space<vmem>>
      %dma_start3A_712 = arith.constant 0 : i32
      %dma_start3A_713 = tpu.memref_slice %arg5[%add3A_705, %dma_start3A_712] : memref<125x80xi32, #tpu.memory_space<vmem>> -> memref<1x80xi32, #tpu.memory_space<vmem>>
      %dma_start3A_714 = tpu.memref_squeeze %dma_start3A_713 : memref<1x80xi32, #tpu.memory_space<vmem>> -> memref<80xi32, #tpu.memory_space<vmem>>
      %dma_start3A_715 = arith.constant 0 : i32
      %dma_start3A_716 = arith.constant 0 : i32
      %dma_start3A_717 = tpu.memref_slice %arg3[%dma_start3A_715, %dma_start3A_716] : memref<10000x16xf32, #tpu.memory_space<hbm>> -> memref<10000x16xf32, #tpu.memory_space<hbm>>
      tpu.enqueue_indirect_dma source(%dma_start3A_717 : memref<10000x16xf32, #tpu.memory_space<hbm>>) target(%dma_start3A_711 : memref<80x16xf32, #tpu.memory_space<vmem>>) offsets(%dma_start3A_714 : memref<80xi32, #tpu.memory_space<vmem>>) semaphore(%arg9 : memref<!tpu.dma_semaphore, #tpu.memory_space<semaphore_mem>>)
      %add3A_718 = arith.constant 1 : i32
      %add3A_719 = arith.addi %mul3A_695, %add3A_718 : i32
      %dma_start3A_720 = arith.constant 0 : i32
      %dma_start3A_721 = arith.constant 1 : i32
      %dma_start3A_722 = arith.constant 0 : i32
      %dma_start3A_723 = arith.constant 0 : i32
      %dma_start3A_724 = tpu.memref_slice %arg7[%dma_start3A_720, %dma_start3A_721, %dma_start3A_722, %dma_start3A_723] : memref<2x5x80x16xf32, #tpu.memory_space<vmem>> -> memref<1x1x80x16xf32, #tpu.memory_space<vmem>>
      %dma_start3A_725 = tpu.memref_squeeze %dma_start3A_724 : memref<1x1x80x16xf32, #tpu.memory_space<vmem>> -> memref<80x16xf32, #tpu.memory_space<vmem>>
      %dma_start3A_726 = arith.constant 0 : i32
      %dma_start3A_727 = tpu.memref_slice %arg5[%add3A_719, %dma_start3A_726] : memref<125x80xi32, #tpu.memory_space<vmem>> -> memref<1x80xi32, #tpu.memory_space<vmem>>
      %dma_start3A_728 = tpu.memref_squeeze %dma_start3A_727 : memref<1x80xi32, #tpu.memory_space<vmem>> -> memref<80xi32, #tpu.memory_space<vmem>>
      %dma_start3A_729 = arith.constant 0 : i32
      %dma_start3A_730 = arith.constant 0 : i32
      %dma_start3A_731 = tpu.memref_slice %arg3[%dma_start3A_729, %dma_start3A_730] : memref<10000x16xf32, #tpu.memory_space<hbm>> -> memref<10000x16xf32, #tpu.memory_space<hbm>>
      tpu.enqueue_indirect_dma source(%dma_start3A_731 : memref<10000x16xf32, #tpu.memory_space<hbm>>) target(%dma_start3A_725 : memref<80x16xf32, #tpu.memory_space<vmem>>) offsets(%dma_start3A_728 : memref<80xi32, #tpu.memory_space<vmem>>) semaphore(%arg9 : memref<!tpu.dma_semaphore, #tpu.memory_space<semaphore_mem>>)
      %add3A_732 = arith.constant 2 : i32
      %add3A_733 = arith.addi %mul3A_695, %add3A_732 : i32
      %dma_start3A_734 = arith.constant 0 : i32
      %dma_start3A_735 = arith.constant 2 : i32
      %dma_start3A_736 = arith.constant 0 : i32
      %dma_start3A_737 = arith.constant 0 : i32
      %dma_start3A_738 = tpu.memref_slice %arg7[%dma_start3A_734, %dma_start3A_735, %dma_start3A_736, %dma_start3A_737] : memref<2x5x80x16xf32, #tpu.memory_space<vmem>> -> memref<1x1x80x16xf32, #tpu.memory_space<vmem>>
      %dma_start3A_739 = tpu.memref_squeeze %dma_start3A_738 : memref<1x1x80x16xf32, #tpu.memory_space<vmem>> -> memref<80x16xf32, #tpu.memory_space<vmem>>
      %dma_start3A_740 = arith.constant 0 : i32
      %dma_start3A_741 = tpu.memref_slice %arg5[%add3A_733, %dma_start3A_740] : memref<125x80xi32, #tpu.memory_space<vmem>> -> memref<1x80xi32, #tpu.memory_space<vmem>>
      %dma_start3A_742 = tpu.memref_squeeze %dma_start3A_741 : memref<1x80xi32, #tpu.memory_space<vmem>> -> memref<80xi32, #tpu.memory_space<vmem>>
      %dma_start3A_743 = arith.constant 0 : i32
      %dma_start3A_744 = arith.constant 0 : i32
      %dma_start3A_745 = tpu.memref_slice %arg3[%dma_start3A_743, %dma_start3A_744] : memref<10000x16xf32, #tpu.memory_space<hbm>> -> memref<10000x16xf32, #tpu.memory_space<hbm>>
      tpu.enqueue_indirect_dma source(%dma_start3A_745 : memref<10000x16xf32, #tpu.memory_space<hbm>>) target(%dma_start3A_739 : memref<80x16xf32, #tpu.memory_space<vmem>>) offsets(%dma_start3A_742 : memref<80xi32, #tpu.memory_space<vmem>>) semaphore(%arg9 : memref<!tpu.dma_semaphore, #tpu.memory_space<semaphore_mem>>)
      %add3A_746 = arith.constant 3 : i32
      %add3A_747 = arith.addi %mul3A_695, %add3A_746 : i32
      %dma_start3A_748 = arith.constant 0 : i32
      %dma_start3A_749 = arith.constant 3 : i32
      %dma_start3A_750 = arith.constant 0 : i32
      %dma_start3A_751 = arith.constant 0 : i32
      %dma_start3A_752 = tpu.memref_slice %arg7[%dma_start3A_748, %dma_start3A_749, %dma_start3A_750, %dma_start3A_751] : memref<2x5x80x16xf32, #tpu.memory_space<vmem>> -> memref<1x1x80x16xf32, #tpu.memory_space<vmem>>
      %dma_start3A_753 = tpu.memref_squeeze %dma_start3A_752 : memref<1x1x80x16xf32, #tpu.memory_space<vmem>> -> memref<80x16xf32, #tpu.memory_space<vmem>>
      %dma_start3A_754 = arith.constant 0 : i32
      %dma_start3A_755 = tpu.memref_slice %arg5[%add3A_747, %dma_start3A_754] : memref<125x80xi32, #tpu.memory_space<vmem>> -> memref<1x80xi32, #tpu.memory_space<vmem>>
      %dma_start3A_756 = tpu.memref_squeeze %dma_start3A_755 : memref<1x80xi32, #tpu.memory_space<vmem>> -> memref<80xi32, #tpu.memory_space<vmem>>
      %dma_start3A_757 = arith.constant 0 : i32
      %dma_start3A_758 = arith.constant 0 : i32
      %dma_start3A_759 = tpu.memref_slice %arg3[%dma_start3A_757, %dma_start3A_758] : memref<10000x16xf32, #tpu.memory_space<hbm>> -> memref<10000x16xf32, #tpu.memory_space<hbm>>
      tpu.enqueue_indirect_dma source(%dma_start3A_759 : memref<10000x16xf32, #tpu.memory_space<hbm>>) target(%dma_start3A_753 : memref<80x16xf32, #tpu.memory_space<vmem>>) offsets(%dma_start3A_756 : memref<80xi32, #tpu.memory_space<vmem>>) semaphore(%arg9 : memref<!tpu.dma_semaphore, #tpu.memory_space<semaphore_mem>>)
      %add3A_760 = arith.constant 4 : i32
      %add3A_761 = arith.addi %mul3A_695, %add3A_760 : i32
      %dma_start3A_762 = arith.constant 0 : i32
      %dma_start3A_763 = arith.constant 4 : i32
      %dma_start3A_764 = arith.constant 0 : i32
      %dma_start3A_765 = arith.constant 0 : i32
      %dma_start3A_766 = tpu.memref_slice %arg7[%dma_start3A_762, %dma_start3A_763, %dma_start3A_764, %dma_start3A_765] : memref<2x5x80x16xf32, #tpu.memory_space<vmem>> -> memref<1x1x80x16xf32, #tpu.memory_space<vmem>>
      %dma_start3A_767 = tpu.memref_squeeze %dma_start3A_766 : memref<1x1x80x16xf32, #tpu.memory_space<vmem>> -> memref<80x16xf32, #tpu.memory_space<vmem>>
      %dma_start3A_768 = arith.constant 0 : i32
      %dma_start3A_769 = tpu.memref_slice %arg5[%add3A_761, %dma_start3A_768] : memref<125x80xi32, #tpu.memory_space<vmem>> -> memref<1x80xi32, #tpu.memory_space<vmem>>
      %dma_start3A_770 = tpu.memref_squeeze %dma_start3A_769 : memref<1x80xi32, #tpu.memory_space<vmem>> -> memref<80xi32, #tpu.memory_space<vmem>>
      %dma_start3A_771 = arith.constant 0 : i32
      %dma_start3A_772 = arith.constant 0 : i32
      %dma_start3A_773 = tpu.memref_slice %arg3[%dma_start3A_771, %dma_start3A_772] : memref<10000x16xf32, #tpu.memory_space<hbm>> -> memref<10000x16xf32, #tpu.memory_space<hbm>>
      tpu.enqueue_indirect_dma source(%dma_start3A_773 : memref<10000x16xf32, #tpu.memory_space<hbm>>) target(%dma_start3A_767 : memref<80x16xf32, #tpu.memory_space<vmem>>) offsets(%dma_start3A_770 : memref<80xi32, #tpu.memory_space<vmem>>) semaphore(%arg9 : memref<!tpu.dma_semaphore, #tpu.memory_space<semaphore_mem>>)
      %dma_wait3A_774 = arith.constant 0 : i32
      %dma_wait3A_775 = arith.constant 0 : i32
      %dma_wait3A_776 = arith.constant 0 : i32
      %dma_wait3A_777 = arith.constant 0 : i32
      %dma_wait3A_778 = tpu.memref_slice %arg7[%dma_wait3A_774, %dma_wait3A_775, %dma_wait3A_776, %dma_wait3A_777] : memref<2x5x80x16xf32, #tpu.memory_space<vmem>> -> memref<1x1x80x16xf32, #tpu.memory_space<vmem>>
      %dma_wait3A_779 = tpu.memref_squeeze %dma_wait3A_778 : memref<1x1x80x16xf32, #tpu.memory_space<vmem>> -> memref<80x16xf32, #tpu.memory_space<vmem>>
      %dma_wait3A_780 = arith.constant 0 : i32
      %dma_wait3A_781 = tpu.memref_slice %arg5[%add3A_705, %dma_wait3A_780] : memref<125x80xi32, #tpu.memory_space<vmem>> -> memref<1x80xi32, #tpu.memory_space<vmem>>
      %dma_wait3A_782 = tpu.memref_squeeze %dma_wait3A_781 : memref<1x80xi32, #tpu.memory_space<vmem>> -> memref<80xi32, #tpu.memory_space<vmem>>
      %dma_wait3A_783 = arith.constant 0 : i32
      %dma_wait3A_784 = arith.constant 0 : i32
      %dma_wait3A_785 = tpu.memref_slice %arg3[%dma_wait3A_783, %dma_wait3A_784] : memref<10000x16xf32, #tpu.memory_space<hbm>> -> memref<10000x16xf32, #tpu.memory_space<hbm>>
      tpu.wait_indirect_dma semaphore(%arg9 : memref<!tpu.dma_semaphore, #tpu.memory_space<semaphore_mem>>) src(%dma_wait3A_785 : memref<10000x16xf32, #tpu.memory_space<hbm>>) dst(%dma_wait3A_779 : memref<80x16xf32, #tpu.memory_space<vmem>>)
      %dma_wait3A_786 = arith.constant 0 : i32
      %dma_wait3A_787 = arith.constant 1 : i32
      %dma_wait3A_788 = arith.constant 0 : i32
      %dma_wait3A_789 = arith.constant 0 : i32
      %dma_wait3A_790 = tpu.memref_slice %arg7[%dma_wait3A_786, %dma_wait3A_787, %dma_wait3A_788, %dma_wait3A_789] : memref<2x5x80x16xf32, #tpu.memory_space<vmem>> -> memref<1x1x80x16xf32, #tpu.memory_space<vmem>>
      %dma_wait3A_791 = tpu.memref_squeeze %dma_wait3A_790 : memref<1x1x80x16xf32, #tpu.memory_space<vmem>> -> memref<80x16xf32, #tpu.memory_space<vmem>>
      %dma_wait3A_792 = arith.constant 0 : i32
      %dma_wait3A_793 = tpu.memref_slice %arg5[%add3A_719, %dma_wait3A_792] : memref<125x80xi32, #tpu.memory_space<vmem>> -> memref<1x80xi32, #tpu.memory_space<vmem>>
      %dma_wait3A_794 = tpu.memref_squeeze %dma_wait3A_793 : memref<1x80xi32, #tpu.memory_space<vmem>> -> memref<80xi32, #tpu.memory_space<vmem>>
      %dma_wait3A_795 = arith.constant 0 : i32
      %dma_wait3A_796 = arith.constant 0 : i32
      %dma_wait3A_797 = tpu.memref_slice %arg3[%dma_wait3A_795, %dma_wait3A_796] : memref<10000x16xf32, #tpu.memory_space<hbm>> -> memref<10000x16xf32, #tpu.memory_space<hbm>>
      tpu.wait_indirect_dma semaphore(%arg9 : memref<!tpu.dma_semaphore, #tpu.memory_space<semaphore_mem>>) src(%dma_wait3A_797 : memref<10000x16xf32, #tpu.memory_space<hbm>>) dst(%dma_wait3A_791 : memref<80x16xf32, #tpu.memory_space<vmem>>)
      %dma_wait3A_798 = arith.constant 0 : i32
      %dma_wait3A_799 = arith.constant 2 : i32
      %dma_wait3A_800 = arith.constant 0 : i32
      %dma_wait3A_801 = arith.constant 0 : i32
      %dma_wait3A_802 = tpu.memref_slice %arg7[%dma_wait3A_798, %dma_wait3A_799, %dma_wait3A_800, %dma_wait3A_801] : memref<2x5x80x16xf32, #tpu.memory_space<vmem>> -> memref<1x1x80x16xf32, #tpu.memory_space<vmem>>
      %dma_wait3A_803 = tpu.memref_squeeze %dma_wait3A_802 : memref<1x1x80x16xf32, #tpu.memory_space<vmem>> -> memref<80x16xf32, #tpu.memory_space<vmem>>
      %dma_wait3A_804 = arith.constant 0 : i32
      %dma_wait3A_805 = tpu.memref_slice %arg5[%add3A_733, %dma_wait3A_804] : memref<125x80xi32, #tpu.memory_space<vmem>> -> memref<1x80xi32, #tpu.memory_space<vmem>>
      %dma_wait3A_806 = tpu.memref_squeeze %dma_wait3A_805 : memref<1x80xi32, #tpu.memory_space<vmem>> -> memref<80xi32, #tpu.memory_space<vmem>>
      %dma_wait3A_807 = arith.constant 0 : i32
      %dma_wait3A_808 = arith.constant 0 : i32
      %dma_wait3A_809 = tpu.memref_slice %arg3[%dma_wait3A_807, %dma_wait3A_808] : memref<10000x16xf32, #tpu.memory_space<hbm>> -> memref<10000x16xf32, #tpu.memory_space<hbm>>
      tpu.wait_indirect_dma semaphore(%arg9 : memref<!tpu.dma_semaphore, #tpu.memory_space<semaphore_mem>>) src(%dma_wait3A_809 : memref<10000x16xf32, #tpu.memory_space<hbm>>) dst(%dma_wait3A_803 : memref<80x16xf32, #tpu.memory_space<vmem>>)
      %dma_wait3A_810 = arith.constant 0 : i32
      %dma_wait3A_811 = arith.constant 3 : i32
      %dma_wait3A_812 = arith.constant 0 : i32
      %dma_wait3A_813 = arith.constant 0 : i32
      %dma_wait3A_814 = tpu.memref_slice %arg7[%dma_wait3A_810, %dma_wait3A_811, %dma_wait3A_812, %dma_wait3A_813] : memref<2x5x80x16xf32, #tpu.memory_space<vmem>> -> memref<1x1x80x16xf32, #tpu.memory_space<vmem>>
      %dma_wait3A_815 = tpu.memref_squeeze %dma_wait3A_814 : memref<1x1x80x16xf32, #tpu.memory_space<vmem>> -> memref<80x16xf32, #tpu.memory_space<vmem>>
      %dma_wait3A_816 = arith.constant 0 : i32
      %dma_wait3A_817 = tpu.memref_slice %arg5[%add3A_747, %dma_wait3A_816] : memref<125x80xi32, #tpu.memory_space<vmem>> -> memref<1x80xi32, #tpu.memory_space<vmem>>
      %dma_wait3A_818 = tpu.memref_squeeze %dma_wait3A_817 : memref<1x80xi32, #tpu.memory_space<vmem>> -> memref<80xi32, #tpu.memory_space<vmem>>
      %dma_wait3A_819 = arith.constant 0 : i32
      %dma_wait3A_820 = arith.constant 0 : i32
      %dma_wait3A_821 = tpu.memref_slice %arg3[%dma_wait3A_819, %dma_wait3A_820] : memref<10000x16xf32, #tpu.memory_space<hbm>> -> memref<10000x16xf32, #tpu.memory_space<hbm>>
      tpu.wait_indirect_dma semaphore(%arg9 : memref<!tpu.dma_semaphore, #tpu.memory_space<semaphore_mem>>) src(%dma_wait3A_821 : memref<10000x16xf32, #tpu.memory_space<hbm>>) dst(%dma_wait3A_815 : memref<80x16xf32, #tpu.memory_space<vmem>>)
      %dma_wait3A_822 = arith.constant 0 : i32
      %dma_wait3A_823 = arith.constant 4 : i32
      %dma_wait3A_824 = arith.constant 0 : i32
      %dma_wait3A_825 = arith.constant 0 : i32
      %dma_wait3A_826 = tpu.memref_slice %arg7[%dma_wait3A_822, %dma_wait3A_823, %dma_wait3A_824, %dma_wait3A_825] : memref<2x5x80x16xf32, #tpu.memory_space<vmem>> -> memref<1x1x80x16xf32, #tpu.memory_space<vmem>>
      %dma_wait3A_827 = tpu.memref_squeeze %dma_wait3A_826 : memref<1x1x80x16xf32, #tpu.memory_space<vmem>> -> memref<80x16xf32, #tpu.memory_space<vmem>>
      %dma_wait3A_828 = arith.constant 0 : i32
      %dma_wait3A_829 = tpu.memref_slice %arg5[%add3A_761, %dma_wait3A_828] : memref<125x80xi32, #tpu.memory_space<vmem>> -> memref<1x80xi32, #tpu.memory_space<vmem>>
      %dma_wait3A_830 = tpu.memref_squeeze %dma_wait3A_829 : memref<1x80xi32, #tpu.memory_space<vmem>> -> memref<80xi32, #tpu.memory_space<vmem>>
      %dma_wait3A_831 = arith.constant 0 : i32
      %dma_wait3A_832 = arith.constant 0 : i32
      %dma_wait3A_833 = tpu.memref_slice %arg3[%dma_wait3A_831, %dma_wait3A_832] : memref<10000x16xf32, #tpu.memory_space<hbm>> -> memref<10000x16xf32, #tpu.memory_space<hbm>>
      tpu.wait_indirect_dma semaphore(%arg9 : memref<!tpu.dma_semaphore, #tpu.memory_space<semaphore_mem>>) src(%dma_wait3A_833 : memref<10000x16xf32, #tpu.memory_space<hbm>>) dst(%dma_wait3A_827 : memref<80x16xf32, #tpu.memory_space<vmem>>)
      %add3A_834 = arith.constant 0 : i32
      %add3A_835 = arith.addi %mul3A_695, %add3A_834 : i32
      %dma_start3A_836 = arith.constant 0 : i32
      %dma_start3A_837 = arith.constant 0 : i32
      %dma_start3A_838 = arith.constant 0 : i32
      %dma_start3A_839 = arith.constant 0 : i32
      %dma_start3A_840 = tpu.memref_slice %arg7[%dma_start3A_836, %dma_start3A_837, %dma_start3A_838, %dma_start3A_839] : memref<2x5x80x16xf32, #tpu.memory_space<vmem>> -> memref<1x1x80x16xf32, #tpu.memory_space<vmem>>
      %dma_start3A_841 = tpu.memref_squeeze %dma_start3A_840 : memref<1x1x80x16xf32, #tpu.memory_space<vmem>> -> memref<80x16xf32, #tpu.memory_space<vmem>>
      %dma_start3A_842 = arith.constant 0 : i32
      %dma_start3A_843 = tpu.memref_slice %arg6[%add3A_835, %dma_start3A_842] : memref<125x80xi32, #tpu.memory_space<vmem>> -> memref<1x80xi32, #tpu.memory_space<vmem>>
      %dma_start3A_844 = tpu.memref_squeeze %dma_start3A_843 : memref<1x80xi32, #tpu.memory_space<vmem>> -> memref<80xi32, #tpu.memory_space<vmem>>
      %dma_start3A_845 = arith.constant 0 : i32
      %dma_start3A_846 = arith.constant 0 : i32
      %dma_start3A_847 = tpu.memref_slice %arg8[%dma_start3A_845, %dma_start3A_846] : memref<10240x16xf32, #tpu.memory_space<vmem_shared>> -> memref<10240x16xf32, #tpu.memory_space<vmem_shared>>
      tpu.enqueue_indirect_dma source(%dma_start3A_841 : memref<80x16xf32, #tpu.memory_space<vmem>>) target(%dma_start3A_847 : memref<10240x16xf32, #tpu.memory_space<vmem_shared>>) offsets(%dma_start3A_844 : memref<80xi32, #tpu.memory_space<vmem>>) semaphore(%arg11 : memref<!tpu.dma_semaphore, #tpu.memory_space<semaphore_mem>>) {add = true}
      %add3A_848 = arith.constant 1 : i32
      %add3A_849 = arith.addi %mul3A_695, %add3A_848 : i32
      %dma_start3A_850 = arith.constant 0 : i32
      %dma_start3A_851 = arith.constant 1 : i32
      %dma_start3A_852 = arith.constant 0 : i32
      %dma_start3A_853 = arith.constant 0 : i32
      %dma_start3A_854 = tpu.memref_slice %arg7[%dma_start3A_850, %dma_start3A_851, %dma_start3A_852, %dma_start3A_853] : memref<2x5x80x16xf32, #tpu.memory_space<vmem>> -> memref<1x1x80x16xf32, #tpu.memory_space<vmem>>
      %dma_start3A_855 = tpu.memref_squeeze %dma_start3A_854 : memref<1x1x80x16xf32, #tpu.memory_space<vmem>> -> memref<80x16xf32, #tpu.memory_space<vmem>>
      %dma_start3A_856 = arith.constant 0 : i32
      %dma_start3A_857 = tpu.memref_slice %arg6[%add3A_849, %dma_start3A_856] : memref<125x80xi32, #tpu.memory_space<vmem>> -> memref<1x80xi32, #tpu.memory_space<vmem>>
      %dma_start3A_858 = tpu.memref_squeeze %dma_start3A_857 : memref<1x80xi32, #tpu.memory_space<vmem>> -> memref<80xi32, #tpu.memory_space<vmem>>
      %dma_start3A_859 = arith.constant 0 : i32
      %dma_start3A_860 = arith.constant 0 : i32
      %dma_start3A_861 = tpu.memref_slice %arg8[%dma_start3A_859, %dma_start3A_860] : memref<10240x16xf32, #tpu.memory_space<vmem_shared>> -> memref<10240x16xf32, #tpu.memory_space<vmem_shared>>
      tpu.enqueue_indirect_dma source(%dma_start3A_855 : memref<80x16xf32, #tpu.memory_space<vmem>>) target(%dma_start3A_861 : memref<10240x16xf32, #tpu.memory_space<vmem_shared>>) offsets(%dma_start3A_858 : memref<80xi32, #tpu.memory_space<vmem>>) semaphore(%arg11 : memref<!tpu.dma_semaphore, #tpu.memory_space<semaphore_mem>>) {add = true}
      %add3A_862 = arith.constant 2 : i32
      %add3A_863 = arith.addi %mul3A_695, %add3A_862 : i32
      %dma_start3A_864 = arith.constant 0 : i32
      %dma_start3A_865 = arith.constant 2 : i32
      %dma_start3A_866 = arith.constant 0 : i32
      %dma_start3A_867 = arith.constant 0 : i32
      %dma_start3A_868 = tpu.memref_slice %arg7[%dma_start3A_864, %dma_start3A_865, %dma_start3A_866, %dma_start3A_867] : memref<2x5x80x16xf32, #tpu.memory_space<vmem>> -> memref<1x1x80x16xf32, #tpu.memory_space<vmem>>
      %dma_start3A_869 = tpu.memref_squeeze %dma_start3A_868 : memref<1x1x80x16xf32, #tpu.memory_space<vmem>> -> memref<80x16xf32, #tpu.memory_space<vmem>>
      %dma_start3A_870 = arith.constant 0 : i32
      %dma_start3A_871 = tpu.memref_slice %arg6[%add3A_863, %dma_start3A_870] : memref<125x80xi32, #tpu.memory_space<vmem>> -> memref<1x80xi32, #tpu.memory_space<vmem>>
      %dma_start3A_872 = tpu.memref_squeeze %dma_start3A_871 : memref<1x80xi32, #tpu.memory_space<vmem>> -> memref<80xi32, #tpu.memory_space<vmem>>
      %dma_start3A_873 = arith.constant 0 : i32
      %dma_start3A_874 = arith.constant 0 : i32
      %dma_start3A_875 = tpu.memref_slice %arg8[%dma_start3A_873, %dma_start3A_874] : memref<10240x16xf32, #tpu.memory_space<vmem_shared>> -> memref<10240x16xf32, #tpu.memory_space<vmem_shared>>
      tpu.enqueue_indirect_dma source(%dma_start3A_869 : memref<80x16xf32, #tpu.memory_space<vmem>>) target(%dma_start3A_875 : memref<10240x16xf32, #tpu.memory_space<vmem_shared>>) offsets(%dma_start3A_872 : memref<80xi32, #tpu.memory_space<vmem>>) semaphore(%arg11 : memref<!tpu.dma_semaphore, #tpu.memory_space<semaphore_mem>>) {add = true}
      %add3A_876 = arith.constant 3 : i32
      %add3A_877 = arith.addi %mul3A_695, %add3A_876 : i32
      %dma_start3A_878 = arith.constant 0 : i32
      %dma_start3A_879 = arith.constant 3 : i32
      %dma_start3A_880 = arith.constant 0 : i32
      %dma_start3A_881 = arith.constant 0 : i32
      %dma_start3A_882 = tpu.memref_slice %arg7[%dma_start3A_878, %dma_start3A_879, %dma_start3A_880, %dma_start3A_881] : memref<2x5x80x16xf32, #tpu.memory_space<vmem>> -> memref<1x1x80x16xf32, #tpu.memory_space<vmem>>
      %dma_start3A_883 = tpu.memref_squeeze %dma_start3A_882 : memref<1x1x80x16xf32, #tpu.memory_space<vmem>> -> memref<80x16xf32, #tpu.memory_space<vmem>>
      %dma_start3A_884 = arith.constant 0 : i32
      %dma_start3A_885 = tpu.memref_slice %arg6[%add3A_877, %dma_start3A_884] : memref<125x80xi32, #tpu.memory_space<vmem>> -> memref<1x80xi32, #tpu.memory_space<vmem>>
      %dma_start3A_886 = tpu.memref_squeeze %dma_start3A_885 : memref<1x80xi32, #tpu.memory_space<vmem>> -> memref<80xi32, #tpu.memory_space<vmem>>
      %dma_start3A_887 = arith.constant 0 : i32
      %dma_start3A_888 = arith.constant 0 : i32
      %dma_start3A_889 = tpu.memref_slice %arg8[%dma_start3A_887, %dma_start3A_888] : memref<10240x16xf32, #tpu.memory_space<vmem_shared>> -> memref<10240x16xf32, #tpu.memory_space<vmem_shared>>
      tpu.enqueue_indirect_dma source(%dma_start3A_883 : memref<80x16xf32, #tpu.memory_space<vmem>>) target(%dma_start3A_889 : memref<10240x16xf32, #tpu.memory_space<vmem_shared>>) offsets(%dma_start3A_886 : memref<80xi32, #tpu.memory_space<vmem>>) semaphore(%arg11 : memref<!tpu.dma_semaphore, #tpu.memory_space<semaphore_mem>>) {add = true}
      %add3A_890 = arith.constant 4 : i32
      %add3A_891 = arith.addi %mul3A_695, %add3A_890 : i32
      %dma_start3A_892 = arith.constant 0 : i32
      %dma_start3A_893 = arith.constant 4 : i32
      %dma_start3A_894 = arith.constant 0 : i32
      %dma_start3A_895 = arith.constant 0 : i32
      %dma_start3A_896 = tpu.memref_slice %arg7[%dma_start3A_892, %dma_start3A_893, %dma_start3A_894, %dma_start3A_895] : memref<2x5x80x16xf32, #tpu.memory_space<vmem>> -> memref<1x1x80x16xf32, #tpu.memory_space<vmem>>
      %dma_start3A_897 = tpu.memref_squeeze %dma_start3A_896 : memref<1x1x80x16xf32, #tpu.memory_space<vmem>> -> memref<80x16xf32, #tpu.memory_space<vmem>>
      %dma_start3A_898 = arith.constant 0 : i32
      %dma_start3A_899 = tpu.memref_slice %arg6[%add3A_891, %dma_start3A_898] : memref<125x80xi32, #tpu.memory_space<vmem>> -> memref<1x80xi32, #tpu.memory_space<vmem>>
      %dma_start3A_900 = tpu.memref_squeeze %dma_start3A_899 : memref<1x80xi32, #tpu.memory_space<vmem>> -> memref<80xi32, #tpu.memory_space<vmem>>
      %dma_start3A_901 = arith.constant 0 : i32
      %dma_start3A_902 = arith.constant 0 : i32
      %dma_start3A_903 = tpu.memref_slice %arg8[%dma_start3A_901, %dma_start3A_902] : memref<10240x16xf32, #tpu.memory_space<vmem_shared>> -> memref<10240x16xf32, #tpu.memory_space<vmem_shared>>
      tpu.enqueue_indirect_dma source(%dma_start3A_897 : memref<80x16xf32, #tpu.memory_space<vmem>>) target(%dma_start3A_903 : memref<10240x16xf32, #tpu.memory_space<vmem_shared>>) offsets(%dma_start3A_900 : memref<80xi32, #tpu.memory_space<vmem>>) semaphore(%arg11 : memref<!tpu.dma_semaphore, #tpu.memory_space<semaphore_mem>>) {add = true}
      %gt3A_904 = arith.constant 0 : i32
      %gt3A_905 = arith.cmpi sgt, %scan3A_691, %gt3A_904 : i32
      %convert_element_type3A_906 = arith.extui %gt3A_905 : i1 to i32
      %cond3A_907 = arith.constant 0 : i32
      %cond3A_908 = arith.cmpi ne, %convert_element_type3A_906, %cond3A_907 : i32
      scf.if %cond3A_908 {
        %dma_wait3A_1109 = arith.constant 1 : i32
        %dma_wait3A_1110 = arith.constant 0 : i32
        %dma_wait3A_1111 = arith.constant 0 : i32
        %dma_wait3A_1112 = arith.constant 0 : i32
        %dma_wait3A_1113 = tpu.memref_slice %arg7[%dma_wait3A_1109, %dma_wait3A_1110, %dma_wait3A_1111, %dma_wait3A_1112] : memref<2x5x80x16xf32, #tpu.memory_space<vmem>> -> memref<1x1x80x16xf32, #tpu.memory_space<vmem>>
        %dma_wait3A_1114 = tpu.memref_squeeze %dma_wait3A_1113 : memref<1x1x80x16xf32, #tpu.memory_space<vmem>> -> memref<80x16xf32, #tpu.memory_space<vmem>>
        %dma_wait3A_1115 = arith.constant 0 : i32
        %dma_wait3A_1116 = arith.constant 0 : i32
        %dma_wait3A_1117 = tpu.memref_slice %arg3[%dma_wait3A_1115, %dma_wait3A_1116] : memref<10000x16xf32, #tpu.memory_space<hbm>> -> memref<80x16xf32, #tpu.memory_space<hbm>>
        %dma_wait3A_1118 = arith.constant 0 : i32
        %dma_wait3A_1119 = arith.constant 0 : i32
        %dma_wait3A_1120 = tpu.memref_slice %arg7[%dma_wait3A_1109, %dma_wait3A_1110, %dma_wait3A_1118, %dma_wait3A_1119] : memref<2x5x80x16xf32, #tpu.memory_space<vmem>> -> memref<1x1x80x16xf32, #tpu.memory_space<vmem>>
        %dma_wait3A_1121 = tpu.memref_squeeze %dma_wait3A_1120 : memref<1x1x80x16xf32, #tpu.memory_space<vmem>> -> memref<80x16xf32, #tpu.memory_space<vmem>>
        %dma_wait3A_1122 = arith.constant 0 : i32
        %dma_wait3A_1123 = arith.constant 0 : i32
        %dma_wait3A_1124 = tpu.memref_slice %arg3[%dma_wait3A_1122, %dma_wait3A_1123] : memref<10000x16xf32, #tpu.memory_space<hbm>> -> memref<80x16xf32, #tpu.memory_space<hbm>>
        tpu.wait_dma2 semaphore(%arg12 : memref<!tpu.dma_semaphore, #tpu.memory_space<semaphore_mem>>) src(%dma_wait3A_1124 : memref<80x16xf32, #tpu.memory_space<hbm>>) dst(%dma_wait3A_1121 : memref<80x16xf32, #tpu.memory_space<vmem>>)
        %dma_wait3A_1125 = arith.constant 1 : i32
        %dma_wait3A_1126 = arith.constant 1 : i32
        %dma_wait3A_1127 = arith.constant 0 : i32
        %dma_wait3A_1128 = arith.constant 0 : i32
        %dma_wait3A_1129 = tpu.memref_slice %arg7[%dma_wait3A_1125, %dma_wait3A_1126, %dma_wait3A_1127, %dma_wait3A_1128] : memref<2x5x80x16xf32, #tpu.memory_space<vmem>> -> memref<1x1x80x16xf32, #tpu.memory_space<vmem>>
        %dma_wait3A_1130 = tpu.memref_squeeze %dma_wait3A_1129 : memref<1x1x80x16xf32, #tpu.memory_space<vmem>> -> memref<80x16xf32, #tpu.memory_space<vmem>>
        %dma_wait3A_1131 = arith.constant 0 : i32
        %dma_wait3A_1132 = arith.constant 0 : i32
        %dma_wait3A_1133 = tpu.memref_slice %arg3[%dma_wait3A_1131, %dma_wait3A_1132] : memref<10000x16xf32, #tpu.memory_space<hbm>> -> memref<80x16xf32, #tpu.memory_space<hbm>>
        %dma_wait3A_1134 = arith.constant 0 : i32
        %dma_wait3A_1135 = arith.constant 0 : i32
        %dma_wait3A_1136 = tpu.memref_slice %arg7[%dma_wait3A_1125, %dma_wait3A_1126, %dma_wait3A_1134, %dma_wait3A_1135] : memref<2x5x80x16xf32, #tpu.memory_space<vmem>> -> memref<1x1x80x16xf32, #tpu.memory_space<vmem>>
        %dma_wait3A_1137 = tpu.memref_squeeze %dma_wait3A_1136 : memref<1x1x80x16xf32, #tpu.memory_space<vmem>> -> memref<80x16xf32, #tpu.memory_space<vmem>>
        %dma_wait3A_1138 = arith.constant 0 : i32
        %dma_wait3A_1139 = arith.constant 0 : i32
        %dma_wait3A_1140 = tpu.memref_slice %arg3[%dma_wait3A_1138, %dma_wait3A_1139] : memref<10000x16xf32, #tpu.memory_space<hbm>> -> memref<80x16xf32, #tpu.memory_space<hbm>>
        tpu.wait_dma2 semaphore(%arg12 : memref<!tpu.dma_semaphore, #tpu.memory_space<semaphore_mem>>) src(%dma_wait3A_1140 : memref<80x16xf32, #tpu.memory_space<hbm>>) dst(%dma_wait3A_1137 : memref<80x16xf32, #tpu.memory_space<vmem>>)
        %dma_wait3A_1141 = arith.constant 1 : i32
        %dma_wait3A_1142 = arith.constant 2 : i32
        %dma_wait3A_1143 = arith.constant 0 : i32
        %dma_wait3A_1144 = arith.constant 0 : i32
        %dma_wait3A_1145 = tpu.memref_slice %arg7[%dma_wait3A_1141, %dma_wait3A_1142, %dma_wait3A_1143, %dma_wait3A_1144] : memref<2x5x80x16xf32, #tpu.memory_space<vmem>> -> memref<1x1x80x16xf32, #tpu.memory_space<vmem>>
        %dma_wait3A_1146 = tpu.memref_squeeze %dma_wait3A_1145 : memref<1x1x80x16xf32, #tpu.memory_space<vmem>> -> memref<80x16xf32, #tpu.memory_space<vmem>>
        %dma_wait3A_1147 = arith.constant 0 : i32
        %dma_wait3A_1148 = arith.constant 0 : i32
        %dma_wait3A_1149 = tpu.memref_slice %arg3[%dma_wait3A_1147, %dma_wait3A_1148] : memref<10000x16xf32, #tpu.memory_space<hbm>> -> memref<80x16xf32, #tpu.memory_space<hbm>>
        %dma_wait3A_1150 = arith.constant 0 : i32
        %dma_wait3A_1151 = arith.constant 0 : i32
        %dma_wait3A_1152 = tpu.memref_slice %arg7[%dma_wait3A_1141, %dma_wait3A_1142, %dma_wait3A_1150, %dma_wait3A_1151] : memref<2x5x80x16xf32, #tpu.memory_space<vmem>> -> memref<1x1x80x16xf32, #tpu.memory_space<vmem>>
        %dma_wait3A_1153 = tpu.memref_squeeze %dma_wait3A_1152 : memref<1x1x80x16xf32, #tpu.memory_space<vmem>> -> memref<80x16xf32, #tpu.memory_space<vmem>>
        %dma_wait3A_1154 = arith.constant 0 : i32
        %dma_wait3A_1155 = arith.constant 0 : i32
        %dma_wait3A_1156 = tpu.memref_slice %arg3[%dma_wait3A_1154, %dma_wait3A_1155] : memref<10000x16xf32, #tpu.memory_space<hbm>> -> memref<80x16xf32, #tpu.memory_space<hbm>>
        tpu.wait_dma2 semaphore(%arg12 : memref<!tpu.dma_semaphore, #tpu.memory_space<semaphore_mem>>) src(%dma_wait3A_1156 : memref<80x16xf32, #tpu.memory_space<hbm>>) dst(%dma_wait3A_1153 : memref<80x16xf32, #tpu.memory_space<vmem>>)
        %dma_wait3A_1157 = arith.constant 1 : i32
        %dma_wait3A_1158 = arith.constant 3 : i32
        %dma_wait3A_1159 = arith.constant 0 : i32
        %dma_wait3A_1160 = arith.constant 0 : i32
        %dma_wait3A_1161 = tpu.memref_slice %arg7[%dma_wait3A_1157, %dma_wait3A_1158, %dma_wait3A_1159, %dma_wait3A_1160] : memref<2x5x80x16xf32, #tpu.memory_space<vmem>> -> memref<1x1x80x16xf32, #tpu.memory_space<vmem>>
        %dma_wait3A_1162 = tpu.memref_squeeze %dma_wait3A_1161 : memref<1x1x80x16xf32, #tpu.memory_space<vmem>> -> memref<80x16xf32, #tpu.memory_space<vmem>>
        %dma_wait3A_1163 = arith.constant 0 : i32
        %dma_wait3A_1164 = arith.constant 0 : i32
        %dma_wait3A_1165 = tpu.memref_slice %arg3[%dma_wait3A_1163, %dma_wait3A_1164] : memref<10000x16xf32, #tpu.memory_space<hbm>> -> memref<80x16xf32, #tpu.memory_space<hbm>>
        %dma_wait3A_1166 = arith.constant 0 : i32
        %dma_wait3A_1167 = arith.constant 0 : i32
        %dma_wait3A_1168 = tpu.memref_slice %arg7[%dma_wait3A_1157, %dma_wait3A_1158, %dma_wait3A_1166, %dma_wait3A_1167] : memref<2x5x80x16xf32, #tpu.memory_space<vmem>> -> memref<1x1x80x16xf32, #tpu.memory_space<vmem>>
        %dma_wait3A_1169 = tpu.memref_squeeze %dma_wait3A_1168 : memref<1x1x80x16xf32, #tpu.memory_space<vmem>> -> memref<80x16xf32, #tpu.memory_space<vmem>>
        %dma_wait3A_1170 = arith.constant 0 : i32
        %dma_wait3A_1171 = arith.constant 0 : i32
        %dma_wait3A_1172 = tpu.memref_slice %arg3[%dma_wait3A_1170, %dma_wait3A_1171] : memref<10000x16xf32, #tpu.memory_space<hbm>> -> memref<80x16xf32, #tpu.memory_space<hbm>>
        tpu.wait_dma2 semaphore(%arg12 : memref<!tpu.dma_semaphore, #tpu.memory_space<semaphore_mem>>) src(%dma_wait3A_1172 : memref<80x16xf32, #tpu.memory_space<hbm>>) dst(%dma_wait3A_1169 : memref<80x16xf32, #tpu.memory_space<vmem>>)
        %dma_wait3A_1173 = arith.constant 1 : i32
        %dma_wait3A_1174 = arith.constant 4 : i32
        %dma_wait3A_1175 = arith.constant 0 : i32
        %dma_wait3A_1176 = arith.constant 0 : i32
        %dma_wait3A_1177 = tpu.memref_slice %arg7[%dma_wait3A_1173, %dma_wait3A_1174, %dma_wait3A_1175, %dma_wait3A_1176] : memref<2x5x80x16xf32, #tpu.memory_space<vmem>> -> memref<1x1x80x16xf32, #tpu.memory_space<vmem>>
        %dma_wait3A_1178 = tpu.memref_squeeze %dma_wait3A_1177 : memref<1x1x80x16xf32, #tpu.memory_space<vmem>> -> memref<80x16xf32, #tpu.memory_space<vmem>>
        %dma_wait3A_1179 = arith.constant 0 : i32
        %dma_wait3A_1180 = arith.constant 0 : i32
        %dma_wait3A_1181 = tpu.memref_slice %arg3[%dma_wait3A_1179, %dma_wait3A_1180] : memref<10000x16xf32, #tpu.memory_space<hbm>> -> memref<80x16xf32, #tpu.memory_space<hbm>>
        %dma_wait3A_1182 = arith.constant 0 : i32
        %dma_wait3A_1183 = arith.constant 0 : i32
        %dma_wait3A_1184 = tpu.memref_slice %arg7[%dma_wait3A_1173, %dma_wait3A_1174, %dma_wait3A_1182, %dma_wait3A_1183] : memref<2x5x80x16xf32, #tpu.memory_space<vmem>> -> memref<1x1x80x16xf32, #tpu.memory_space<vmem>>
        %dma_wait3A_1185 = tpu.memref_squeeze %dma_wait3A_1184 : memref<1x1x80x16xf32, #tpu.memory_space<vmem>> -> memref<80x16xf32, #tpu.memory_space<vmem>>
        %dma_wait3A_1186 = arith.constant 0 : i32
        %dma_wait3A_1187 = arith.constant 0 : i32
        %dma_wait3A_1188 = tpu.memref_slice %arg3[%dma_wait3A_1186, %dma_wait3A_1187] : memref<10000x16xf32, #tpu.memory_space<hbm>> -> memref<80x16xf32, #tpu.memory_space<hbm>>
        tpu.wait_dma2 semaphore(%arg12 : memref<!tpu.dma_semaphore, #tpu.memory_space<semaphore_mem>>) src(%dma_wait3A_1188 : memref<80x16xf32, #tpu.memory_space<hbm>>) dst(%dma_wait3A_1185 : memref<80x16xf32, #tpu.memory_space<vmem>>)
      } else {
      }
      %add3A_909 = arith.constant 0 : i32
      %add3A_910 = arith.addi %mul3A_701, %add3A_909 : i32
      %dma_start3A_911 = arith.constant 1 : i32
      %dma_start3A_912 = arith.constant 0 : i32
      %dma_start3A_913 = arith.constant 0 : i32
      %dma_start3A_914 = arith.constant 0 : i32
      %dma_start3A_915 = tpu.memref_slice %arg7[%dma_start3A_911, %dma_start3A_912, %dma_start3A_913, %dma_start3A_914] : memref<2x5x80x16xf32, #tpu.memory_space<vmem>> -> memref<1x1x80x16xf32, #tpu.memory_space<vmem>>
      %dma_start3A_916 = tpu.memref_squeeze %dma_start3A_915 : memref<1x1x80x16xf32, #tpu.memory_space<vmem>> -> memref<80x16xf32, #tpu.memory_space<vmem>>
      %dma_start3A_917 = arith.constant 0 : i32
      %dma_start3A_918 = tpu.memref_slice %arg5[%add3A_910, %dma_start3A_917] : memref<125x80xi32, #tpu.memory_space<vmem>> -> memref<1x80xi32, #tpu.memory_space<vmem>>
      %dma_start3A_919 = tpu.memref_squeeze %dma_start3A_918 : memref<1x80xi32, #tpu.memory_space<vmem>> -> memref<80xi32, #tpu.memory_space<vmem>>
      %dma_start3A_920 = arith.constant 0 : i32
      %dma_start3A_921 = arith.constant 0 : i32
      %dma_start3A_922 = tpu.memref_slice %arg3[%dma_start3A_920, %dma_start3A_921] : memref<10000x16xf32, #tpu.memory_space<hbm>> -> memref<10000x16xf32, #tpu.memory_space<hbm>>
      tpu.enqueue_indirect_dma source(%dma_start3A_922 : memref<10000x16xf32, #tpu.memory_space<hbm>>) target(%dma_start3A_916 : memref<80x16xf32, #tpu.memory_space<vmem>>) offsets(%dma_start3A_919 : memref<80xi32, #tpu.memory_space<vmem>>) semaphore(%arg10 : memref<!tpu.dma_semaphore, #tpu.memory_space<semaphore_mem>>)
      %add3A_923 = arith.constant 1 : i32
      %add3A_924 = arith.addi %mul3A_701, %add3A_923 : i32
      %dma_start3A_925 = arith.constant 1 : i32
      %dma_start3A_926 = arith.constant 1 : i32
      %dma_start3A_927 = arith.constant 0 : i32
      %dma_start3A_928 = arith.constant 0 : i32
      %dma_start3A_929 = tpu.memref_slice %arg7[%dma_start3A_925, %dma_start3A_926, %dma_start3A_927, %dma_start3A_928] : memref<2x5x80x16xf32, #tpu.memory_space<vmem>> -> memref<1x1x80x16xf32, #tpu.memory_space<vmem>>
      %dma_start3A_930 = tpu.memref_squeeze %dma_start3A_929 : memref<1x1x80x16xf32, #tpu.memory_space<vmem>> -> memref<80x16xf32, #tpu.memory_space<vmem>>
      %dma_start3A_931 = arith.constant 0 : i32
      %dma_start3A_932 = tpu.memref_slice %arg5[%add3A_924, %dma_start3A_931] : memref<125x80xi32, #tpu.memory_space<vmem>> -> memref<1x80xi32, #tpu.memory_space<vmem>>
      %dma_start3A_933 = tpu.memref_squeeze %dma_start3A_932 : memref<1x80xi32, #tpu.memory_space<vmem>> -> memref<80xi32, #tpu.memory_space<vmem>>
      %dma_start3A_934 = arith.constant 0 : i32
      %dma_start3A_935 = arith.constant 0 : i32
      %dma_start3A_936 = tpu.memref_slice %arg3[%dma_start3A_934, %dma_start3A_935] : memref<10000x16xf32, #tpu.memory_space<hbm>> -> memref<10000x16xf32, #tpu.memory_space<hbm>>
      tpu.enqueue_indirect_dma source(%dma_start3A_936 : memref<10000x16xf32, #tpu.memory_space<hbm>>) target(%dma_start3A_930 : memref<80x16xf32, #tpu.memory_space<vmem>>) offsets(%dma_start3A_933 : memref<80xi32, #tpu.memory_space<vmem>>) semaphore(%arg10 : memref<!tpu.dma_semaphore, #tpu.memory_space<semaphore_mem>>)
      %add3A_937 = arith.constant 2 : i32
      %add3A_938 = arith.addi %mul3A_701, %add3A_937 : i32
      %dma_start3A_939 = arith.constant 1 : i32
      %dma_start3A_940 = arith.constant 2 : i32
      %dma_start3A_941 = arith.constant 0 : i32
      %dma_start3A_942 = arith.constant 0 : i32
      %dma_start3A_943 = tpu.memref_slice %arg7[%dma_start3A_939, %dma_start3A_940, %dma_start3A_941, %dma_start3A_942] : memref<2x5x80x16xf32, #tpu.memory_space<vmem>> -> memref<1x1x80x16xf32, #tpu.memory_space<vmem>>
      %dma_start3A_944 = tpu.memref_squeeze %dma_start3A_943 : memref<1x1x80x16xf32, #tpu.memory_space<vmem>> -> memref<80x16xf32, #tpu.memory_space<vmem>>
      %dma_start3A_945 = arith.constant 0 : i32
      %dma_start3A_946 = tpu.memref_slice %arg5[%add3A_938, %dma_start3A_945] : memref<125x80xi32, #tpu.memory_space<vmem>> -> memref<1x80xi32, #tpu.memory_space<vmem>>
      %dma_start3A_947 = tpu.memref_squeeze %dma_start3A_946 : memref<1x80xi32, #tpu.memory_space<vmem>> -> memref<80xi32, #tpu.memory_space<vmem>>
      %dma_start3A_948 = arith.constant 0 : i32
      %dma_start3A_949 = arith.constant 0 : i32
      %dma_start3A_950 = tpu.memref_slice %arg3[%dma_start3A_948, %dma_start3A_949] : memref<10000x16xf32, #tpu.memory_space<hbm>> -> memref<10000x16xf32, #tpu.memory_space<hbm>>
      tpu.enqueue_indirect_dma source(%dma_start3A_950 : memref<10000x16xf32, #tpu.memory_space<hbm>>) target(%dma_start3A_944 : memref<80x16xf32, #tpu.memory_space<vmem>>) offsets(%dma_start3A_947 : memref<80xi32, #tpu.memory_space<vmem>>) semaphore(%arg10 : memref<!tpu.dma_semaphore, #tpu.memory_space<semaphore_mem>>)
      %add3A_951 = arith.constant 3 : i32
      %add3A_952 = arith.addi %mul3A_701, %add3A_951 : i32
      %dma_start3A_953 = arith.constant 1 : i32
      %dma_start3A_954 = arith.constant 3 : i32
      %dma_start3A_955 = arith.constant 0 : i32
      %dma_start3A_956 = arith.constant 0 : i32
      %dma_start3A_957 = tpu.memref_slice %arg7[%dma_start3A_953, %dma_start3A_954, %dma_start3A_955, %dma_start3A_956] : memref<2x5x80x16xf32, #tpu.memory_space<vmem>> -> memref<1x1x80x16xf32, #tpu.memory_space<vmem>>
      %dma_start3A_958 = tpu.memref_squeeze %dma_start3A_957 : memref<1x1x80x16xf32, #tpu.memory_space<vmem>> -> memref<80x16xf32, #tpu.memory_space<vmem>>
      %dma_start3A_959 = arith.constant 0 : i32
      %dma_start3A_960 = tpu.memref_slice %arg5[%add3A_952, %dma_start3A_959] : memref<125x80xi32, #tpu.memory_space<vmem>> -> memref<1x80xi32, #tpu.memory_space<vmem>>
      %dma_start3A_961 = tpu.memref_squeeze %dma_start3A_960 : memref<1x80xi32, #tpu.memory_space<vmem>> -> memref<80xi32, #tpu.memory_space<vmem>>
      %dma_start3A_962 = arith.constant 0 : i32
      %dma_start3A_963 = arith.constant 0 : i32
      %dma_start3A_964 = tpu.memref_slice %arg3[%dma_start3A_962, %dma_start3A_963] : memref<10000x16xf32, #tpu.memory_space<hbm>> -> memref<10000x16xf32, #tpu.memory_space<hbm>>
      tpu.enqueue_indirect_dma source(%dma_start3A_964 : memref<10000x16xf32, #tpu.memory_space<hbm>>) target(%dma_start3A_958 : memref<80x16xf32, #tpu.memory_space<vmem>>) offsets(%dma_start3A_961 : memref<80xi32, #tpu.memory_space<vmem>>) semaphore(%arg10 : memref<!tpu.dma_semaphore, #tpu.memory_space<semaphore_mem>>)
      %add3A_965 = arith.constant 4 : i32
      %add3A_966 = arith.addi %mul3A_701, %add3A_965 : i32
      %dma_start3A_967 = arith.constant 1 : i32
      %dma_start3A_968 = arith.constant 4 : i32
      %dma_start3A_969 = arith.constant 0 : i32
      %dma_start3A_970 = arith.constant 0 : i32
      %dma_start3A_971 = tpu.memref_slice %arg7[%dma_start3A_967, %dma_start3A_968, %dma_start3A_969, %dma_start3A_970] : memref<2x5x80x16xf32, #tpu.memory_space<vmem>> -> memref<1x1x80x16xf32, #tpu.memory_space<vmem>>
      %dma_start3A_972 = tpu.memref_squeeze %dma_start3A_971 : memref<1x1x80x16xf32, #tpu.memory_space<vmem>> -> memref<80x16xf32, #tpu.memory_space<vmem>>
      %dma_start3A_973 = arith.constant 0 : i32
      %dma_start3A_974 = tpu.memref_slice %arg5[%add3A_966, %dma_start3A_973] : memref<125x80xi32, #tpu.memory_space<vmem>> -> memref<1x80xi32, #tpu.memory_space<vmem>>
      %dma_start3A_975 = tpu.memref_squeeze %dma_start3A_974 : memref<1x80xi32, #tpu.memory_space<vmem>> -> memref<80xi32, #tpu.memory_space<vmem>>
      %dma_start3A_976 = arith.constant 0 : i32
      %dma_start3A_977 = arith.constant 0 : i32
      %dma_start3A_978 = tpu.memref_slice %arg3[%dma_start3A_976, %dma_start3A_977] : memref<10000x16xf32, #tpu.memory_space<hbm>> -> memref<10000x16xf32, #tpu.memory_space<hbm>>
      tpu.enqueue_indirect_dma source(%dma_start3A_978 : memref<10000x16xf32, #tpu.memory_space<hbm>>) target(%dma_start3A_972 : memref<80x16xf32, #tpu.memory_space<vmem>>) offsets(%dma_start3A_975 : memref<80xi32, #tpu.memory_space<vmem>>) semaphore(%arg10 : memref<!tpu.dma_semaphore, #tpu.memory_space<semaphore_mem>>)
      %dma_wait3A_979 = arith.constant 1 : i32
      %dma_wait3A_980 = arith.constant 0 : i32
      %dma_wait3A_981 = arith.constant 0 : i32
      %dma_wait3A_982 = arith.constant 0 : i32
      %dma_wait3A_983 = tpu.memref_slice %arg7[%dma_wait3A_979, %dma_wait3A_980, %dma_wait3A_981, %dma_wait3A_982] : memref<2x5x80x16xf32, #tpu.memory_space<vmem>> -> memref<1x1x80x16xf32, #tpu.memory_space<vmem>>
      %dma_wait3A_984 = tpu.memref_squeeze %dma_wait3A_983 : memref<1x1x80x16xf32, #tpu.memory_space<vmem>> -> memref<80x16xf32, #tpu.memory_space<vmem>>
      %dma_wait3A_985 = arith.constant 0 : i32
      %dma_wait3A_986 = tpu.memref_slice %arg5[%add3A_910, %dma_wait3A_985] : memref<125x80xi32, #tpu.memory_space<vmem>> -> memref<1x80xi32, #tpu.memory_space<vmem>>
      %dma_wait3A_987 = tpu.memref_squeeze %dma_wait3A_986 : memref<1x80xi32, #tpu.memory_space<vmem>> -> memref<80xi32, #tpu.memory_space<vmem>>
      %dma_wait3A_988 = arith.constant 0 : i32
      %dma_wait3A_989 = arith.constant 0 : i32
      %dma_wait3A_990 = tpu.memref_slice %arg3[%dma_wait3A_988, %dma_wait3A_989] : memref<10000x16xf32, #tpu.memory_space<hbm>> -> memref<10000x16xf32, #tpu.memory_space<hbm>>
      tpu.wait_indirect_dma semaphore(%arg10 : memref<!tpu.dma_semaphore, #tpu.memory_space<semaphore_mem>>) src(%dma_wait3A_990 : memref<10000x16xf32, #tpu.memory_space<hbm>>) dst(%dma_wait3A_984 : memref<80x16xf32, #tpu.memory_space<vmem>>)
      %dma_wait3A_991 = arith.constant 1 : i32
      %dma_wait3A_992 = arith.constant 1 : i32
      %dma_wait3A_993 = arith.constant 0 : i32
      %dma_wait3A_994 = arith.constant 0 : i32
      %dma_wait3A_995 = tpu.memref_slice %arg7[%dma_wait3A_991, %dma_wait3A_992, %dma_wait3A_993, %dma_wait3A_994] : memref<2x5x80x16xf32, #tpu.memory_space<vmem>> -> memref<1x1x80x16xf32, #tpu.memory_space<vmem>>
      %dma_wait3A_996 = tpu.memref_squeeze %dma_wait3A_995 : memref<1x1x80x16xf32, #tpu.memory_space<vmem>> -> memref<80x16xf32, #tpu.memory_space<vmem>>
      %dma_wait3A_997 = arith.constant 0 : i32
      %dma_wait3A_998 = tpu.memref_slice %arg5[%add3A_924, %dma_wait3A_997] : memref<125x80xi32, #tpu.memory_space<vmem>> -> memref<1x80xi32, #tpu.memory_space<vmem>>
      %dma_wait3A_999 = tpu.memref_squeeze %dma_wait3A_998 : memref<1x80xi32, #tpu.memory_space<vmem>> -> memref<80xi32, #tpu.memory_space<vmem>>
      %dma_wait3A_1000 = arith.constant 0 : i32
      %dma_wait3A_1001 = arith.constant 0 : i32
      %dma_wait3A_1002 = tpu.memref_slice %arg3[%dma_wait3A_1000, %dma_wait3A_1001] : memref<10000x16xf32, #tpu.memory_space<hbm>> -> memref<10000x16xf32, #tpu.memory_space<hbm>>
      tpu.wait_indirect_dma semaphore(%arg10 : memref<!tpu.dma_semaphore, #tpu.memory_space<semaphore_mem>>) src(%dma_wait3A_1002 : memref<10000x16xf32, #tpu.memory_space<hbm>>) dst(%dma_wait3A_996 : memref<80x16xf32, #tpu.memory_space<vmem>>)
      %dma_wait3A_1003 = arith.constant 1 : i32
      %dma_wait3A_1004 = arith.constant 2 : i32
      %dma_wait3A_1005 = arith.constant 0 : i32
      %dma_wait3A_1006 = arith.constant 0 : i32
      %dma_wait3A_1007 = tpu.memref_slice %arg7[%dma_wait3A_1003, %dma_wait3A_1004, %dma_wait3A_1005, %dma_wait3A_1006] : memref<2x5x80x16xf32, #tpu.memory_space<vmem>> -> memref<1x1x80x16xf32, #tpu.memory_space<vmem>>
      %dma_wait3A_1008 = tpu.memref_squeeze %dma_wait3A_1007 : memref<1x1x80x16xf32, #tpu.memory_space<vmem>> -> memref<80x16xf32, #tpu.memory_space<vmem>>
      %dma_wait3A_1009 = arith.constant 0 : i32
      %dma_wait3A_1010 = tpu.memref_slice %arg5[%add3A_938, %dma_wait3A_1009] : memref<125x80xi32, #tpu.memory_space<vmem>> -> memref<1x80xi32, #tpu.memory_space<vmem>>
      %dma_wait3A_1011 = tpu.memref_squeeze %dma_wait3A_1010 : memref<1x80xi32, #tpu.memory_space<vmem>> -> memref<80xi32, #tpu.memory_space<vmem>>
      %dma_wait3A_1012 = arith.constant 0 : i32
      %dma_wait3A_1013 = arith.constant 0 : i32
      %dma_wait3A_1014 = tpu.memref_slice %arg3[%dma_wait3A_1012, %dma_wait3A_1013] : memref<10000x16xf32, #tpu.memory_space<hbm>> -> memref<10000x16xf32, #tpu.memory_space<hbm>>
      tpu.wait_indirect_dma semaphore(%arg10 : memref<!tpu.dma_semaphore, #tpu.memory_space<semaphore_mem>>) src(%dma_wait3A_1014 : memref<10000x16xf32, #tpu.memory_space<hbm>>) dst(%dma_wait3A_1008 : memref<80x16xf32, #tpu.memory_space<vmem>>)
      %dma_wait3A_1015 = arith.constant 1 : i32
      %dma_wait3A_1016 = arith.constant 3 : i32
      %dma_wait3A_1017 = arith.constant 0 : i32
      %dma_wait3A_1018 = arith.constant 0 : i32
      %dma_wait3A_1019 = tpu.memref_slice %arg7[%dma_wait3A_1015, %dma_wait3A_1016, %dma_wait3A_1017, %dma_wait3A_1018] : memref<2x5x80x16xf32, #tpu.memory_space<vmem>> -> memref<1x1x80x16xf32, #tpu.memory_space<vmem>>
      %dma_wait3A_1020 = tpu.memref_squeeze %dma_wait3A_1019 : memref<1x1x80x16xf32, #tpu.memory_space<vmem>> -> memref<80x16xf32, #tpu.memory_space<vmem>>
      %dma_wait3A_1021 = arith.constant 0 : i32
      %dma_wait3A_1022 = tpu.memref_slice %arg5[%add3A_952, %dma_wait3A_1021] : memref<125x80xi32, #tpu.memory_space<vmem>> -> memref<1x80xi32, #tpu.memory_space<vmem>>
      %dma_wait3A_1023 = tpu.memref_squeeze %dma_wait3A_1022 : memref<1x80xi32, #tpu.memory_space<vmem>> -> memref<80xi32, #tpu.memory_space<vmem>>
      %dma_wait3A_1024 = arith.constant 0 : i32
      %dma_wait3A_1025 = arith.constant 0 : i32
      %dma_wait3A_1026 = tpu.memref_slice %arg3[%dma_wait3A_1024, %dma_wait3A_1025] : memref<10000x16xf32, #tpu.memory_space<hbm>> -> memref<10000x16xf32, #tpu.memory_space<hbm>>
      tpu.wait_indirect_dma semaphore(%arg10 : memref<!tpu.dma_semaphore, #tpu.memory_space<semaphore_mem>>) src(%dma_wait3A_1026 : memref<10000x16xf32, #tpu.memory_space<hbm>>) dst(%dma_wait3A_1020 : memref<80x16xf32, #tpu.memory_space<vmem>>)
      %dma_wait3A_1027 = arith.constant 1 : i32
      %dma_wait3A_1028 = arith.constant 4 : i32
      %dma_wait3A_1029 = arith.constant 0 : i32
      %dma_wait3A_1030 = arith.constant 0 : i32
      %dma_wait3A_1031 = tpu.memref_slice %arg7[%dma_wait3A_1027, %dma_wait3A_1028, %dma_wait3A_1029, %dma_wait3A_1030] : memref<2x5x80x16xf32, #tpu.memory_space<vmem>> -> memref<1x1x80x16xf32, #tpu.memory_space<vmem>>
      %dma_wait3A_1032 = tpu.memref_squeeze %dma_wait3A_1031 : memref<1x1x80x16xf32, #tpu.memory_space<vmem>> -> memref<80x16xf32, #tpu.memory_space<vmem>>
      %dma_wait3A_1033 = arith.constant 0 : i32
      %dma_wait3A_1034 = tpu.memref_slice %arg5[%add3A_966, %dma_wait3A_1033] : memref<125x80xi32, #tpu.memory_space<vmem>> -> memref<1x80xi32, #tpu.memory_space<vmem>>
      %dma_wait3A_1035 = tpu.memref_squeeze %dma_wait3A_1034 : memref<1x80xi32, #tpu.memory_space<vmem>> -> memref<80xi32, #tpu.memory_space<vmem>>
      %dma_wait3A_1036 = arith.constant 0 : i32
      %dma_wait3A_1037 = arith.constant 0 : i32
      %dma_wait3A_1038 = tpu.memref_slice %arg3[%dma_wait3A_1036, %dma_wait3A_1037] : memref<10000x16xf32, #tpu.memory_space<hbm>> -> memref<10000x16xf32, #tpu.memory_space<hbm>>
      tpu.wait_indirect_dma semaphore(%arg10 : memref<!tpu.dma_semaphore, #tpu.memory_space<semaphore_mem>>) src(%dma_wait3A_1038 : memref<10000x16xf32, #tpu.memory_space<hbm>>) dst(%dma_wait3A_1032 : memref<80x16xf32, #tpu.memory_space<vmem>>)
      %add3A_1039 = arith.constant 0 : i32
      %add3A_1040 = arith.addi %mul3A_701, %add3A_1039 : i32
      %dma_start3A_1041 = arith.constant 1 : i32
      %dma_start3A_1042 = arith.constant 0 : i32
      %dma_start3A_1043 = arith.constant 0 : i32
      %dma_start3A_1044 = arith.constant 0 : i32
      %dma_start3A_1045 = tpu.memref_slice %arg7[%dma_start3A_1041, %dma_start3A_1042, %dma_start3A_1043, %dma_start3A_1044] : memref<2x5x80x16xf32, #tpu.memory_space<vmem>> -> memref<1x1x80x16xf32, #tpu.memory_space<vmem>>
      %dma_start3A_1046 = tpu.memref_squeeze %dma_start3A_1045 : memref<1x1x80x16xf32, #tpu.memory_space<vmem>> -> memref<80x16xf32, #tpu.memory_space<vmem>>
      %dma_start3A_1047 = arith.constant 0 : i32
      %dma_start3A_1048 = tpu.memref_slice %arg6[%add3A_1040, %dma_start3A_1047] : memref<125x80xi32, #tpu.memory_space<vmem>> -> memref<1x80xi32, #tpu.memory_space<vmem>>
      %dma_start3A_1049 = tpu.memref_squeeze %dma_start3A_1048 : memref<1x80xi32, #tpu.memory_space<vmem>> -> memref<80xi32, #tpu.memory_space<vmem>>
      %dma_start3A_1050 = arith.constant 0 : i32
      %dma_start3A_1051 = arith.constant 0 : i32
      %dma_start3A_1052 = tpu.memref_slice %arg8[%dma_start3A_1050, %dma_start3A_1051] : memref<10240x16xf32, #tpu.memory_space<vmem_shared>> -> memref<10240x16xf32, #tpu.memory_space<vmem_shared>>
      tpu.enqueue_indirect_dma source(%dma_start3A_1046 : memref<80x16xf32, #tpu.memory_space<vmem>>) target(%dma_start3A_1052 : memref<10240x16xf32, #tpu.memory_space<vmem_shared>>) offsets(%dma_start3A_1049 : memref<80xi32, #tpu.memory_space<vmem>>) semaphore(%arg12 : memref<!tpu.dma_semaphore, #tpu.memory_space<semaphore_mem>>) {add = true}
      %add3A_1053 = arith.constant 1 : i32
      %add3A_1054 = arith.addi %mul3A_701, %add3A_1053 : i32
      %dma_start3A_1055 = arith.constant 1 : i32
      %dma_start3A_1056 = arith.constant 1 : i32
      %dma_start3A_1057 = arith.constant 0 : i32
      %dma_start3A_1058 = arith.constant 0 : i32
      %dma_start3A_1059 = tpu.memref_slice %arg7[%dma_start3A_1055, %dma_start3A_1056, %dma_start3A_1057, %dma_start3A_1058] : memref<2x5x80x16xf32, #tpu.memory_space<vmem>> -> memref<1x1x80x16xf32, #tpu.memory_space<vmem>>
      %dma_start3A_1060 = tpu.memref_squeeze %dma_start3A_1059 : memref<1x1x80x16xf32, #tpu.memory_space<vmem>> -> memref<80x16xf32, #tpu.memory_space<vmem>>
      %dma_start3A_1061 = arith.constant 0 : i32
      %dma_start3A_1062 = tpu.memref_slice %arg6[%add3A_1054, %dma_start3A_1061] : memref<125x80xi32, #tpu.memory_space<vmem>> -> memref<1x80xi32, #tpu.memory_space<vmem>>
      %dma_start3A_1063 = tpu.memref_squeeze %dma_start3A_1062 : memref<1x80xi32, #tpu.memory_space<vmem>> -> memref<80xi32, #tpu.memory_space<vmem>>
      %dma_start3A_1064 = arith.constant 0 : i32
      %dma_start3A_1065 = arith.constant 0 : i32
      %dma_start3A_1066 = tpu.memref_slice %arg8[%dma_start3A_1064, %dma_start3A_1065] : memref<10240x16xf32, #tpu.memory_space<vmem_shared>> -> memref<10240x16xf32, #tpu.memory_space<vmem_shared>>
      tpu.enqueue_indirect_dma source(%dma_start3A_1060 : memref<80x16xf32, #tpu.memory_space<vmem>>) target(%dma_start3A_1066 : memref<10240x16xf32, #tpu.memory_space<vmem_shared>>) offsets(%dma_start3A_1063 : memref<80xi32, #tpu.memory_space<vmem>>) semaphore(%arg12 : memref<!tpu.dma_semaphore, #tpu.memory_space<semaphore_mem>>) {add = true}
      %add3A_1067 = arith.constant 2 : i32
      %add3A_1068 = arith.addi %mul3A_701, %add3A_1067 : i32
      %dma_start3A_1069 = arith.constant 1 : i32
      %dma_start3A_1070 = arith.constant 2 : i32
      %dma_start3A_1071 = arith.constant 0 : i32
      %dma_start3A_1072 = arith.constant 0 : i32
      %dma_start3A_1073 = tpu.memref_slice %arg7[%dma_start3A_1069, %dma_start3A_1070, %dma_start3A_1071, %dma_start3A_1072] : memref<2x5x80x16xf32, #tpu.memory_space<vmem>> -> memref<1x1x80x16xf32, #tpu.memory_space<vmem>>
      %dma_start3A_1074 = tpu.memref_squeeze %dma_start3A_1073 : memref<1x1x80x16xf32, #tpu.memory_space<vmem>> -> memref<80x16xf32, #tpu.memory_space<vmem>>
      %dma_start3A_1075 = arith.constant 0 : i32
      %dma_start3A_1076 = tpu.memref_slice %arg6[%add3A_1068, %dma_start3A_1075] : memref<125x80xi32, #tpu.memory_space<vmem>> -> memref<1x80xi32, #tpu.memory_space<vmem>>
      %dma_start3A_1077 = tpu.memref_squeeze %dma_start3A_1076 : memref<1x80xi32, #tpu.memory_space<vmem>> -> memref<80xi32, #tpu.memory_space<vmem>>
      %dma_start3A_1078 = arith.constant 0 : i32
      %dma_start3A_1079 = arith.constant 0 : i32
      %dma_start3A_1080 = tpu.memref_slice %arg8[%dma_start3A_1078, %dma_start3A_1079] : memref<10240x16xf32, #tpu.memory_space<vmem_shared>> -> memref<10240x16xf32, #tpu.memory_space<vmem_shared>>
      tpu.enqueue_indirect_dma source(%dma_start3A_1074 : memref<80x16xf32, #tpu.memory_space<vmem>>) target(%dma_start3A_1080 : memref<10240x16xf32, #tpu.memory_space<vmem_shared>>) offsets(%dma_start3A_1077 : memref<80xi32, #tpu.memory_space<vmem>>) semaphore(%arg12 : memref<!tpu.dma_semaphore, #tpu.memory_space<semaphore_mem>>) {add = true}
      %add3A_1081 = arith.constant 3 : i32
      %add3A_1082 = arith.addi %mul3A_701, %add3A_1081 : i32
      %dma_start3A_1083 = arith.constant 1 : i32
      %dma_start3A_1084 = arith.constant 3 : i32
      %dma_start3A_1085 = arith.constant 0 : i32
      %dma_start3A_1086 = arith.constant 0 : i32
      %dma_start3A_1087 = tpu.memref_slice %arg7[%dma_start3A_1083, %dma_start3A_1084, %dma_start3A_1085, %dma_start3A_1086] : memref<2x5x80x16xf32, #tpu.memory_space<vmem>> -> memref<1x1x80x16xf32, #tpu.memory_space<vmem>>
      %dma_start3A_1088 = tpu.memref_squeeze %dma_start3A_1087 : memref<1x1x80x16xf32, #tpu.memory_space<vmem>> -> memref<80x16xf32, #tpu.memory_space<vmem>>
      %dma_start3A_1089 = arith.constant 0 : i32
      %dma_start3A_1090 = tpu.memref_slice %arg6[%add3A_1082, %dma_start3A_1089] : memref<125x80xi32, #tpu.memory_space<vmem>> -> memref<1x80xi32, #tpu.memory_space<vmem>>
      %dma_start3A_1091 = tpu.memref_squeeze %dma_start3A_1090 : memref<1x80xi32, #tpu.memory_space<vmem>> -> memref<80xi32, #tpu.memory_space<vmem>>
      %dma_start3A_1092 = arith.constant 0 : i32
      %dma_start3A_1093 = arith.constant 0 : i32
      %dma_start3A_1094 = tpu.memref_slice %arg8[%dma_start3A_1092, %dma_start3A_1093] : memref<10240x16xf32, #tpu.memory_space<vmem_shared>> -> memref<10240x16xf32, #tpu.memory_space<vmem_shared>>
      tpu.enqueue_indirect_dma source(%dma_start3A_1088 : memref<80x16xf32, #tpu.memory_space<vmem>>) target(%dma_start3A_1094 : memref<10240x16xf32, #tpu.memory_space<vmem_shared>>) offsets(%dma_start3A_1091 : memref<80xi32, #tpu.memory_space<vmem>>) semaphore(%arg12 : memref<!tpu.dma_semaphore, #tpu.memory_space<semaphore_mem>>) {add = true}
      %add3A_1095 = arith.constant 4 : i32
      %add3A_1096 = arith.addi %mul3A_701, %add3A_1095 : i32
      %dma_start3A_1097 = arith.constant 1 : i32
      %dma_start3A_1098 = arith.constant 4 : i32
      %dma_start3A_1099 = arith.constant 0 : i32
      %dma_start3A_1100 = arith.constant 0 : i32
      %dma_start3A_1101 = tpu.memref_slice %arg7[%dma_start3A_1097, %dma_start3A_1098, %dma_start3A_1099, %dma_start3A_1100] : memref<2x5x80x16xf32, #tpu.memory_space<vmem>> -> memref<1x1x80x16xf32, #tpu.memory_space<vmem>>
      %dma_start3A_1102 = tpu.memref_squeeze %dma_start3A_1101 : memref<1x1x80x16xf32, #tpu.memory_space<vmem>> -> memref<80x16xf32, #tpu.memory_space<vmem>>
      %dma_start3A_1103 = arith.constant 0 : i32
      %dma_start3A_1104 = tpu.memref_slice %arg6[%add3A_1096, %dma_start3A_1103] : memref<125x80xi32, #tpu.memory_space<vmem>> -> memref<1x80xi32, #tpu.memory_space<vmem>>
      %dma_start3A_1105 = tpu.memref_squeeze %dma_start3A_1104 : memref<1x80xi32, #tpu.memory_space<vmem>> -> memref<80xi32, #tpu.memory_space<vmem>>
      %dma_start3A_1106 = arith.constant 0 : i32
      %dma_start3A_1107 = arith.constant 0 : i32
      %dma_start3A_1108 = tpu.memref_slice %arg8[%dma_start3A_1106, %dma_start3A_1107] : memref<10240x16xf32, #tpu.memory_space<vmem_shared>> -> memref<10240x16xf32, #tpu.memory_space<vmem_shared>>
      tpu.enqueue_indirect_dma source(%dma_start3A_1102 : memref<80x16xf32, #tpu.memory_space<vmem>>) target(%dma_start3A_1108 : memref<10240x16xf32, #tpu.memory_space<vmem_shared>>) offsets(%dma_start3A_1105 : memref<80xi32, #tpu.memory_space<vmem>>) semaphore(%arg12 : memref<!tpu.dma_semaphore, #tpu.memory_space<semaphore_mem>>) {add = true}
    }
    %scan3A_254 = arith.constant 12 : i32
    %dma_wait3A_255 = arith.constant 0 : i32
    %dma_wait3A_256 = arith.constant 0 : i32
    %dma_wait3A_257 = arith.constant 0 : i32
    %dma_wait3A_258 = arith.constant 0 : i32
    %dma_wait3A_259 = tpu.memref_slice %arg7[%dma_wait3A_255, %dma_wait3A_256, %dma_wait3A_257, %dma_wait3A_258] : memref<2x5x80x16xf32, #tpu.memory_space<vmem>> -> memref<1x1x80x16xf32, #tpu.memory_space<vmem>>
    %dma_wait3A_260 = tpu.memref_squeeze %dma_wait3A_259 : memref<1x1x80x16xf32, #tpu.memory_space<vmem>> -> memref<80x16xf32, #tpu.memory_space<vmem>>
    %dma_wait3A_261 = arith.constant 0 : i32
    %dma_wait3A_262 = arith.constant 0 : i32
    %dma_wait3A_263 = tpu.memref_slice %arg3[%dma_wait3A_261, %dma_wait3A_262] : memref<10000x16xf32, #tpu.memory_space<hbm>> -> memref<80x16xf32, #tpu.memory_space<hbm>>
    %dma_wait3A_264 = arith.constant 0 : i32
    %dma_wait3A_265 = arith.constant 0 : i32
    %dma_wait3A_266 = tpu.memref_slice %arg7[%dma_wait3A_255, %dma_wait3A_256, %dma_wait3A_264, %dma_wait3A_265] : memref<2x5x80x16xf32, #tpu.memory_space<vmem>> -> memref<1x1x80x16xf32, #tpu.memory_space<vmem>>
    %dma_wait3A_267 = tpu.memref_squeeze %dma_wait3A_266 : memref<1x1x80x16xf32, #tpu.memory_space<vmem>> -> memref<80x16xf32, #tpu.memory_space<vmem>>
    %dma_wait3A_268 = arith.constant 0 : i32
    %dma_wait3A_269 = arith.constant 0 : i32
    %dma_wait3A_270 = tpu.memref_slice %arg3[%dma_wait3A_268, %dma_wait3A_269] : memref<10000x16xf32, #tpu.memory_space<hbm>> -> memref<80x16xf32, #tpu.memory_space<hbm>>
    tpu.wait_dma2 semaphore(%arg11 : memref<!tpu.dma_semaphore, #tpu.memory_space<semaphore_mem>>) src(%dma_wait3A_270 : memref<80x16xf32, #tpu.memory_space<hbm>>) dst(%dma_wait3A_267 : memref<80x16xf32, #tpu.memory_space<vmem>>)
    %dma_wait3A_271 = arith.constant 0 : i32
    %dma_wait3A_272 = arith.constant 1 : i32
    %dma_wait3A_273 = arith.constant 0 : i32
    %dma_wait3A_274 = arith.constant 0 : i32
    %dma_wait3A_275 = tpu.memref_slice %arg7[%dma_wait3A_271, %dma_wait3A_272, %dma_wait3A_273, %dma_wait3A_274] : memref<2x5x80x16xf32, #tpu.memory_space<vmem>> -> memref<1x1x80x16xf32, #tpu.memory_space<vmem>>
    %dma_wait3A_276 = tpu.memref_squeeze %dma_wait3A_275 : memref<1x1x80x16xf32, #tpu.memory_space<vmem>> -> memref<80x16xf32, #tpu.memory_space<vmem>>
    %dma_wait3A_277 = arith.constant 0 : i32
    %dma_wait3A_278 = arith.constant 0 : i32
    %dma_wait3A_279 = tpu.memref_slice %arg3[%dma_wait3A_277, %dma_wait3A_278] : memref<10000x16xf32, #tpu.memory_space<hbm>> -> memref<80x16xf32, #tpu.memory_space<hbm>>
    %dma_wait3A_280 = arith.constant 0 : i32
    %dma_wait3A_281 = arith.constant 0 : i32
    %dma_wait3A_282 = tpu.memref_slice %arg7[%dma_wait3A_271, %dma_wait3A_272, %dma_wait3A_280, %dma_wait3A_281] : memref<2x5x80x16xf32, #tpu.memory_space<vmem>> -> memref<1x1x80x16xf32, #tpu.memory_space<vmem>>
    %dma_wait3A_283 = tpu.memref_squeeze %dma_wait3A_282 : memref<1x1x80x16xf32, #tpu.memory_space<vmem>> -> memref<80x16xf32, #tpu.memory_space<vmem>>
    %dma_wait3A_284 = arith.constant 0 : i32
    %dma_wait3A_285 = arith.constant 0 : i32
    %dma_wait3A_286 = tpu.memref_slice %arg3[%dma_wait3A_284, %dma_wait3A_285] : memref<10000x16xf32, #tpu.memory_space<hbm>> -> memref<80x16xf32, #tpu.memory_space<hbm>>
    tpu.wait_dma2 semaphore(%arg11 : memref<!tpu.dma_semaphore, #tpu.memory_space<semaphore_mem>>) src(%dma_wait3A_286 : memref<80x16xf32, #tpu.memory_space<hbm>>) dst(%dma_wait3A_283 : memref<80x16xf32, #tpu.memory_space<vmem>>)
    %dma_wait3A_287 = arith.constant 0 : i32
    %dma_wait3A_288 = arith.constant 2 : i32
    %dma_wait3A_289 = arith.constant 0 : i32
    %dma_wait3A_290 = arith.constant 0 : i32
    %dma_wait3A_291 = tpu.memref_slice %arg7[%dma_wait3A_287, %dma_wait3A_288, %dma_wait3A_289, %dma_wait3A_290] : memref<2x5x80x16xf32, #tpu.memory_space<vmem>> -> memref<1x1x80x16xf32, #tpu.memory_space<vmem>>
    %dma_wait3A_292 = tpu.memref_squeeze %dma_wait3A_291 : memref<1x1x80x16xf32, #tpu.memory_space<vmem>> -> memref<80x16xf32, #tpu.memory_space<vmem>>
    %dma_wait3A_293 = arith.constant 0 : i32
    %dma_wait3A_294 = arith.constant 0 : i32
    %dma_wait3A_295 = tpu.memref_slice %arg3[%dma_wait3A_293, %dma_wait3A_294] : memref<10000x16xf32, #tpu.memory_space<hbm>> -> memref<80x16xf32, #tpu.memory_space<hbm>>
    %dma_wait3A_296 = arith.constant 0 : i32
    %dma_wait3A_297 = arith.constant 0 : i32
    %dma_wait3A_298 = tpu.memref_slice %arg7[%dma_wait3A_287, %dma_wait3A_288, %dma_wait3A_296, %dma_wait3A_297] : memref<2x5x80x16xf32, #tpu.memory_space<vmem>> -> memref<1x1x80x16xf32, #tpu.memory_space<vmem>>
    %dma_wait3A_299 = tpu.memref_squeeze %dma_wait3A_298 : memref<1x1x80x16xf32, #tpu.memory_space<vmem>> -> memref<80x16xf32, #tpu.memory_space<vmem>>
    %dma_wait3A_300 = arith.constant 0 : i32
    %dma_wait3A_301 = arith.constant 0 : i32
    %dma_wait3A_302 = tpu.memref_slice %arg3[%dma_wait3A_300, %dma_wait3A_301] : memref<10000x16xf32, #tpu.memory_space<hbm>> -> memref<80x16xf32, #tpu.memory_space<hbm>>
    tpu.wait_dma2 semaphore(%arg11 : memref<!tpu.dma_semaphore, #tpu.memory_space<semaphore_mem>>) src(%dma_wait3A_302 : memref<80x16xf32, #tpu.memory_space<hbm>>) dst(%dma_wait3A_299 : memref<80x16xf32, #tpu.memory_space<vmem>>)
    %dma_wait3A_303 = arith.constant 0 : i32
    %dma_wait3A_304 = arith.constant 3 : i32
    %dma_wait3A_305 = arith.constant 0 : i32
    %dma_wait3A_306 = arith.constant 0 : i32
    %dma_wait3A_307 = tpu.memref_slice %arg7[%dma_wait3A_303, %dma_wait3A_304, %dma_wait3A_305, %dma_wait3A_306] : memref<2x5x80x16xf32, #tpu.memory_space<vmem>> -> memref<1x1x80x16xf32, #tpu.memory_space<vmem>>
    %dma_wait3A_308 = tpu.memref_squeeze %dma_wait3A_307 : memref<1x1x80x16xf32, #tpu.memory_space<vmem>> -> memref<80x16xf32, #tpu.memory_space<vmem>>
    %dma_wait3A_309 = arith.constant 0 : i32
    %dma_wait3A_310 = arith.constant 0 : i32
    %dma_wait3A_311 = tpu.memref_slice %arg3[%dma_wait3A_309, %dma_wait3A_310] : memref<10000x16xf32, #tpu.memory_space<hbm>> -> memref<80x16xf32, #tpu.memory_space<hbm>>
    %dma_wait3A_312 = arith.constant 0 : i32
    %dma_wait3A_313 = arith.constant 0 : i32
    %dma_wait3A_314 = tpu.memref_slice %arg7[%dma_wait3A_303, %dma_wait3A_304, %dma_wait3A_312, %dma_wait3A_313] : memref<2x5x80x16xf32, #tpu.memory_space<vmem>> -> memref<1x1x80x16xf32, #tpu.memory_space<vmem>>
    %dma_wait3A_315 = tpu.memref_squeeze %dma_wait3A_314 : memref<1x1x80x16xf32, #tpu.memory_space<vmem>> -> memref<80x16xf32, #tpu.memory_space<vmem>>
    %dma_wait3A_316 = arith.constant 0 : i32
    %dma_wait3A_317 = arith.constant 0 : i32
    %dma_wait3A_318 = tpu.memref_slice %arg3[%dma_wait3A_316, %dma_wait3A_317] : memref<10000x16xf32, #tpu.memory_space<hbm>> -> memref<80x16xf32, #tpu.memory_space<hbm>>
    tpu.wait_dma2 semaphore(%arg11 : memref<!tpu.dma_semaphore, #tpu.memory_space<semaphore_mem>>) src(%dma_wait3A_318 : memref<80x16xf32, #tpu.memory_space<hbm>>) dst(%dma_wait3A_315 : memref<80x16xf32, #tpu.memory_space<vmem>>)
    %dma_wait3A_319 = arith.constant 0 : i32
    %dma_wait3A_320 = arith.constant 4 : i32
    %dma_wait3A_321 = arith.constant 0 : i32
    %dma_wait3A_322 = arith.constant 0 : i32
    %dma_wait3A_323 = tpu.memref_slice %arg7[%dma_wait3A_319, %dma_wait3A_320, %dma_wait3A_321, %dma_wait3A_322] : memref<2x5x80x16xf32, #tpu.memory_space<vmem>> -> memref<1x1x80x16xf32, #tpu.memory_space<vmem>>
    %dma_wait3A_324 = tpu.memref_squeeze %dma_wait3A_323 : memref<1x1x80x16xf32, #tpu.memory_space<vmem>> -> memref<80x16xf32, #tpu.memory_space<vmem>>
    %dma_wait3A_325 = arith.constant 0 : i32
    %dma_wait3A_326 = arith.constant 0 : i32
    %dma_wait3A_327 = tpu.memref_slice %arg3[%dma_wait3A_325, %dma_wait3A_326] : memref<10000x16xf32, #tpu.memory_space<hbm>> -> memref<80x16xf32, #tpu.memory_space<hbm>>
    %dma_wait3A_328 = arith.constant 0 : i32
    %dma_wait3A_329 = arith.constant 0 : i32
    %dma_wait3A_330 = tpu.memref_slice %arg7[%dma_wait3A_319, %dma_wait3A_320, %dma_wait3A_328, %dma_wait3A_329] : memref<2x5x80x16xf32, #tpu.memory_space<vmem>> -> memref<1x1x80x16xf32, #tpu.memory_space<vmem>>
    %dma_wait3A_331 = tpu.memref_squeeze %dma_wait3A_330 : memref<1x1x80x16xf32, #tpu.memory_space<vmem>> -> memref<80x16xf32, #tpu.memory_space<vmem>>
    %dma_wait3A_332 = arith.constant 0 : i32
    %dma_wait3A_333 = arith.constant 0 : i32
    %dma_wait3A_334 = tpu.memref_slice %arg3[%dma_wait3A_332, %dma_wait3A_333] : memref<10000x16xf32, #tpu.memory_space<hbm>> -> memref<80x16xf32, #tpu.memory_space<hbm>>
    tpu.wait_dma2 semaphore(%arg11 : memref<!tpu.dma_semaphore, #tpu.memory_space<semaphore_mem>>) src(%dma_wait3A_334 : memref<80x16xf32, #tpu.memory_space<hbm>>) dst(%dma_wait3A_331 : memref<80x16xf32, #tpu.memory_space<vmem>>)
    %dma_start3A_335 = arith.constant 120 : i32
    %dma_start3A_336 = arith.constant 0 : i32
    %dma_start3A_337 = arith.constant 0 : i32
    %dma_start3A_338 = arith.constant 0 : i32
    %dma_start3A_339 = arith.constant 0 : i32
    %dma_start3A_340 = tpu.memref_slice %arg7[%dma_start3A_336, %dma_start3A_337, %dma_start3A_338, %dma_start3A_339] : memref<2x5x80x16xf32, #tpu.memory_space<vmem>> -> memref<1x1x80x16xf32, #tpu.memory_space<vmem>>
    %dma_start3A_341 = tpu.memref_squeeze %dma_start3A_340 : memref<1x1x80x16xf32, #tpu.memory_space<vmem>> -> memref<80x16xf32, #tpu.memory_space<vmem>>
    %dma_start3A_342 = arith.constant 0 : i32
    %dma_start3A_343 = tpu.memref_slice %arg5[%dma_start3A_335, %dma_start3A_342] : memref<125x80xi32, #tpu.memory_space<vmem>> -> memref<1x80xi32, #tpu.memory_space<vmem>>
    %dma_start3A_344 = tpu.memref_squeeze %dma_start3A_343 : memref<1x80xi32, #tpu.memory_space<vmem>> -> memref<80xi32, #tpu.memory_space<vmem>>
    %dma_start3A_345 = arith.constant 0 : i32
    %dma_start3A_346 = arith.constant 0 : i32
    %dma_start3A_347 = tpu.memref_slice %arg3[%dma_start3A_345, %dma_start3A_346] : memref<10000x16xf32, #tpu.memory_space<hbm>> -> memref<10000x16xf32, #tpu.memory_space<hbm>>
    tpu.enqueue_indirect_dma source(%dma_start3A_347 : memref<10000x16xf32, #tpu.memory_space<hbm>>) target(%dma_start3A_341 : memref<80x16xf32, #tpu.memory_space<vmem>>) offsets(%dma_start3A_344 : memref<80xi32, #tpu.memory_space<vmem>>) semaphore(%arg9 : memref<!tpu.dma_semaphore, #tpu.memory_space<semaphore_mem>>)
    %dma_start3A_348 = arith.constant 121 : i32
    %dma_start3A_349 = arith.constant 0 : i32
    %dma_start3A_350 = arith.constant 1 : i32
    %dma_start3A_351 = arith.constant 0 : i32
    %dma_start3A_352 = arith.constant 0 : i32
    %dma_start3A_353 = tpu.memref_slice %arg7[%dma_start3A_349, %dma_start3A_350, %dma_start3A_351, %dma_start3A_352] : memref<2x5x80x16xf32, #tpu.memory_space<vmem>> -> memref<1x1x80x16xf32, #tpu.memory_space<vmem>>
    %dma_start3A_354 = tpu.memref_squeeze %dma_start3A_353 : memref<1x1x80x16xf32, #tpu.memory_space<vmem>> -> memref<80x16xf32, #tpu.memory_space<vmem>>
    %dma_start3A_355 = arith.constant 0 : i32
    %dma_start3A_356 = tpu.memref_slice %arg5[%dma_start3A_348, %dma_start3A_355] : memref<125x80xi32, #tpu.memory_space<vmem>> -> memref<1x80xi32, #tpu.memory_space<vmem>>
    %dma_start3A_357 = tpu.memref_squeeze %dma_start3A_356 : memref<1x80xi32, #tpu.memory_space<vmem>> -> memref<80xi32, #tpu.memory_space<vmem>>
    %dma_start3A_358 = arith.constant 0 : i32
    %dma_start3A_359 = arith.constant 0 : i32
    %dma_start3A_360 = tpu.memref_slice %arg3[%dma_start3A_358, %dma_start3A_359] : memref<10000x16xf32, #tpu.memory_space<hbm>> -> memref<10000x16xf32, #tpu.memory_space<hbm>>
    tpu.enqueue_indirect_dma source(%dma_start3A_360 : memref<10000x16xf32, #tpu.memory_space<hbm>>) target(%dma_start3A_354 : memref<80x16xf32, #tpu.memory_space<vmem>>) offsets(%dma_start3A_357 : memref<80xi32, #tpu.memory_space<vmem>>) semaphore(%arg9 : memref<!tpu.dma_semaphore, #tpu.memory_space<semaphore_mem>>)
    %dma_start3A_361 = arith.constant 122 : i32
    %dma_start3A_362 = arith.constant 0 : i32
    %dma_start3A_363 = arith.constant 2 : i32
    %dma_start3A_364 = arith.constant 0 : i32
    %dma_start3A_365 = arith.constant 0 : i32
    %dma_start3A_366 = tpu.memref_slice %arg7[%dma_start3A_362, %dma_start3A_363, %dma_start3A_364, %dma_start3A_365] : memref<2x5x80x16xf32, #tpu.memory_space<vmem>> -> memref<1x1x80x16xf32, #tpu.memory_space<vmem>>
    %dma_start3A_367 = tpu.memref_squeeze %dma_start3A_366 : memref<1x1x80x16xf32, #tpu.memory_space<vmem>> -> memref<80x16xf32, #tpu.memory_space<vmem>>
    %dma_start3A_368 = arith.constant 0 : i32
    %dma_start3A_369 = tpu.memref_slice %arg5[%dma_start3A_361, %dma_start3A_368] : memref<125x80xi32, #tpu.memory_space<vmem>> -> memref<1x80xi32, #tpu.memory_space<vmem>>
    %dma_start3A_370 = tpu.memref_squeeze %dma_start3A_369 : memref<1x80xi32, #tpu.memory_space<vmem>> -> memref<80xi32, #tpu.memory_space<vmem>>
    %dma_start3A_371 = arith.constant 0 : i32
    %dma_start3A_372 = arith.constant 0 : i32
    %dma_start3A_373 = tpu.memref_slice %arg3[%dma_start3A_371, %dma_start3A_372] : memref<10000x16xf32, #tpu.memory_space<hbm>> -> memref<10000x16xf32, #tpu.memory_space<hbm>>
    tpu.enqueue_indirect_dma source(%dma_start3A_373 : memref<10000x16xf32, #tpu.memory_space<hbm>>) target(%dma_start3A_367 : memref<80x16xf32, #tpu.memory_space<vmem>>) offsets(%dma_start3A_370 : memref<80xi32, #tpu.memory_space<vmem>>) semaphore(%arg9 : memref<!tpu.dma_semaphore, #tpu.memory_space<semaphore_mem>>)
    %dma_start3A_374 = arith.constant 123 : i32
    %dma_start3A_375 = arith.constant 0 : i32
    %dma_start3A_376 = arith.constant 3 : i32
    %dma_start3A_377 = arith.constant 0 : i32
    %dma_start3A_378 = arith.constant 0 : i32
    %dma_start3A_379 = tpu.memref_slice %arg7[%dma_start3A_375, %dma_start3A_376, %dma_start3A_377, %dma_start3A_378] : memref<2x5x80x16xf32, #tpu.memory_space<vmem>> -> memref<1x1x80x16xf32, #tpu.memory_space<vmem>>
    %dma_start3A_380 = tpu.memref_squeeze %dma_start3A_379 : memref<1x1x80x16xf32, #tpu.memory_space<vmem>> -> memref<80x16xf32, #tpu.memory_space<vmem>>
    %dma_start3A_381 = arith.constant 0 : i32
    %dma_start3A_382 = tpu.memref_slice %arg5[%dma_start3A_374, %dma_start3A_381] : memref<125x80xi32, #tpu.memory_space<vmem>> -> memref<1x80xi32, #tpu.memory_space<vmem>>
    %dma_start3A_383 = tpu.memref_squeeze %dma_start3A_382 : memref<1x80xi32, #tpu.memory_space<vmem>> -> memref<80xi32, #tpu.memory_space<vmem>>
    %dma_start3A_384 = arith.constant 0 : i32
    %dma_start3A_385 = arith.constant 0 : i32
    %dma_start3A_386 = tpu.memref_slice %arg3[%dma_start3A_384, %dma_start3A_385] : memref<10000x16xf32, #tpu.memory_space<hbm>> -> memref<10000x16xf32, #tpu.memory_space<hbm>>
    tpu.enqueue_indirect_dma source(%dma_start3A_386 : memref<10000x16xf32, #tpu.memory_space<hbm>>) target(%dma_start3A_380 : memref<80x16xf32, #tpu.memory_space<vmem>>) offsets(%dma_start3A_383 : memref<80xi32, #tpu.memory_space<vmem>>) semaphore(%arg9 : memref<!tpu.dma_semaphore, #tpu.memory_space<semaphore_mem>>)
    %dma_start3A_387 = arith.constant 124 : i32
    %dma_start3A_388 = arith.constant 0 : i32
    %dma_start3A_389 = arith.constant 4 : i32
    %dma_start3A_390 = arith.constant 0 : i32
    %dma_start3A_391 = arith.constant 0 : i32
    %dma_start3A_392 = tpu.memref_slice %arg7[%dma_start3A_388, %dma_start3A_389, %dma_start3A_390, %dma_start3A_391] : memref<2x5x80x16xf32, #tpu.memory_space<vmem>> -> memref<1x1x80x16xf32, #tpu.memory_space<vmem>>
    %dma_start3A_393 = tpu.memref_squeeze %dma_start3A_392 : memref<1x1x80x16xf32, #tpu.memory_space<vmem>> -> memref<80x16xf32, #tpu.memory_space<vmem>>
    %dma_start3A_394 = arith.constant 0 : i32
    %dma_start3A_395 = tpu.memref_slice %arg5[%dma_start3A_387, %dma_start3A_394] : memref<125x80xi32, #tpu.memory_space<vmem>> -> memref<1x80xi32, #tpu.memory_space<vmem>>
    %dma_start3A_396 = tpu.memref_squeeze %dma_start3A_395 : memref<1x80xi32, #tpu.memory_space<vmem>> -> memref<80xi32, #tpu.memory_space<vmem>>
    %dma_start3A_397 = arith.constant 0 : i32
    %dma_start3A_398 = arith.constant 0 : i32
    %dma_start3A_399 = tpu.memref_slice %arg3[%dma_start3A_397, %dma_start3A_398] : memref<10000x16xf32, #tpu.memory_space<hbm>> -> memref<10000x16xf32, #tpu.memory_space<hbm>>
    tpu.enqueue_indirect_dma source(%dma_start3A_399 : memref<10000x16xf32, #tpu.memory_space<hbm>>) target(%dma_start3A_393 : memref<80x16xf32, #tpu.memory_space<vmem>>) offsets(%dma_start3A_396 : memref<80xi32, #tpu.memory_space<vmem>>) semaphore(%arg9 : memref<!tpu.dma_semaphore, #tpu.memory_space<semaphore_mem>>)
    %dma_wait3A_400 = arith.constant 120 : i32
    %dma_wait3A_401 = arith.constant 0 : i32
    %dma_wait3A_402 = arith.constant 0 : i32
    %dma_wait3A_403 = arith.constant 0 : i32
    %dma_wait3A_404 = arith.constant 0 : i32
    %dma_wait3A_405 = tpu.memref_slice %arg7[%dma_wait3A_401, %dma_wait3A_402, %dma_wait3A_403, %dma_wait3A_404] : memref<2x5x80x16xf32, #tpu.memory_space<vmem>> -> memref<1x1x80x16xf32, #tpu.memory_space<vmem>>
    %dma_wait3A_406 = tpu.memref_squeeze %dma_wait3A_405 : memref<1x1x80x16xf32, #tpu.memory_space<vmem>> -> memref<80x16xf32, #tpu.memory_space<vmem>>
    %dma_wait3A_407 = arith.constant 0 : i32
    %dma_wait3A_408 = tpu.memref_slice %arg5[%dma_wait3A_400, %dma_wait3A_407] : memref<125x80xi32, #tpu.memory_space<vmem>> -> memref<1x80xi32, #tpu.memory_space<vmem>>
    %dma_wait3A_409 = tpu.memref_squeeze %dma_wait3A_408 : memref<1x80xi32, #tpu.memory_space<vmem>> -> memref<80xi32, #tpu.memory_space<vmem>>
    %dma_wait3A_410 = arith.constant 0 : i32
    %dma_wait3A_411 = arith.constant 0 : i32
    %dma_wait3A_412 = tpu.memref_slice %arg3[%dma_wait3A_410, %dma_wait3A_411] : memref<10000x16xf32, #tpu.memory_space<hbm>> -> memref<10000x16xf32, #tpu.memory_space<hbm>>
    tpu.wait_indirect_dma semaphore(%arg9 : memref<!tpu.dma_semaphore, #tpu.memory_space<semaphore_mem>>) src(%dma_wait3A_412 : memref<10000x16xf32, #tpu.memory_space<hbm>>) dst(%dma_wait3A_406 : memref<80x16xf32, #tpu.memory_space<vmem>>)
    %dma_wait3A_413 = arith.constant 121 : i32
    %dma_wait3A_414 = arith.constant 0 : i32
    %dma_wait3A_415 = arith.constant 1 : i32
    %dma_wait3A_416 = arith.constant 0 : i32
    %dma_wait3A_417 = arith.constant 0 : i32
    %dma_wait3A_418 = tpu.memref_slice %arg7[%dma_wait3A_414, %dma_wait3A_415, %dma_wait3A_416, %dma_wait3A_417] : memref<2x5x80x16xf32, #tpu.memory_space<vmem>> -> memref<1x1x80x16xf32, #tpu.memory_space<vmem>>
    %dma_wait3A_419 = tpu.memref_squeeze %dma_wait3A_418 : memref<1x1x80x16xf32, #tpu.memory_space<vmem>> -> memref<80x16xf32, #tpu.memory_space<vmem>>
    %dma_wait3A_420 = arith.constant 0 : i32
    %dma_wait3A_421 = tpu.memref_slice %arg5[%dma_wait3A_413, %dma_wait3A_420] : memref<125x80xi32, #tpu.memory_space<vmem>> -> memref<1x80xi32, #tpu.memory_space<vmem>>
    %dma_wait3A_422 = tpu.memref_squeeze %dma_wait3A_421 : memref<1x80xi32, #tpu.memory_space<vmem>> -> memref<80xi32, #tpu.memory_space<vmem>>
    %dma_wait3A_423 = arith.constant 0 : i32
    %dma_wait3A_424 = arith.constant 0 : i32
    %dma_wait3A_425 = tpu.memref_slice %arg3[%dma_wait3A_423, %dma_wait3A_424] : memref<10000x16xf32, #tpu.memory_space<hbm>> -> memref<10000x16xf32, #tpu.memory_space<hbm>>
    tpu.wait_indirect_dma semaphore(%arg9 : memref<!tpu.dma_semaphore, #tpu.memory_space<semaphore_mem>>) src(%dma_wait3A_425 : memref<10000x16xf32, #tpu.memory_space<hbm>>) dst(%dma_wait3A_419 : memref<80x16xf32, #tpu.memory_space<vmem>>)
    %dma_wait3A_426 = arith.constant 122 : i32
    %dma_wait3A_427 = arith.constant 0 : i32
    %dma_wait3A_428 = arith.constant 2 : i32
    %dma_wait3A_429 = arith.constant 0 : i32
    %dma_wait3A_430 = arith.constant 0 : i32
    %dma_wait3A_431 = tpu.memref_slice %arg7[%dma_wait3A_427, %dma_wait3A_428, %dma_wait3A_429, %dma_wait3A_430] : memref<2x5x80x16xf32, #tpu.memory_space<vmem>> -> memref<1x1x80x16xf32, #tpu.memory_space<vmem>>
    %dma_wait3A_432 = tpu.memref_squeeze %dma_wait3A_431 : memref<1x1x80x16xf32, #tpu.memory_space<vmem>> -> memref<80x16xf32, #tpu.memory_space<vmem>>
    %dma_wait3A_433 = arith.constant 0 : i32
    %dma_wait3A_434 = tpu.memref_slice %arg5[%dma_wait3A_426, %dma_wait3A_433] : memref<125x80xi32, #tpu.memory_space<vmem>> -> memref<1x80xi32, #tpu.memory_space<vmem>>
    %dma_wait3A_435 = tpu.memref_squeeze %dma_wait3A_434 : memref<1x80xi32, #tpu.memory_space<vmem>> -> memref<80xi32, #tpu.memory_space<vmem>>
    %dma_wait3A_436 = arith.constant 0 : i32
    %dma_wait3A_437 = arith.constant 0 : i32
    %dma_wait3A_438 = tpu.memref_slice %arg3[%dma_wait3A_436, %dma_wait3A_437] : memref<10000x16xf32, #tpu.memory_space<hbm>> -> memref<10000x16xf32, #tpu.memory_space<hbm>>
    tpu.wait_indirect_dma semaphore(%arg9 : memref<!tpu.dma_semaphore, #tpu.memory_space<semaphore_mem>>) src(%dma_wait3A_438 : memref<10000x16xf32, #tpu.memory_space<hbm>>) dst(%dma_wait3A_432 : memref<80x16xf32, #tpu.memory_space<vmem>>)
    %dma_wait3A_439 = arith.constant 123 : i32
    %dma_wait3A_440 = arith.constant 0 : i32
    %dma_wait3A_441 = arith.constant 3 : i32
    %dma_wait3A_442 = arith.constant 0 : i32
    %dma_wait3A_443 = arith.constant 0 : i32
    %dma_wait3A_444 = tpu.memref_slice %arg7[%dma_wait3A_440, %dma_wait3A_441, %dma_wait3A_442, %dma_wait3A_443] : memref<2x5x80x16xf32, #tpu.memory_space<vmem>> -> memref<1x1x80x16xf32, #tpu.memory_space<vmem>>
    %dma_wait3A_445 = tpu.memref_squeeze %dma_wait3A_444 : memref<1x1x80x16xf32, #tpu.memory_space<vmem>> -> memref<80x16xf32, #tpu.memory_space<vmem>>
    %dma_wait3A_446 = arith.constant 0 : i32
    %dma_wait3A_447 = tpu.memref_slice %arg5[%dma_wait3A_439, %dma_wait3A_446] : memref<125x80xi32, #tpu.memory_space<vmem>> -> memref<1x80xi32, #tpu.memory_space<vmem>>
    %dma_wait3A_448 = tpu.memref_squeeze %dma_wait3A_447 : memref<1x80xi32, #tpu.memory_space<vmem>> -> memref<80xi32, #tpu.memory_space<vmem>>
    %dma_wait3A_449 = arith.constant 0 : i32
    %dma_wait3A_450 = arith.constant 0 : i32
    %dma_wait3A_451 = tpu.memref_slice %arg3[%dma_wait3A_449, %dma_wait3A_450] : memref<10000x16xf32, #tpu.memory_space<hbm>> -> memref<10000x16xf32, #tpu.memory_space<hbm>>
    tpu.wait_indirect_dma semaphore(%arg9 : memref<!tpu.dma_semaphore, #tpu.memory_space<semaphore_mem>>) src(%dma_wait3A_451 : memref<10000x16xf32, #tpu.memory_space<hbm>>) dst(%dma_wait3A_445 : memref<80x16xf32, #tpu.memory_space<vmem>>)
    %dma_wait3A_452 = arith.constant 124 : i32
    %dma_wait3A_453 = arith.constant 0 : i32
    %dma_wait3A_454 = arith.constant 4 : i32
    %dma_wait3A_455 = arith.constant 0 : i32
    %dma_wait3A_456 = arith.constant 0 : i32
    %dma_wait3A_457 = tpu.memref_slice %arg7[%dma_wait3A_453, %dma_wait3A_454, %dma_wait3A_455, %dma_wait3A_456] : memref<2x5x80x16xf32, #tpu.memory_space<vmem>> -> memref<1x1x80x16xf32, #tpu.memory_space<vmem>>
    %dma_wait3A_458 = tpu.memref_squeeze %dma_wait3A_457 : memref<1x1x80x16xf32, #tpu.memory_space<vmem>> -> memref<80x16xf32, #tpu.memory_space<vmem>>
    %dma_wait3A_459 = arith.constant 0 : i32
    %dma_wait3A_460 = tpu.memref_slice %arg5[%dma_wait3A_452, %dma_wait3A_459] : memref<125x80xi32, #tpu.memory_space<vmem>> -> memref<1x80xi32, #tpu.memory_space<vmem>>
    %dma_wait3A_461 = tpu.memref_squeeze %dma_wait3A_460 : memref<1x80xi32, #tpu.memory_space<vmem>> -> memref<80xi32, #tpu.memory_space<vmem>>
    %dma_wait3A_462 = arith.constant 0 : i32
    %dma_wait3A_463 = arith.constant 0 : i32
    %dma_wait3A_464 = tpu.memref_slice %arg3[%dma_wait3A_462, %dma_wait3A_463] : memref<10000x16xf32, #tpu.memory_space<hbm>> -> memref<10000x16xf32, #tpu.memory_space<hbm>>
    tpu.wait_indirect_dma semaphore(%arg9 : memref<!tpu.dma_semaphore, #tpu.memory_space<semaphore_mem>>) src(%dma_wait3A_464 : memref<10000x16xf32, #tpu.memory_space<hbm>>) dst(%dma_wait3A_458 : memref<80x16xf32, #tpu.memory_space<vmem>>)
    %dma_start3A_465 = arith.constant 0 : i32
    %dma_start3A_466 = arith.constant 0 : i32
    %dma_start3A_467 = arith.constant 120 : i32
    %dma_start3A_468 = arith.constant 0 : i32
    %dma_start3A_469 = arith.constant 0 : i32
    %dma_start3A_470 = tpu.memref_slice %arg7[%dma_start3A_465, %dma_start3A_466, %dma_start3A_468, %dma_start3A_469] : memref<2x5x80x16xf32, #tpu.memory_space<vmem>> -> memref<1x1x80x16xf32, #tpu.memory_space<vmem>>
    %dma_start3A_471 = tpu.memref_squeeze %dma_start3A_470 : memref<1x1x80x16xf32, #tpu.memory_space<vmem>> -> memref<80x16xf32, #tpu.memory_space<vmem>>
    %dma_start3A_472 = arith.constant 0 : i32
    %dma_start3A_473 = tpu.memref_slice %arg6[%dma_start3A_467, %dma_start3A_472] : memref<125x80xi32, #tpu.memory_space<vmem>> -> memref<1x80xi32, #tpu.memory_space<vmem>>
    %dma_start3A_474 = tpu.memref_squeeze %dma_start3A_473 : memref<1x80xi32, #tpu.memory_space<vmem>> -> memref<80xi32, #tpu.memory_space<vmem>>
    %dma_start3A_475 = arith.constant 0 : i32
    %dma_start3A_476 = arith.constant 0 : i32
    %dma_start3A_477 = tpu.memref_slice %arg8[%dma_start3A_475, %dma_start3A_476] : memref<10240x16xf32, #tpu.memory_space<vmem_shared>> -> memref<10240x16xf32, #tpu.memory_space<vmem_shared>>
    tpu.enqueue_indirect_dma source(%dma_start3A_471 : memref<80x16xf32, #tpu.memory_space<vmem>>) target(%dma_start3A_477 : memref<10240x16xf32, #tpu.memory_space<vmem_shared>>) offsets(%dma_start3A_474 : memref<80xi32, #tpu.memory_space<vmem>>) semaphore(%arg11 : memref<!tpu.dma_semaphore, #tpu.memory_space<semaphore_mem>>) {add = true}
    %dma_start3A_478 = arith.constant 0 : i32
    %dma_start3A_479 = arith.constant 1 : i32
    %dma_start3A_480 = arith.constant 121 : i32
    %dma_start3A_481 = arith.constant 0 : i32
    %dma_start3A_482 = arith.constant 0 : i32
    %dma_start3A_483 = tpu.memref_slice %arg7[%dma_start3A_478, %dma_start3A_479, %dma_start3A_481, %dma_start3A_482] : memref<2x5x80x16xf32, #tpu.memory_space<vmem>> -> memref<1x1x80x16xf32, #tpu.memory_space<vmem>>
    %dma_start3A_484 = tpu.memref_squeeze %dma_start3A_483 : memref<1x1x80x16xf32, #tpu.memory_space<vmem>> -> memref<80x16xf32, #tpu.memory_space<vmem>>
    %dma_start3A_485 = arith.constant 0 : i32
    %dma_start3A_486 = tpu.memref_slice %arg6[%dma_start3A_480, %dma_start3A_485] : memref<125x80xi32, #tpu.memory_space<vmem>> -> memref<1x80xi32, #tpu.memory_space<vmem>>
    %dma_start3A_487 = tpu.memref_squeeze %dma_start3A_486 : memref<1x80xi32, #tpu.memory_space<vmem>> -> memref<80xi32, #tpu.memory_space<vmem>>
    %dma_start3A_488 = arith.constant 0 : i32
    %dma_start3A_489 = arith.constant 0 : i32
    %dma_start3A_490 = tpu.memref_slice %arg8[%dma_start3A_488, %dma_start3A_489] : memref<10240x16xf32, #tpu.memory_space<vmem_shared>> -> memref<10240x16xf32, #tpu.memory_space<vmem_shared>>
    tpu.enqueue_indirect_dma source(%dma_start3A_484 : memref<80x16xf32, #tpu.memory_space<vmem>>) target(%dma_start3A_490 : memref<10240x16xf32, #tpu.memory_space<vmem_shared>>) offsets(%dma_start3A_487 : memref<80xi32, #tpu.memory_space<vmem>>) semaphore(%arg11 : memref<!tpu.dma_semaphore, #tpu.memory_space<semaphore_mem>>) {add = true}
    %dma_start3A_491 = arith.constant 0 : i32
    %dma_start3A_492 = arith.constant 2 : i32
    %dma_start3A_493 = arith.constant 122 : i32
    %dma_start3A_494 = arith.constant 0 : i32
    %dma_start3A_495 = arith.constant 0 : i32
    %dma_start3A_496 = tpu.memref_slice %arg7[%dma_start3A_491, %dma_start3A_492, %dma_start3A_494, %dma_start3A_495] : memref<2x5x80x16xf32, #tpu.memory_space<vmem>> -> memref<1x1x80x16xf32, #tpu.memory_space<vmem>>
    %dma_start3A_497 = tpu.memref_squeeze %dma_start3A_496 : memref<1x1x80x16xf32, #tpu.memory_space<vmem>> -> memref<80x16xf32, #tpu.memory_space<vmem>>
    %dma_start3A_498 = arith.constant 0 : i32
    %dma_start3A_499 = tpu.memref_slice %arg6[%dma_start3A_493, %dma_start3A_498] : memref<125x80xi32, #tpu.memory_space<vmem>> -> memref<1x80xi32, #tpu.memory_space<vmem>>
    %dma_start3A_500 = tpu.memref_squeeze %dma_start3A_499 : memref<1x80xi32, #tpu.memory_space<vmem>> -> memref<80xi32, #tpu.memory_space<vmem>>
    %dma_start3A_501 = arith.constant 0 : i32
    %dma_start3A_502 = arith.constant 0 : i32
    %dma_start3A_503 = tpu.memref_slice %arg8[%dma_start3A_501, %dma_start3A_502] : memref<10240x16xf32, #tpu.memory_space<vmem_shared>> -> memref<10240x16xf32, #tpu.memory_space<vmem_shared>>
    tpu.enqueue_indirect_dma source(%dma_start3A_497 : memref<80x16xf32, #tpu.memory_space<vmem>>) target(%dma_start3A_503 : memref<10240x16xf32, #tpu.memory_space<vmem_shared>>) offsets(%dma_start3A_500 : memref<80xi32, #tpu.memory_space<vmem>>) semaphore(%arg11 : memref<!tpu.dma_semaphore, #tpu.memory_space<semaphore_mem>>) {add = true}
    %dma_start3A_504 = arith.constant 0 : i32
    %dma_start3A_505 = arith.constant 3 : i32
    %dma_start3A_506 = arith.constant 123 : i32
    %dma_start3A_507 = arith.constant 0 : i32
    %dma_start3A_508 = arith.constant 0 : i32
    %dma_start3A_509 = tpu.memref_slice %arg7[%dma_start3A_504, %dma_start3A_505, %dma_start3A_507, %dma_start3A_508] : memref<2x5x80x16xf32, #tpu.memory_space<vmem>> -> memref<1x1x80x16xf32, #tpu.memory_space<vmem>>
    %dma_start3A_510 = tpu.memref_squeeze %dma_start3A_509 : memref<1x1x80x16xf32, #tpu.memory_space<vmem>> -> memref<80x16xf32, #tpu.memory_space<vmem>>
    %dma_start3A_511 = arith.constant 0 : i32
    %dma_start3A_512 = tpu.memref_slice %arg6[%dma_start3A_506, %dma_start3A_511] : memref<125x80xi32, #tpu.memory_space<vmem>> -> memref<1x80xi32, #tpu.memory_space<vmem>>
    %dma_start3A_513 = tpu.memref_squeeze %dma_start3A_512 : memref<1x80xi32, #tpu.memory_space<vmem>> -> memref<80xi32, #tpu.memory_space<vmem>>
    %dma_start3A_514 = arith.constant 0 : i32
    %dma_start3A_515 = arith.constant 0 : i32
    %dma_start3A_516 = tpu.memref_slice %arg8[%dma_start3A_514, %dma_start3A_515] : memref<10240x16xf32, #tpu.memory_space<vmem_shared>> -> memref<10240x16xf32, #tpu.memory_space<vmem_shared>>
    tpu.enqueue_indirect_dma source(%dma_start3A_510 : memref<80x16xf32, #tpu.memory_space<vmem>>) target(%dma_start3A_516 : memref<10240x16xf32, #tpu.memory_space<vmem_shared>>) offsets(%dma_start3A_513 : memref<80xi32, #tpu.memory_space<vmem>>) semaphore(%arg11 : memref<!tpu.dma_semaphore, #tpu.memory_space<semaphore_mem>>) {add = true}
    %dma_start3A_517 = arith.constant 0 : i32
    %dma_start3A_518 = arith.constant 4 : i32
    %dma_start3A_519 = arith.constant 124 : i32
    %dma_start3A_520 = arith.constant 0 : i32
    %dma_start3A_521 = arith.constant 0 : i32
    %dma_start3A_522 = tpu.memref_slice %arg7[%dma_start3A_517, %dma_start3A_518, %dma_start3A_520, %dma_start3A_521] : memref<2x5x80x16xf32, #tpu.memory_space<vmem>> -> memref<1x1x80x16xf32, #tpu.memory_space<vmem>>
    %dma_start3A_523 = tpu.memref_squeeze %dma_start3A_522 : memref<1x1x80x16xf32, #tpu.memory_space<vmem>> -> memref<80x16xf32, #tpu.memory_space<vmem>>
    %dma_start3A_524 = arith.constant 0 : i32
    %dma_start3A_525 = tpu.memref_slice %arg6[%dma_start3A_519, %dma_start3A_524] : memref<125x80xi32, #tpu.memory_space<vmem>> -> memref<1x80xi32, #tpu.memory_space<vmem>>
    %dma_start3A_526 = tpu.memref_squeeze %dma_start3A_525 : memref<1x80xi32, #tpu.memory_space<vmem>> -> memref<80xi32, #tpu.memory_space<vmem>>
    %dma_start3A_527 = arith.constant 0 : i32
    %dma_start3A_528 = arith.constant 0 : i32
    %dma_start3A_529 = tpu.memref_slice %arg8[%dma_start3A_527, %dma_start3A_528] : memref<10240x16xf32, #tpu.memory_space<vmem_shared>> -> memref<10240x16xf32, #tpu.memory_space<vmem_shared>>
    tpu.enqueue_indirect_dma source(%dma_start3A_523 : memref<80x16xf32, #tpu.memory_space<vmem>>) target(%dma_start3A_529 : memref<10240x16xf32, #tpu.memory_space<vmem_shared>>) offsets(%dma_start3A_526 : memref<80xi32, #tpu.memory_space<vmem>>) semaphore(%arg11 : memref<!tpu.dma_semaphore, #tpu.memory_space<semaphore_mem>>) {add = true}
    %dma_wait3A_530 = arith.constant 0 : i32
    %dma_wait3A_531 = arith.constant 0 : i32
    %dma_wait3A_532 = arith.constant 0 : i32
    %dma_wait3A_533 = arith.constant 0 : i32
    %dma_wait3A_534 = tpu.memref_slice %arg7[%dma_wait3A_530, %dma_wait3A_531, %dma_wait3A_532, %dma_wait3A_533] : memref<2x5x80x16xf32, #tpu.memory_space<vmem>> -> memref<1x1x80x16xf32, #tpu.memory_space<vmem>>
    %dma_wait3A_535 = tpu.memref_squeeze %dma_wait3A_534 : memref<1x1x80x16xf32, #tpu.memory_space<vmem>> -> memref<80x16xf32, #tpu.memory_space<vmem>>
    %dma_wait3A_536 = arith.constant 0 : i32
    %dma_wait3A_537 = arith.constant 0 : i32
    %dma_wait3A_538 = tpu.memref_slice %arg3[%dma_wait3A_536, %dma_wait3A_537] : memref<10000x16xf32, #tpu.memory_space<hbm>> -> memref<80x16xf32, #tpu.memory_space<hbm>>
    %dma_wait3A_539 = arith.constant 0 : i32
    %dma_wait3A_540 = arith.constant 0 : i32
    %dma_wait3A_541 = tpu.memref_slice %arg7[%dma_wait3A_530, %dma_wait3A_531, %dma_wait3A_539, %dma_wait3A_540] : memref<2x5x80x16xf32, #tpu.memory_space<vmem>> -> memref<1x1x80x16xf32, #tpu.memory_space<vmem>>
    %dma_wait3A_542 = tpu.memref_squeeze %dma_wait3A_541 : memref<1x1x80x16xf32, #tpu.memory_space<vmem>> -> memref<80x16xf32, #tpu.memory_space<vmem>>
    %dma_wait3A_543 = arith.constant 0 : i32
    %dma_wait3A_544 = arith.constant 0 : i32
    %dma_wait3A_545 = tpu.memref_slice %arg3[%dma_wait3A_543, %dma_wait3A_544] : memref<10000x16xf32, #tpu.memory_space<hbm>> -> memref<80x16xf32, #tpu.memory_space<hbm>>
    tpu.wait_dma2 semaphore(%arg11 : memref<!tpu.dma_semaphore, #tpu.memory_space<semaphore_mem>>) src(%dma_wait3A_545 : memref<80x16xf32, #tpu.memory_space<hbm>>) dst(%dma_wait3A_542 : memref<80x16xf32, #tpu.memory_space<vmem>>)
    %dma_wait3A_546 = arith.constant 0 : i32
    %dma_wait3A_547 = arith.constant 1 : i32
    %dma_wait3A_548 = arith.constant 0 : i32
    %dma_wait3A_549 = arith.constant 0 : i32
    %dma_wait3A_550 = tpu.memref_slice %arg7[%dma_wait3A_546, %dma_wait3A_547, %dma_wait3A_548, %dma_wait3A_549] : memref<2x5x80x16xf32, #tpu.memory_space<vmem>> -> memref<1x1x80x16xf32, #tpu.memory_space<vmem>>
    %dma_wait3A_551 = tpu.memref_squeeze %dma_wait3A_550 : memref<1x1x80x16xf32, #tpu.memory_space<vmem>> -> memref<80x16xf32, #tpu.memory_space<vmem>>
    %dma_wait3A_552 = arith.constant 0 : i32
    %dma_wait3A_553 = arith.constant 0 : i32
    %dma_wait3A_554 = tpu.memref_slice %arg3[%dma_wait3A_552, %dma_wait3A_553] : memref<10000x16xf32, #tpu.memory_space<hbm>> -> memref<80x16xf32, #tpu.memory_space<hbm>>
    %dma_wait3A_555 = arith.constant 0 : i32
    %dma_wait3A_556 = arith.constant 0 : i32
    %dma_wait3A_557 = tpu.memref_slice %arg7[%dma_wait3A_546, %dma_wait3A_547, %dma_wait3A_555, %dma_wait3A_556] : memref<2x5x80x16xf32, #tpu.memory_space<vmem>> -> memref<1x1x80x16xf32, #tpu.memory_space<vmem>>
    %dma_wait3A_558 = tpu.memref_squeeze %dma_wait3A_557 : memref<1x1x80x16xf32, #tpu.memory_space<vmem>> -> memref<80x16xf32, #tpu.memory_space<vmem>>
    %dma_wait3A_559 = arith.constant 0 : i32
    %dma_wait3A_560 = arith.constant 0 : i32
    %dma_wait3A_561 = tpu.memref_slice %arg3[%dma_wait3A_559, %dma_wait3A_560] : memref<10000x16xf32, #tpu.memory_space<hbm>> -> memref<80x16xf32, #tpu.memory_space<hbm>>
    tpu.wait_dma2 semaphore(%arg11 : memref<!tpu.dma_semaphore, #tpu.memory_space<semaphore_mem>>) src(%dma_wait3A_561 : memref<80x16xf32, #tpu.memory_space<hbm>>) dst(%dma_wait3A_558 : memref<80x16xf32, #tpu.memory_space<vmem>>)
    %dma_wait3A_562 = arith.constant 0 : i32
    %dma_wait3A_563 = arith.constant 2 : i32
    %dma_wait3A_564 = arith.constant 0 : i32
    %dma_wait3A_565 = arith.constant 0 : i32
    %dma_wait3A_566 = tpu.memref_slice %arg7[%dma_wait3A_562, %dma_wait3A_563, %dma_wait3A_564, %dma_wait3A_565] : memref<2x5x80x16xf32, #tpu.memory_space<vmem>> -> memref<1x1x80x16xf32, #tpu.memory_space<vmem>>
    %dma_wait3A_567 = tpu.memref_squeeze %dma_wait3A_566 : memref<1x1x80x16xf32, #tpu.memory_space<vmem>> -> memref<80x16xf32, #tpu.memory_space<vmem>>
    %dma_wait3A_568 = arith.constant 0 : i32
    %dma_wait3A_569 = arith.constant 0 : i32
    %dma_wait3A_570 = tpu.memref_slice %arg3[%dma_wait3A_568, %dma_wait3A_569] : memref<10000x16xf32, #tpu.memory_space<hbm>> -> memref<80x16xf32, #tpu.memory_space<hbm>>
    %dma_wait3A_571 = arith.constant 0 : i32
    %dma_wait3A_572 = arith.constant 0 : i32
    %dma_wait3A_573 = tpu.memref_slice %arg7[%dma_wait3A_562, %dma_wait3A_563, %dma_wait3A_571, %dma_wait3A_572] : memref<2x5x80x16xf32, #tpu.memory_space<vmem>> -> memref<1x1x80x16xf32, #tpu.memory_space<vmem>>
    %dma_wait3A_574 = tpu.memref_squeeze %dma_wait3A_573 : memref<1x1x80x16xf32, #tpu.memory_space<vmem>> -> memref<80x16xf32, #tpu.memory_space<vmem>>
    %dma_wait3A_575 = arith.constant 0 : i32
    %dma_wait3A_576 = arith.constant 0 : i32
    %dma_wait3A_577 = tpu.memref_slice %arg3[%dma_wait3A_575, %dma_wait3A_576] : memref<10000x16xf32, #tpu.memory_space<hbm>> -> memref<80x16xf32, #tpu.memory_space<hbm>>
    tpu.wait_dma2 semaphore(%arg11 : memref<!tpu.dma_semaphore, #tpu.memory_space<semaphore_mem>>) src(%dma_wait3A_577 : memref<80x16xf32, #tpu.memory_space<hbm>>) dst(%dma_wait3A_574 : memref<80x16xf32, #tpu.memory_space<vmem>>)
    %dma_wait3A_578 = arith.constant 0 : i32
    %dma_wait3A_579 = arith.constant 3 : i32
    %dma_wait3A_580 = arith.constant 0 : i32
    %dma_wait3A_581 = arith.constant 0 : i32
    %dma_wait3A_582 = tpu.memref_slice %arg7[%dma_wait3A_578, %dma_wait3A_579, %dma_wait3A_580, %dma_wait3A_581] : memref<2x5x80x16xf32, #tpu.memory_space<vmem>> -> memref<1x1x80x16xf32, #tpu.memory_space<vmem>>
    %dma_wait3A_583 = tpu.memref_squeeze %dma_wait3A_582 : memref<1x1x80x16xf32, #tpu.memory_space<vmem>> -> memref<80x16xf32, #tpu.memory_space<vmem>>
    %dma_wait3A_584 = arith.constant 0 : i32
    %dma_wait3A_585 = arith.constant 0 : i32
    %dma_wait3A_586 = tpu.memref_slice %arg3[%dma_wait3A_584, %dma_wait3A_585] : memref<10000x16xf32, #tpu.memory_space<hbm>> -> memref<80x16xf32, #tpu.memory_space<hbm>>
    %dma_wait3A_587 = arith.constant 0 : i32
    %dma_wait3A_588 = arith.constant 0 : i32
    %dma_wait3A_589 = tpu.memref_slice %arg7[%dma_wait3A_578, %dma_wait3A_579, %dma_wait3A_587, %dma_wait3A_588] : memref<2x5x80x16xf32, #tpu.memory_space<vmem>> -> memref<1x1x80x16xf32, #tpu.memory_space<vmem>>
    %dma_wait3A_590 = tpu.memref_squeeze %dma_wait3A_589 : memref<1x1x80x16xf32, #tpu.memory_space<vmem>> -> memref<80x16xf32, #tpu.memory_space<vmem>>
    %dma_wait3A_591 = arith.constant 0 : i32
    %dma_wait3A_592 = arith.constant 0 : i32
    %dma_wait3A_593 = tpu.memref_slice %arg3[%dma_wait3A_591, %dma_wait3A_592] : memref<10000x16xf32, #tpu.memory_space<hbm>> -> memref<80x16xf32, #tpu.memory_space<hbm>>
    tpu.wait_dma2 semaphore(%arg11 : memref<!tpu.dma_semaphore, #tpu.memory_space<semaphore_mem>>) src(%dma_wait3A_593 : memref<80x16xf32, #tpu.memory_space<hbm>>) dst(%dma_wait3A_590 : memref<80x16xf32, #tpu.memory_space<vmem>>)
    %dma_wait3A_594 = arith.constant 0 : i32
    %dma_wait3A_595 = arith.constant 4 : i32
    %dma_wait3A_596 = arith.constant 0 : i32
    %dma_wait3A_597 = arith.constant 0 : i32
    %dma_wait3A_598 = tpu.memref_slice %arg7[%dma_wait3A_594, %dma_wait3A_595, %dma_wait3A_596, %dma_wait3A_597] : memref<2x5x80x16xf32, #tpu.memory_space<vmem>> -> memref<1x1x80x16xf32, #tpu.memory_space<vmem>>
    %dma_wait3A_599 = tpu.memref_squeeze %dma_wait3A_598 : memref<1x1x80x16xf32, #tpu.memory_space<vmem>> -> memref<80x16xf32, #tpu.memory_space<vmem>>
    %dma_wait3A_600 = arith.constant 0 : i32
    %dma_wait3A_601 = arith.constant 0 : i32
    %dma_wait3A_602 = tpu.memref_slice %arg3[%dma_wait3A_600, %dma_wait3A_601] : memref<10000x16xf32, #tpu.memory_space<hbm>> -> memref<80x16xf32, #tpu.memory_space<hbm>>
    %dma_wait3A_603 = arith.constant 0 : i32
    %dma_wait3A_604 = arith.constant 0 : i32
    %dma_wait3A_605 = tpu.memref_slice %arg7[%dma_wait3A_594, %dma_wait3A_595, %dma_wait3A_603, %dma_wait3A_604] : memref<2x5x80x16xf32, #tpu.memory_space<vmem>> -> memref<1x1x80x16xf32, #tpu.memory_space<vmem>>
    %dma_wait3A_606 = tpu.memref_squeeze %dma_wait3A_605 : memref<1x1x80x16xf32, #tpu.memory_space<vmem>> -> memref<80x16xf32, #tpu.memory_space<vmem>>
    %dma_wait3A_607 = arith.constant 0 : i32
    %dma_wait3A_608 = arith.constant 0 : i32
    %dma_wait3A_609 = tpu.memref_slice %arg3[%dma_wait3A_607, %dma_wait3A_608] : memref<10000x16xf32, #tpu.memory_space<hbm>> -> memref<80x16xf32, #tpu.memory_space<hbm>>
    tpu.wait_dma2 semaphore(%arg11 : memref<!tpu.dma_semaphore, #tpu.memory_space<semaphore_mem>>) src(%dma_wait3A_609 : memref<80x16xf32, #tpu.memory_space<hbm>>) dst(%dma_wait3A_606 : memref<80x16xf32, #tpu.memory_space<vmem>>)
    %dma_wait3A_610 = arith.constant 1 : i32
    %dma_wait3A_611 = arith.constant 0 : i32
    %dma_wait3A_612 = arith.constant 0 : i32
    %dma_wait3A_613 = arith.constant 0 : i32
    %dma_wait3A_614 = tpu.memref_slice %arg7[%dma_wait3A_610, %dma_wait3A_611, %dma_wait3A_612, %dma_wait3A_613] : memref<2x5x80x16xf32, #tpu.memory_space<vmem>> -> memref<1x1x80x16xf32, #tpu.memory_space<vmem>>
    %dma_wait3A_615 = tpu.memref_squeeze %dma_wait3A_614 : memref<1x1x80x16xf32, #tpu.memory_space<vmem>> -> memref<80x16xf32, #tpu.memory_space<vmem>>
    %dma_wait3A_616 = arith.constant 0 : i32
    %dma_wait3A_617 = arith.constant 0 : i32
    %dma_wait3A_618 = tpu.memref_slice %arg3[%dma_wait3A_616, %dma_wait3A_617] : memref<10000x16xf32, #tpu.memory_space<hbm>> -> memref<80x16xf32, #tpu.memory_space<hbm>>
    %dma_wait3A_619 = arith.constant 0 : i32
    %dma_wait3A_620 = arith.constant 0 : i32
    %dma_wait3A_621 = tpu.memref_slice %arg7[%dma_wait3A_610, %dma_wait3A_611, %dma_wait3A_619, %dma_wait3A_620] : memref<2x5x80x16xf32, #tpu.memory_space<vmem>> -> memref<1x1x80x16xf32, #tpu.memory_space<vmem>>
    %dma_wait3A_622 = tpu.memref_squeeze %dma_wait3A_621 : memref<1x1x80x16xf32, #tpu.memory_space<vmem>> -> memref<80x16xf32, #tpu.memory_space<vmem>>
    %dma_wait3A_623 = arith.constant 0 : i32
    %dma_wait3A_624 = arith.constant 0 : i32
    %dma_wait3A_625 = tpu.memref_slice %arg3[%dma_wait3A_623, %dma_wait3A_624] : memref<10000x16xf32, #tpu.memory_space<hbm>> -> memref<80x16xf32, #tpu.memory_space<hbm>>
    tpu.wait_dma2 semaphore(%arg12 : memref<!tpu.dma_semaphore, #tpu.memory_space<semaphore_mem>>) src(%dma_wait3A_625 : memref<80x16xf32, #tpu.memory_space<hbm>>) dst(%dma_wait3A_622 : memref<80x16xf32, #tpu.memory_space<vmem>>)
    %dma_wait3A_626 = arith.constant 1 : i32
    %dma_wait3A_627 = arith.constant 1 : i32
    %dma_wait3A_628 = arith.constant 0 : i32
    %dma_wait3A_629 = arith.constant 0 : i32
    %dma_wait3A_630 = tpu.memref_slice %arg7[%dma_wait3A_626, %dma_wait3A_627, %dma_wait3A_628, %dma_wait3A_629] : memref<2x5x80x16xf32, #tpu.memory_space<vmem>> -> memref<1x1x80x16xf32, #tpu.memory_space<vmem>>
    %dma_wait3A_631 = tpu.memref_squeeze %dma_wait3A_630 : memref<1x1x80x16xf32, #tpu.memory_space<vmem>> -> memref<80x16xf32, #tpu.memory_space<vmem>>
    %dma_wait3A_632 = arith.constant 0 : i32
    %dma_wait3A_633 = arith.constant 0 : i32
    %dma_wait3A_634 = tpu.memref_slice %arg3[%dma_wait3A_632, %dma_wait3A_633] : memref<10000x16xf32, #tpu.memory_space<hbm>> -> memref<80x16xf32, #tpu.memory_space<hbm>>
    %dma_wait3A_635 = arith.constant 0 : i32
    %dma_wait3A_636 = arith.constant 0 : i32
    %dma_wait3A_637 = tpu.memref_slice %arg7[%dma_wait3A_626, %dma_wait3A_627, %dma_wait3A_635, %dma_wait3A_636] : memref<2x5x80x16xf32, #tpu.memory_space<vmem>> -> memref<1x1x80x16xf32, #tpu.memory_space<vmem>>
    %dma_wait3A_638 = tpu.memref_squeeze %dma_wait3A_637 : memref<1x1x80x16xf32, #tpu.memory_space<vmem>> -> memref<80x16xf32, #tpu.memory_space<vmem>>
    %dma_wait3A_639 = arith.constant 0 : i32
    %dma_wait3A_640 = arith.constant 0 : i32
    %dma_wait3A_641 = tpu.memref_slice %arg3[%dma_wait3A_639, %dma_wait3A_640] : memref<10000x16xf32, #tpu.memory_space<hbm>> -> memref<80x16xf32, #tpu.memory_space<hbm>>
    tpu.wait_dma2 semaphore(%arg12 : memref<!tpu.dma_semaphore, #tpu.memory_space<semaphore_mem>>) src(%dma_wait3A_641 : memref<80x16xf32, #tpu.memory_space<hbm>>) dst(%dma_wait3A_638 : memref<80x16xf32, #tpu.memory_space<vmem>>)
    %dma_wait3A_642 = arith.constant 1 : i32
    %dma_wait3A_643 = arith.constant 2 : i32
    %dma_wait3A_644 = arith.constant 0 : i32
    %dma_wait3A_645 = arith.constant 0 : i32
    %dma_wait3A_646 = tpu.memref_slice %arg7[%dma_wait3A_642, %dma_wait3A_643, %dma_wait3A_644, %dma_wait3A_645] : memref<2x5x80x16xf32, #tpu.memory_space<vmem>> -> memref<1x1x80x16xf32, #tpu.memory_space<vmem>>
    %dma_wait3A_647 = tpu.memref_squeeze %dma_wait3A_646 : memref<1x1x80x16xf32, #tpu.memory_space<vmem>> -> memref<80x16xf32, #tpu.memory_space<vmem>>
    %dma_wait3A_648 = arith.constant 0 : i32
    %dma_wait3A_649 = arith.constant 0 : i32
    %dma_wait3A_650 = tpu.memref_slice %arg3[%dma_wait3A_648, %dma_wait3A_649] : memref<10000x16xf32, #tpu.memory_space<hbm>> -> memref<80x16xf32, #tpu.memory_space<hbm>>
    %dma_wait3A_651 = arith.constant 0 : i32
    %dma_wait3A_652 = arith.constant 0 : i32
    %dma_wait3A_653 = tpu.memref_slice %arg7[%dma_wait3A_642, %dma_wait3A_643, %dma_wait3A_651, %dma_wait3A_652] : memref<2x5x80x16xf32, #tpu.memory_space<vmem>> -> memref<1x1x80x16xf32, #tpu.memory_space<vmem>>
    %dma_wait3A_654 = tpu.memref_squeeze %dma_wait3A_653 : memref<1x1x80x16xf32, #tpu.memory_space<vmem>> -> memref<80x16xf32, #tpu.memory_space<vmem>>
    %dma_wait3A_655 = arith.constant 0 : i32
    %dma_wait3A_656 = arith.constant 0 : i32
    %dma_wait3A_657 = tpu.memref_slice %arg3[%dma_wait3A_655, %dma_wait3A_656] : memref<10000x16xf32, #tpu.memory_space<hbm>> -> memref<80x16xf32, #tpu.memory_space<hbm>>
    tpu.wait_dma2 semaphore(%arg12 : memref<!tpu.dma_semaphore, #tpu.memory_space<semaphore_mem>>) src(%dma_wait3A_657 : memref<80x16xf32, #tpu.memory_space<hbm>>) dst(%dma_wait3A_654 : memref<80x16xf32, #tpu.memory_space<vmem>>)
    %dma_wait3A_658 = arith.constant 1 : i32
    %dma_wait3A_659 = arith.constant 3 : i32
    %dma_wait3A_660 = arith.constant 0 : i32
    %dma_wait3A_661 = arith.constant 0 : i32
    %dma_wait3A_662 = tpu.memref_slice %arg7[%dma_wait3A_658, %dma_wait3A_659, %dma_wait3A_660, %dma_wait3A_661] : memref<2x5x80x16xf32, #tpu.memory_space<vmem>> -> memref<1x1x80x16xf32, #tpu.memory_space<vmem>>
    %dma_wait3A_663 = tpu.memref_squeeze %dma_wait3A_662 : memref<1x1x80x16xf32, #tpu.memory_space<vmem>> -> memref<80x16xf32, #tpu.memory_space<vmem>>
    %dma_wait3A_664 = arith.constant 0 : i32
    %dma_wait3A_665 = arith.constant 0 : i32
    %dma_wait3A_666 = tpu.memref_slice %arg3[%dma_wait3A_664, %dma_wait3A_665] : memref<10000x16xf32, #tpu.memory_space<hbm>> -> memref<80x16xf32, #tpu.memory_space<hbm>>
    %dma_wait3A_667 = arith.constant 0 : i32
    %dma_wait3A_668 = arith.constant 0 : i32
    %dma_wait3A_669 = tpu.memref_slice %arg7[%dma_wait3A_658, %dma_wait3A_659, %dma_wait3A_667, %dma_wait3A_668] : memref<2x5x80x16xf32, #tpu.memory_space<vmem>> -> memref<1x1x80x16xf32, #tpu.memory_space<vmem>>
    %dma_wait3A_670 = tpu.memref_squeeze %dma_wait3A_669 : memref<1x1x80x16xf32, #tpu.memory_space<vmem>> -> memref<80x16xf32, #tpu.memory_space<vmem>>
    %dma_wait3A_671 = arith.constant 0 : i32
    %dma_wait3A_672 = arith.constant 0 : i32
    %dma_wait3A_673 = tpu.memref_slice %arg3[%dma_wait3A_671, %dma_wait3A_672] : memref<10000x16xf32, #tpu.memory_space<hbm>> -> memref<80x16xf32, #tpu.memory_space<hbm>>
    tpu.wait_dma2 semaphore(%arg12 : memref<!tpu.dma_semaphore, #tpu.memory_space<semaphore_mem>>) src(%dma_wait3A_673 : memref<80x16xf32, #tpu.memory_space<hbm>>) dst(%dma_wait3A_670 : memref<80x16xf32, #tpu.memory_space<vmem>>)
    %dma_wait3A_674 = arith.constant 1 : i32
    %dma_wait3A_675 = arith.constant 4 : i32
    %dma_wait3A_676 = arith.constant 0 : i32
    %dma_wait3A_677 = arith.constant 0 : i32
    %dma_wait3A_678 = tpu.memref_slice %arg7[%dma_wait3A_674, %dma_wait3A_675, %dma_wait3A_676, %dma_wait3A_677] : memref<2x5x80x16xf32, #tpu.memory_space<vmem>> -> memref<1x1x80x16xf32, #tpu.memory_space<vmem>>
    %dma_wait3A_679 = tpu.memref_squeeze %dma_wait3A_678 : memref<1x1x80x16xf32, #tpu.memory_space<vmem>> -> memref<80x16xf32, #tpu.memory_space<vmem>>
    %dma_wait3A_680 = arith.constant 0 : i32
    %dma_wait3A_681 = arith.constant 0 : i32
    %dma_wait3A_682 = tpu.memref_slice %arg3[%dma_wait3A_680, %dma_wait3A_681] : memref<10000x16xf32, #tpu.memory_space<hbm>> -> memref<80x16xf32, #tpu.memory_space<hbm>>
    %dma_wait3A_683 = arith.constant 0 : i32
    %dma_wait3A_684 = arith.constant 0 : i32
    %dma_wait3A_685 = tpu.memref_slice %arg7[%dma_wait3A_674, %dma_wait3A_675, %dma_wait3A_683, %dma_wait3A_684] : memref<2x5x80x16xf32, #tpu.memory_space<vmem>> -> memref<1x1x80x16xf32, #tpu.memory_space<vmem>>
    %dma_wait3A_686 = tpu.memref_squeeze %dma_wait3A_685 : memref<1x1x80x16xf32, #tpu.memory_space<vmem>> -> memref<80x16xf32, #tpu.memory_space<vmem>>
    %dma_wait3A_687 = arith.constant 0 : i32
    %dma_wait3A_688 = arith.constant 0 : i32
    %dma_wait3A_689 = tpu.memref_slice %arg3[%dma_wait3A_687, %dma_wait3A_688] : memref<10000x16xf32, #tpu.memory_space<hbm>> -> memref<80x16xf32, #tpu.memory_space<hbm>>
    tpu.wait_dma2 semaphore(%arg12 : memref<!tpu.dma_semaphore, #tpu.memory_space<semaphore_mem>>) src(%dma_wait3A_689 : memref<80x16xf32, #tpu.memory_space<hbm>>) dst(%dma_wait3A_686 : memref<80x16xf32, #tpu.memory_space<vmem>>)
    %barrier3A_690 = arith.constant 0 : index
    tpu.barrier barrier_id(%barrier3A_690)
    "tpu.region"() ({
      %run_scoped3A_691 = tpu.sem_alloc : memref<!tpu.dma_semaphore, #tpu.memory_space<semaphore_mem>>
      %dma_start3A_692 = arith.constant 0 : i32
      %dma_start3A_693 = tpu.memref_slice %arg4[%arg0, %mul3A_2, %dma_start3A_692] : memref<2x10240x16xf32, #tpu.memory_space<hbm>> -> memref<1x640x16xf32, #tpu.memory_space<hbm>>
      %dma_start3A_694 = tpu.memref_squeeze %dma_start3A_693 : memref<1x640x16xf32, #tpu.memory_space<hbm>> -> memref<640x16xf32, #tpu.memory_space<hbm>>
      %dma_start3A_695 = arith.constant 0 : i32
      %dma_start3A_696 = tpu.memref_slice %arg8[%mul3A_2, %dma_start3A_695] : memref<10240x16xf32, #tpu.memory_space<vmem_shared>> -> memref<640x16xf32, #tpu.memory_space<vmem_shared>>
      tpu.enqueue_dma source(%dma_start3A_696 : memref<640x16xf32, #tpu.memory_space<vmem_shared>>) target(%dma_start3A_694 : memref<640x16xf32, #tpu.memory_space<hbm>>) target_semaphore(%run_scoped3A_691 : memref<!tpu.dma_semaphore, #tpu.memory_space<semaphore_mem>>)
      %dma_wait3A_697 = arith.constant 0 : i32
      %dma_wait3A_698 = tpu.memref_slice %arg4[%arg0, %mul3A_2, %dma_wait3A_697] : memref<2x10240x16xf32, #tpu.memory_space<hbm>> -> memref<1x640x16xf32, #tpu.memory_space<hbm>>
      %dma_wait3A_699 = tpu.memref_squeeze %dma_wait3A_698 : memref<1x640x16xf32, #tpu.memory_space<hbm>> -> memref<640x16xf32, #tpu.memory_space<hbm>>
      %dma_wait3A_700 = arith.constant 0 : i32
      %dma_wait3A_701 = tpu.memref_slice %arg8[%mul3A_2, %dma_wait3A_700] : memref<10240x16xf32, #tpu.memory_space<vmem_shared>> -> memref<640x16xf32, #tpu.memory_space<vmem_shared>>
      tpu.wait_dma2 semaphore(%run_scoped3A_691 : memref<!tpu.dma_semaphore, #tpu.memory_space<semaphore_mem>>) src(%dma_wait3A_701 : memref<640x16xf32, #tpu.memory_space<vmem_shared>>) dst(%dma_wait3A_699 : memref<640x16xf32, #tpu.memory_space<hbm>>)
      tpu.yield
    }) : () -> ()
    return
  }
}

#map = affine_map<(d0, d1) -> (0, 0, 0)>
#map1 = affine_map<(d0, d1) -> (0, 0)>
module attributes {stable_mosaic.version = 14 : i64} {
  func.func @k(%arg0: i32, %arg1: i32, %arg2: memref<2x4000x80xi32, #tpu.memory_space<hbm>>, %arg3: memref<80x16xf32, #tpu.memory_space<hbm>>, %arg4: memref<2x10240x16xf32, #tpu.memory_space<hbm>>, %arg5: memref<125x80xi32, #tpu.memory_space<vmem>>, %arg6: memref<125x80xi32, #tpu.memory_space<vmem>>, %arg7: memref<2x5x80x16xf32, #tpu.memory_space<vmem>>, %arg8: memref<10240x16xf32, #tpu.memory_space<vmem_shared>>, %arg9: memref<!tpu.dma_semaphore, #tpu.memory_space<semaphore_mem>>, %arg10: memref<!tpu.dma_semaphore, #tpu.memory_space<semaphore_mem>>, %arg11: memref<!tpu.dma_semaphore, #tpu.memory_space<semaphore_mem>>, %arg12: memref<!tpu.dma_semaphore, #tpu.memory_space<semaphore_mem>>) attributes {dimension_semantics = [#tpu.dimension_semantics<core_parallel>, #tpu.dimension_semantics<subcore_parallel>], iteration_bounds = array<i64: 2, 16>, scalar_prefetch = 0 : i64, scratch_operands = 8 : i64, tpu.core_type = #tpu.core_type<sc_vector_subcore>, window_params = [{transform_indices = #map}, {transform_indices = #map1}, {transform_indices = #map}]} {
    %mul3A = arith.constant 16 : i32
    %mul3A_0 = arith.muli %arg0, %mul3A : i32
    %add3A = arith.addi %mul3A_0, %arg1 : i32
    %mul3A_1 = arith.constant 640 : i32
    %mul3A_2 = arith.muli %arg1, %mul3A_1 : i32
    %scan3A = arith.constant 0 : i32
    %scan3A_3 = arith.constant 0 : i32
    %scan3A_4 = arith.constant 80 : i32
    %scan3A_5 = arith.addi %scan3A_3, %scan3A_4 : i32
    %scan3A_6 = arith.constant 1 : i32
    scf.for %scan3A_307 = %scan3A_3 to %scan3A_5 step %scan3A_6  : i32 {
      %broadcast_in_dim3A = arith.constant 0.000000e+00 : f32
      %broadcast_in_dim3A_308 = vector.broadcast %broadcast_in_dim3A : f32 to vector<16xf32>
      %jit3A = arith.constant 1 : i32
      %div3A = arith.divsi %scan3A_307, %jit3A : i32
      %sign3A = arith.constant 0 : i32
      %sign3A_309 = arith.cmpi sgt, %scan3A_307, %sign3A : i32
      %sign3A_310 = arith.extui %sign3A_309 : i1 to i32
      %sign3A_311 = arith.constant 0 : i32
      %sign3A_312 = arith.cmpi slt, %scan3A_307, %sign3A_311 : i32
      %sign3A_313 = arith.extui %sign3A_312 : i1 to i32
      %sign3A_314 = arith.subi %sign3A_310, %sign3A_313 : i32
      %sign3A_315 = arith.constant 0 : i32
      %sign3A_316 = arith.cmpi sgt, %jit3A, %sign3A_315 : i32
      %sign3A_317 = arith.extui %sign3A_316 : i1 to i32
      %sign3A_318 = arith.constant 0 : i32
      %sign3A_319 = arith.cmpi slt, %jit3A, %sign3A_318 : i32
      %sign3A_320 = arith.extui %sign3A_319 : i1 to i32
      %sign3A_321 = arith.subi %sign3A_317, %sign3A_320 : i32
      %ne3A = arith.cmpi ne, %sign3A_314, %sign3A_321 : i32
      %rem3A = arith.remsi %scan3A_307, %jit3A : i32
      %ne3A_322 = arith.constant 0 : i32
      %ne3A_323 = arith.cmpi ne, %rem3A, %ne3A_322 : i32
      %and3A = arith.andi %ne3A, %ne3A_323 : i1
      %sub3A = arith.constant 1 : i32
      %sub3A_324 = arith.subi %div3A, %sub3A : i32
      %select_n3A = arith.select %and3A, %sub3A_324, %div3A : i32
      %jit3A_325 = arith.constant 1 : i32
      %eq3A = arith.constant 0 : i32
      %eq3A_326 = arith.cmpi eq, %jit3A_325, %eq3A : i32
      %jit3A_327 = arith.constant 1 : i32
      %select_n3A_328 = arith.select %eq3A_326, %jit3A_327, %jit3A_325 : i32
      %rem3A_329 = arith.remsi %scan3A_307, %select_n3A_328 : i32
      %ne3A_330 = arith.constant 0 : i32
      %ne3A_331 = arith.cmpi ne, %rem3A_329, %ne3A_330 : i32
      %lt3A = arith.constant 0 : i32
      %lt3A_332 = arith.cmpi slt, %rem3A_329, %lt3A : i32
      %lt3A_333 = arith.constant 0 : i32
      %lt3A_334 = arith.cmpi slt, %select_n3A_328, %lt3A_333 : i32
      %ne3A_335 = arith.xori %lt3A_332, %lt3A_334 : i1
      %and3A_336 = arith.andi %ne3A_335, %ne3A_331 : i1
      %add3A_337 = arith.addi %rem3A_329, %select_n3A_328 : i32
      %select_n3A_338 = arith.select %and3A_336, %add3A_337, %rem3A_329 : i32
      %mul3A_339 = arith.constant 16 : i32
      %mul3A_340 = arith.muli %select_n3A_338, %mul3A_339 : i32
      %swap3A = arith.constant 1 : i32
      %swap3A_341 = arith.constant 0 : i32
      %swap3A_342 = arith.index_cast %swap3A : i32 to index
      %swap3A_343 = arith.index_cast %swap3A_341 : i32 to index
      %swap3A_344 = arith.index_cast %select_n3A : i32 to index
      %swap3A_345 = arith.index_cast %mul3A_340 : i32 to index
      %swap3A_346 = tpu.vector_load %arg7[%swap3A_342, %swap3A_343, %swap3A_344, %swap3A_345] {strides = array<i32>} : memref<2x5x80x16xf32, #tpu.memory_space<vmem>>, vector<1x1x1x16xf32>,
      %swap3A_347 = vector.shape_cast %swap3A_346 : vector<1x1x1x16xf32> to vector<16xf32>
      %swap3A_348 = vector.shape_cast %broadcast_in_dim3A_308 : vector<16xf32> to vector<1x1x1x16xf32>
      tpu.vector_store %arg7[%swap3A_342, %swap3A_343, %swap3A_344, %swap3A_345], %swap3A_348 {strides = array<i32>} : memref<2x5x80x16xf32, #tpu.memory_space<vmem>>, vector<1x1x1x16xf32>,
    }
    %scan3A_7 = arith.constant 80 : i32
    %add3A_8 = arith.constant 0 : i32
    %add3A_9 = arith.addi %mul3A_2, %add3A_8 : i32
    %dma_start3A = arith.constant 1 : i32
    %dma_start3A_10 = arith.constant 0 : i32
    %dma_start3A_11 = arith.constant 0 : i32
    %dma_start3A_12 = arith.constant 0 : i32
    %dma_start3A_13 = tpu.memref_slice %arg7[%dma_start3A, %dma_start3A_10, %dma_start3A_11, %dma_start3A_12] : memref<2x5x80x16xf32, #tpu.memory_space<vmem>> -> memref<1x1x80x16xf32, #tpu.memory_space<vmem>>
    %dma_start3A_14 = tpu.memref_squeeze %dma_start3A_13 : memref<1x1x80x16xf32, #tpu.memory_space<vmem>> -> memref<80x16xf32, #tpu.memory_space<vmem>>
    %dma_start3A_15 = arith.constant 0 : i32
    %dma_start3A_16 = tpu.memref_slice %arg8[%add3A_9, %dma_start3A_15] : memref<10240x16xf32, #tpu.memory_space<vmem_shared>> -> memref<80x16xf32, #tpu.memory_space<vmem_shared>>
    %dma_start3A_17 = arith.constant 0 : i32
    %dma_start3A_18 = tpu.memref_slice %arg8[%add3A_9, %dma_start3A_17] : memref<10240x16xf32, #tpu.memory_space<vmem_shared>> -> memref<80x16xf32, #tpu.memory_space<vmem_shared>>
    %dma_start3A_19 = arith.constant 0 : i32
    %dma_start3A_20 = arith.constant 0 : i32
    %dma_start3A_21 = tpu.memref_slice %arg7[%dma_start3A, %dma_start3A_10, %dma_start3A_19, %dma_start3A_20] : memref<2x5x80x16xf32, #tpu.memory_space<vmem>> -> memref<1x1x80x16xf32, #tpu.memory_space<vmem>>
    %dma_start3A_22 = tpu.memref_squeeze %dma_start3A_21 : memref<1x1x80x16xf32, #tpu.memory_space<vmem>> -> memref<80x16xf32, #tpu.memory_space<vmem>>
    tpu.enqueue_dma source(%dma_start3A_22 : memref<80x16xf32, #tpu.memory_space<vmem>>) target(%dma_start3A_18 : memref<80x16xf32, #tpu.memory_space<vmem_shared>>) target_semaphore(%arg9 : memref<!tpu.dma_semaphore, #tpu.memory_space<semaphore_mem>>)
    %add3A_23 = arith.constant 80 : i32
    %add3A_24 = arith.addi %mul3A_2, %add3A_23 : i32
    %dma_start3A_25 = arith.constant 1 : i32
    %dma_start3A_26 = arith.constant 0 : i32
    %dma_start3A_27 = arith.constant 0 : i32
    %dma_start3A_28 = arith.constant 0 : i32
    %dma_start3A_29 = tpu.memref_slice %arg7[%dma_start3A_25, %dma_start3A_26, %dma_start3A_27, %dma_start3A_28] : memref<2x5x80x16xf32, #tpu.memory_space<vmem>> -> memref<1x1x80x16xf32, #tpu.memory_space<vmem>>
    %dma_start3A_30 = tpu.memref_squeeze %dma_start3A_29 : memref<1x1x80x16xf32, #tpu.memory_space<vmem>> -> memref<80x16xf32, #tpu.memory_space<vmem>>
    %dma_start3A_31 = arith.constant 0 : i32
    %dma_start3A_32 = tpu.memref_slice %arg8[%add3A_24, %dma_start3A_31] : memref<10240x16xf32, #tpu.memory_space<vmem_shared>> -> memref<80x16xf32, #tpu.memory_space<vmem_shared>>
    %dma_start3A_33 = arith.constant 0 : i32
    %dma_start3A_34 = tpu.memref_slice %arg8[%add3A_24, %dma_start3A_33] : memref<10240x16xf32, #tpu.memory_space<vmem_shared>> -> memref<80x16xf32, #tpu.memory_space<vmem_shared>>
    %dma_start3A_35 = arith.constant 0 : i32
    %dma_start3A_36 = arith.constant 0 : i32
    %dma_start3A_37 = tpu.memref_slice %arg7[%dma_start3A_25, %dma_start3A_26, %dma_start3A_35, %dma_start3A_36] : memref<2x5x80x16xf32, #tpu.memory_space<vmem>> -> memref<1x1x80x16xf32, #tpu.memory_space<vmem>>
    %dma_start3A_38 = tpu.memref_squeeze %dma_start3A_37 : memref<1x1x80x16xf32, #tpu.memory_space<vmem>> -> memref<80x16xf32, #tpu.memory_space<vmem>>
    tpu.enqueue_dma source(%dma_start3A_38 : memref<80x16xf32, #tpu.memory_space<vmem>>) target(%dma_start3A_34 : memref<80x16xf32, #tpu.memory_space<vmem_shared>>) target_semaphore(%arg9 : memref<!tpu.dma_semaphore, #tpu.memory_space<semaphore_mem>>)
    %add3A_39 = arith.constant 160 : i32
    %add3A_40 = arith.addi %mul3A_2, %add3A_39 : i32
    %dma_start3A_41 = arith.constant 1 : i32
    %dma_start3A_42 = arith.constant 0 : i32
    %dma_start3A_43 = arith.constant 0 : i32
    %dma_start3A_44 = arith.constant 0 : i32
    %dma_start3A_45 = tpu.memref_slice %arg7[%dma_start3A_41, %dma_start3A_42, %dma_start3A_43, %dma_start3A_44] : memref<2x5x80x16xf32, #tpu.memory_space<vmem>> -> memref<1x1x80x16xf32, #tpu.memory_space<vmem>>
    %dma_start3A_46 = tpu.memref_squeeze %dma_start3A_45 : memref<1x1x80x16xf32, #tpu.memory_space<vmem>> -> memref<80x16xf32, #tpu.memory_space<vmem>>
    %dma_start3A_47 = arith.constant 0 : i32
    %dma_start3A_48 = tpu.memref_slice %arg8[%add3A_40, %dma_start3A_47] : memref<10240x16xf32, #tpu.memory_space<vmem_shared>> -> memref<80x16xf32, #tpu.memory_space<vmem_shared>>
    %dma_start3A_49 = arith.constant 0 : i32
    %dma_start3A_50 = tpu.memref_slice %arg8[%add3A_40, %dma_start3A_49] : memref<10240x16xf32, #tpu.memory_space<vmem_shared>> -> memref<80x16xf32, #tpu.memory_space<vmem_shared>>
    %dma_start3A_51 = arith.constant 0 : i32
    %dma_start3A_52 = arith.constant 0 : i32
    %dma_start3A_53 = tpu.memref_slice %arg7[%dma_start3A_41, %dma_start3A_42, %dma_start3A_51, %dma_start3A_52] : memref<2x5x80x16xf32, #tpu.memory_space<vmem>> -> memref<1x1x80x16xf32, #tpu.memory_space<vmem>>
    %dma_start3A_54 = tpu.memref_squeeze %dma_start3A_53 : memref<1x1x80x16xf32, #tpu.memory_space<vmem>> -> memref<80x16xf32, #tpu.memory_space<vmem>>
    tpu.enqueue_dma source(%dma_start3A_54 : memref<80x16xf32, #tpu.memory_space<vmem>>) target(%dma_start3A_50 : memref<80x16xf32, #tpu.memory_space<vmem_shared>>) target_semaphore(%arg9 : memref<!tpu.dma_semaphore, #tpu.memory_space<semaphore_mem>>)
    %add3A_55 = arith.constant 240 : i32
    %add3A_56 = arith.addi %mul3A_2, %add3A_55 : i32
    %dma_start3A_57 = arith.constant 1 : i32
    %dma_start3A_58 = arith.constant 0 : i32
    %dma_start3A_59 = arith.constant 0 : i32
    %dma_start3A_60 = arith.constant 0 : i32
    %dma_start3A_61 = tpu.memref_slice %arg7[%dma_start3A_57, %dma_start3A_58, %dma_start3A_59, %dma_start3A_60] : memref<2x5x80x16xf32, #tpu.memory_space<vmem>> -> memref<1x1x80x16xf32, #tpu.memory_space<vmem>>
    %dma_start3A_62 = tpu.memref_squeeze %dma_start3A_61 : memref<1x1x80x16xf32, #tpu.memory_space<vmem>> -> memref<80x16xf32, #tpu.memory_space<vmem>>
    %dma_start3A_63 = arith.constant 0 : i32
    %dma_start3A_64 = tpu.memref_slice %arg8[%add3A_56, %dma_start3A_63] : memref<10240x16xf32, #tpu.memory_space<vmem_shared>> -> memref<80x16xf32, #tpu.memory_space<vmem_shared>>
    %dma_start3A_65 = arith.constant 0 : i32
    %dma_start3A_66 = tpu.memref_slice %arg8[%add3A_56, %dma_start3A_65] : memref<10240x16xf32, #tpu.memory_space<vmem_shared>> -> memref<80x16xf32, #tpu.memory_space<vmem_shared>>
    %dma_start3A_67 = arith.constant 0 : i32
    %dma_start3A_68 = arith.constant 0 : i32
    %dma_start3A_69 = tpu.memref_slice %arg7[%dma_start3A_57, %dma_start3A_58, %dma_start3A_67, %dma_start3A_68] : memref<2x5x80x16xf32, #tpu.memory_space<vmem>> -> memref<1x1x80x16xf32, #tpu.memory_space<vmem>>
    %dma_start3A_70 = tpu.memref_squeeze %dma_start3A_69 : memref<1x1x80x16xf32, #tpu.memory_space<vmem>> -> memref<80x16xf32, #tpu.memory_space<vmem>>
    tpu.enqueue_dma source(%dma_start3A_70 : memref<80x16xf32, #tpu.memory_space<vmem>>) target(%dma_start3A_66 : memref<80x16xf32, #tpu.memory_space<vmem_shared>>) target_semaphore(%arg9 : memref<!tpu.dma_semaphore, #tpu.memory_space<semaphore_mem>>)
    %add3A_71 = arith.constant 320 : i32
    %add3A_72 = arith.addi %mul3A_2, %add3A_71 : i32
    %dma_start3A_73 = arith.constant 1 : i32
    %dma_start3A_74 = arith.constant 0 : i32
    %dma_start3A_75 = arith.constant 0 : i32
    %dma_start3A_76 = arith.constant 0 : i32
    %dma_start3A_77 = tpu.memref_slice %arg7[%dma_start3A_73, %dma_start3A_74, %dma_start3A_75, %dma_start3A_76] : memref<2x5x80x16xf32, #tpu.memory_space<vmem>> -> memref<1x1x80x16xf32, #tpu.memory_space<vmem>>
    %dma_start3A_78 = tpu.memref_squeeze %dma_start3A_77 : memref<1x1x80x16xf32, #tpu.memory_space<vmem>> -> memref<80x16xf32, #tpu.memory_space<vmem>>
    %dma_start3A_79 = arith.constant 0 : i32
    %dma_start3A_80 = tpu.memref_slice %arg8[%add3A_72, %dma_start3A_79] : memref<10240x16xf32, #tpu.memory_space<vmem_shared>> -> memref<80x16xf32, #tpu.memory_space<vmem_shared>>
    %dma_start3A_81 = arith.constant 0 : i32
    %dma_start3A_82 = tpu.memref_slice %arg8[%add3A_72, %dma_start3A_81] : memref<10240x16xf32, #tpu.memory_space<vmem_shared>> -> memref<80x16xf32, #tpu.memory_space<vmem_shared>>
    %dma_start3A_83 = arith.constant 0 : i32
    %dma_start3A_84 = arith.constant 0 : i32
    %dma_start3A_85 = tpu.memref_slice %arg7[%dma_start3A_73, %dma_start3A_74, %dma_start3A_83, %dma_start3A_84] : memref<2x5x80x16xf32, #tpu.memory_space<vmem>> -> memref<1x1x80x16xf32, #tpu.memory_space<vmem>>
    %dma_start3A_86 = tpu.memref_squeeze %dma_start3A_85 : memref<1x1x80x16xf32, #tpu.memory_space<vmem>> -> memref<80x16xf32, #tpu.memory_space<vmem>>
    tpu.enqueue_dma source(%dma_start3A_86 : memref<80x16xf32, #tpu.memory_space<vmem>>) target(%dma_start3A_82 : memref<80x16xf32, #tpu.memory_space<vmem_shared>>) target_semaphore(%arg9 : memref<!tpu.dma_semaphore, #tpu.memory_space<semaphore_mem>>)
    %add3A_87 = arith.constant 400 : i32
    %add3A_88 = arith.addi %mul3A_2, %add3A_87 : i32
    %dma_start3A_89 = arith.constant 1 : i32
    %dma_start3A_90 = arith.constant 0 : i32
    %dma_start3A_91 = arith.constant 0 : i32
    %dma_start3A_92 = arith.constant 0 : i32
    %dma_start3A_93 = tpu.memref_slice %arg7[%dma_start3A_89, %dma_start3A_90, %dma_start3A_91, %dma_start3A_92] : memref<2x5x80x16xf32, #tpu.memory_space<vmem>> -> memref<1x1x80x16xf32, #tpu.memory_space<vmem>>
    %dma_start3A_94 = tpu.memref_squeeze %dma_start3A_93 : memref<1x1x80x16xf32, #tpu.memory_space<vmem>> -> memref<80x16xf32, #tpu.memory_space<vmem>>
    %dma_start3A_95 = arith.constant 0 : i32
    %dma_start3A_96 = tpu.memref_slice %arg8[%add3A_88, %dma_start3A_95] : memref<10240x16xf32, #tpu.memory_space<vmem_shared>> -> memref<80x16xf32, #tpu.memory_space<vmem_shared>>
    %dma_start3A_97 = arith.constant 0 : i32
    %dma_start3A_98 = tpu.memref_slice %arg8[%add3A_88, %dma_start3A_97] : memref<10240x16xf32, #tpu.memory_space<vmem_shared>> -> memref<80x16xf32, #tpu.memory_space<vmem_shared>>
    %dma_start3A_99 = arith.constant 0 : i32
    %dma_start3A_100 = arith.constant 0 : i32
    %dma_start3A_101 = tpu.memref_slice %arg7[%dma_start3A_89, %dma_start3A_90, %dma_start3A_99, %dma_start3A_100] : memref<2x5x80x16xf32, #tpu.memory_space<vmem>> -> memref<1x1x80x16xf32, #tpu.memory_space<vmem>>
    %dma_start3A_102 = tpu.memref_squeeze %dma_start3A_101 : memref<1x1x80x16xf32, #tpu.memory_space<vmem>> -> memref<80x16xf32, #tpu.memory_space<vmem>>
    tpu.enqueue_dma source(%dma_start3A_102 : memref<80x16xf32, #tpu.memory_space<vmem>>) target(%dma_start3A_98 : memref<80x16xf32, #tpu.memory_space<vmem_shared>>) target_semaphore(%arg9 : memref<!tpu.dma_semaphore, #tpu.memory_space<semaphore_mem>>)
    %add3A_103 = arith.constant 480 : i32
    %add3A_104 = arith.addi %mul3A_2, %add3A_103 : i32
    %dma_start3A_105 = arith.constant 1 : i32
    %dma_start3A_106 = arith.constant 0 : i32
    %dma_start3A_107 = arith.constant 0 : i32
    %dma_start3A_108 = arith.constant 0 : i32
    %dma_start3A_109 = tpu.memref_slice %arg7[%dma_start3A_105, %dma_start3A_106, %dma_start3A_107, %dma_start3A_108] : memref<2x5x80x16xf32, #tpu.memory_space<vmem>> -> memref<1x1x80x16xf32, #tpu.memory_space<vmem>>
    %dma_start3A_110 = tpu.memref_squeeze %dma_start3A_109 : memref<1x1x80x16xf32, #tpu.memory_space<vmem>> -> memref<80x16xf32, #tpu.memory_space<vmem>>
    %dma_start3A_111 = arith.constant 0 : i32
    %dma_start3A_112 = tpu.memref_slice %arg8[%add3A_104, %dma_start3A_111] : memref<10240x16xf32, #tpu.memory_space<vmem_shared>> -> memref<80x16xf32, #tpu.memory_space<vmem_shared>>
    %dma_start3A_113 = arith.constant 0 : i32
    %dma_start3A_114 = tpu.memref_slice %arg8[%add3A_104, %dma_start3A_113] : memref<10240x16xf32, #tpu.memory_space<vmem_shared>> -> memref<80x16xf32, #tpu.memory_space<vmem_shared>>
    %dma_start3A_115 = arith.constant 0 : i32
    %dma_start3A_116 = arith.constant 0 : i32
    %dma_start3A_117 = tpu.memref_slice %arg7[%dma_start3A_105, %dma_start3A_106, %dma_start3A_115, %dma_start3A_116] : memref<2x5x80x16xf32, #tpu.memory_space<vmem>> -> memref<1x1x80x16xf32, #tpu.memory_space<vmem>>
    %dma_start3A_118 = tpu.memref_squeeze %dma_start3A_117 : memref<1x1x80x16xf32, #tpu.memory_space<vmem>> -> memref<80x16xf32, #tpu.memory_space<vmem>>
    tpu.enqueue_dma source(%dma_start3A_118 : memref<80x16xf32, #tpu.memory_space<vmem>>) target(%dma_start3A_114 : memref<80x16xf32, #tpu.memory_space<vmem_shared>>) target_semaphore(%arg9 : memref<!tpu.dma_semaphore, #tpu.memory_space<semaphore_mem>>)
    %add3A_119 = arith.constant 560 : i32
    %add3A_120 = arith.addi %mul3A_2, %add3A_119 : i32
    %dma_start3A_121 = arith.constant 1 : i32
    %dma_start3A_122 = arith.constant 0 : i32
    %dma_start3A_123 = arith.constant 0 : i32
    %dma_start3A_124 = arith.constant 0 : i32
    %dma_start3A_125 = tpu.memref_slice %arg7[%dma_start3A_121, %dma_start3A_122, %dma_start3A_123, %dma_start3A_124] : memref<2x5x80x16xf32, #tpu.memory_space<vmem>> -> memref<1x1x80x16xf32, #tpu.memory_space<vmem>>
    %dma_start3A_126 = tpu.memref_squeeze %dma_start3A_125 : memref<1x1x80x16xf32, #tpu.memory_space<vmem>> -> memref<80x16xf32, #tpu.memory_space<vmem>>
    %dma_start3A_127 = arith.constant 0 : i32
    %dma_start3A_128 = tpu.memref_slice %arg8[%add3A_120, %dma_start3A_127] : memref<10240x16xf32, #tpu.memory_space<vmem_shared>> -> memref<80x16xf32, #tpu.memory_space<vmem_shared>>
    %dma_start3A_129 = arith.constant 0 : i32
    %dma_start3A_130 = tpu.memref_slice %arg8[%add3A_120, %dma_start3A_129] : memref<10240x16xf32, #tpu.memory_space<vmem_shared>> -> memref<80x16xf32, #tpu.memory_space<vmem_shared>>
    %dma_start3A_131 = arith.constant 0 : i32
    %dma_start3A_132 = arith.constant 0 : i32
    %dma_start3A_133 = tpu.memref_slice %arg7[%dma_start3A_121, %dma_start3A_122, %dma_start3A_131, %dma_start3A_132] : memref<2x5x80x16xf32, #tpu.memory_space<vmem>> -> memref<1x1x80x16xf32, #tpu.memory_space<vmem>>
    %dma_start3A_134 = tpu.memref_squeeze %dma_start3A_133 : memref<1x1x80x16xf32, #tpu.memory_space<vmem>> -> memref<80x16xf32, #tpu.memory_space<vmem>>
    tpu.enqueue_dma source(%dma_start3A_134 : memref<80x16xf32, #tpu.memory_space<vmem>>) target(%dma_start3A_130 : memref<80x16xf32, #tpu.memory_space<vmem_shared>>) target_semaphore(%arg9 : memref<!tpu.dma_semaphore, #tpu.memory_space<semaphore_mem>>)
    %mul3A_135 = arith.constant 125 : i32
    %mul3A_136 = arith.muli %add3A, %mul3A_135 : i32
    %run_scoped3A = arith.constant 0 : i32
    %run_scoped3A_137 = arith.constant 0 : i32
    "tpu.region"() ({
      %run_scoped3A_307 = tpu.sem_alloc : memref<!tpu.dma_semaphore, #tpu.memory_space<semaphore_mem>>
      %dma_start3A_308 = arith.constant 0 : i32
      %dma_start3A_309 = arith.constant 0 : i32
      %dma_start3A_310 = tpu.memref_slice %arg7[%run_scoped3A, %run_scoped3A_137, %dma_start3A_308, %dma_start3A_309] : memref<2x5x80x16xf32, #tpu.memory_space<vmem>> -> memref<1x1x80x16xf32, #tpu.memory_space<vmem>>
      %dma_start3A_311 = tpu.memref_squeeze %dma_start3A_310 : memref<1x1x80x16xf32, #tpu.memory_space<vmem>> -> memref<80x16xf32, #tpu.memory_space<vmem>>
      %dma_start3A_312 = arith.constant 0 : i32
      %dma_start3A_313 = arith.constant 0 : i32
      %dma_start3A_314 = tpu.memref_slice %arg7[%run_scoped3A, %run_scoped3A_137, %dma_start3A_312, %dma_start3A_313] : memref<2x5x80x16xf32, #tpu.memory_space<vmem>> -> memref<1x1x80x16xf32, #tpu.memory_space<vmem>>
      %dma_start3A_315 = tpu.memref_squeeze %dma_start3A_314 : memref<1x1x80x16xf32, #tpu.memory_space<vmem>> -> memref<80x16xf32, #tpu.memory_space<vmem>>
      tpu.enqueue_dma source(%arg3 : memref<80x16xf32, #tpu.memory_space<hbm>>) target(%dma_start3A_315 : memref<80x16xf32, #tpu.memory_space<vmem>>) target_semaphore(%run_scoped3A_307 : memref<!tpu.dma_semaphore, #tpu.memory_space<semaphore_mem>>)
      %dma_wait3A_316 = arith.constant 0 : i32
      %dma_wait3A_317 = arith.constant 0 : i32
      %dma_wait3A_318 = tpu.memref_slice %arg7[%run_scoped3A, %run_scoped3A_137, %dma_wait3A_316, %dma_wait3A_317] : memref<2x5x80x16xf32, #tpu.memory_space<vmem>> -> memref<1x1x80x16xf32, #tpu.memory_space<vmem>>
      %dma_wait3A_319 = tpu.memref_squeeze %dma_wait3A_318 : memref<1x1x80x16xf32, #tpu.memory_space<vmem>> -> memref<80x16xf32, #tpu.memory_space<vmem>>
      %dma_wait3A_320 = arith.constant 0 : i32
      %dma_wait3A_321 = arith.constant 0 : i32
      %dma_wait3A_322 = tpu.memref_slice %arg7[%run_scoped3A, %run_scoped3A_137, %dma_wait3A_320, %dma_wait3A_321] : memref<2x5x80x16xf32, #tpu.memory_space<vmem>> -> memref<1x1x80x16xf32, #tpu.memory_space<vmem>>
      %dma_wait3A_323 = tpu.memref_squeeze %dma_wait3A_322 : memref<1x1x80x16xf32, #tpu.memory_space<vmem>> -> memref<80x16xf32, #tpu.memory_space<vmem>>
      tpu.wait_dma2 semaphore(%run_scoped3A_307 : memref<!tpu.dma_semaphore, #tpu.memory_space<semaphore_mem>>) src(%arg3 : memref<80x16xf32, #tpu.memory_space<hbm>>) dst(%dma_wait3A_323 : memref<80x16xf32, #tpu.memory_space<vmem>>)
      tpu.yield
    }) : () -> ()
    %run_scoped3A_138 = arith.constant 1 : i32
    "tpu.region"() ({
      %run_scoped3A_307 = tpu.sem_alloc : memref<!tpu.dma_semaphore, #tpu.memory_space<semaphore_mem>>
      %dma_start3A_308 = arith.constant 0 : i32
      %dma_start3A_309 = tpu.memref_slice %arg2[%run_scoped3A_138, %mul3A_136, %dma_start3A_308] : memref<2x4000x80xi32, #tpu.memory_space<hbm>> -> memref<1x125x80xi32, #tpu.memory_space<hbm>>
      %dma_start3A_310 = tpu.memref_squeeze %dma_start3A_309 : memref<1x125x80xi32, #tpu.memory_space<hbm>> -> memref<125x80xi32, #tpu.memory_space<hbm>>
      %dma_start3A_311 = arith.constant 0 : i32
      %dma_start3A_312 = tpu.memref_slice %arg2[%run_scoped3A_138, %mul3A_136, %dma_start3A_311] : memref<2x4000x80xi32, #tpu.memory_space<hbm>> -> memref<1x125x80xi32, #tpu.memory_space<hbm>>
      %dma_start3A_313 = tpu.memref_squeeze %dma_start3A_312 : memref<1x125x80xi32, #tpu.memory_space<hbm>> -> memref<125x80xi32, #tpu.memory_space<hbm>>
      tpu.enqueue_dma source(%dma_start3A_313 : memref<125x80xi32, #tpu.memory_space<hbm>>) target(%arg6 : memref<125x80xi32, #tpu.memory_space<vmem>>) target_semaphore(%run_scoped3A_307 : memref<!tpu.dma_semaphore, #tpu.memory_space<semaphore_mem>>)
      %dma_wait3A_314 = arith.constant 0 : i32
      %dma_wait3A_315 = tpu.memref_slice %arg2[%run_scoped3A_138, %mul3A_136, %dma_wait3A_314] : memref<2x4000x80xi32, #tpu.memory_space<hbm>> -> memref<1x125x80xi32, #tpu.memory_space<hbm>>
      %dma_wait3A_316 = tpu.memref_squeeze %dma_wait3A_315 : memref<1x125x80xi32, #tpu.memory_space<hbm>> -> memref<125x80xi32, #tpu.memory_space<hbm>>
      %dma_wait3A_317 = arith.constant 0 : i32
      %dma_wait3A_318 = tpu.memref_slice %arg2[%run_scoped3A_138, %mul3A_136, %dma_wait3A_317] : memref<2x4000x80xi32, #tpu.memory_space<hbm>> -> memref<1x125x80xi32, #tpu.memory_space<hbm>>
      %dma_wait3A_319 = tpu.memref_squeeze %dma_wait3A_318 : memref<1x125x80xi32, #tpu.memory_space<hbm>> -> memref<125x80xi32, #tpu.memory_space<hbm>>
      tpu.wait_dma2 semaphore(%run_scoped3A_307 : memref<!tpu.dma_semaphore, #tpu.memory_space<semaphore_mem>>) src(%dma_wait3A_319 : memref<125x80xi32, #tpu.memory_space<hbm>>) dst(%arg6 : memref<125x80xi32, #tpu.memory_space<vmem>>)
      tpu.yield
    }) : () -> ()
    %dma_wait3A = arith.constant 1 : i32
    %dma_wait3A_139 = arith.constant 0 : i32
    %dma_wait3A_140 = arith.constant 0 : i32
    %dma_wait3A_141 = arith.constant 0 : i32
    %dma_wait3A_142 = tpu.memref_slice %arg7[%dma_wait3A, %dma_wait3A_139, %dma_wait3A_140, %dma_wait3A_141] : memref<2x5x80x16xf32, #tpu.memory_space<vmem>> -> memref<1x1x80x16xf32, #tpu.memory_space<vmem>>
    %dma_wait3A_143 = tpu.memref_squeeze %dma_wait3A_142 : memref<1x1x80x16xf32, #tpu.memory_space<vmem>> -> memref<80x16xf32, #tpu.memory_space<vmem>>
    %dma_wait3A_144 = arith.constant 0 : i32
    %dma_wait3A_145 = tpu.memref_slice %arg8[%add3A_9, %dma_wait3A_144] : memref<10240x16xf32, #tpu.memory_space<vmem_shared>> -> memref<80x16xf32, #tpu.memory_space<vmem_shared>>
    %dma_wait3A_146 = arith.constant 0 : i32
    %dma_wait3A_147 = tpu.memref_slice %arg8[%add3A_9, %dma_wait3A_146] : memref<10240x16xf32, #tpu.memory_space<vmem_shared>> -> memref<80x16xf32, #tpu.memory_space<vmem_shared>>
    %dma_wait3A_148 = arith.constant 0 : i32
    %dma_wait3A_149 = arith.constant 0 : i32
    %dma_wait3A_150 = tpu.memref_slice %arg7[%dma_wait3A, %dma_wait3A_139, %dma_wait3A_148, %dma_wait3A_149] : memref<2x5x80x16xf32, #tpu.memory_space<vmem>> -> memref<1x1x80x16xf32, #tpu.memory_space<vmem>>
    %dma_wait3A_151 = tpu.memref_squeeze %dma_wait3A_150 : memref<1x1x80x16xf32, #tpu.memory_space<vmem>> -> memref<80x16xf32, #tpu.memory_space<vmem>>
    tpu.wait_dma2 semaphore(%arg9 : memref<!tpu.dma_semaphore, #tpu.memory_space<semaphore_mem>>) src(%dma_wait3A_151 : memref<80x16xf32, #tpu.memory_space<vmem>>) dst(%dma_wait3A_147 : memref<80x16xf32, #tpu.memory_space<vmem_shared>>)
    %dma_wait3A_152 = arith.constant 1 : i32
    %dma_wait3A_153 = arith.constant 0 : i32
    %dma_wait3A_154 = arith.constant 0 : i32
    %dma_wait3A_155 = arith.constant 0 : i32
    %dma_wait3A_156 = tpu.memref_slice %arg7[%dma_wait3A_152, %dma_wait3A_153, %dma_wait3A_154, %dma_wait3A_155] : memref<2x5x80x16xf32, #tpu.memory_space<vmem>> -> memref<1x1x80x16xf32, #tpu.memory_space<vmem>>
    %dma_wait3A_157 = tpu.memref_squeeze %dma_wait3A_156 : memref<1x1x80x16xf32, #tpu.memory_space<vmem>> -> memref<80x16xf32, #tpu.memory_space<vmem>>
    %dma_wait3A_158 = arith.constant 0 : i32
    %dma_wait3A_159 = tpu.memref_slice %arg8[%add3A_24, %dma_wait3A_158] : memref<10240x16xf32, #tpu.memory_space<vmem_shared>> -> memref<80x16xf32, #tpu.memory_space<vmem_shared>>
    %dma_wait3A_160 = arith.constant 0 : i32
    %dma_wait3A_161 = tpu.memref_slice %arg8[%add3A_24, %dma_wait3A_160] : memref<10240x16xf32, #tpu.memory_space<vmem_shared>> -> memref<80x16xf32, #tpu.memory_space<vmem_shared>>
    %dma_wait3A_162 = arith.constant 0 : i32
    %dma_wait3A_163 = arith.constant 0 : i32
    %dma_wait3A_164 = tpu.memref_slice %arg7[%dma_wait3A_152, %dma_wait3A_153, %dma_wait3A_162, %dma_wait3A_163] : memref<2x5x80x16xf32, #tpu.memory_space<vmem>> -> memref<1x1x80x16xf32, #tpu.memory_space<vmem>>
    %dma_wait3A_165 = tpu.memref_squeeze %dma_wait3A_164 : memref<1x1x80x16xf32, #tpu.memory_space<vmem>> -> memref<80x16xf32, #tpu.memory_space<vmem>>
    tpu.wait_dma2 semaphore(%arg9 : memref<!tpu.dma_semaphore, #tpu.memory_space<semaphore_mem>>) src(%dma_wait3A_165 : memref<80x16xf32, #tpu.memory_space<vmem>>) dst(%dma_wait3A_161 : memref<80x16xf32, #tpu.memory_space<vmem_shared>>)
    %dma_wait3A_166 = arith.constant 1 : i32
    %dma_wait3A_167 = arith.constant 0 : i32
    %dma_wait3A_168 = arith.constant 0 : i32
    %dma_wait3A_169 = arith.constant 0 : i32
    %dma_wait3A_170 = tpu.memref_slice %arg7[%dma_wait3A_166, %dma_wait3A_167, %dma_wait3A_168, %dma_wait3A_169] : memref<2x5x80x16xf32, #tpu.memory_space<vmem>> -> memref<1x1x80x16xf32, #tpu.memory_space<vmem>>
    %dma_wait3A_171 = tpu.memref_squeeze %dma_wait3A_170 : memref<1x1x80x16xf32, #tpu.memory_space<vmem>> -> memref<80x16xf32, #tpu.memory_space<vmem>>
    %dma_wait3A_172 = arith.constant 0 : i32
    %dma_wait3A_173 = tpu.memref_slice %arg8[%add3A_40, %dma_wait3A_172] : memref<10240x16xf32, #tpu.memory_space<vmem_shared>> -> memref<80x16xf32, #tpu.memory_space<vmem_shared>>
    %dma_wait3A_174 = arith.constant 0 : i32
    %dma_wait3A_175 = tpu.memref_slice %arg8[%add3A_40, %dma_wait3A_174] : memref<10240x16xf32, #tpu.memory_space<vmem_shared>> -> memref<80x16xf32, #tpu.memory_space<vmem_shared>>
    %dma_wait3A_176 = arith.constant 0 : i32
    %dma_wait3A_177 = arith.constant 0 : i32
    %dma_wait3A_178 = tpu.memref_slice %arg7[%dma_wait3A_166, %dma_wait3A_167, %dma_wait3A_176, %dma_wait3A_177] : memref<2x5x80x16xf32, #tpu.memory_space<vmem>> -> memref<1x1x80x16xf32, #tpu.memory_space<vmem>>
    %dma_wait3A_179 = tpu.memref_squeeze %dma_wait3A_178 : memref<1x1x80x16xf32, #tpu.memory_space<vmem>> -> memref<80x16xf32, #tpu.memory_space<vmem>>
    tpu.wait_dma2 semaphore(%arg9 : memref<!tpu.dma_semaphore, #tpu.memory_space<semaphore_mem>>) src(%dma_wait3A_179 : memref<80x16xf32, #tpu.memory_space<vmem>>) dst(%dma_wait3A_175 : memref<80x16xf32, #tpu.memory_space<vmem_shared>>)
    %dma_wait3A_180 = arith.constant 1 : i32
    %dma_wait3A_181 = arith.constant 0 : i32
    %dma_wait3A_182 = arith.constant 0 : i32
    %dma_wait3A_183 = arith.constant 0 : i32
    %dma_wait3A_184 = tpu.memref_slice %arg7[%dma_wait3A_180, %dma_wait3A_181, %dma_wait3A_182, %dma_wait3A_183] : memref<2x5x80x16xf32, #tpu.memory_space<vmem>> -> memref<1x1x80x16xf32, #tpu.memory_space<vmem>>
    %dma_wait3A_185 = tpu.memref_squeeze %dma_wait3A_184 : memref<1x1x80x16xf32, #tpu.memory_space<vmem>> -> memref<80x16xf32, #tpu.memory_space<vmem>>
    %dma_wait3A_186 = arith.constant 0 : i32
    %dma_wait3A_187 = tpu.memref_slice %arg8[%add3A_56, %dma_wait3A_186] : memref<10240x16xf32, #tpu.memory_space<vmem_shared>> -> memref<80x16xf32, #tpu.memory_space<vmem_shared>>
    %dma_wait3A_188 = arith.constant 0 : i32
    %dma_wait3A_189 = tpu.memref_slice %arg8[%add3A_56, %dma_wait3A_188] : memref<10240x16xf32, #tpu.memory_space<vmem_shared>> -> memref<80x16xf32, #tpu.memory_space<vmem_shared>>
    %dma_wait3A_190 = arith.constant 0 : i32
    %dma_wait3A_191 = arith.constant 0 : i32
    %dma_wait3A_192 = tpu.memref_slice %arg7[%dma_wait3A_180, %dma_wait3A_181, %dma_wait3A_190, %dma_wait3A_191] : memref<2x5x80x16xf32, #tpu.memory_space<vmem>> -> memref<1x1x80x16xf32, #tpu.memory_space<vmem>>
    %dma_wait3A_193 = tpu.memref_squeeze %dma_wait3A_192 : memref<1x1x80x16xf32, #tpu.memory_space<vmem>> -> memref<80x16xf32, #tpu.memory_space<vmem>>
    tpu.wait_dma2 semaphore(%arg9 : memref<!tpu.dma_semaphore, #tpu.memory_space<semaphore_mem>>) src(%dma_wait3A_193 : memref<80x16xf32, #tpu.memory_space<vmem>>) dst(%dma_wait3A_189 : memref<80x16xf32, #tpu.memory_space<vmem_shared>>)
    %dma_wait3A_194 = arith.constant 1 : i32
    %dma_wait3A_195 = arith.constant 0 : i32
    %dma_wait3A_196 = arith.constant 0 : i32
    %dma_wait3A_197 = arith.constant 0 : i32
    %dma_wait3A_198 = tpu.memref_slice %arg7[%dma_wait3A_194, %dma_wait3A_195, %dma_wait3A_196, %dma_wait3A_197] : memref<2x5x80x16xf32, #tpu.memory_space<vmem>> -> memref<1x1x80x16xf32, #tpu.memory_space<vmem>>
    %dma_wait3A_199 = tpu.memref_squeeze %dma_wait3A_198 : memref<1x1x80x16xf32, #tpu.memory_space<vmem>> -> memref<80x16xf32, #tpu.memory_space<vmem>>
    %dma_wait3A_200 = arith.constant 0 : i32
    %dma_wait3A_201 = tpu.memref_slice %arg8[%add3A_72, %dma_wait3A_200] : memref<10240x16xf32, #tpu.memory_space<vmem_shared>> -> memref<80x16xf32, #tpu.memory_space<vmem_shared>>
    %dma_wait3A_202 = arith.constant 0 : i32
    %dma_wait3A_203 = tpu.memref_slice %arg8[%add3A_72, %dma_wait3A_202] : memref<10240x16xf32, #tpu.memory_space<vmem_shared>> -> memref<80x16xf32, #tpu.memory_space<vmem_shared>>
    %dma_wait3A_204 = arith.constant 0 : i32
    %dma_wait3A_205 = arith.constant 0 : i32
    %dma_wait3A_206 = tpu.memref_slice %arg7[%dma_wait3A_194, %dma_wait3A_195, %dma_wait3A_204, %dma_wait3A_205] : memref<2x5x80x16xf32, #tpu.memory_space<vmem>> -> memref<1x1x80x16xf32, #tpu.memory_space<vmem>>
    %dma_wait3A_207 = tpu.memref_squeeze %dma_wait3A_206 : memref<1x1x80x16xf32, #tpu.memory_space<vmem>> -> memref<80x16xf32, #tpu.memory_space<vmem>>
    tpu.wait_dma2 semaphore(%arg9 : memref<!tpu.dma_semaphore, #tpu.memory_space<semaphore_mem>>) src(%dma_wait3A_207 : memref<80x16xf32, #tpu.memory_space<vmem>>) dst(%dma_wait3A_203 : memref<80x16xf32, #tpu.memory_space<vmem_shared>>)
    %dma_wait3A_208 = arith.constant 1 : i32
    %dma_wait3A_209 = arith.constant 0 : i32
    %dma_wait3A_210 = arith.constant 0 : i32
    %dma_wait3A_211 = arith.constant 0 : i32
    %dma_wait3A_212 = tpu.memref_slice %arg7[%dma_wait3A_208, %dma_wait3A_209, %dma_wait3A_210, %dma_wait3A_211] : memref<2x5x80x16xf32, #tpu.memory_space<vmem>> -> memref<1x1x80x16xf32, #tpu.memory_space<vmem>>
    %dma_wait3A_213 = tpu.memref_squeeze %dma_wait3A_212 : memref<1x1x80x16xf32, #tpu.memory_space<vmem>> -> memref<80x16xf32, #tpu.memory_space<vmem>>
    %dma_wait3A_214 = arith.constant 0 : i32
    %dma_wait3A_215 = tpu.memref_slice %arg8[%add3A_88, %dma_wait3A_214] : memref<10240x16xf32, #tpu.memory_space<vmem_shared>> -> memref<80x16xf32, #tpu.memory_space<vmem_shared>>
    %dma_wait3A_216 = arith.constant 0 : i32
    %dma_wait3A_217 = tpu.memref_slice %arg8[%add3A_88, %dma_wait3A_216] : memref<10240x16xf32, #tpu.memory_space<vmem_shared>> -> memref<80x16xf32, #tpu.memory_space<vmem_shared>>
    %dma_wait3A_218 = arith.constant 0 : i32
    %dma_wait3A_219 = arith.constant 0 : i32
    %dma_wait3A_220 = tpu.memref_slice %arg7[%dma_wait3A_208, %dma_wait3A_209, %dma_wait3A_218, %dma_wait3A_219] : memref<2x5x80x16xf32, #tpu.memory_space<vmem>> -> memref<1x1x80x16xf32, #tpu.memory_space<vmem>>
    %dma_wait3A_221 = tpu.memref_squeeze %dma_wait3A_220 : memref<1x1x80x16xf32, #tpu.memory_space<vmem>> -> memref<80x16xf32, #tpu.memory_space<vmem>>
    tpu.wait_dma2 semaphore(%arg9 : memref<!tpu.dma_semaphore, #tpu.memory_space<semaphore_mem>>) src(%dma_wait3A_221 : memref<80x16xf32, #tpu.memory_space<vmem>>) dst(%dma_wait3A_217 : memref<80x16xf32, #tpu.memory_space<vmem_shared>>)
    %dma_wait3A_222 = arith.constant 1 : i32
    %dma_wait3A_223 = arith.constant 0 : i32
    %dma_wait3A_224 = arith.constant 0 : i32
    %dma_wait3A_225 = arith.constant 0 : i32
    %dma_wait3A_226 = tpu.memref_slice %arg7[%dma_wait3A_222, %dma_wait3A_223, %dma_wait3A_224, %dma_wait3A_225] : memref<2x5x80x16xf32, #tpu.memory_space<vmem>> -> memref<1x1x80x16xf32, #tpu.memory_space<vmem>>
    %dma_wait3A_227 = tpu.memref_squeeze %dma_wait3A_226 : memref<1x1x80x16xf32, #tpu.memory_space<vmem>> -> memref<80x16xf32, #tpu.memory_space<vmem>>
    %dma_wait3A_228 = arith.constant 0 : i32
    %dma_wait3A_229 = tpu.memref_slice %arg8[%add3A_104, %dma_wait3A_228] : memref<10240x16xf32, #tpu.memory_space<vmem_shared>> -> memref<80x16xf32, #tpu.memory_space<vmem_shared>>
    %dma_wait3A_230 = arith.constant 0 : i32
    %dma_wait3A_231 = tpu.memref_slice %arg8[%add3A_104, %dma_wait3A_230] : memref<10240x16xf32, #tpu.memory_space<vmem_shared>> -> memref<80x16xf32, #tpu.memory_space<vmem_shared>>
    %dma_wait3A_232 = arith.constant 0 : i32
    %dma_wait3A_233 = arith.constant 0 : i32
    %dma_wait3A_234 = tpu.memref_slice %arg7[%dma_wait3A_222, %dma_wait3A_223, %dma_wait3A_232, %dma_wait3A_233] : memref<2x5x80x16xf32, #tpu.memory_space<vmem>> -> memref<1x1x80x16xf32, #tpu.memory_space<vmem>>
    %dma_wait3A_235 = tpu.memref_squeeze %dma_wait3A_234 : memref<1x1x80x16xf32, #tpu.memory_space<vmem>> -> memref<80x16xf32, #tpu.memory_space<vmem>>
    tpu.wait_dma2 semaphore(%arg9 : memref<!tpu.dma_semaphore, #tpu.memory_space<semaphore_mem>>) src(%dma_wait3A_235 : memref<80x16xf32, #tpu.memory_space<vmem>>) dst(%dma_wait3A_231 : memref<80x16xf32, #tpu.memory_space<vmem_shared>>)
    %dma_wait3A_236 = arith.constant 1 : i32
    %dma_wait3A_237 = arith.constant 0 : i32
    %dma_wait3A_238 = arith.constant 0 : i32
    %dma_wait3A_239 = arith.constant 0 : i32
    %dma_wait3A_240 = tpu.memref_slice %arg7[%dma_wait3A_236, %dma_wait3A_237, %dma_wait3A_238, %dma_wait3A_239] : memref<2x5x80x16xf32, #tpu.memory_space<vmem>> -> memref<1x1x80x16xf32, #tpu.memory_space<vmem>>
    %dma_wait3A_241 = tpu.memref_squeeze %dma_wait3A_240 : memref<1x1x80x16xf32, #tpu.memory_space<vmem>> -> memref<80x16xf32, #tpu.memory_space<vmem>>
    %dma_wait3A_242 = arith.constant 0 : i32
    %dma_wait3A_243 = tpu.memref_slice %arg8[%add3A_120, %dma_wait3A_242] : memref<10240x16xf32, #tpu.memory_space<vmem_shared>> -> memref<80x16xf32, #tpu.memory_space<vmem_shared>>
    %dma_wait3A_244 = arith.constant 0 : i32
    %dma_wait3A_245 = tpu.memref_slice %arg8[%add3A_120, %dma_wait3A_244] : memref<10240x16xf32, #tpu.memory_space<vmem_shared>> -> memref<80x16xf32, #tpu.memory_space<vmem_shared>>
    %dma_wait3A_246 = arith.constant 0 : i32
    %dma_wait3A_247 = arith.constant 0 : i32
    %dma_wait3A_248 = tpu.memref_slice %arg7[%dma_wait3A_236, %dma_wait3A_237, %dma_wait3A_246, %dma_wait3A_247] : memref<2x5x80x16xf32, #tpu.memory_space<vmem>> -> memref<1x1x80x16xf32, #tpu.memory_space<vmem>>
    %dma_wait3A_249 = tpu.memref_squeeze %dma_wait3A_248 : memref<1x1x80x16xf32, #tpu.memory_space<vmem>> -> memref<80x16xf32, #tpu.memory_space<vmem>>
    tpu.wait_dma2 semaphore(%arg9 : memref<!tpu.dma_semaphore, #tpu.memory_space<semaphore_mem>>) src(%dma_wait3A_249 : memref<80x16xf32, #tpu.memory_space<vmem>>) dst(%dma_wait3A_245 : memref<80x16xf32, #tpu.memory_space<vmem_shared>>)
    %barrier3A = arith.constant 0 : index
    tpu.barrier barrier_id(%barrier3A)
    %scan3A_250 = arith.constant 0 : i32
    %scan3A_251 = arith.constant 0 : i32
    %scan3A_252 = arith.constant 25 : i32
    %scan3A_253 = arith.addi %scan3A_251, %scan3A_252 : i32
    %scan3A_254 = arith.constant 1 : i32
    scf.for %scan3A_307 = %scan3A_251 to %scan3A_253 step %scan3A_254  : i32 {
      %mul3A_308 = arith.constant 5 : i32
      %mul3A_309 = arith.muli %scan3A_307, %mul3A_308 : i32
      %add3A_310 = arith.constant 0 : i32
      %add3A_311 = arith.addi %mul3A_309, %add3A_310 : i32
      %dma_start3A_312 = arith.constant 0 : i32
      %dma_start3A_313 = arith.constant 0 : i32
      %dma_start3A_314 = arith.constant 0 : i32
      %dma_start3A_315 = arith.constant 0 : i32
      %dma_start3A_316 = tpu.memref_slice %arg7[%dma_start3A_312, %dma_start3A_313, %dma_start3A_314, %dma_start3A_315] : memref<2x5x80x16xf32, #tpu.memory_space<vmem>> -> memref<1x1x80x16xf32, #tpu.memory_space<vmem>>
      %dma_start3A_317 = tpu.memref_squeeze %dma_start3A_316 : memref<1x1x80x16xf32, #tpu.memory_space<vmem>> -> memref<80x16xf32, #tpu.memory_space<vmem>>
      %dma_start3A_318 = arith.constant 0 : i32
      %dma_start3A_319 = tpu.memref_slice %arg6[%add3A_311, %dma_start3A_318] : memref<125x80xi32, #tpu.memory_space<vmem>> -> memref<1x80xi32, #tpu.memory_space<vmem>>
      %dma_start3A_320 = tpu.memref_squeeze %dma_start3A_319 : memref<1x80xi32, #tpu.memory_space<vmem>> -> memref<80xi32, #tpu.memory_space<vmem>>
      %dma_start3A_321 = arith.constant 0 : i32
      %dma_start3A_322 = arith.constant 0 : i32
      %dma_start3A_323 = tpu.memref_slice %arg8[%dma_start3A_321, %dma_start3A_322] : memref<10240x16xf32, #tpu.memory_space<vmem_shared>> -> memref<10240x16xf32, #tpu.memory_space<vmem_shared>>
      tpu.enqueue_indirect_dma source(%dma_start3A_317 : memref<80x16xf32, #tpu.memory_space<vmem>>) target(%dma_start3A_323 : memref<10240x16xf32, #tpu.memory_space<vmem_shared>>) offsets(%dma_start3A_320 : memref<80xi32, #tpu.memory_space<vmem>>) semaphore(%arg11 : memref<!tpu.dma_semaphore, #tpu.memory_space<semaphore_mem>>) {add = true}
      %mul3A_324 = arith.constant 5 : i32
      %mul3A_325 = arith.muli %scan3A_307, %mul3A_324 : i32
      %add3A_326 = arith.constant 1 : i32
      %add3A_327 = arith.addi %mul3A_325, %add3A_326 : i32
      %dma_start3A_328 = arith.constant 0 : i32
      %dma_start3A_329 = arith.constant 0 : i32
      %dma_start3A_330 = arith.constant 0 : i32
      %dma_start3A_331 = arith.constant 0 : i32
      %dma_start3A_332 = tpu.memref_slice %arg7[%dma_start3A_328, %dma_start3A_329, %dma_start3A_330, %dma_start3A_331] : memref<2x5x80x16xf32, #tpu.memory_space<vmem>> -> memref<1x1x80x16xf32, #tpu.memory_space<vmem>>
      %dma_start3A_333 = tpu.memref_squeeze %dma_start3A_332 : memref<1x1x80x16xf32, #tpu.memory_space<vmem>> -> memref<80x16xf32, #tpu.memory_space<vmem>>
      %dma_start3A_334 = arith.constant 0 : i32
      %dma_start3A_335 = tpu.memref_slice %arg6[%add3A_327, %dma_start3A_334] : memref<125x80xi32, #tpu.memory_space<vmem>> -> memref<1x80xi32, #tpu.memory_space<vmem>>
      %dma_start3A_336 = tpu.memref_squeeze %dma_start3A_335 : memref<1x80xi32, #tpu.memory_space<vmem>> -> memref<80xi32, #tpu.memory_space<vmem>>
      %dma_start3A_337 = arith.constant 0 : i32
      %dma_start3A_338 = arith.constant 0 : i32
      %dma_start3A_339 = tpu.memref_slice %arg8[%dma_start3A_337, %dma_start3A_338] : memref<10240x16xf32, #tpu.memory_space<vmem_shared>> -> memref<10240x16xf32, #tpu.memory_space<vmem_shared>>
      tpu.enqueue_indirect_dma source(%dma_start3A_333 : memref<80x16xf32, #tpu.memory_space<vmem>>) target(%dma_start3A_339 : memref<10240x16xf32, #tpu.memory_space<vmem_shared>>) offsets(%dma_start3A_336 : memref<80xi32, #tpu.memory_space<vmem>>) semaphore(%arg11 : memref<!tpu.dma_semaphore, #tpu.memory_space<semaphore_mem>>) {add = true}
      %mul3A_340 = arith.constant 5 : i32
      %mul3A_341 = arith.muli %scan3A_307, %mul3A_340 : i32
      %add3A_342 = arith.constant 2 : i32
      %add3A_343 = arith.addi %mul3A_341, %add3A_342 : i32
      %dma_start3A_344 = arith.constant 0 : i32
      %dma_start3A_345 = arith.constant 0 : i32
      %dma_start3A_346 = arith.constant 0 : i32
      %dma_start3A_347 = arith.constant 0 : i32
      %dma_start3A_348 = tpu.memref_slice %arg7[%dma_start3A_344, %dma_start3A_345, %dma_start3A_346, %dma_start3A_347] : memref<2x5x80x16xf32, #tpu.memory_space<vmem>> -> memref<1x1x80x16xf32, #tpu.memory_space<vmem>>
      %dma_start3A_349 = tpu.memref_squeeze %dma_start3A_348 : memref<1x1x80x16xf32, #tpu.memory_space<vmem>> -> memref<80x16xf32, #tpu.memory_space<vmem>>
      %dma_start3A_350 = arith.constant 0 : i32
      %dma_start3A_351 = tpu.memref_slice %arg6[%add3A_343, %dma_start3A_350] : memref<125x80xi32, #tpu.memory_space<vmem>> -> memref<1x80xi32, #tpu.memory_space<vmem>>
      %dma_start3A_352 = tpu.memref_squeeze %dma_start3A_351 : memref<1x80xi32, #tpu.memory_space<vmem>> -> memref<80xi32, #tpu.memory_space<vmem>>
      %dma_start3A_353 = arith.constant 0 : i32
      %dma_start3A_354 = arith.constant 0 : i32
      %dma_start3A_355 = tpu.memref_slice %arg8[%dma_start3A_353, %dma_start3A_354] : memref<10240x16xf32, #tpu.memory_space<vmem_shared>> -> memref<10240x16xf32, #tpu.memory_space<vmem_shared>>
      tpu.enqueue_indirect_dma source(%dma_start3A_349 : memref<80x16xf32, #tpu.memory_space<vmem>>) target(%dma_start3A_355 : memref<10240x16xf32, #tpu.memory_space<vmem_shared>>) offsets(%dma_start3A_352 : memref<80xi32, #tpu.memory_space<vmem>>) semaphore(%arg11 : memref<!tpu.dma_semaphore, #tpu.memory_space<semaphore_mem>>) {add = true}
      %mul3A_356 = arith.constant 5 : i32
      %mul3A_357 = arith.muli %scan3A_307, %mul3A_356 : i32
      %add3A_358 = arith.constant 3 : i32
      %add3A_359 = arith.addi %mul3A_357, %add3A_358 : i32
      %dma_start3A_360 = arith.constant 0 : i32
      %dma_start3A_361 = arith.constant 0 : i32
      %dma_start3A_362 = arith.constant 0 : i32
      %dma_start3A_363 = arith.constant 0 : i32
      %dma_start3A_364 = tpu.memref_slice %arg7[%dma_start3A_360, %dma_start3A_361, %dma_start3A_362, %dma_start3A_363] : memref<2x5x80x16xf32, #tpu.memory_space<vmem>> -> memref<1x1x80x16xf32, #tpu.memory_space<vmem>>
      %dma_start3A_365 = tpu.memref_squeeze %dma_start3A_364 : memref<1x1x80x16xf32, #tpu.memory_space<vmem>> -> memref<80x16xf32, #tpu.memory_space<vmem>>
      %dma_start3A_366 = arith.constant 0 : i32
      %dma_start3A_367 = tpu.memref_slice %arg6[%add3A_359, %dma_start3A_366] : memref<125x80xi32, #tpu.memory_space<vmem>> -> memref<1x80xi32, #tpu.memory_space<vmem>>
      %dma_start3A_368 = tpu.memref_squeeze %dma_start3A_367 : memref<1x80xi32, #tpu.memory_space<vmem>> -> memref<80xi32, #tpu.memory_space<vmem>>
      %dma_start3A_369 = arith.constant 0 : i32
      %dma_start3A_370 = arith.constant 0 : i32
      %dma_start3A_371 = tpu.memref_slice %arg8[%dma_start3A_369, %dma_start3A_370] : memref<10240x16xf32, #tpu.memory_space<vmem_shared>> -> memref<10240x16xf32, #tpu.memory_space<vmem_shared>>
      tpu.enqueue_indirect_dma source(%dma_start3A_365 : memref<80x16xf32, #tpu.memory_space<vmem>>) target(%dma_start3A_371 : memref<10240x16xf32, #tpu.memory_space<vmem_shared>>) offsets(%dma_start3A_368 : memref<80xi32, #tpu.memory_space<vmem>>) semaphore(%arg11 : memref<!tpu.dma_semaphore, #tpu.memory_space<semaphore_mem>>) {add = true}
      %mul3A_372 = arith.constant 5 : i32
      %mul3A_373 = arith.muli %scan3A_307, %mul3A_372 : i32
      %add3A_374 = arith.constant 4 : i32
      %add3A_375 = arith.addi %mul3A_373, %add3A_374 : i32
      %dma_start3A_376 = arith.constant 0 : i32
      %dma_start3A_377 = arith.constant 0 : i32
      %dma_start3A_378 = arith.constant 0 : i32
      %dma_start3A_379 = arith.constant 0 : i32
      %dma_start3A_380 = tpu.memref_slice %arg7[%dma_start3A_376, %dma_start3A_377, %dma_start3A_378, %dma_start3A_379] : memref<2x5x80x16xf32, #tpu.memory_space<vmem>> -> memref<1x1x80x16xf32, #tpu.memory_space<vmem>>
      %dma_start3A_381 = tpu.memref_squeeze %dma_start3A_380 : memref<1x1x80x16xf32, #tpu.memory_space<vmem>> -> memref<80x16xf32, #tpu.memory_space<vmem>>
      %dma_start3A_382 = arith.constant 0 : i32
      %dma_start3A_383 = tpu.memref_slice %arg6[%add3A_375, %dma_start3A_382] : memref<125x80xi32, #tpu.memory_space<vmem>> -> memref<1x80xi32, #tpu.memory_space<vmem>>
      %dma_start3A_384 = tpu.memref_squeeze %dma_start3A_383 : memref<1x80xi32, #tpu.memory_space<vmem>> -> memref<80xi32, #tpu.memory_space<vmem>>
      %dma_start3A_385 = arith.constant 0 : i32
      %dma_start3A_386 = arith.constant 0 : i32
      %dma_start3A_387 = tpu.memref_slice %arg8[%dma_start3A_385, %dma_start3A_386] : memref<10240x16xf32, #tpu.memory_space<vmem_shared>> -> memref<10240x16xf32, #tpu.memory_space<vmem_shared>>
      tpu.enqueue_indirect_dma source(%dma_start3A_381 : memref<80x16xf32, #tpu.memory_space<vmem>>) target(%dma_start3A_387 : memref<10240x16xf32, #tpu.memory_space<vmem_shared>>) offsets(%dma_start3A_384 : memref<80xi32, #tpu.memory_space<vmem>>) semaphore(%arg11 : memref<!tpu.dma_semaphore, #tpu.memory_space<semaphore_mem>>) {add = true}
      %gt3A = arith.constant 0 : i32
      %gt3A_388 = arith.cmpi sgt, %scan3A_307, %gt3A : i32
      %convert_element_type3A = arith.extui %gt3A_388 : i1 to i32
      %cond3A = arith.constant 0 : i32
      %cond3A_389 = arith.cmpi ne, %convert_element_type3A, %cond3A : i32
      scf.if %cond3A_389 {
        %dma_wait3A_390 = arith.constant 0 : i32
        %dma_wait3A_391 = arith.constant 0 : i32
        %dma_wait3A_392 = arith.constant 0 : i32
        %dma_wait3A_393 = arith.constant 0 : i32
        %dma_wait3A_394 = tpu.memref_slice %arg7[%dma_wait3A_390, %dma_wait3A_391, %dma_wait3A_392, %dma_wait3A_393] : memref<2x5x80x16xf32, #tpu.memory_space<vmem>> -> memref<1x1x80x16xf32, #tpu.memory_space<vmem>>
        %dma_wait3A_395 = tpu.memref_squeeze %dma_wait3A_394 : memref<1x1x80x16xf32, #tpu.memory_space<vmem>> -> memref<80x16xf32, #tpu.memory_space<vmem>>
        %dma_wait3A_396 = arith.constant 0 : i32
        %dma_wait3A_397 = arith.constant 0 : i32
        %dma_wait3A_398 = tpu.memref_slice %arg7[%dma_wait3A_390, %dma_wait3A_391, %dma_wait3A_396, %dma_wait3A_397] : memref<2x5x80x16xf32, #tpu.memory_space<vmem>> -> memref<1x1x80x16xf32, #tpu.memory_space<vmem>>
        %dma_wait3A_399 = tpu.memref_squeeze %dma_wait3A_398 : memref<1x1x80x16xf32, #tpu.memory_space<vmem>> -> memref<80x16xf32, #tpu.memory_space<vmem>>
        tpu.wait_dma2 semaphore(%arg11 : memref<!tpu.dma_semaphore, #tpu.memory_space<semaphore_mem>>) src(%arg3 : memref<80x16xf32, #tpu.memory_space<hbm>>) dst(%dma_wait3A_399 : memref<80x16xf32, #tpu.memory_space<vmem>>)
        %dma_wait3A_400 = arith.constant 0 : i32
        %dma_wait3A_401 = arith.constant 1 : i32
        %dma_wait3A_402 = arith.constant 0 : i32
        %dma_wait3A_403 = arith.constant 0 : i32
        %dma_wait3A_404 = tpu.memref_slice %arg7[%dma_wait3A_400, %dma_wait3A_401, %dma_wait3A_402, %dma_wait3A_403] : memref<2x5x80x16xf32, #tpu.memory_space<vmem>> -> memref<1x1x80x16xf32, #tpu.memory_space<vmem>>
        %dma_wait3A_405 = tpu.memref_squeeze %dma_wait3A_404 : memref<1x1x80x16xf32, #tpu.memory_space<vmem>> -> memref<80x16xf32, #tpu.memory_space<vmem>>
        %dma_wait3A_406 = arith.constant 0 : i32
        %dma_wait3A_407 = arith.constant 0 : i32
        %dma_wait3A_408 = tpu.memref_slice %arg7[%dma_wait3A_400, %dma_wait3A_401, %dma_wait3A_406, %dma_wait3A_407] : memref<2x5x80x16xf32, #tpu.memory_space<vmem>> -> memref<1x1x80x16xf32, #tpu.memory_space<vmem>>
        %dma_wait3A_409 = tpu.memref_squeeze %dma_wait3A_408 : memref<1x1x80x16xf32, #tpu.memory_space<vmem>> -> memref<80x16xf32, #tpu.memory_space<vmem>>
        tpu.wait_dma2 semaphore(%arg11 : memref<!tpu.dma_semaphore, #tpu.memory_space<semaphore_mem>>) src(%arg3 : memref<80x16xf32, #tpu.memory_space<hbm>>) dst(%dma_wait3A_409 : memref<80x16xf32, #tpu.memory_space<vmem>>)
        %dma_wait3A_410 = arith.constant 0 : i32
        %dma_wait3A_411 = arith.constant 2 : i32
        %dma_wait3A_412 = arith.constant 0 : i32
        %dma_wait3A_413 = arith.constant 0 : i32
        %dma_wait3A_414 = tpu.memref_slice %arg7[%dma_wait3A_410, %dma_wait3A_411, %dma_wait3A_412, %dma_wait3A_413] : memref<2x5x80x16xf32, #tpu.memory_space<vmem>> -> memref<1x1x80x16xf32, #tpu.memory_space<vmem>>
        %dma_wait3A_415 = tpu.memref_squeeze %dma_wait3A_414 : memref<1x1x80x16xf32, #tpu.memory_space<vmem>> -> memref<80x16xf32, #tpu.memory_space<vmem>>
        %dma_wait3A_416 = arith.constant 0 : i32
        %dma_wait3A_417 = arith.constant 0 : i32
        %dma_wait3A_418 = tpu.memref_slice %arg7[%dma_wait3A_410, %dma_wait3A_411, %dma_wait3A_416, %dma_wait3A_417] : memref<2x5x80x16xf32, #tpu.memory_space<vmem>> -> memref<1x1x80x16xf32, #tpu.memory_space<vmem>>
        %dma_wait3A_419 = tpu.memref_squeeze %dma_wait3A_418 : memref<1x1x80x16xf32, #tpu.memory_space<vmem>> -> memref<80x16xf32, #tpu.memory_space<vmem>>
        tpu.wait_dma2 semaphore(%arg11 : memref<!tpu.dma_semaphore, #tpu.memory_space<semaphore_mem>>) src(%arg3 : memref<80x16xf32, #tpu.memory_space<hbm>>) dst(%dma_wait3A_419 : memref<80x16xf32, #tpu.memory_space<vmem>>)
        %dma_wait3A_420 = arith.constant 0 : i32
        %dma_wait3A_421 = arith.constant 3 : i32
        %dma_wait3A_422 = arith.constant 0 : i32
        %dma_wait3A_423 = arith.constant 0 : i32
        %dma_wait3A_424 = tpu.memref_slice %arg7[%dma_wait3A_420, %dma_wait3A_421, %dma_wait3A_422, %dma_wait3A_423] : memref<2x5x80x16xf32, #tpu.memory_space<vmem>> -> memref<1x1x80x16xf32, #tpu.memory_space<vmem>>
        %dma_wait3A_425 = tpu.memref_squeeze %dma_wait3A_424 : memref<1x1x80x16xf32, #tpu.memory_space<vmem>> -> memref<80x16xf32, #tpu.memory_space<vmem>>
        %dma_wait3A_426 = arith.constant 0 : i32
        %dma_wait3A_427 = arith.constant 0 : i32
        %dma_wait3A_428 = tpu.memref_slice %arg7[%dma_wait3A_420, %dma_wait3A_421, %dma_wait3A_426, %dma_wait3A_427] : memref<2x5x80x16xf32, #tpu.memory_space<vmem>> -> memref<1x1x80x16xf32, #tpu.memory_space<vmem>>
        %dma_wait3A_429 = tpu.memref_squeeze %dma_wait3A_428 : memref<1x1x80x16xf32, #tpu.memory_space<vmem>> -> memref<80x16xf32, #tpu.memory_space<vmem>>
        tpu.wait_dma2 semaphore(%arg11 : memref<!tpu.dma_semaphore, #tpu.memory_space<semaphore_mem>>) src(%arg3 : memref<80x16xf32, #tpu.memory_space<hbm>>) dst(%dma_wait3A_429 : memref<80x16xf32, #tpu.memory_space<vmem>>)
        %dma_wait3A_430 = arith.constant 0 : i32
        %dma_wait3A_431 = arith.constant 4 : i32
        %dma_wait3A_432 = arith.constant 0 : i32
        %dma_wait3A_433 = arith.constant 0 : i32
        %dma_wait3A_434 = tpu.memref_slice %arg7[%dma_wait3A_430, %dma_wait3A_431, %dma_wait3A_432, %dma_wait3A_433] : memref<2x5x80x16xf32, #tpu.memory_space<vmem>> -> memref<1x1x80x16xf32, #tpu.memory_space<vmem>>
        %dma_wait3A_435 = tpu.memref_squeeze %dma_wait3A_434 : memref<1x1x80x16xf32, #tpu.memory_space<vmem>> -> memref<80x16xf32, #tpu.memory_space<vmem>>
        %dma_wait3A_436 = arith.constant 0 : i32
        %dma_wait3A_437 = arith.constant 0 : i32
        %dma_wait3A_438 = tpu.memref_slice %arg7[%dma_wait3A_430, %dma_wait3A_431, %dma_wait3A_436, %dma_wait3A_437] : memref<2x5x80x16xf32, #tpu.memory_space<vmem>> -> memref<1x1x80x16xf32, #tpu.memory_space<vmem>>
        %dma_wait3A_439 = tpu.memref_squeeze %dma_wait3A_438 : memref<1x1x80x16xf32, #tpu.memory_space<vmem>> -> memref<80x16xf32, #tpu.memory_space<vmem>>
        tpu.wait_dma2 semaphore(%arg11 : memref<!tpu.dma_semaphore, #tpu.memory_space<semaphore_mem>>) src(%arg3 : memref<80x16xf32, #tpu.memory_space<hbm>>) dst(%dma_wait3A_439 : memref<80x16xf32, #tpu.memory_space<vmem>>)
      } else {
      }
    }
    %scan3A_255 = arith.constant 25 : i32
    %dma_wait3A_256 = arith.constant 0 : i32
    %dma_wait3A_257 = arith.constant 0 : i32
    %dma_wait3A_258 = arith.constant 0 : i32
    %dma_wait3A_259 = arith.constant 0 : i32
    %dma_wait3A_260 = tpu.memref_slice %arg7[%dma_wait3A_256, %dma_wait3A_257, %dma_wait3A_258, %dma_wait3A_259] : memref<2x5x80x16xf32, #tpu.memory_space<vmem>> -> memref<1x1x80x16xf32, #tpu.memory_space<vmem>>
    %dma_wait3A_261 = tpu.memref_squeeze %dma_wait3A_260 : memref<1x1x80x16xf32, #tpu.memory_space<vmem>> -> memref<80x16xf32, #tpu.memory_space<vmem>>
    %dma_wait3A_262 = arith.constant 0 : i32
    %dma_wait3A_263 = arith.constant 0 : i32
    %dma_wait3A_264 = tpu.memref_slice %arg7[%dma_wait3A_256, %dma_wait3A_257, %dma_wait3A_262, %dma_wait3A_263] : memref<2x5x80x16xf32, #tpu.memory_space<vmem>> -> memref<1x1x80x16xf32, #tpu.memory_space<vmem>>
    %dma_wait3A_265 = tpu.memref_squeeze %dma_wait3A_264 : memref<1x1x80x16xf32, #tpu.memory_space<vmem>> -> memref<80x16xf32, #tpu.memory_space<vmem>>
    tpu.wait_dma2 semaphore(%arg11 : memref<!tpu.dma_semaphore, #tpu.memory_space<semaphore_mem>>) src(%arg3 : memref<80x16xf32, #tpu.memory_space<hbm>>) dst(%dma_wait3A_265 : memref<80x16xf32, #tpu.memory_space<vmem>>)
    %dma_wait3A_266 = arith.constant 0 : i32
    %dma_wait3A_267 = arith.constant 1 : i32
    %dma_wait3A_268 = arith.constant 0 : i32
    %dma_wait3A_269 = arith.constant 0 : i32
    %dma_wait3A_270 = tpu.memref_slice %arg7[%dma_wait3A_266, %dma_wait3A_267, %dma_wait3A_268, %dma_wait3A_269] : memref<2x5x80x16xf32, #tpu.memory_space<vmem>> -> memref<1x1x80x16xf32, #tpu.memory_space<vmem>>
    %dma_wait3A_271 = tpu.memref_squeeze %dma_wait3A_270 : memref<1x1x80x16xf32, #tpu.memory_space<vmem>> -> memref<80x16xf32, #tpu.memory_space<vmem>>
    %dma_wait3A_272 = arith.constant 0 : i32
    %dma_wait3A_273 = arith.constant 0 : i32
    %dma_wait3A_274 = tpu.memref_slice %arg7[%dma_wait3A_266, %dma_wait3A_267, %dma_wait3A_272, %dma_wait3A_273] : memref<2x5x80x16xf32, #tpu.memory_space<vmem>> -> memref<1x1x80x16xf32, #tpu.memory_space<vmem>>
    %dma_wait3A_275 = tpu.memref_squeeze %dma_wait3A_274 : memref<1x1x80x16xf32, #tpu.memory_space<vmem>> -> memref<80x16xf32, #tpu.memory_space<vmem>>
    tpu.wait_dma2 semaphore(%arg11 : memref<!tpu.dma_semaphore, #tpu.memory_space<semaphore_mem>>) src(%arg3 : memref<80x16xf32, #tpu.memory_space<hbm>>) dst(%dma_wait3A_275 : memref<80x16xf32, #tpu.memory_space<vmem>>)
    %dma_wait3A_276 = arith.constant 0 : i32
    %dma_wait3A_277 = arith.constant 2 : i32
    %dma_wait3A_278 = arith.constant 0 : i32
    %dma_wait3A_279 = arith.constant 0 : i32
    %dma_wait3A_280 = tpu.memref_slice %arg7[%dma_wait3A_276, %dma_wait3A_277, %dma_wait3A_278, %dma_wait3A_279] : memref<2x5x80x16xf32, #tpu.memory_space<vmem>> -> memref<1x1x80x16xf32, #tpu.memory_space<vmem>>
    %dma_wait3A_281 = tpu.memref_squeeze %dma_wait3A_280 : memref<1x1x80x16xf32, #tpu.memory_space<vmem>> -> memref<80x16xf32, #tpu.memory_space<vmem>>
    %dma_wait3A_282 = arith.constant 0 : i32
    %dma_wait3A_283 = arith.constant 0 : i32
    %dma_wait3A_284 = tpu.memref_slice %arg7[%dma_wait3A_276, %dma_wait3A_277, %dma_wait3A_282, %dma_wait3A_283] : memref<2x5x80x16xf32, #tpu.memory_space<vmem>> -> memref<1x1x80x16xf32, #tpu.memory_space<vmem>>
    %dma_wait3A_285 = tpu.memref_squeeze %dma_wait3A_284 : memref<1x1x80x16xf32, #tpu.memory_space<vmem>> -> memref<80x16xf32, #tpu.memory_space<vmem>>
    tpu.wait_dma2 semaphore(%arg11 : memref<!tpu.dma_semaphore, #tpu.memory_space<semaphore_mem>>) src(%arg3 : memref<80x16xf32, #tpu.memory_space<hbm>>) dst(%dma_wait3A_285 : memref<80x16xf32, #tpu.memory_space<vmem>>)
    %dma_wait3A_286 = arith.constant 0 : i32
    %dma_wait3A_287 = arith.constant 3 : i32
    %dma_wait3A_288 = arith.constant 0 : i32
    %dma_wait3A_289 = arith.constant 0 : i32
    %dma_wait3A_290 = tpu.memref_slice %arg7[%dma_wait3A_286, %dma_wait3A_287, %dma_wait3A_288, %dma_wait3A_289] : memref<2x5x80x16xf32, #tpu.memory_space<vmem>> -> memref<1x1x80x16xf32, #tpu.memory_space<vmem>>
    %dma_wait3A_291 = tpu.memref_squeeze %dma_wait3A_290 : memref<1x1x80x16xf32, #tpu.memory_space<vmem>> -> memref<80x16xf32, #tpu.memory_space<vmem>>
    %dma_wait3A_292 = arith.constant 0 : i32
    %dma_wait3A_293 = arith.constant 0 : i32
    %dma_wait3A_294 = tpu.memref_slice %arg7[%dma_wait3A_286, %dma_wait3A_287, %dma_wait3A_292, %dma_wait3A_293] : memref<2x5x80x16xf32, #tpu.memory_space<vmem>> -> memref<1x1x80x16xf32, #tpu.memory_space<vmem>>
    %dma_wait3A_295 = tpu.memref_squeeze %dma_wait3A_294 : memref<1x1x80x16xf32, #tpu.memory_space<vmem>> -> memref<80x16xf32, #tpu.memory_space<vmem>>
    tpu.wait_dma2 semaphore(%arg11 : memref<!tpu.dma_semaphore, #tpu.memory_space<semaphore_mem>>) src(%arg3 : memref<80x16xf32, #tpu.memory_space<hbm>>) dst(%dma_wait3A_295 : memref<80x16xf32, #tpu.memory_space<vmem>>)
    %dma_wait3A_296 = arith.constant 0 : i32
    %dma_wait3A_297 = arith.constant 4 : i32
    %dma_wait3A_298 = arith.constant 0 : i32
    %dma_wait3A_299 = arith.constant 0 : i32
    %dma_wait3A_300 = tpu.memref_slice %arg7[%dma_wait3A_296, %dma_wait3A_297, %dma_wait3A_298, %dma_wait3A_299] : memref<2x5x80x16xf32, #tpu.memory_space<vmem>> -> memref<1x1x80x16xf32, #tpu.memory_space<vmem>>
    %dma_wait3A_301 = tpu.memref_squeeze %dma_wait3A_300 : memref<1x1x80x16xf32, #tpu.memory_space<vmem>> -> memref<80x16xf32, #tpu.memory_space<vmem>>
    %dma_wait3A_302 = arith.constant 0 : i32
    %dma_wait3A_303 = arith.constant 0 : i32
    %dma_wait3A_304 = tpu.memref_slice %arg7[%dma_wait3A_296, %dma_wait3A_297, %dma_wait3A_302, %dma_wait3A_303] : memref<2x5x80x16xf32, #tpu.memory_space<vmem>> -> memref<1x1x80x16xf32, #tpu.memory_space<vmem>>
    %dma_wait3A_305 = tpu.memref_squeeze %dma_wait3A_304 : memref<1x1x80x16xf32, #tpu.memory_space<vmem>> -> memref<80x16xf32, #tpu.memory_space<vmem>>
    tpu.wait_dma2 semaphore(%arg11 : memref<!tpu.dma_semaphore, #tpu.memory_space<semaphore_mem>>) src(%arg3 : memref<80x16xf32, #tpu.memory_space<hbm>>) dst(%dma_wait3A_305 : memref<80x16xf32, #tpu.memory_space<vmem>>)
    %barrier3A_306 = arith.constant 0 : index
    tpu.barrier barrier_id(%barrier3A_306)
    "tpu.region"() ({
      %run_scoped3A_307 = tpu.sem_alloc : memref<!tpu.dma_semaphore, #tpu.memory_space<semaphore_mem>>
      %dma_start3A_308 = arith.constant 0 : i32
      %dma_start3A_309 = tpu.memref_slice %arg4[%arg0, %mul3A_2, %dma_start3A_308] : memref<2x10240x16xf32, #tpu.memory_space<hbm>> -> memref<1x640x16xf32, #tpu.memory_space<hbm>>
      %dma_start3A_310 = tpu.memref_squeeze %dma_start3A_309 : memref<1x640x16xf32, #tpu.memory_space<hbm>> -> memref<640x16xf32, #tpu.memory_space<hbm>>
      %dma_start3A_311 = arith.constant 0 : i32
      %dma_start3A_312 = tpu.memref_slice %arg8[%mul3A_2, %dma_start3A_311] : memref<10240x16xf32, #tpu.memory_space<vmem_shared>> -> memref<640x16xf32, #tpu.memory_space<vmem_shared>>
      tpu.enqueue_dma source(%dma_start3A_312 : memref<640x16xf32, #tpu.memory_space<vmem_shared>>) target(%dma_start3A_310 : memref<640x16xf32, #tpu.memory_space<hbm>>) target_semaphore(%run_scoped3A_307 : memref<!tpu.dma_semaphore, #tpu.memory_space<semaphore_mem>>)
      %dma_wait3A_313 = arith.constant 0 : i32
      %dma_wait3A_314 = tpu.memref_slice %arg4[%arg0, %mul3A_2, %dma_wait3A_313] : memref<2x10240x16xf32, #tpu.memory_space<hbm>> -> memref<1x640x16xf32, #tpu.memory_space<hbm>>
      %dma_wait3A_315 = tpu.memref_squeeze %dma_wait3A_314 : memref<1x640x16xf32, #tpu.memory_space<hbm>> -> memref<640x16xf32, #tpu.memory_space<hbm>>
      %dma_wait3A_316 = arith.constant 0 : i32
      %dma_wait3A_317 = tpu.memref_slice %arg8[%mul3A_2, %dma_wait3A_316] : memref<10240x16xf32, #tpu.memory_space<vmem_shared>> -> memref<640x16xf32, #tpu.memory_space<vmem_shared>>
      tpu.wait_dma2 semaphore(%run_scoped3A_307 : memref<!tpu.dma_semaphore, #tpu.memory_space<semaphore_mem>>) src(%dma_wait3A_317 : memref<640x16xf32, #tpu.memory_space<vmem_shared>>) dst(%dma_wait3A_315 : memref<640x16xf32, #tpu.memory_space<hbm>>)
      tpu.yield
    }) : () -> ()
    return
  }
}

module attributes {stable_mosaic.version = 14 : i64} {
  func.func @_tc_mm_body(%arg0: i32, %arg1: memref<2000x128xf32, #tpu.memory_space<vmem>>, %arg2: memref<128x64xf32, #tpu.memory_space<vmem>>, %arg3: memref<1x64xf32, #tpu.memory_space<vmem>>, %arg4: memref<64x2xf32, #tpu.memory_space<vmem>>, %arg5: memref<1x2xf32, #tpu.memory_space<vmem>>, %arg6: memref<128x64xf32, #tpu.memory_space<vmem>>, %arg7: memref<2000x64xf32, #tpu.memory_space<vmem>>, %arg8: memref<2000x2xf32, #tpu.memory_space<vmem>>) attributes {dimension_semantics = [#tpu.dimension_semantics<arbitrary>], iteration_bounds = array<i64: 5>, scalar_prefetch = 0 : i64, scratch_operands = 0 : i64, tpu.core_type = #tpu.core_type<tc>, window_params = [{transform_indices = @transform_0, window_bounds = array<i64: 2000, 128>}, {pipeline_mode = #tpu.pipeline_mode<synchronous>, transform_indices = @transform_1, window_bounds = array<i64: 128, 64>}, {pipeline_mode = #tpu.pipeline_mode<synchronous>, transform_indices = @transform_2, window_bounds = array<i64: 1, 64>}, {pipeline_mode = #tpu.pipeline_mode<synchronous>, transform_indices = @transform_3, window_bounds = array<i64: 64, 2>}, {pipeline_mode = #tpu.pipeline_mode<synchronous>, transform_indices = @transform_4, window_bounds = array<i64: 1, 2>}, {pipeline_mode = #tpu.pipeline_mode<synchronous>, transform_indices = @transform_5, window_bounds = array<i64: 128, 64>}, {transform_indices = @transform_6, window_bounds = array<i64: 2000, 64>}, {transform_indices = @transform_7, window_bounds = array<i64: 2000, 2>}]} {
    %get3A = arith.constant 0 : index
    %get3A_0 = arith.constant 0 : index
    %get3A_1 = vector.load %arg1[%get3A, %get3A_0] : memref<2000x128xf32, #tpu.memory_space<vmem>>, vector<2000x128xf32>
    %get3A_2 = arith.constant 0 : index
    %get3A_3 = arith.constant 0 : index
    %get3A_4 = vector.load %arg6[%get3A_2, %get3A_3] : memref<128x64xf32, #tpu.memory_space<vmem>>, vector<128x64xf32>
    %dot_general3A = arith.constant dense<0.000000e+00> : vector<2000x64xf32>
    %dot_general3A_5 = tpu.matmul %get3A_1, %get3A_4, %dot_general3A {dimension_numbers = #tpu.dot_dimension_numbers<[1], [0], [0], [1], [0, 0, 1, 1], [], []>, transpose_lhs_hint = false} : vector<2000x128xf32>, vector<128x64xf32>, vector<2000x64xf32> -> vector<2000x64xf32>
    %swap3A = arith.constant 0 : index
    %swap3A_6 = arith.constant 0 : index
    %swap3A_7 = vector.load %arg7[%swap3A, %swap3A_6] : memref<2000x64xf32, #tpu.memory_space<vmem>>, vector<2000x64xf32>
    tpu.vector_store %arg7[%swap3A, %swap3A_6], %dot_general3A_5 {strides = array<i32>} : memref<2000x64xf32, #tpu.memory_space<vmem>>, vector<2000x64xf32>,
    %get3A_8 = arith.constant 0 : index
    %get3A_9 = arith.constant 0 : index
    %get3A_10 = vector.load %arg2[%get3A_8, %get3A_9] : memref<128x64xf32, #tpu.memory_space<vmem>>, vector<128x64xf32>
    %dot_general3A_11 = arith.constant dense<0.000000e+00> : vector<2000x64xf32>
    %dot_general3A_12 = tpu.matmul %get3A_1, %get3A_10, %dot_general3A_11 {dimension_numbers = #tpu.dot_dimension_numbers<[1], [0], [0], [1], [0, 0, 1, 1], [], []>, transpose_lhs_hint = false} : vector<2000x128xf32>, vector<128x64xf32>, vector<2000x64xf32> -> vector<2000x64xf32>
    %get3A_13 = arith.constant 0 : index
    %get3A_14 = arith.constant 0 : index
    %get3A_15 = vector.load %arg3[%get3A_13, %get3A_14] : memref<1x64xf32, #tpu.memory_space<vmem>>, vector<1x64xf32>
    %add3A = vector.broadcast %get3A_15 : vector<1x64xf32> to vector<2000x64xf32>
    %add3A_16 = arith.addf %dot_general3A_12, %add3A : vector<2000x64xf32>
    %max3A = arith.constant 0.000000e+00 : f32
    %max3A_17 = vector.broadcast %max3A : f32 to vector<2000x64xf32>
    %max3A_18 = arith.maximumf %add3A_16, %max3A_17 : vector<2000x64xf32>
    %get3A_19 = arith.constant 0 : index
    %get3A_20 = arith.constant 0 : index
    %get3A_21 = vector.load %arg4[%get3A_19, %get3A_20] : memref<64x2xf32, #tpu.memory_space<vmem>>, vector<64x2xf32>
    %dot_general3A_22 = arith.constant dense<0.000000e+00> : vector<2000x2xf32>
    %dot_general3A_23 = tpu.matmul %max3A_18, %get3A_21, %dot_general3A_22 {dimension_numbers = #tpu.dot_dimension_numbers<[1], [0], [0], [1], [0, 0, 1, 1], [], []>, transpose_lhs_hint = false} : vector<2000x64xf32>, vector<64x2xf32>, vector<2000x2xf32> -> vector<2000x2xf32>
    %get3A_24 = arith.constant 0 : index
    %get3A_25 = arith.constant 0 : index
    %get3A_26 = vector.load %arg5[%get3A_24, %get3A_25] : memref<1x2xf32, #tpu.memory_space<vmem>>, vector<1x2xf32>
    %add3A_27 = vector.broadcast %get3A_26 : vector<1x2xf32> to vector<2000x2xf32>
    %add3A_28 = arith.addf %dot_general3A_23, %add3A_27 : vector<2000x2xf32>
    %swap3A_29 = arith.constant 0 : index
    %swap3A_30 = arith.constant 0 : index
    %swap3A_31 = vector.load %arg8[%swap3A_29, %swap3A_30] : memref<2000x2xf32, #tpu.memory_space<vmem>>, vector<2000x2xf32>
    tpu.vector_store %arg8[%swap3A_29, %swap3A_30], %add3A_28 {strides = array<i32>} : memref<2000x2xf32, #tpu.memory_space<vmem>>, vector<2000x2xf32>,
    return
  }
  func.func @transform_0(%arg0: i32) -> (i32, i32) {
    %c0_i32 = arith.constant 0 : i32
    %c0_i32_0 = arith.constant 0 : i32
    return %arg0, %c0_i32 : i32, i32
  }
  func.func @transform_1(%arg0: i32) -> (i32, i32) {
    %c0_i32 = arith.constant 0 : i32
    %c0_i32_0 = arith.constant 0 : i32
    %c0_i32_1 = arith.constant 0 : i32
    return %c0_i32, %c0_i32_0 : i32, i32
  }
  func.func @transform_2(%arg0: i32) -> (i32, i32) {
    %c0_i32 = arith.constant 0 : i32
    %c0_i32_0 = arith.constant 0 : i32
    %c0_i32_1 = arith.constant 0 : i32
    return %c0_i32, %c0_i32_0 : i32, i32
  }
  func.func @transform_3(%arg0: i32) -> (i32, i32) {
    %c0_i32 = arith.constant 0 : i32
    %c0_i32_0 = arith.constant 0 : i32
    %c0_i32_1 = arith.constant 0 : i32
    return %c0_i32, %c0_i32_0 : i32, i32
  }
  func.func @transform_4(%arg0: i32) -> (i32, i32) {
    %c0_i32 = arith.constant 0 : i32
    %c0_i32_0 = arith.constant 0 : i32
    %c0_i32_1 = arith.constant 0 : i32
    return %c0_i32, %c0_i32_0 : i32, i32
  }
  func.func @transform_5(%arg0: i32) -> (i32, i32) {
    %c0_i32 = arith.constant 0 : i32
    %c0_i32_0 = arith.constant 0 : i32
    %c0_i32_1 = arith.constant 0 : i32
    return %c0_i32, %c0_i32_0 : i32, i32
  }
  func.func @transform_6(%arg0: i32) -> (i32, i32) {
    %c0_i32 = arith.constant 0 : i32
    %c0_i32_0 = arith.constant 0 : i32
    return %arg0, %c0_i32 : i32, i32
  }
  func.func @transform_7(%arg0: i32) -> (i32, i32) {
    %c0_i32 = arith.constant 0 : i32
    %c0_i32_0 = arith.constant 0 : i32
    return %arg0, %c0_i32 : i32, i32
  }
}

module attributes {stable_mosaic.version = 14 : i64} {
  func.func @_tc_scale_body(%arg0: i32, %arg1: memref<2x2000x16xf32, #tpu.memory_space<vmem>>, %arg2: memref<2000x64xf32, #tpu.memory_space<vmem>>, %arg3: memref<2000x64xf32, #tpu.memory_space<vmem>>, %arg4: memref<2000x1xf32, #tpu.memory_space<vmem>>) attributes {dimension_semantics = [#tpu.dimension_semantics<arbitrary>], iteration_bounds = array<i64: 5>, scalar_prefetch = 0 : i64, scratch_operands = 0 : i64, tpu.core_type = #tpu.core_type<tc>, window_params = [{transform_indices = @transform_0, window_bounds = array<i64: 2, 2000, 16>}, {transform_indices = @transform_1, window_bounds = array<i64: 2000, 64>}, {transform_indices = @transform_2, window_bounds = array<i64: 2000, 64>}, {transform_indices = @transform_3, window_bounds = array<i64: 2000, 1>}]} {
    %get3A = arith.constant 0 : index
    %get3A_0 = arith.constant 0 : index
    %get3A_1 = arith.constant 0 : index
    %get3A_2 = vector.load %arg1[%get3A, %get3A_0, %get3A_1] : memref<2x2000x16xf32, #tpu.memory_space<vmem>>, vector<1x2000x1xf32>
    %get3A_3 = vector.shape_cast %get3A_2 : vector<1x2000x1xf32> to vector<2000x1xf32>
    %get3A_4 = arith.constant 1 : index
    %get3A_5 = arith.constant 0 : index
    %get3A_6 = arith.constant 0 : index
    %get3A_7 = vector.load %arg1[%get3A_4, %get3A_5, %get3A_6] : memref<2x2000x16xf32, #tpu.memory_space<vmem>>, vector<1x2000x1xf32>
    %get3A_8 = vector.shape_cast %get3A_7 : vector<1x2000x1xf32> to vector<2000x1xf32>
    %add3A = arith.addf %get3A_3, %get3A_8 : vector<2000x1xf32>
    %add3A_9 = arith.constant 1.000000e+00 : f32
    %add3A_10 = vector.broadcast %add3A_9 : f32 to vector<2000x1xf32>
    %add3A_11 = arith.addf %add3A, %add3A_10 : vector<2000x1xf32>
    %max3A = arith.constant 9.99999996E-13 : f32
    %max3A_12 = vector.broadcast %max3A : f32 to vector<2000x1xf32>
    %max3A_13 = arith.maximumf %add3A_11, %max3A_12 : vector<2000x1xf32>
    %rsqrt3A = math.rsqrt %max3A_13 : vector<2000x1xf32>
    %get3A_14 = arith.constant 0 : index
    %get3A_15 = arith.constant 0 : index
    %get3A_16 = vector.load %arg2[%get3A_14, %get3A_15] : memref<2000x64xf32, #tpu.memory_space<vmem>>, vector<2000x64xf32>
    %mul3A = vector.broadcast %rsqrt3A : vector<2000x1xf32> to vector<2000x64xf32>
    %mul3A_17 = arith.mulf %get3A_16, %mul3A : vector<2000x64xf32>
    %swap3A = arith.constant 0 : index
    %swap3A_18 = arith.constant 0 : index
    %swap3A_19 = vector.load %arg3[%swap3A, %swap3A_18] : memref<2000x64xf32, #tpu.memory_space<vmem>>, vector<2000x64xf32>
    tpu.vector_store %arg3[%swap3A, %swap3A_18], %mul3A_17 {strides = array<i32>} : memref<2000x64xf32, #tpu.memory_space<vmem>>, vector<2000x64xf32>,
    %swap3A_20 = arith.constant 0 : index
    %swap3A_21 = arith.constant 0 : index
    %swap3A_22 = vector.load %arg4[%swap3A_20, %swap3A_21] : memref<2000x1xf32, #tpu.memory_space<vmem>>, vector<2000x1xf32>
    tpu.vector_store %arg4[%swap3A_20, %swap3A_21], %rsqrt3A {strides = array<i32>} : memref<2000x1xf32, #tpu.memory_space<vmem>>, vector<2000x1xf32>,
    return
  }
  func.func @transform_0(%arg0: i32) -> (i32, i32, i32) {
    %c0_i32 = arith.constant 0 : i32
    %c0_i32_0 = arith.constant 0 : i32
    %c0_i32_1 = arith.constant 0 : i32
    return %c0_i32, %arg0, %c0_i32_0 : i32, i32, i32
  }
  func.func @transform_1(%arg0: i32) -> (i32, i32) {
    %c0_i32 = arith.constant 0 : i32
    %c0_i32_0 = arith.constant 0 : i32
    return %arg0, %c0_i32 : i32, i32
  }
  func.func @transform_2(%arg0: i32) -> (i32, i32) {
    %c0_i32 = arith.constant 0 : i32
    %c0_i32_0 = arith.constant 0 : i32
    return %arg0, %c0_i32 : i32, i32
  }
  func.func @transform_3(%arg0: i32) -> (i32, i32) {
    %c0_i32 = arith.constant 0 : i32
    %c0_i32_0 = arith.constant 0 : i32
    return %arg0, %c0_i32 : i32, i32
  }
}

module attributes {stable_mosaic.version = 14 : i64} {
  func.func @_tc_mid_body(%arg0: i32, %arg1: memref<2x2000x64xf32, #tpu.memory_space<vmem>>, %arg2: memref<2000x64xf32, #tpu.memory_space<vmem>>, %arg3: memref<2000x1xf32, #tpu.memory_space<vmem>>, %arg4: memref<1x64xf32, #tpu.memory_space<vmem>>, %arg5: memref<64x2xf32, #tpu.memory_space<vmem>>, %arg6: memref<2000x16xf32, #tpu.memory_space<vmem>>, %arg7: memref<2000x2xf32, #tpu.memory_space<vmem>>) attributes {dimension_semantics = [#tpu.dimension_semantics<arbitrary>], iteration_bounds = array<i64: 5>, scalar_prefetch = 0 : i64, scratch_operands = 0 : i64, tpu.core_type = #tpu.core_type<tc>, window_params = [{transform_indices = @transform_0, window_bounds = array<i64: 2, 2000, 64>}, {transform_indices = @transform_1, window_bounds = array<i64: 2000, 64>}, {transform_indices = @transform_2, window_bounds = array<i64: 2000, 1>}, {pipeline_mode = #tpu.pipeline_mode<synchronous>, transform_indices = @transform_3, window_bounds = array<i64: 1, 64>}, {pipeline_mode = #tpu.pipeline_mode<synchronous>, transform_indices = @transform_4, window_bounds = array<i64: 64, 2>}, {transform_indices = @transform_5, window_bounds = array<i64: 2000, 16>}, {transform_indices = @transform_6, window_bounds = array<i64: 2000, 2>}]} {
    %get3A = arith.constant 0 : index
    %get3A_0 = arith.constant 0 : index
    %get3A_1 = arith.constant 0 : index
    %get3A_2 = vector.load %arg1[%get3A, %get3A_0, %get3A_1] : memref<2x2000x64xf32, #tpu.memory_space<vmem>>, vector<1x2000x64xf32>
    %get3A_3 = vector.shape_cast %get3A_2 : vector<1x2000x64xf32> to vector<2000x64xf32>
    %get3A_4 = arith.constant 1 : index
    %get3A_5 = arith.constant 0 : index
    %get3A_6 = arith.constant 0 : index
    %get3A_7 = vector.load %arg1[%get3A_4, %get3A_5, %get3A_6] : memref<2x2000x64xf32, #tpu.memory_space<vmem>>, vector<1x2000x64xf32>
    %get3A_8 = vector.shape_cast %get3A_7 : vector<1x2000x64xf32> to vector<2000x64xf32>
    %add3A = arith.addf %get3A_3, %get3A_8 : vector<2000x64xf32>
    %get3A_9 = arith.constant 0 : index
    %get3A_10 = arith.constant 0 : index
    %get3A_11 = vector.load %arg2[%get3A_9, %get3A_10] : memref<2000x64xf32, #tpu.memory_space<vmem>>, vector<2000x64xf32>
    %add3A_12 = arith.addf %add3A, %get3A_11 : vector<2000x64xf32>
    %get3A_13 = arith.constant 0 : index
    %get3A_14 = arith.constant 0 : index
    %get3A_15 = vector.load %arg3[%get3A_13, %get3A_14] : memref<2000x1xf32, #tpu.memory_space<vmem>>, vector<2000x1xf32>
    %mul3A = vector.broadcast %get3A_15 : vector<2000x1xf32> to vector<2000x64xf32>
    %mul3A_16 = arith.mulf %add3A_12, %mul3A : vector<2000x64xf32>
    %get3A_17 = arith.constant 0 : index
    %get3A_18 = arith.constant 0 : index
    %get3A_19 = vector.load %arg4[%get3A_17, %get3A_18] : memref<1x64xf32, #tpu.memory_space<vmem>>, vector<1x64xf32>
    %add3A_20 = vector.broadcast %get3A_19 : vector<1x64xf32> to vector<2000x64xf32>
    %add3A_21 = arith.addf %mul3A_16, %add3A_20 : vector<2000x64xf32>
    %max3A = arith.constant 0.000000e+00 : f32
    %max3A_22 = vector.broadcast %max3A : f32 to vector<2000x64xf32>
    %max3A_23 = arith.maximumf %add3A_21, %max3A_22 : vector<2000x64xf32>
    %get3A_24 = arith.constant 0 : index
    %get3A_25 = arith.constant 0 : index
    %get3A_26 = vector.load %arg5[%get3A_24, %get3A_25] : memref<64x2xf32, #tpu.memory_space<vmem>>, vector<64x2xf32>
    %dot_general3A = arith.constant dense<0.000000e+00> : vector<2000x2xf32>
    %dot_general3A_27 = tpu.matmul %max3A_23, %get3A_26, %dot_general3A {dimension_numbers = #tpu.dot_dimension_numbers<[1], [0], [0], [1], [0, 0, 1, 1], [], []>, transpose_lhs_hint = false} : vector<2000x64xf32>, vector<64x2xf32>, vector<2000x2xf32> -> vector<2000x2xf32>
    %get3A_28 = arith.constant 0 : index
    %get3A_29 = arith.constant 0 : index
    %get3A_30 = vector.load %arg3[%get3A_28, %get3A_29] : memref<2000x1xf32, #tpu.memory_space<vmem>>, vector<2000x1xf32>
    %mul3A_31 = vector.broadcast %get3A_30 : vector<2000x1xf32> to vector<2000x2xf32>
    %mul3A_32 = arith.mulf %dot_general3A_27, %mul3A_31 : vector<2000x2xf32>
    %swap3A = arith.constant 0 : index
    %swap3A_33 = arith.constant 0 : index
    %swap3A_34 = vector.load %arg7[%swap3A, %swap3A_33] : memref<2000x2xf32, #tpu.memory_space<vmem>>, vector<2000x2xf32>
    tpu.vector_store %arg7[%swap3A, %swap3A_33], %mul3A_32 {strides = array<i32>} : memref<2000x2xf32, #tpu.memory_space<vmem>>, vector<2000x2xf32>,
    %broadcast_in_dim3A = arith.constant 0.000000e+00 : f32
    %broadcast_in_dim3A_35 = vector.broadcast %broadcast_in_dim3A : f32 to vector<2000x14xf32>
    %concatenate3A = tpu.concatenate %mul3A_32, %broadcast_in_dim3A_35 in 1 : vector<2000x2xf32>, vector<2000x14xf32> -> vector<2000x16xf32>
    %swap3A_36 = arith.constant 0 : index
    %swap3A_37 = arith.constant 0 : index
    %swap3A_38 = vector.load %arg6[%swap3A_36, %swap3A_37] : memref<2000x16xf32, #tpu.memory_space<vmem>>, vector<2000x16xf32>
    tpu.vector_store %arg6[%swap3A_36, %swap3A_37], %concatenate3A {strides = array<i32>} : memref<2000x16xf32, #tpu.memory_space<vmem>>, vector<2000x16xf32>,
    return
  }
  func.func @transform_0(%arg0: i32) -> (i32, i32, i32) {
    %c0_i32 = arith.constant 0 : i32
    %c0_i32_0 = arith.constant 0 : i32
    %c0_i32_1 = arith.constant 0 : i32
    return %c0_i32, %arg0, %c0_i32_0 : i32, i32, i32
  }
  func.func @transform_1(%arg0: i32) -> (i32, i32) {
    %c0_i32 = arith.constant 0 : i32
    %c0_i32_0 = arith.constant 0 : i32
    return %arg0, %c0_i32 : i32, i32
  }
  func.func @transform_2(%arg0: i32) -> (i32, i32) {
    %c0_i32 = arith.constant 0 : i32
    %c0_i32_0 = arith.constant 0 : i32
    return %arg0, %c0_i32 : i32, i32
  }
  func.func @transform_3(%arg0: i32) -> (i32, i32) {
    %c0_i32 = arith.constant 0 : i32
    %c0_i32_0 = arith.constant 0 : i32
    %c0_i32_1 = arith.constant 0 : i32
    return %c0_i32, %c0_i32_0 : i32, i32
  }
  func.func @transform_4(%arg0: i32) -> (i32, i32) {
    %c0_i32 = arith.constant 0 : i32
    %c0_i32_0 = arith.constant 0 : i32
    %c0_i32_1 = arith.constant 0 : i32
    return %c0_i32, %c0_i32_0 : i32, i32
  }
  func.func @transform_5(%arg0: i32) -> (i32, i32) {
    %c0_i32 = arith.constant 0 : i32
    %c0_i32_0 = arith.constant 0 : i32
    return %arg0, %c0_i32 : i32, i32
  }
  func.func @transform_6(%arg0: i32) -> (i32, i32) {
    %c0_i32 = arith.constant 0 : i32
    %c0_i32_0 = arith.constant 0 : i32
    return %arg0, %c0_i32 : i32, i32
  }
}

module attributes {stable_mosaic.version = 14 : i64} {
  func.func @_tc_final_body(%arg0: i32, %arg1: memref<2x2000x16xf32, #tpu.memory_space<vmem>>, %arg2: memref<2000x2xf32, #tpu.memory_space<vmem>>, %arg3: memref<2000x1xf32, #tpu.memory_space<vmem>>, %arg4: memref<2000x2xf32, #tpu.memory_space<vmem>>, %arg5: memref<1x2xf32, #tpu.memory_space<vmem>>, %arg6: memref<2000x2xf32, #tpu.memory_space<vmem>>) attributes {dimension_semantics = [#tpu.dimension_semantics<arbitrary>], iteration_bounds = array<i64: 5>, scalar_prefetch = 0 : i64, scratch_operands = 0 : i64, tpu.core_type = #tpu.core_type<tc>, window_params = [{transform_indices = @transform_0, window_bounds = array<i64: 2, 2000, 16>}, {transform_indices = @transform_1, window_bounds = array<i64: 2000, 2>}, {transform_indices = @transform_2, window_bounds = array<i64: 2000, 1>}, {transform_indices = @transform_3, window_bounds = array<i64: 2000, 2>}, {pipeline_mode = #tpu.pipeline_mode<synchronous>, transform_indices = @transform_4, window_bounds = array<i64: 1, 2>}, {transform_indices = @transform_5, window_bounds = array<i64: 2000, 2>}]} {
    %get3A = arith.constant 0 : index
    %get3A_0 = arith.constant 0 : index
    %get3A_1 = arith.constant 0 : index
    %get3A_2 = vector.load %arg1[%get3A, %get3A_0, %get3A_1] : memref<2x2000x16xf32, #tpu.memory_space<vmem>>, vector<1x2000x2xf32>
    %get3A_3 = vector.shape_cast %get3A_2 : vector<1x2000x2xf32> to vector<2000x2xf32>
    %get3A_4 = arith.constant 1 : index
    %get3A_5 = arith.constant 0 : index
    %get3A_6 = arith.constant 0 : index
    %get3A_7 = vector.load %arg1[%get3A_4, %get3A_5, %get3A_6] : memref<2x2000x16xf32, #tpu.memory_space<vmem>>, vector<1x2000x2xf32>
    %get3A_8 = vector.shape_cast %get3A_7 : vector<1x2000x2xf32> to vector<2000x2xf32>
    %add3A = arith.addf %get3A_3, %get3A_8 : vector<2000x2xf32>
    %get3A_9 = arith.constant 0 : index
    %get3A_10 = arith.constant 0 : index
    %get3A_11 = vector.load %arg4[%get3A_9, %get3A_10] : memref<2000x2xf32, #tpu.memory_space<vmem>>, vector<2000x2xf32>
    %get3A_12 = arith.constant 0 : index
    %get3A_13 = arith.constant 0 : index
    %get3A_14 = vector.load %arg2[%get3A_12, %get3A_13] : memref<2000x2xf32, #tpu.memory_space<vmem>>, vector<2000x2xf32>
    %add3A_15 = arith.addf %add3A, %get3A_14 : vector<2000x2xf32>
    %get3A_16 = arith.constant 0 : index
    %get3A_17 = arith.constant 0 : index
    %get3A_18 = vector.load %arg3[%get3A_16, %get3A_17] : memref<2000x1xf32, #tpu.memory_space<vmem>>, vector<2000x1xf32>
    %mul3A = vector.broadcast %get3A_18 : vector<2000x1xf32> to vector<2000x2xf32>
    %mul3A_19 = arith.mulf %add3A_15, %mul3A : vector<2000x2xf32>
    %add3A_20 = arith.addf %get3A_11, %mul3A_19 : vector<2000x2xf32>
    %get3A_21 = arith.constant 0 : index
    %get3A_22 = arith.constant 0 : index
    %get3A_23 = vector.load %arg5[%get3A_21, %get3A_22] : memref<1x2xf32, #tpu.memory_space<vmem>>, vector<1x2xf32>
    %add3A_24 = vector.broadcast %get3A_23 : vector<1x2xf32> to vector<2000x2xf32>
    %add3A_25 = arith.addf %add3A_20, %add3A_24 : vector<2000x2xf32>
    %reduce_max3A = arith.constant dense<0xFF800000> : vector<2000xf32>
    %reduce_max3A_26 = vector.multi_reduction <maximumf>, %add3A_25, %reduce_max3A [1] : vector<2000x2xf32> to vector<2000xf32>
    %broadcast_in_dim3A = vector.shape_cast %reduce_max3A_26 : vector<2000xf32> to vector<2000x1xf32>
    %sub3A = vector.broadcast %broadcast_in_dim3A : vector<2000x1xf32> to vector<2000x2xf32>
    %sub3A_27 = arith.subf %add3A_25, %sub3A : vector<2000x2xf32>
    %exp3A = math.exp %sub3A_27 : vector<2000x2xf32>
    %reduce_sum3A = arith.constant dense<0.000000e+00> : vector<2000xf32>
    %reduce_sum3A_28 = vector.multi_reduction <add>, %exp3A, %reduce_sum3A [1] : vector<2000x2xf32> to vector<2000xf32>
    %broadcast_in_dim3A_29 = vector.shape_cast %reduce_sum3A_28 : vector<2000xf32> to vector<2000x1xf32>
    %log3A = math.log %broadcast_in_dim3A_29 : vector<2000x1xf32>
    %add3A_30 = arith.addf %broadcast_in_dim3A, %log3A : vector<2000x1xf32>
    %sub3A_31 = vector.broadcast %add3A_30 : vector<2000x1xf32> to vector<2000x2xf32>
    %sub3A_32 = arith.subf %add3A_25, %sub3A_31 : vector<2000x2xf32>
    %swap3A = arith.constant 0 : index
    %swap3A_33 = arith.constant 0 : index
    %swap3A_34 = vector.load %arg6[%swap3A, %swap3A_33] : memref<2000x2xf32, #tpu.memory_space<vmem>>, vector<2000x2xf32>
    tpu.vector_store %arg6[%swap3A, %swap3A_33], %sub3A_32 {strides = array<i32>} : memref<2000x2xf32, #tpu.memory_space<vmem>>, vector<2000x2xf32>,
    return
  }
  func.func @transform_0(%arg0: i32) -> (i32, i32, i32) {
    %c0_i32 = arith.constant 0 : i32
    %c0_i32_0 = arith.constant 0 : i32
    %c0_i32_1 = arith.constant 0 : i32
    return %c0_i32, %arg0, %c0_i32_0 : i32, i32, i32
  }
  func.func @transform_1(%arg0: i32) -> (i32, i32) {
    %c0_i32 = arith.constant 0 : i32
    %c0_i32_0 = arith.constant 0 : i32
    return %arg0, %c0_i32 : i32, i32
  }
  func.func @transform_2(%arg0: i32) -> (i32, i32) {
    %c0_i32 = arith.constant 0 : i32
    %c0_i32_0 = arith.constant 0 : i32
    return %arg0, %c0_i32 : i32, i32
  }
  func.func @transform_3(%arg0: i32) -> (i32, i32) {
    %c0_i32 = arith.constant 0 : i32
    %c0_i32_0 = arith.constant 0 : i32
    return %arg0, %c0_i32 : i32, i32
  }
  func.func @transform_4(%arg0: i32) -> (i32, i32) {
    %c0_i32 = arith.constant 0 : i32
    %c0_i32_0 = arith.constant 0 : i32
    %c0_i32_1 = arith.constant 0 : i32
    return %c0_i32, %c0_i32_0 : i32, i32
  }
  func.func @transform_5(%arg0: i32) -> (i32, i32) {
    %c0_i32 = arith.constant 0 : i32
    %c0_i32_0 = arith.constant 0 : i32
    return %arg0, %c0_i32 : i32, i32
  }
}

</mosaic_0001>

<sc_bundles>
// kernel: kernel.12.cloned.1.call-start
scs
__scs_entry_jumppad:
0x0: {  	(pc) =	sbr.rel $0x88, $3  }
0x1: {  	(tag) =	ssettag $0x0;
	lr =	simm.s32 $0x1  }
0x2: {  	[smem:$0x3F97] =	sst lr;
	_ =	strace $0xD0000000  }
0x3: {  	_ = 	snop  }
0x4: {  	_ = 	snop  }
0x5: {  	_ = 	snop  }
0x6: {  	_ = 	snop  }
0x7: {  	_ = 	snop  }
__scs_overlays_trampoline_lowered:
0x8: {  	[smem:$0x3FA6] =	sst s0  }
0x9: {  	[smem:$0x3FA7] =	sst s1  }
0xa: {  	[smem:$0x3FA8] =	sst s2  }
0xb: {  	[smem:$0x3FA9] =	sst s3  }
0xc: {  	[smem:$0x3FAA] =	sst s4  }
0xd: {  	[smem:$0x3FAB] =	sst s5  }
0xe: {  	[smem:$0x3FAC] =	sst s6  }
0xf: {  	[smem:$0x3FAD] =	sst s7  }
0x10: {  	[smem:$0x3FAE] =	sst s8  }
0x11: {  	[smem:$0x3FAF] =	sst s9;
	s0 =	simm.s32 @!p0 $0x0  }
0x12: {  	s1 =	sld [smem:$0x3F95];
	s0 =	simm.s32 @p0 $0x1  }
0x13: {  	[smem:$0x3FB0] =	sst s0;
	s0 =	simm.s32 @!p1 $0x0  }
0x14: {  	s2 =	sld [smem:$0x3F94];
	s0 =	simm.s32 @p1 $0x1  }
0x15: {  	[smem:$0x3FB1] =	sst s0;
	s0 =	simm.s32 @!p2 $0x0  }
0x16: {  	s3 =	sld [smem:$0x3FDB];
	s0 =	simm.s32 @p2 $0x1  }
0x17: {  	s4 =	simm.s32 $0x1BF5;
	[smem:$0x3FB3] =	sst s0  }
0x18: {  	s0 =	sld [smem:$0x3F96];
	_ =	swait.ge [sflag:s4], $0x0  }
0x19: {  	s7 =	sld [smem:$0x3F97]  }
0x1a: {  	s8 =	sadd.s32 $0xFFFFE003, lr  }
0x1b: {  	s9 =	sadd.s32 $0xFFFFFEF7, lr;
	s5 =	simm.s32 $0xFFFFFFFF;
	p2 =	slt.u32 s8, $0xFFFFF086  }
0x1c: {  	p1 =	slt.u32 s9, $0xF7A;
	s5 =	simm.s32 @!p2 $0x0  }
0x1d: {  	s5 =	simm.s32 @p1 $0x1;
	p0 =	seq.s32 s7, s2  }
0x1e: {  	s7 =	smul.u32 @!p0 $0xF7A, s2;
	p2 =	seq.s32 @!p0 s5, $0x0  }
0x1f: {  	s9 =	smul.u32 $0xF7A, s1;
	s8 =	simm.s32 @!p0 $0x1BF5;
	p2 =	por !p2, p0  }
0x20: {  	[sflag:s8] =	ssyncset.s32 @!p0 $0xFFFFF086;
	s6 =	sadd.s32 @!p0 s3, s7;
	s7 =	simm.s32 @!p0 $0x108  }
0x21: {  	s3 =	sadd.s32 s3, s9;
	s6 =	sadd.s32 @!p0 $0x88, s6;
	s7 =	simm.s32 @p2 $0x1082  }
0x22: {  	[simem:s7], [sflag:s8] =	dma.local @!p0 [hbm:s6], $0xF7A  }
0x23: {  	s9 =	sor.u32 $0xD0000000, s2;
	s6 =	simm.s32 $0x108;
	_ =	swait.ge @!p0 [sflag:s8], $0x0  }
0x24: {  	s3 =	sadd.s32 $0x88, s3;
	s6 =	simm.s32 @!p1 $0x1082;
	[sflag:s4] =	ssyncset.s32 $0xFFFFF086  }
0x25: {  	[simem:s6], [sflag:s4] =	dma.local [hbm:s3], $0xF7A  }
0x26: {  	[smem:$0x3F97] =	sst s1;
	(tag) =	ssettag s2;
	_ =	strace s9  }
0x27: {  	s1 =	sld [smem:$0x3FA7]  }
0x28: {  	s2 =	sld [smem:$0x3FA8]  }
0x29: {  	s4 =	sld [smem:$0x3FAA]  }
0x2a: {  	p0 =	seq.s32 s5, $0x0;
	s5 =	sld [smem:$0x3FAB]  }
0x2b: {  	s6 =	sld [smem:$0x3FAC]  }
0x2c: {  	s7 =	sld [smem:$0x3FAD]  }
0x2d: {  	s3 =	simm.s32 $0x108;
	s8 =	sld [smem:$0x3FAE]  }
0x2e: {  	s3 =	simm.s32 @!p0 $0x1082;
	s9 =	sld [smem:$0x3FAF]  }
0x2f: {  	lr =	sadd.s32 s0, s3;
	s0 =	sld [smem:$0x3FA6]  }
0x30: {  	s3 =	sld [smem:$0x3FA9]  }
0x31: {  	[smem:$0x3FB2] =	sst s10  }
0x32: {  	s10 =	sld [smem:$0x3FB0];
	_ =	sdelay $0x3  }
0x33: {  	p0 =	seq.s32 s10, $0x1;
	s10 =	sld [smem:$0x3FB2];
	_ =	sdelay $0x3  }
0x34: {  	[smem:$0x3FB2] =	sst s10  }
0x35: {  	s10 =	sld [smem:$0x3FB1];
	_ =	sdelay $0x3  }
0x36: {  	p1 =	seq.s32 s10, $0x1;
	s10 =	sld [smem:$0x3FB2];
	_ =	sdelay $0x3  }
0x37: {  	[smem:$0x3FB2] =	sst s10  }
0x38: {  	s10 =	sld [smem:$0x3FB3]  }
0x39: {  	_ = 	snop;
	(pc) =	sbr.ind lr, $3  }
0x3a: {  	_ = 	snop  }
0x3b: {  	_ = 	snop  }
0x3c: {  	p2 =	seq.s32 s10, $0x1;
	s10 =	sld [smem:$0x3FB2]  }
0x3d: {  	_ =	shalt  }
0x3e: {  	_ =	shalt  }
0x3f: {  	_ =	shalt  }
0x40: {  	_ =	shalt  }
0x41: {  	_ =	shalt  }
0x42: {  	_ =	shalt  }
0x43: {  	_ =	shalt  }
0x44: {  	_ =	shalt  }
0x45: {  	_ =	shalt  }
0x46: {  	_ =	shalt  }
0x47: {  	_ =	shalt  }
0x48: {  	_ =	shalt  }
0x49: {  	_ =	shalt  }
0x4a: {  	_ =	shalt  }
0x4b: {  	_ =	shalt  }
0x4c: {  	_ =	shalt  }
0x4d: {  	_ =	shalt  }
0x4e: {  	_ =	shalt  }
0x4f: {  	_ =	shalt  }
0x50: {  	_ =	shalt  }
0x51: {  	_ =	shalt  }
0x52: {  	_ =	shalt  }
0x53: {  	_ =	shalt  }
0x54: {  	_ =	shalt  }
0x55: {  	_ =	shalt  }
0x56: {  	_ =	shalt  }
0x57: {  	_ =	shalt  }
0x58: {  	_ =	shalt  }
0x59: {  	_ =	shalt  }
0x5a: {  	_ =	shalt  }
0x5b: {  	_ =	shalt  }
0x5c: {  	_ =	shalt  }
0x5d: {  	_ =	shalt  }
0x5e: {  	_ =	shalt  }
0x5f: {  	_ =	shalt  }
0x60: {  	_ =	shalt  }
0x61: {  	_ =	shalt  }
0x62: {  	_ =	shalt  }
0x63: {  	_ =	shalt  }
0x64: {  	_ =	shalt  }
0x65: {  	_ =	shalt  }
0x66: {  	_ =	shalt  }
0x67: {  	_ =	shalt  }
0x68: {  	_ =	shalt  }
0x69: {  	_ =	shalt  }
0x6a: {  	_ =	shalt  }
0x6b: {  	_ =	shalt  }
0x6c: {  	_ =	shalt  }
0x6d: {  	_ =	shalt  }
0x6e: {  	_ =	shalt  }
0x6f: {  	_ =	shalt  }
0x70: {  	_ =	shalt  }
0x71: {  	_ =	shalt  }
0x72: {  	_ =	shalt  }
0x73: {  	_ =	shalt  }
0x74: {  	_ =	shalt  }
0x75: {  	_ =	shalt  }
0x76: {  	_ =	shalt  }
0x77: {  	_ =	shalt  }
0x78: {  	_ =	shalt  }
0x79: {  	_ =	shalt  }
0x7a: {  	_ =	shalt  }
0x7b: {  	_ =	shalt  }
0x7c: {  	_ =	shalt  }
0x7d: {  	_ =	shalt  }
0x7e: {  	_ =	shalt  }
0x7f: {  	_ =	shalt  }
0x80: {  	_ =	shalt  }
0x81: {  	_ =	shalt  }
0x82: {  	_ =	shalt  }
0x83: {  	_ =	shalt  }
0x84: {  	_ =	shalt  }
0x85: {  	_ =	shalt  }
0x86: {  	_ =	shalt  }
0x87: {  	_ =	shalt  }
.Lfunc_end0:
.L_simem_size_0:
called_computation.1_lowered:
.L_overlay_start_0:
0x88: {  	s2 =	sld [smem:$0x3FD9]  }
0x89: {  	s3 =	sld [smem:$0x3FFE];
	_ =	sdelay $0x1  }
0x8a: {  	s1 =	srdreg.scid  }
0x8b: {  	s0 =	sand.u32 $0x1, s1  }
0x8c: {  	s16 =	sshll.u32 s0, $0xA;
	s2 =	sadd.s32 s3, s2  }
0x8d: {  	s2 =	sadd.s32 s2, s16  }
0x8e: {  	[smem:$0x3FBE] =	sst s2  }
0x8f: {  	_ = 	snop  }
0x90: {  	(tm) =	ssettm $0x1  }
0x91: {  	s17 =	sld [smem:$0x3FFB];
	_ =	sdelay $0x3  }
0x92: {  	_ =	strace s17  }
0x93: {  	s2 =	sld [smem:$0x3FFC];
	_ =	sdelay $0x3  }
0x94: {  	_ =	strace s2  }
0x95: {  	s2 =	sld [smem:$0x3FFD];
	_ =	sdelay $0x3  }
0x96: {  	_ =	strace s2  }
0x97: {  	_ =	strace $0x8FFFFFFF  }
0x98: {  	s18 =	sld [smem:$0x3FDB];
	_ =	sdelay $0x1  }
0x99: {  	s19 =	simm.s32 $_scs_section_size  }
0x9a: {  	s4 =	simm.s32 $_size__tile_overlayer_lowered;
	s5 =	simm.s32 $_tile_overlayer_lowered  }
0x9b: {  	s22 =	simm.s32 $0x1BFF;
	s21 =	sshll.u32 s5, $0x1;
	s2 =	sadd.s32 s19, s18  }
0x9c: {  	s6 =	simm.s32 $0x0;
	s20 =	sshll.u32 s4, $0x1;
	s4 =	sadd.s32 s21, s2  }
0x9d: {  	[timem:s6], [sflag:s22] =	dma.local [hbm:s4], s20  }
0x9e: {  	_ =	swait.ge [sflag:s22], s20  }
0x9f: {  	s3 =	ssub.s32 $0x0, s20;
	[sflag:s22] =	ssyncset.done $0x0  }
0xa0: {  	[sflag:s22] =	ssyncadd.s32 s3;
	_ =	sdelay $0x1  }
0xa1: {  	s23 =	simm.s32 $0x1B8B  }
0xa2: {  	_ =	swait.ge [sflag:s23], $0x1  }
0xa3: {  	[sflag:s23] =	ssyncset.done $0x0  }
0xa4: {  	s25 =	simm.s32 $0x1B8E;
	s24 =	sld [smem:$0x3FFE];
	[sflag:s23] =	ssyncadd.s32 $0xFFFFFFFF  }
0xa5: {  	s26 =	simm.s32 $execute0_lowered;
	[smem:$0x3FD2] =	sst s25  }
0xa6: {  	s4 =	sshll.u32 s26, $0x1;
	_ =	strace $0x80000049;
	[dreg:$0x1] =	wrdreg $0xFFFFFFFF  }
0xa7: {  	s28 =	simm.s32 $_size_execute0_lowered;
	s2 =	sadd.s32 s2, s4;
	[dreg:$0x0] =	wrdreg $0x0  }
0xa8: {  	s4 =	sshll.u32 s28, $0x1;
	[dreg:$0x2] =	wrdreg s2  }
0xa9: {  	[dreg:$0x3] =	wrdreg s4  }
0xaa: {  	[dreg:$0x4] =	wrdreg $0xC0  }
0xab: {  	_ =	task [dreg:s6], $0x5FFFF  }
0xac: {  	[dreg:$0x1] =	wrdreg $0xFFFFFFFF  }
0xad: {  	[dreg:$0x0] =	wrdreg $0x60  }
0xae: {  	[dreg:$0x2] =	wrdreg s24  }
0xaf: {  	[dreg:$0x3] =	wrdreg $0x116200  }
0xb0: {  	[dreg:$0x4] =	wrdreg $0x9  }
0xb1: {  	_ =	task.clear_ibuf [dreg:s6], $0x5FFFF;
	_ =	strace $0x90000049  }
0xb2: {  	s29 =	simm.s32 $0x9;
	_ =	strace $0x8000004B  }
0xb3: {  	_ =	swait.ge [sflag:s29], $0x1  }
0xb4: {  	[sflag:s29] =	ssyncadd.s32 $0xFFFFFFFF  }
0xb5: {  	_ =	strace $0x9000004B  }
0xb6: {  	_ =	sfence  }
0xb7: {  	s30 =	sld [smem:$0x0];
	_ =	sdelay $0x2  }
0xb8: {  	s31 =	sshll.u32 s1, $0xD;
	s1 =	sshrl.u32 s1, $0x2  }
0xb9: {  	s3 =	sand.u32 $0x4000, s31;
	s1 =	sadd.s32 s1, s30  }
0xba: {  	s0 =	sor.u32 s3, s0;
	s1 =	sshll.u32 s1, $0x11  }
0xbb: {  	s0 =	sor.u32 s1, s0  }
0xbc: {  	s0 =	sadd.s32 $0x8F2B, s0  }
0xbd: {  	[sflag:s0] =	ssyncadd.remote.s32 $0x1  }
0xbe: {  	_ =	sfence.sel $0xFFFF  }
0xbf: {  	[dreg:$0x0] =	wrdreg $0xFFFFFFFF;
	(pc) =	sbr.abs _section_cstart, $3  }
0xc0: {  	[dreg:$0x1] =	wrdreg $0xFFFFFFFF  }
0xc1: {  	_ =	task.clear_ibuf [dreg:s6], $0x2FFFF;
	_ =	strace $0x9FFFFFFF  }
0xc2: {  	(tm) =	ssettm $0x7FFFFFFF  }
0xc3: {  	_ =	shalt  }
tec
execute0_lowered:
.L_overlay_start_1:
0x0: {  	(tag) =	ssettag $0x1  }
0x1: {  	s0 =	srdreg.scid;
	s3 =	rddreg [dreg:$0x0]  }
0x2: {  	s7 =	stileid.u32;
	s2 =	rddreg [dreg:$0x1];
	s4 =	simm.s32 $0x0  }
0x3: {  	s17 =	simm.s32 $0xB220;
	s18 =	simm.s32 $0x5;
	s28 =	simm.s32 $0xC620  }
0x4: {  	s29 =	simm.s32 $0xDA20;
	s30 =	simm.s32 $0xEE20;
	s31 =	simm.s32 $0x10220  }
0x5: {  	s19 =	simm.s32 $0x3;
	s0 =	sand.u32 $0x1, s0;
	s5 =	smul.u32 $0xA000, s7  }
0x6: {  	[smem:$0x7FF] =	sst s4;
	s4 =	sadd.s32 $0x16400, s3;
	s1 =	sshll.u32 s0, $0x4  }
0x7: {  	s20 =	smul.u32 $0xA0000, s0;
	_ =	strace $0x8000004A;
	s0 =	ssub.s32 $0x2, s0  }
0x8: {  	s1 =	sor.u32 s7, s1;
	s7 =	smul.u32 $0x28000, s7;
	s21 =	sshrl.u32 s0, $0x1  }
0x9: {  	s1 =	smul.u32 $0x2710, s1;
	s6 =	sadd.s32 s5, s20;
	s0 =	ssub.s32 s0, s21  }
0xa: {  	s5 =	sadd.s32 s5, s2;
	s20 =	simm.s32 $0x1;
	s7 =	sshrl.u32 s7, $0x2  }
0xb: {  	s21 =	simm.s32 $0x50;
	s6 =	sshrl.u32 s6, $0x3;
	s22 =	sadd.s32 s7, s2  }
0xc: {  	s16 =	smax.u32 s0, $0x1;
	s0 =	simm.s32 $0x4;
	s7 =	sadd.s32 $0x1400, s22  }
0xd: {  	s1 =	sshrl.u32 s1, $0x3;
	s23 =	sadd.s32 $0x2800, s22;
	[dreg:$0x3] =	wrdreg s7  }
0xe: {  	s1 =	sadd.s32 s1, s3;
	s24 =	sadd.s32 $0x3C00, s22;
	[dreg:$0x4] =	wrdreg s23  }
0xf: {  	s3 =	sadd.s32 s6, s3;
	s25 =	sadd.s32 $0x5000, s22;
	[dreg:$0x5] =	wrdreg s24  }
0x10: {  	s26 =	sadd.s32 $0x6400, s22;
	s11 =	sadd.s32 $0x7800, s22;
	[dreg:$0x6] =	wrdreg s25  }
0x11: {  	s12 =	sadd.s32 $0x8C00, s22;
	s22 =	simm.s32 $0x4E20;
	[dreg:$0x7] =	wrdreg s26  }
0x12: {  	s13 =	sadd.s32 $0x2A00, s1;
	s14 =	sadd.s32 $0xC640, s1;
	s15 =	sadd.s32 $0x29E00, s3  }
0x13: {  	s23 =	simm.s32 $0x6220;
	s24 =	simm.s32 $0x7620;
	s25 =	simm.s32 $0x8A20  }
0x14: {  	v0 =	vimm.f32 $0.0e+00;
	s26 =	simm.s32 $0x9E20;
	s1 =	simm.s32 $0x2;
	s3 =	simm.s32 $0x0  }
.LBB2_1:
0x15: {  	s7 =	simm.s32 $0x0  }
0x16: {  	s6 =	sand.u32 $0x7F00, s7  }
0x17: {  	s7 =	sand.u32 $0x30, s7;
	s8 =	sshrl.u32 s6, $0x2  }
0x18: {  	s6 =	simm.s32 $0x40;
	s8 =	sor.u32 s7, s8;
	s7 =	simm.s32 $0x0  }
.LBB2_2:
0x19: {  	p0 =	sne.s32 s6, $0x4FC0  }
0x1a: {  	[tilespmem:s8+$0xB220] =	vst v0;
	s7 =	sadd.s32 $0x10, s7;
	s8 =	smov.u32 s6;
	s6 =	sadd.s32 $0x40, s6  }
.Ltmp0:
0x1b: {  	(pc) =	sbr.rel @p0 .LBB2_2-.Ltmp0, $4  }
0x1c: {  	_ = 	snop  }
0x1d: {  	s8 =	sand.u32 $0x7F00, s8  }
0x1e: {  	s9 =	sand.u32 $0x30, s7;
	s8 =	sshrl.u32 s8, $0x2  }
0x1f: {  	s8 =	sor.u32 s9, s8  }
0x20: {  	[tilespmem:s8+$0xB220] =	vst v0  }
0x21: {  	[spmem:s5] =	stream.linear.scatter [tilespmem:s17], [sflag:$0x1], $0x1400, $0x38;
	[tilespmem:$0x1B620] =	vst v63  }
0x22: {  	s6 =	rddreg [dreg:$0x3]  }
0x23: {  	[spmem:s6] =	stream.linear.scatter [tilespmem:s17], [sflag:$0x1], $0x1400, $0x38;
	[tilespmem:$0x1B620] =	vst v63  }
0x24: {  	s10 =	rddreg [dreg:$0x4]  }
0x25: {  	[spmem:s10] =	stream.linear.scatter [tilespmem:s17], [sflag:$0x1], $0x1400, $0x38;
	[tilespmem:$0x1B620] =	vst v63  }
0x26: {  	s7 =	rddreg [dreg:$0x5]  }
0x27: {  	[spmem:s7] =	stream.linear.scatter [tilespmem:s17], [sflag:$0x1], $0x1400, $0x38;
	[tilespmem:$0x1B620] =	vst v63  }
0x28: {  	s8 =	rddreg [dreg:$0x6]  }
0x29: {  	[spmem:s8] =	stream.linear.scatter [tilespmem:s17], [sflag:$0x1], $0x1400, $0x38;
	[tilespmem:$0x1B620] =	vst v63  }
0x2a: {  	s9 =	rddreg [dreg:$0x7]  }
0x2b: {  	[spmem:s9] =	stream.linear.scatter [tilespmem:s17], [sflag:$0x1], $0x1400, $0x38;
	[tilespmem:$0x1B620] =	vst v63  }
0x2c: {  	_ = 	snop  }
0x2d: {  	[spmem:s11] =	stream.linear.scatter [tilespmem:s17], [sflag:$0x1], $0x1400, $0x38;
	[tilespmem:$0x1B620] =	vst v63  }
0x2e: {  	_ = 	snop  }
0x2f: {  	[spmem:s12] =	stream.linear.scatter [tilespmem:s17], [sflag:$0x1], $0x1400, $0x38;
	[tilespmem:$0x1B620] =	vst v63  }
0x30: {  	s10 =	simm.s32 $0x0  }
0x31: {  	[tilespmem:s10], [sflag:$0x5] =	stream.linear.gather [hbm4b:s13+s10], $0x2710, $0x38;
	[tilespmem:$0x1B620] =	vst v63  }
0x32: {  	_ =	swait.ge [sflag:s18], $0x2710  }
0x33: {  	[sflag:s18] =	ssyncset.done $0x0  }
0x34: {  	s7 =	simm.s32 $0x2710;
	[sflag:s18] =	ssyncadd.s32 $0xFFFFD8F0  }
0x35: {  	[tilespmem:s7], [sflag:$0x5] =	stream.linear.gather [hbm4b:s14+s10], $0x2710, $0x38;
	[tilespmem:$0x1B620] =	vst v63  }
0x36: {  	_ =	swait.ge [sflag:s18], $0x2710  }
0x37: {  	[sflag:s18] =	ssyncset.done $0x0  }
0x38: {  	[sflag:s18] =	ssyncadd.s32 $0xFFFFD8F0  }
0x39: {  	_ =	swait.ge [sflag:s20], $0x1400  }
0x3a: {  	[sflag:s20] =	ssyncset.done $0x0  }
0x3b: {  	[sflag:s20] =	ssyncadd.s32 $0xFFFFEC00  }
0x3c: {  	_ =	swait.ge [sflag:s20], $0x1400  }
0x3d: {  	[sflag:s20] =	ssyncset.done $0x0  }
0x3e: {  	[sflag:s20] =	ssyncadd.s32 $0xFFFFEC00  }
0x3f: {  	_ =	swait.ge [sflag:s20], $0x1400  }
0x40: {  	[sflag:s20] =	ssyncset.done $0x0  }
0x41: {  	[sflag:s20] =	ssyncadd.s32 $0xFFFFEC00  }
0x42: {  	_ =	swait.ge [sflag:s20], $0x1400  }
0x43: {  	[sflag:s20] =	ssyncset.done $0x0  }
0x44: {  	[sflag:s20] =	ssyncadd.s32 $0xFFFFEC00  }
0x45: {  	_ =	swait.ge [sflag:s20], $0x1400  }
0x46: {  	[sflag:s20] =	ssyncset.done $0x0  }
0x47: {  	[sflag:s20] =	ssyncadd.s32 $0xFFFFEC00  }
0x48: {  	_ =	swait.ge [sflag:s20], $0x1400  }
0x49: {  	[sflag:s20] =	ssyncset.done $0x0  }
0x4a: {  	[sflag:s20] =	ssyncadd.s32 $0xFFFFEC00  }
0x4b: {  	_ =	swait.ge [sflag:s20], $0x1400  }
0x4c: {  	[sflag:s20] =	ssyncset.done $0x0  }
0x4d: {  	[sflag:s20] =	ssyncadd.s32 $0xFFFFEC00  }
0x4e: {  	_ =	swait.ge [sflag:s20], $0x1400  }
0x4f: {  	p0 =	por $0x1, $0x1;
	[sflag:s20] =	ssyncset.done $0x0  }
0x50: {  	p0 =	por p0, p0;
	[sflag:s20] =	ssyncadd.s32 $0xFFFFEC00  }
0x51: {  	s6 =	simm.s32 @!p0 $0x3;
	[bflag:$0x0] =	sbarrier.arrive $0xFFFF  }
0x52: {  	_ =	swait.ge @!p0 [sflag:s6], $0x1400  }
0x53: {  	[sflag:s6] =	ssyncset.done @!p0 $0x0  }
0x54: {  	[sflag:s6] =	ssyncadd.s32 @!p0 $0xFFFFEC00  }
0x55: {  	_ =	swait.ge @!p0 [sflag:s6], $0x1400  }
0x56: {  	[sflag:s6] =	ssyncset.done @!p0 $0x0  }
0x57: {  	[sflag:s6] =	ssyncadd.s32 @!p0 $0xFFFFEC00  }
0x58: {  	_ =	swait.ge @!p0 [sflag:s6], $0x1400  }
0x59: {  	[sflag:s6] =	ssyncset.done @!p0 $0x0  }
0x5a: {  	[sflag:s6] =	ssyncadd.s32 @!p0 $0xFFFFEC00  }
0x5b: {  	_ =	swait.ge @!p0 [sflag:s6], $0x1400  }
0x5c: {  	[sflag:s6] =	ssyncset.done @!p0 $0x0  }
0x5d: {  	[sflag:s6] =	ssyncadd.s32 @!p0 $0xFFFFEC00  }
0x5e: {  	_ =	swait.ge @!p0 [sflag:s6], $0x1400  }
0x5f: {  	[sflag:s6] =	ssyncset.done @!p0 $0x0  }
0x60: {  	s8 =	simm.s32 $0x0;
	[sflag:s6] =	ssyncadd.s32 @!p0 $0xFFFFEC00  }
0x61: {  	[tilespmem:s22], [sflag:$0x1] =	stream.indirect.gather [hbm4b:s4+s21], $0x40, s8, s21, $0xb8;
	[tilespmem:$0x1B620] =	vst v63  }
0x62: {  	s9 =	simm.s32 $0x50  }
0x63: {  	[tilespmem:s23], [sflag:$0x1] =	stream.indirect.gather [hbm4b:s4+s21], $0x40, s9, s21, $0xb8;
	[tilespmem:$0x1B620] =	vst v63  }
0x64: {  	s10 =	simm.s32 $0xA0  }
0x65: {  	[tilespmem:s24], [sflag:$0x1] =	stream.indirect.gather [hbm4b:s4+s21], $0x40, s10, s21, $0xb8;
	[tilespmem:$0x1B620] =	vst v63  }
0x66: {  	s7 =	simm.s32 $0xF0  }
0x67: {  	[tilespmem:s25], [sflag:$0x1] =	stream.indirect.gather [hbm4b:s4+s21], $0x40, s7, s21, $0xb8;
	[tilespmem:$0x1B620] =	vst v63  }
0x68: {  	s8 =	simm.s32 $0x140  }
0x69: {  	[tilespmem:s26], [sflag:$0x1] =	stream.indirect.gather [hbm4b:s4+s21], $0x40, s8, s21, $0xb8;
	[tilespmem:$0x1B620] =	vst v63  }
0x6a: {  	_ =	swait.ge [sflag:s20], $0x1400  }
0x6b: {  	[sflag:s20] =	ssyncset.done $0x0  }
0x6c: {  	[sflag:s20] =	ssyncadd.s32 $0xFFFFEC00  }
0x6d: {  	_ =	swait.ge [sflag:s20], $0x1400  }
0x6e: {  	[sflag:s20] =	ssyncset.done $0x0  }
0x6f: {  	[sflag:s20] =	ssyncadd.s32 $0xFFFFEC00  }
0x70: {  	_ =	swait.ge [sflag:s20], $0x1400  }
0x71: {  	[sflag:s20] =	ssyncset.done $0x0  }
0x72: {  	[sflag:s20] =	ssyncadd.s32 $0xFFFFEC00  }
0x73: {  	_ =	swait.ge [sflag:s20], $0x1400  }
0x74: {  	[sflag:s20] =	ssyncset.done $0x0  }
0x75: {  	[sflag:s20] =	ssyncadd.s32 $0xFFFFEC00  }
0x76: {  	_ =	swait.ge [sflag:s20], $0x1400  }
0x77: {  	[sflag:s20] =	ssyncset.done $0x0  }
0x78: {  	s9 =	simm.s32 $0x2710;
	[sflag:s20] =	ssyncadd.s32 $0xFFFFEC00  }
0x79: {  	[spmem:s2] =	stream.indirect.scatter.add.f32 [tilespmem:s22], [sflag:$0x3], $0x40, s9, s21, $0xb8;
	[tilespmem:$0x1B620] =	vst v63  }
0x7a: {  	s10 =	simm.s32 $0x2760  }
0x7b: {  	[spmem:s2] =	stream.indirect.scatter.add.f32 [tilespmem:s23], [sflag:$0x3], $0x40, s10, s21, $0xb8;
	[tilespmem:$0x1B620] =	vst v63  }
0x7c: {  	s7 =	simm.s32 $0x27B0  }
0x7d: {  	[spmem:s2] =	stream.indirect.scatter.add.f32 [tilespmem:s24], [sflag:$0x3], $0x40, s7, s21, $0xb8;
	[tilespmem:$0x1B620] =	vst v63  }
0x7e: {  	s8 =	simm.s32 $0x2800  }
0x7f: {  	[spmem:s2] =	stream.indirect.scatter.add.f32 [tilespmem:s25], [sflag:$0x3], $0x40, s8, s21, $0xb8;
	[tilespmem:$0x1B620] =	vst v63  }
0x80: {  	s9 =	simm.s32 $0x2850;
	s7 =	simm.s32 @!p0 $0x4  }
0x81: {  	[spmem:s2] =	stream.indirect.scatter.add.f32 [tilespmem:s26], [sflag:$0x3], $0x40, s9, s21, $0xb8;
	[tilespmem:$0x1B620] =	vst v63  }
0x82: {  	_ =	swait.ge @!p0 [sflag:s7], $0x1400  }
0x83: {  	[sflag:s7] =	ssyncset.done @!p0 $0x0  }
0x84: {  	[sflag:s7] =	ssyncadd.s32 @!p0 $0xFFFFEC00  }
0x85: {  	_ =	swait.ge @!p0 [sflag:s7], $0x1400  }
0x86: {  	[sflag:s7] =	ssyncset.done @!p0 $0x0  }
0x87: {  	[sflag:s7] =	ssyncadd.s32 @!p0 $0xFFFFEC00  }
0x88: {  	_ =	swait.ge @!p0 [sflag:s7], $0x1400  }
0x89: {  	[sflag:s7] =	ssyncset.done @!p0 $0x0  }
0x8a: {  	[sflag:s7] =	ssyncadd.s32 @!p0 $0xFFFFEC00  }
0x8b: {  	_ =	swait.ge @!p0 [sflag:s7], $0x1400  }
0x8c: {  	[sflag:s7] =	ssyncset.done @!p0 $0x0  }
0x8d: {  	[sflag:s7] =	ssyncadd.s32 @!p0 $0xFFFFEC00  }
0x8e: {  	_ =	swait.ge @!p0 [sflag:s7], $0x1400  }
0x8f: {  	[sflag:s7] =	ssyncset.done @!p0 $0x0  }
0x90: {  	s10 =	simm.s32 $0x190;
	[sflag:s7] =	ssyncadd.s32 @!p0 $0xFFFFEC00  }
0x91: {  	[tilespmem:s17], [sflag:$0x2] =	stream.indirect.gather [hbm4b:s4+s21], $0x40, s10, s21, $0xb8;
	[tilespmem:$0x1B620] =	vst v63  }
0x92: {  	s7 =	simm.s32 $0x1E0  }
0x93: {  	[tilespmem:s28], [sflag:$0x2] =	stream.indirect.gather [hbm4b:s4+s21], $0x40, s7, s21, $0xb8;
	[tilespmem:$0x1B620] =	vst v63  }
0x94: {  	s8 =	simm.s32 $0x230  }
0x95: {  	[tilespmem:s29], [sflag:$0x2] =	stream.indirect.gather [hbm4b:s4+s21], $0x40, s8, s21, $0xb8;
	[tilespmem:$0x1B620] =	vst v63  }
0x96: {  	s9 =	simm.s32 $0x280  }
0x97: {  	[tilespmem:s30], [sflag:$0x2] =	stream.indirect.gather [hbm4b:s4+s21], $0x40, s9, s21, $0xb8;
	[tilespmem:$0x1B620] =	vst v63  }
0x98: {  	s10 =	simm.s32 $0x2D0  }
0x99: {  	[tilespmem:s31], [sflag:$0x2] =	stream.indirect.gather [hbm4b:s4+s21], $0x40, s10, s21, $0xb8;
	[tilespmem:$0x1B620] =	vst v63  }
0x9a: {  	_ =	swait.ge [sflag:s1], $0x1400  }
0x9b: {  	[sflag:s1] =	ssyncset.done $0x0  }
0x9c: {  	[sflag:s1] =	ssyncadd.s32 $0xFFFFEC00  }
0x9d: {  	_ =	swait.ge [sflag:s1], $0x1400  }
0x9e: {  	[sflag:s1] =	ssyncset.done $0x0  }
0x9f: {  	[sflag:s1] =	ssyncadd.s32 $0xFFFFEC00  }
0xa0: {  	_ =	swait.ge [sflag:s1], $0x1400  }
0xa1: {  	[sflag:s1] =	ssyncset.done $0x0  }
0xa2: {  	[sflag:s1] =	ssyncadd.s32 $0xFFFFEC00  }
0xa3: {  	_ =	swait.ge [sflag:s1], $0x1400  }
0xa4: {  	[sflag:s1] =	ssyncset.done $0x0  }
0xa5: {  	[sflag:s1] =	ssyncadd.s32 $0xFFFFEC00  }
0xa6: {  	_ =	swait.ge [sflag:s1], $0x1400  }
0xa7: {  	[sflag:s1] =	ssyncset.done $0x0  }
0xa8: {  	s7 =	simm.s32 $0x28A0;
	[sflag:s1] =	ssyncadd.s32 $0xFFFFEC00  }
0xa9: {  	[spmem:s2] =	stream.indirect.scatter.add.f32 [tilespmem:s17], [sflag:$0x4], $0x40, s7, s21, $0xb8;
	[tilespmem:$0x1B620] =	vst v63  }
0xaa: {  	p6 =	por $0x0, $0x0;
	s8 =	simm.s32 $0x28F0  }
0xab: {  	[spmem:s2] =	stream.indirect.scatter.add.f32 [tilespmem:s28], [sflag:$0x4], $0x40, s8, s21, $0xb8;
	[tilespmem:$0x1B620] =	vst v63  }
0xac: {  	s6 =	simm.s32 $0xC80;
	p0 =	por p6, p6;
	s9 =	simm.s32 $0x2940  }
0xad: {  	[spmem:s2] =	stream.indirect.scatter.add.f32 [tilespmem:s29], [sflag:$0x4], $0x40, s9, s21, $0xb8;
	[tilespmem:$0x1B620] =	vst v63  }
0xae: {  	s10 =	simm.s32 $0x2990;
	s7 =	simm.s32 $0x1900;
	s8 =	simm.s32 $0x29E0  }
0xaf: {  	[spmem:s2] =	stream.indirect.scatter.add.f32 [tilespmem:s30], [sflag:$0x4], $0x40, s10, s21, $0xb8;
	[tilespmem:$0x1B620] =	vst v63  }
.LBB2_4:
0xb0: {  	[spmem:s2] =	stream.indirect.scatter.add.f32 [tilespmem:s31], [sflag:$0x4], $0x40, s8, s21, $0xb8;
	[tilespmem:$0x1B620] =	vst v63  }
0xb1: {  	s9 =	smov.u32 s7  }
0xb2: {  	s7 =	sadd.s32 $0xC80, s7;
	s8 =	simm.s32 @!p0 $0x3;
	p2 =	seq.s32 s9, $0x0  }
0xb3: {  	p1 =	sne.s32 s7, $0x9600;
	_ =	swait.ge @!p0 [sflag:s8], $0x1400  }
0xb4: {  	[sflag:s8] =	ssyncset.done @!p0 $0x0  }
0xb5: {  	[sflag:s8] =	ssyncadd.s32 @!p0 $0xFFFFEC00  }
0xb6: {  	_ =	swait.ge @!p0 [sflag:s8], $0x1400  }
0xb7: {  	[sflag:s8] =	ssyncset.done @!p0 $0x0  }
0xb8: {  	[sflag:s8] =	ssyncadd.s32 @!p0 $0xFFFFEC00  }
0xb9: {  	_ =	swait.ge @!p0 [sflag:s8], $0x1400  }
0xba: {  	[sflag:s8] =	ssyncset.done @!p0 $0x0  }
0xbb: {  	[sflag:s8] =	ssyncadd.s32 @!p0 $0xFFFFEC00  }
0xbc: {  	_ =	swait.ge @!p0 [sflag:s8], $0x1400  }
0xbd: {  	[sflag:s8] =	ssyncset.done @!p0 $0x0  }
0xbe: {  	[sflag:s8] =	ssyncadd.s32 @!p0 $0xFFFFEC00  }
0xbf: {  	_ =	swait.ge @!p0 [sflag:s8], $0x1400  }
0xc0: {  	[sflag:s8] =	ssyncset.done @!p0 $0x0  }
0xc1: {  	[sflag:s8] =	ssyncadd.s32 @!p0 $0xFFFFEC00;
	s8 =	sshra.s32 s6, $0x2;
	s6 =	smov.u32 s9  }
0xc2: {  	[tilespmem:s22], [sflag:$0x1] =	stream.indirect.gather [hbm4b:s4+s21], $0x40, s8, s21, $0xb8;
	[tilespmem:$0x1B620] =	vst v63  }
0xc3: {  	s9 =	sadd.s32 $0x50, s8  }
0xc4: {  	[tilespmem:s23], [sflag:$0x1] =	stream.indirect.gather [hbm4b:s4+s21], $0x40, s9, s21, $0xb8;
	[tilespmem:$0x1B620] =	vst v63  }
0xc5: {  	s9 =	sadd.s32 $0xA0, s8  }
0xc6: {  	[tilespmem:s24], [sflag:$0x1] =	stream.indirect.gather [hbm4b:s4+s21], $0x40, s9, s21, $0xb8;
	[tilespmem:$0x1B620] =	vst v63  }
0xc7: {  	s9 =	sadd.s32 $0xF0, s8  }
0xc8: {  	[tilespmem:s25], [sflag:$0x1] =	stream.indirect.gather [hbm4b:s4+s21], $0x40, s9, s21, $0xb8;
	[tilespmem:$0x1B620] =	vst v63  }
0xc9: {  	s9 =	sadd.s32 $0x140, s8  }
0xca: {  	[tilespmem:s26], [sflag:$0x1] =	stream.indirect.gather [hbm4b:s4+s21], $0x40, s9, s21, $0xb8;
	[tilespmem:$0x1B620] =	vst v63  }
0xcb: {  	_ =	swait.ge [sflag:s20], $0x1400  }
0xcc: {  	[sflag:s20] =	ssyncset.done $0x0  }
0xcd: {  	[sflag:s20] =	ssyncadd.s32 $0xFFFFEC00  }
0xce: {  	_ =	swait.ge [sflag:s20], $0x1400  }
0xcf: {  	[sflag:s20] =	ssyncset.done $0x0  }
0xd0: {  	[sflag:s20] =	ssyncadd.s32 $0xFFFFEC00  }
0xd1: {  	_ =	swait.ge [sflag:s20], $0x1400  }
0xd2: {  	[sflag:s20] =	ssyncset.done $0x0  }
0xd3: {  	[sflag:s20] =	ssyncadd.s32 $0xFFFFEC00  }
0xd4: {  	_ =	swait.ge [sflag:s20], $0x1400  }
0xd5: {  	[sflag:s20] =	ssyncset.done $0x0  }
0xd6: {  	[sflag:s20] =	ssyncadd.s32 $0xFFFFEC00  }
0xd7: {  	_ =	swait.ge [sflag:s20], $0x1400  }
0xd8: {  	[sflag:s20] =	ssyncset.done $0x0  }
0xd9: {  	s9 =	sadd.s32 $0x2710, s8;
	[sflag:s20] =	ssyncadd.s32 $0xFFFFEC00  }
0xda: {  	[spmem:s2] =	stream.indirect.scatter.add.f32 [tilespmem:s22], [sflag:$0x3], $0x40, s9, s21, $0xb8;
	[tilespmem:$0x1B620] =	vst v63  }
0xdb: {  	s9 =	sadd.s32 $0x2760, s8  }
0xdc: {  	[spmem:s2] =	stream.indirect.scatter.add.f32 [tilespmem:s23], [sflag:$0x3], $0x40, s9, s21, $0xb8;
	[tilespmem:$0x1B620] =	vst v63  }
0xdd: {  	s9 =	sadd.s32 $0x27B0, s8  }
0xde: {  	[spmem:s2] =	stream.indirect.scatter.add.f32 [tilespmem:s24], [sflag:$0x3], $0x40, s9, s21, $0xb8;
	[tilespmem:$0x1B620] =	vst v63  }
0xdf: {  	s9 =	sadd.s32 $0x2800, s8  }
0xe0: {  	[spmem:s2] =	stream.indirect.scatter.add.f32 [tilespmem:s25], [sflag:$0x3], $0x40, s9, s21, $0xb8;
	[tilespmem:$0x1B620] =	vst v63  }
0xe1: {  	s10 =	simm.s32 @!p0 $0x4;
	s9 =	sadd.s32 $0x2850, s8  }
0xe2: {  	[spmem:s2] =	stream.indirect.scatter.add.f32 [tilespmem:s26], [sflag:$0x3], $0x40, s9, s21, $0xb8;
	[tilespmem:$0x1B620] =	vst v63  }
0xe3: {  	_ =	swait.ge @!p0 [sflag:s10], $0x1400  }
0xe4: {  	[sflag:s10] =	ssyncset.done @!p0 $0x0  }
0xe5: {  	[sflag:s10] =	ssyncadd.s32 @!p0 $0xFFFFEC00  }
0xe6: {  	_ =	swait.ge @!p0 [sflag:s10], $0x1400  }
0xe7: {  	[sflag:s10] =	ssyncset.done @!p0 $0x0  }
0xe8: {  	[sflag:s10] =	ssyncadd.s32 @!p0 $0xFFFFEC00  }
0xe9: {  	_ =	swait.ge @!p0 [sflag:s10], $0x1400  }
0xea: {  	[sflag:s10] =	ssyncset.done @!p0 $0x0  }
0xeb: {  	[sflag:s10] =	ssyncadd.s32 @!p0 $0xFFFFEC00  }
0xec: {  	_ =	swait.ge @!p0 [sflag:s10], $0x1400  }
0xed: {  	[sflag:s10] =	ssyncset.done @!p0 $0x0  }
0xee: {  	[sflag:s10] =	ssyncadd.s32 @!p0 $0xFFFFEC00  }
0xef: {  	_ =	swait.ge @!p0 [sflag:s10], $0x1400  }
0xf0: {  	[sflag:s10] =	ssyncset.done @!p0 $0x0  }
0xf1: {  	s9 =	sadd.s32 $0x190, s8;
	[sflag:s10] =	ssyncadd.s32 @!p0 $0xFFFFEC00;
	p0 =	por p2, p2  }
0xf2: {  	[tilespmem:s17], [sflag:$0x2] =	stream.indirect.gather [hbm4b:s4+s21], $0x40, s9, s21, $0xb8;
	[tilespmem:$0x1B620] =	vst v63  }
0xf3: {  	s9 =	sadd.s32 $0x1E0, s8  }
0xf4: {  	[tilespmem:s28], [sflag:$0x2] =	stream.indirect.gather [hbm4b:s4+s21], $0x40, s9, s21, $0xb8;
	[tilespmem:$0x1B620] =	vst v63  }
0xf5: {  	s9 =	sadd.s32 $0x230, s8  }
0xf6: {  	[tilespmem:s29], [sflag:$0x2] =	stream.indirect.gather [hbm4b:s4+s21], $0x40, s9, s21, $0xb8;
	[tilespmem:$0x1B620] =	vst v63  }
0xf7: {  	s9 =	sadd.s32 $0x280, s8  }
0xf8: {  	[tilespmem:s30], [sflag:$0x2] =	stream.indirect.gather [hbm4b:s4+s21], $0x40, s9, s21, $0xb8;
	[tilespmem:$0x1B620] =	vst v63  }
0xf9: {  	s9 =	sadd.s32 $0x2D0, s8  }
0xfa: {  	[tilespmem:s31], [sflag:$0x2] =	stream.indirect.gather [hbm4b:s4+s21], $0x40, s9, s21, $0xb8;
	[tilespmem:$0x1B620] =	vst v63  }
0xfb: {  	_ =	swait.ge [sflag:s1], $0x1400  }
0xfc: {  	[sflag:s1] =	ssyncset.done $0x0  }
0xfd: {  	[sflag:s1] =	ssyncadd.s32 $0xFFFFEC00  }
0xfe: {  	_ =	swait.ge [sflag:s1], $0x1400  }
0xff: {  	[sflag:s1] =	ssyncset.done $0x0  }
0x100: {  	[sflag:s1] =	ssyncadd.s32 $0xFFFFEC00  }
0x101: {  	_ =	swait.ge [sflag:s1], $0x1400  }
0x102: {  	[sflag:s1] =	ssyncset.done $0x0  }
0x103: {  	[sflag:s1] =	ssyncadd.s32 $0xFFFFEC00  }
0x104: {  	_ =	swait.ge [sflag:s1], $0x1400  }
0x105: {  	[sflag:s1] =	ssyncset.done $0x0  }
0x106: {  	[sflag:s1] =	ssyncadd.s32 $0xFFFFEC00  }
0x107: {  	_ =	swait.ge [sflag:s1], $0x1400  }
0x108: {  	[sflag:s1] =	ssyncset.done $0x0  }
0x109: {  	s9 =	sadd.s32 $0x28A0, s8;
	[sflag:s1] =	ssyncadd.s32 $0xFFFFEC00  }
0x10a: {  	[spmem:s2] =	stream.indirect.scatter.add.f32 [tilespmem:s17], [sflag:$0x4], $0x40, s9, s21, $0xb8;
	[tilespmem:$0x1B620] =	vst v63  }
0x10b: {  	s9 =	sadd.s32 $0x28F0, s8  }
0x10c: {  	[spmem:s2] =	stream.indirect.scatter.add.f32 [tilespmem:s28], [sflag:$0x4], $0x40, s9, s21, $0xb8;
	[tilespmem:$0x1B620] =	vst v63  }
.Ltmp1:
0x10d: {  	s9 =	sadd.s32 $0x2940, s8;
	(pc) =	sbr.rel @p1 .LBB2_4-.Ltmp1, $4  }
0x10e: {  	[spmem:s2] =	stream.indirect.scatter.add.f32 [tilespmem:s29], [sflag:$0x4], $0x40, s9, s21, $0xb8;
	[tilespmem:$0x1B620] =	vst v63  }
0x10f: {  	s9 =	sadd.s32 $0x2990, s8  }
0x110: {  	[spmem:s2] =	stream.indirect.scatter.add.f32 [tilespmem:s30], [sflag:$0x4], $0x40, s9, s21, $0xb8;
	[tilespmem:$0x1B620] =	vst v63  }
0x111: {  	s8 =	sadd.s32 $0x29E0, s8  }
0x112: {  	[spmem:s2] =	stream.indirect.scatter.add.f32 [tilespmem:s31], [sflag:$0x4], $0x40, s8, s21, $0xb8;
	[tilespmem:$0x1B620] =	vst v63  }
0x113: {  	s7 =	simm.s32 @!p0 $0x3  }
0x114: {  	_ =	swait.ge @!p0 [sflag:s7], $0x1400  }
0x115: {  	[sflag:s7] =	ssyncset.done @!p0 $0x0  }
0x116: {  	[sflag:s7] =	ssyncadd.s32 @!p0 $0xFFFFEC00  }
0x117: {  	_ =	swait.ge @!p0 [sflag:s7], $0x1400  }
0x118: {  	[sflag:s7] =	ssyncset.done @!p0 $0x0  }
0x119: {  	[sflag:s7] =	ssyncadd.s32 @!p0 $0xFFFFEC00  }
0x11a: {  	_ =	swait.ge @!p0 [sflag:s7], $0x1400  }
0x11b: {  	[sflag:s7] =	ssyncset.done @!p0 $0x0  }
0x11c: {  	[sflag:s7] =	ssyncadd.s32 @!p0 $0xFFFFEC00  }
0x11d: {  	_ =	swait.ge @!p0 [sflag:s7], $0x1400  }
0x11e: {  	[sflag:s7] =	ssyncset.done @!p0 $0x0  }
0x11f: {  	[sflag:s7] =	ssyncadd.s32 @!p0 $0xFFFFEC00  }
0x120: {  	_ =	swait.ge @!p0 [sflag:s7], $0x1400  }
0x121: {  	[sflag:s7] =	ssyncset.done @!p0 $0x0  }
0x122: {  	s6 =	sshra.s32 s6, $0x2;
	[sflag:s7] =	ssyncadd.s32 @!p0 $0xFFFFEC00  }
0x123: {  	[tilespmem:s22], [sflag:$0x1] =	stream.indirect.gather [hbm4b:s4+s21], $0x40, s6, s21, $0xb8;
	[tilespmem:$0x1B620] =	vst v63  }
0x124: {  	s8 =	sadd.s32 $0x50, s6  }
0x125: {  	[tilespmem:s23], [sflag:$0x1] =	stream.indirect.gather [hbm4b:s4+s21], $0x40, s8, s21, $0xb8;
	[tilespmem:$0x1B620] =	vst v63  }
0x126: {  	s9 =	sadd.s32 $0xA0, s6  }
0x127: {  	[tilespmem:s24], [sflag:$0x1] =	stream.indirect.gather [hbm4b:s4+s21], $0x40, s9, s21, $0xb8;
	[tilespmem:$0x1B620] =	vst v63  }
0x128: {  	s10 =	sadd.s32 $0xF0, s6  }
0x129: {  	[tilespmem:s25], [sflag:$0x1] =	stream.indirect.gather [hbm4b:s4+s21], $0x40, s10, s21, $0xb8;
	[tilespmem:$0x1B620] =	vst v63  }
0x12a: {  	s8 =	sadd.s32 $0x140, s6  }
0x12b: {  	[tilespmem:s26], [sflag:$0x1] =	stream.indirect.gather [hbm4b:s4+s21], $0x40, s8, s21, $0xb8;
	[tilespmem:$0x1B620] =	vst v63  }
0x12c: {  	_ =	swait.ge [sflag:s20], $0x1400  }
0x12d: {  	[sflag:s20] =	ssyncset.done $0x0  }
0x12e: {  	[sflag:s20] =	ssyncadd.s32 $0xFFFFEC00  }
0x12f: {  	_ =	swait.ge [sflag:s20], $0x1400  }
0x130: {  	[sflag:s20] =	ssyncset.done $0x0  }
0x131: {  	[sflag:s20] =	ssyncadd.s32 $0xFFFFEC00  }
0x132: {  	_ =	swait.ge [sflag:s20], $0x1400  }
0x133: {  	[sflag:s20] =	ssyncset.done $0x0  }
0x134: {  	[sflag:s20] =	ssyncadd.s32 $0xFFFFEC00  }
0x135: {  	_ =	swait.ge [sflag:s20], $0x1400  }
0x136: {  	[sflag:s20] =	ssyncset.done $0x0  }
0x137: {  	[sflag:s20] =	ssyncadd.s32 $0xFFFFEC00  }
0x138: {  	_ =	swait.ge [sflag:s20], $0x1400  }
0x139: {  	[sflag:s20] =	ssyncset.done $0x0  }
0x13a: {  	s9 =	sadd.s32 $0x2710, s6;
	[sflag:s20] =	ssyncadd.s32 $0xFFFFEC00  }
0x13b: {  	[spmem:s2] =	stream.indirect.scatter.add.f32 [tilespmem:s22], [sflag:$0x3], $0x40, s9, s21, $0xb8;
	[tilespmem:$0x1B620] =	vst v63  }
0x13c: {  	s10 =	sadd.s32 $0x2760, s6  }
0x13d: {  	[spmem:s2] =	stream.indirect.scatter.add.f32 [tilespmem:s23], [sflag:$0x3], $0x40, s10, s21, $0xb8;
	[tilespmem:$0x1B620] =	vst v63  }
0x13e: {  	s8 =	sadd.s32 $0x27B0, s6  }
0x13f: {  	[spmem:s2] =	stream.indirect.scatter.add.f32 [tilespmem:s24], [sflag:$0x3], $0x40, s8, s21, $0xb8;
	[tilespmem:$0x1B620] =	vst v63  }
0x140: {  	s9 =	sadd.s32 $0x2800, s6  }
0x141: {  	[spmem:s2] =	stream.indirect.scatter.add.f32 [tilespmem:s25], [sflag:$0x3], $0x40, s9, s21, $0xb8;
	[tilespmem:$0x1B620] =	vst v63  }
0x142: {  	s7 =	simm.s32 @!p0 $0x4;
	s10 =	sadd.s32 $0x2850, s6  }
0x143: {  	[spmem:s2] =	stream.indirect.scatter.add.f32 [tilespmem:s26], [sflag:$0x3], $0x40, s10, s21, $0xb8;
	[tilespmem:$0x1B620] =	vst v63  }
0x144: {  	_ =	swait.ge @!p0 [sflag:s7], $0x1400  }
0x145: {  	[sflag:s7] =	ssyncset.done @!p0 $0x0  }
0x146: {  	[sflag:s7] =	ssyncadd.s32 @!p0 $0xFFFFEC00  }
0x147: {  	_ =	swait.ge @!p0 [sflag:s7], $0x1400  }
0x148: {  	[sflag:s7] =	ssyncset.done @!p0 $0x0  }
0x149: {  	[sflag:s7] =	ssyncadd.s32 @!p0 $0xFFFFEC00  }
0x14a: {  	_ =	swait.ge @!p0 [sflag:s7], $0x1400  }
0x14b: {  	[sflag:s7] =	ssyncset.done @!p0 $0x0  }
0x14c: {  	[sflag:s7] =	ssyncadd.s32 @!p0 $0xFFFFEC00  }
0x14d: {  	_ =	swait.ge @!p0 [sflag:s7], $0x1400  }
0x14e: {  	[sflag:s7] =	ssyncset.done @!p0 $0x0  }
0x14f: {  	[sflag:s7] =	ssyncadd.s32 @!p0 $0xFFFFEC00  }
0x150: {  	_ =	swait.ge @!p0 [sflag:s7], $0x1400  }
0x151: {  	[sflag:s7] =	ssyncset.done @!p0 $0x0  }
0x152: {  	s8 =	sadd.s32 $0x190, s6;
	[sflag:s7] =	ssyncadd.s32 @!p0 $0xFFFFEC00  }
0x153: {  	[tilespmem:s17], [sflag:$0x2] =	stream.indirect.gather [hbm4b:s4+s21], $0x40, s8, s21, $0xb8;
	[tilespmem:$0x1B620] =	vst v63  }
0x154: {  	s9 =	sadd.s32 $0x1E0, s6  }
0x155: {  	[tilespmem:s28], [sflag:$0x2] =	stream.indirect.gather [hbm4b:s4+s21], $0x40, s9, s21, $0xb8;
	[tilespmem:$0x1B620] =	vst v63  }
0x156: {  	s10 =	sadd.s32 $0x230, s6  }
0x157: {  	[tilespmem:s29], [sflag:$0x2] =	stream.indirect.gather [hbm4b:s4+s21], $0x40, s10, s21, $0xb8;
	[tilespmem:$0x1B620] =	vst v63  }
0x158: {  	s8 =	sadd.s32 $0x280, s6  }
0x159: {  	[tilespmem:s30], [sflag:$0x2] =	stream.indirect.gather [hbm4b:s4+s21], $0x40, s8, s21, $0xb8;
	[tilespmem:$0x1B620] =	vst v63  }
0x15a: {  	s9 =	sadd.s32 $0x2D0, s6  }
0x15b: {  	[tilespmem:s31], [sflag:$0x2] =	stream.indirect.gather [hbm4b:s4+s21], $0x40, s9, s21, $0xb8;
	[tilespmem:$0x1B620] =	vst v63  }
0x15c: {  	_ =	swait.ge [sflag:s1], $0x1400  }
0x15d: {  	[sflag:s1] =	ssyncset.done $0x0  }
0x15e: {  	[sflag:s1] =	ssyncadd.s32 $0xFFFFEC00  }
0x15f: {  	_ =	swait.ge [sflag:s1], $0x1400  }
0x160: {  	[sflag:s1] =	ssyncset.done $0x0  }
0x161: {  	[sflag:s1] =	ssyncadd.s32 $0xFFFFEC00  }
0x162: {  	_ =	swait.ge [sflag:s1], $0x1400  }
0x163: {  	[sflag:s1] =	ssyncset.done $0x0  }
0x164: {  	[sflag:s1] =	ssyncadd.s32 $0xFFFFEC00  }
0x165: {  	_ =	swait.ge [sflag:s1], $0x1400  }
0x166: {  	[sflag:s1] =	ssyncset.done $0x0  }
0x167: {  	[sflag:s1] =	ssyncadd.s32 $0xFFFFEC00  }
0x168: {  	_ =	swait.ge [sflag:s1], $0x1400  }
0x169: {  	[sflag:s1] =	ssyncset.done $0x0  }
0x16a: {  	s10 =	sadd.s32 $0x28A0, s6;
	[sflag:s1] =	ssyncadd.s32 $0xFFFFEC00  }
0x16b: {  	[spmem:s2] =	stream.indirect.scatter.add.f32 [tilespmem:s17], [sflag:$0x4], $0x40, s10, s21, $0xb8;
	[tilespmem:$0x1B620] =	vst v63  }
0x16c: {  	s8 =	sadd.s32 $0x28F0, s6  }
0x16d: {  	[spmem:s2] =	stream.indirect.scatter.add.f32 [tilespmem:s28], [sflag:$0x4], $0x40, s8, s21, $0xb8;
	[tilespmem:$0x1B620] =	vst v63  }
0x16e: {  	s9 =	sadd.s32 $0x2940, s6  }
0x16f: {  	[spmem:s2] =	stream.indirect.scatter.add.f32 [tilespmem:s29], [sflag:$0x4], $0x40, s9, s21, $0xb8;
	[tilespmem:$0x1B620] =	vst v63  }
0x170: {  	s10 =	sadd.s32 $0x2990, s6  }
0x171: {  	[spmem:s2] =	stream.indirect.scatter.add.f32 [tilespmem:s30], [sflag:$0x4], $0x40, s10, s21, $0xb8;
	[tilespmem:$0x1B620] =	vst v63  }
0x172: {  	s6 =	sadd.s32 $0x29E0, s6  }
0x173: {  	[spmem:s2] =	stream.indirect.scatter.add.f32 [tilespmem:s31], [sflag:$0x4], $0x40, s6, s21, $0xb8;
	[tilespmem:$0x1B620] =	vst v63  }
0x174: {  	_ =	swait.ge [sflag:s19], $0x1400  }
0x175: {  	[sflag:s19] =	ssyncset.done $0x0  }
0x176: {  	[sflag:s19] =	ssyncadd.s32 $0xFFFFEC00  }
0x177: {  	_ =	swait.ge [sflag:s19], $0x1400  }
0x178: {  	[sflag:s19] =	ssyncset.done $0x0  }
0x179: {  	[sflag:s19] =	ssyncadd.s32 $0xFFFFEC00  }
0x17a: {  	_ =	swait.ge [sflag:s19], $0x1400  }
0x17b: {  	[sflag:s19] =	ssyncset.done $0x0  }
0x17c: {  	[sflag:s19] =	ssyncadd.s32 $0xFFFFEC00  }
0x17d: {  	_ =	swait.ge [sflag:s19], $0x1400  }
0x17e: {  	[sflag:s19] =	ssyncset.done $0x0  }
0x17f: {  	[sflag:s19] =	ssyncadd.s32 $0xFFFFEC00  }
0x180: {  	_ =	swait.ge [sflag:s19], $0x1400  }
0x181: {  	[sflag:s19] =	ssyncset.done $0x0  }
0x182: {  	s7 =	simm.s32 $0x2580;
	[sflag:s19] =	ssyncadd.s32 $0xFFFFEC00  }
0x183: {  	[tilespmem:s22], [sflag:$0x1] =	stream.indirect.gather [hbm4b:s4+s21], $0x40, s7, s21, $0xb8;
	[tilespmem:$0x1B620] =	vst v63  }
0x184: {  	s8 =	simm.s32 $0x25D0  }
0x185: {  	[tilespmem:s23], [sflag:$0x1] =	stream.indirect.gather [hbm4b:s4+s21], $0x40, s8, s21, $0xb8;
	[tilespmem:$0x1B620] =	vst v63  }
0x186: {  	s9 =	simm.s32 $0x2620  }
0x187: {  	[tilespmem:s24], [sflag:$0x1] =	stream.indirect.gather [hbm4b:s4+s21], $0x40, s9, s21, $0xb8;
	[tilespmem:$0x1B620] =	vst v63  }
0x188: {  	s10 =	simm.s32 $0x2670  }
0x189: {  	[tilespmem:s25], [sflag:$0x1] =	stream.indirect.gather [hbm4b:s4+s21], $0x40, s10, s21, $0xb8;
	[tilespmem:$0x1B620] =	vst v63  }
0x18a: {  	s7 =	simm.s32 $0x26C0  }
0x18b: {  	[tilespmem:s26], [sflag:$0x1] =	stream.indirect.gather [hbm4b:s4+s21], $0x40, s7, s21, $0xb8;
	[tilespmem:$0x1B620] =	vst v63  }
0x18c: {  	_ =	swait.ge [sflag:s20], $0x1400  }
0x18d: {  	[sflag:s20] =	ssyncset.done $0x0  }
0x18e: {  	[sflag:s20] =	ssyncadd.s32 $0xFFFFEC00  }
0x18f: {  	_ =	swait.ge [sflag:s20], $0x1400  }
0x190: {  	[sflag:s20] =	ssyncset.done $0x0  }
0x191: {  	[sflag:s20] =	ssyncadd.s32 $0xFFFFEC00  }
0x192: {  	_ =	swait.ge [sflag:s20], $0x1400  }
0x193: {  	[sflag:s20] =	ssyncset.done $0x0  }
0x194: {  	[sflag:s20] =	ssyncadd.s32 $0xFFFFEC00  }
0x195: {  	_ =	swait.ge [sflag:s20], $0x1400  }
0x196: {  	[sflag:s20] =	ssyncset.done $0x0  }
0x197: {  	[sflag:s20] =	ssyncadd.s32 $0xFFFFEC00  }
0x198: {  	_ =	swait.ge [sflag:s20], $0x1400  }
0x199: {  	[sflag:s20] =	ssyncset.done $0x0  }
0x19a: {  	s8 =	simm.s32 $0x4C90;
	[sflag:s20] =	ssyncadd.s32 $0xFFFFEC00  }
0x19b: {  	[spmem:s2] =	stream.indirect.scatter.add.f32 [tilespmem:s22], [sflag:$0x3], $0x40, s8, s21, $0xb8;
	[tilespmem:$0x1B620] =	vst v63  }
0x19c: {  	s9 =	simm.s32 $0x4CE0  }
0x19d: {  	[spmem:s2] =	stream.indirect.scatter.add.f32 [tilespmem:s23], [sflag:$0x3], $0x40, s9, s21, $0xb8;
	[tilespmem:$0x1B620] =	vst v63  }
0x19e: {  	s10 =	simm.s32 $0x4D30  }
0x19f: {  	[spmem:s2] =	stream.indirect.scatter.add.f32 [tilespmem:s24], [sflag:$0x3], $0x40, s10, s21, $0xb8;
	[tilespmem:$0x1B620] =	vst v63  }
0x1a0: {  	s7 =	simm.s32 $0x4D80  }
0x1a1: {  	[spmem:s2] =	stream.indirect.scatter.add.f32 [tilespmem:s25], [sflag:$0x3], $0x40, s7, s21, $0xb8;
	[tilespmem:$0x1B620] =	vst v63  }
0x1a2: {  	s8 =	simm.s32 $0x4DD0  }
0x1a3: {  	[spmem:s2] =	stream.indirect.scatter.add.f32 [tilespmem:s26], [sflag:$0x3], $0x40, s8, s21, $0xb8;
	[tilespmem:$0x1B620] =	vst v63  }
0x1a4: {  	_ =	swait.ge [sflag:s19], $0x1400  }
0x1a5: {  	[sflag:s19] =	ssyncset.done $0x0  }
0x1a6: {  	[sflag:s19] =	ssyncadd.s32 $0xFFFFEC00  }
0x1a7: {  	_ =	swait.ge [sflag:s19], $0x1400  }
0x1a8: {  	[sflag:s19] =	ssyncset.done $0x0  }
0x1a9: {  	[sflag:s19] =	ssyncadd.s32 $0xFFFFEC00  }
0x1aa: {  	_ =	swait.ge [sflag:s19], $0x1400  }
0x1ab: {  	[sflag:s19] =	ssyncset.done $0x0  }
0x1ac: {  	[sflag:s19] =	ssyncadd.s32 $0xFFFFEC00  }
0x1ad: {  	_ =	swait.ge [sflag:s19], $0x1400  }
0x1ae: {  	[sflag:s19] =	ssyncset.done $0x0  }
0x1af: {  	[sflag:s19] =	ssyncadd.s32 $0xFFFFEC00  }
0x1b0: {  	_ =	swait.ge [sflag:s19], $0x1400  }
0x1b1: {  	[sflag:s19] =	ssyncset.done $0x0  }
0x1b2: {  	[sflag:s19] =	ssyncadd.s32 $0xFFFFEC00  }
0x1b3: {  	_ =	swait.ge [sflag:s0], $0x1400  }
0x1b4: {  	[sflag:s0] =	ssyncset.done $0x0  }
0x1b5: {  	[sflag:s0] =	ssyncadd.s32 $0xFFFFEC00  }
0x1b6: {  	_ =	swait.ge [sflag:s0], $0x1400  }
0x1b7: {  	[sflag:s0] =	ssyncset.done $0x0  }
0x1b8: {  	[sflag:s0] =	ssyncadd.s32 $0xFFFFEC00  }
0x1b9: {  	_ =	swait.ge [sflag:s0], $0x1400  }
0x1ba: {  	[sflag:s0] =	ssyncset.done $0x0  }
0x1bb: {  	[sflag:s0] =	ssyncadd.s32 $0xFFFFEC00  }
0x1bc: {  	_ =	swait.ge [sflag:s0], $0x1400  }
0x1bd: {  	[sflag:s0] =	ssyncset.done $0x0  }
0x1be: {  	[sflag:s0] =	ssyncadd.s32 $0xFFFFEC00  }
0x1bf: {  	s9 =	stileid.u32;
	_ =	swait.ge [sflag:s0], $0x1400  }
0x1c0: {  	s3 =	sadd.s32 $0x1, s3;
	s6 =	sshll.u32 s9, $0x6;
	[sflag:s0] =	ssyncset.done $0x0  }
0x1c1: {  	p0 =	sne.s32 s3, s16;
	s6 =	sor.u32 $0x1C05, s6;
	[sflag:s0] =	ssyncadd.s32 $0xFFFFEC00  }
.Ltmp2:
0x1c2: {  	s10 =	sshrl.u32 s5, $0x3;
	[bflag:$0x0] =	sbarrier.arrive $0xFFFF;
	(pc) =	sbr.rel @p0 .LBB2_1-.Ltmp2, $4  }
0x1c3: {  	[hbm:s15], [sflag:s6] =	dma.local [spmem:s10], $0x1400  }
0x1c4: {  	_ =	swait.ge [sflag:s18], $0x1400  }
0x1c5: {  	[sflag:s18] =	ssyncset.done $0x0  }
0x1c6: {  	[sflag:s18] =	ssyncadd.s32 $0xFFFFEC00  }
0x1c7: {  	_ =	sfence.sel $0x180000  }
0x1c8: {  	[bflag:$0x0] =	sbarrier.arrive $0xFFFF  }
0x1c9: {  	_ =	strace $0x9000004A  }
0x1ca: {  	s0 =	stileid.u32;
	[bflag:$0x2] =	sbarrier.arrive $0xFFFF  }
0x1cb: {  	p0 =	sne.s32 s0, $0x0;
	s0 =	rddreg [dreg:$0x2]  }
0x1cc: {  	s0 =	sadd.s32 @!p0 $0x100000, s0  }
0x1cd: {  	[sflag:s0] =	ssyncadd.tile.s32 @!p0 $0x1;
	_ =	shalt  }
.Lfunc_end2:
_tile_overlayer_lowered:
.L_overlay_start_2:
0x1ce: {  	(tag) =	ssettag $0x2  }
0x1cf: {  	s0 =	rddreg [dreg:$0x0];
	s2 =	stileid.u32  }
0x1d0: {  	s1 =	rddreg [dreg:$0x1];
	p0 =	sne.s32 s2, $0x0  }
0x1d1: {  	s3 =	rddreg [dreg:$0x2];
	[bflag:$0x3] =	sbarrier.arrive $0xFFFF;
	s2 =	simm.s32 @!p0 $0x1C05  }
0x1d2: {  	[timem:s3], [sflag:s2] =	dma.local @!p0 [hbm:s0], s1  }
0x1d3: {  	s0 =	simm.s32 @!p0 $0x5  }
0x1d4: {  	_ =	swait.ge @!p0 [sflag:s0], s1  }
0x1d5: {  	s1 =	ssub.s32 @!p0 $0x0, s1;
	[sflag:s0] =	ssyncset.done @!p0 $0x0  }
0x1d6: {  	[sflag:s0] =	ssyncadd.s32 @!p0 s1  }
0x1d7: {  	[bflag:$0x3] =	sbarrier.arrive $0xFFFF  }
0x1d8: {  	_ =	shalt  }

// kernel: kernel.15.cloned.1.call-start
scs
__scs_entry_jumppad:
0x0: {  	(pc) =	sbr.rel $0x88, $3  }
0x1: {  	(tag) =	ssettag $0x0;
	lr =	simm.s32 $0x1  }
0x2: {  	[smem:$0x3F97] =	sst lr;
	_ =	strace $0xD0000000  }
0x3: {  	_ = 	snop  }
0x4: {  	_ = 	snop  }
0x5: {  	_ = 	snop  }
0x6: {  	_ = 	snop  }
0x7: {  	_ = 	snop  }
__scs_overlays_trampoline_lowered:
0x8: {  	[smem:$0x3FA6] =	sst s0  }
0x9: {  	[smem:$0x3FA7] =	sst s1  }
0xa: {  	[smem:$0x3FA8] =	sst s2  }
0xb: {  	[smem:$0x3FA9] =	sst s3  }
0xc: {  	[smem:$0x3FAA] =	sst s4  }
0xd: {  	[smem:$0x3FAB] =	sst s5  }
0xe: {  	[smem:$0x3FAC] =	sst s6  }
0xf: {  	[smem:$0x3FAD] =	sst s7  }
0x10: {  	[smem:$0x3FAE] =	sst s8  }
0x11: {  	[smem:$0x3FAF] =	sst s9;
	s0 =	simm.s32 @!p0 $0x0  }
0x12: {  	s1 =	sld [smem:$0x3F95];
	s0 =	simm.s32 @p0 $0x1  }
0x13: {  	[smem:$0x3FB0] =	sst s0;
	s0 =	simm.s32 @!p1 $0x0  }
0x14: {  	s2 =	sld [smem:$0x3F94];
	s0 =	simm.s32 @p1 $0x1  }
0x15: {  	[smem:$0x3FB1] =	sst s0;
	s0 =	simm.s32 @!p2 $0x0  }
0x16: {  	s3 =	sld [smem:$0x3FDB];
	s0 =	simm.s32 @p2 $0x1  }
0x17: {  	s4 =	simm.s32 $0x1BF5;
	[smem:$0x3FB3] =	sst s0  }
0x18: {  	s0 =	sld [smem:$0x3F96];
	_ =	swait.ge [sflag:s4], $0x0  }
0x19: {  	s7 =	sld [smem:$0x3F97]  }
0x1a: {  	s8 =	sadd.s32 $0xFFFFE003, lr  }
0x1b: {  	s9 =	sadd.s32 $0xFFFFFEF7, lr;
	s5 =	simm.s32 $0xFFFFFFFF;
	p2 =	slt.u32 s8, $0xFFFFF086  }
0x1c: {  	p1 =	slt.u32 s9, $0xF7A;
	s5 =	simm.s32 @!p2 $0x0  }
0x1d: {  	s5 =	simm.s32 @p1 $0x1;
	p0 =	seq.s32 s7, s2  }
0x1e: {  	s7 =	smul.u32 @!p0 $0xF7A, s2;
	p2 =	seq.s32 @!p0 s5, $0x0  }
0x1f: {  	s9 =	smul.u32 $0xF7A, s1;
	s8 =	simm.s32 @!p0 $0x1BF5;
	p2 =	por !p2, p0  }
0x20: {  	[sflag:s8] =	ssyncset.s32 @!p0 $0xFFFFF086;
	s6 =	sadd.s32 @!p0 s3, s7;
	s7 =	simm.s32 @!p0 $0x108  }
0x21: {  	s3 =	sadd.s32 s3, s9;
	s6 =	sadd.s32 @!p0 $0x88, s6;
	s7 =	simm.s32 @p2 $0x1082  }
0x22: {  	[simem:s7], [sflag:s8] =	dma.local @!p0 [hbm:s6], $0xF7A  }
0x23: {  	s9 =	sor.u32 $0xD0000000, s2;
	s6 =	simm.s32 $0x108;
	_ =	swait.ge @!p0 [sflag:s8], $0x0  }
0x24: {  	s3 =	sadd.s32 $0x88, s3;
	s6 =	simm.s32 @!p1 $0x1082;
	[sflag:s4] =	ssyncset.s32 $0xFFFFF086  }
0x25: {  	[simem:s6], [sflag:s4] =	dma.local [hbm:s3], $0xF7A  }
0x26: {  	[smem:$0x3F97] =	sst s1;
	(tag) =	ssettag s2;
	_ =	strace s9  }
0x27: {  	s1 =	sld [smem:$0x3FA7]  }
0x28: {  	s2 =	sld [smem:$0x3FA8]  }
0x29: {  	s4 =	sld [smem:$0x3FAA]  }
0x2a: {  	p0 =	seq.s32 s5, $0x0;
	s5 =	sld [smem:$0x3FAB]  }
0x2b: {  	s6 =	sld [smem:$0x3FAC]  }
0x2c: {  	s7 =	sld [smem:$0x3FAD]  }
0x2d: {  	s3 =	simm.s32 $0x108;
	s8 =	sld [smem:$0x3FAE]  }
0x2e: {  	s3 =	simm.s32 @!p0 $0x1082;
	s9 =	sld [smem:$0x3FAF]  }
0x2f: {  	lr =	sadd.s32 s0, s3;
	s0 =	sld [smem:$0x3FA6]  }
0x30: {  	s3 =	sld [smem:$0x3FA9]  }
0x31: {  	[smem:$0x3FB2] =	sst s10  }
0x32: {  	s10 =	sld [smem:$0x3FB0];
	_ =	sdelay $0x3  }
0x33: {  	p0 =	seq.s32 s10, $0x1;
	s10 =	sld [smem:$0x3FB2];
	_ =	sdelay $0x3  }
0x34: {  	[smem:$0x3FB2] =	sst s10  }
0x35: {  	s10 =	sld [smem:$0x3FB1];
	_ =	sdelay $0x3  }
0x36: {  	p1 =	seq.s32 s10, $0x1;
	s10 =	sld [smem:$0x3FB2];
	_ =	sdelay $0x3  }
0x37: {  	[smem:$0x3FB2] =	sst s10  }
0x38: {  	s10 =	sld [smem:$0x3FB3]  }
0x39: {  	_ = 	snop;
	(pc) =	sbr.ind lr, $3  }
0x3a: {  	_ = 	snop  }
0x3b: {  	_ = 	snop  }
0x3c: {  	p2 =	seq.s32 s10, $0x1;
	s10 =	sld [smem:$0x3FB2]  }
0x3d: {  	_ =	shalt  }
0x3e: {  	_ =	shalt  }
0x3f: {  	_ =	shalt  }
0x40: {  	_ =	shalt  }
0x41: {  	_ =	shalt  }
0x42: {  	_ =	shalt  }
0x43: {  	_ =	shalt  }
0x44: {  	_ =	shalt  }
0x45: {  	_ =	shalt  }
0x46: {  	_ =	shalt  }
0x47: {  	_ =	shalt  }
0x48: {  	_ =	shalt  }
0x49: {  	_ =	shalt  }
0x4a: {  	_ =	shalt  }
0x4b: {  	_ =	shalt  }
0x4c: {  	_ =	shalt  }
0x4d: {  	_ =	shalt  }
0x4e: {  	_ =	shalt  }
0x4f: {  	_ =	shalt  }
0x50: {  	_ =	shalt  }
0x51: {  	_ =	shalt  }
0x52: {  	_ =	shalt  }
0x53: {  	_ =	shalt  }
0x54: {  	_ =	shalt  }
0x55: {  	_ =	shalt  }
0x56: {  	_ =	shalt  }
0x57: {  	_ =	shalt  }
0x58: {  	_ =	shalt  }
0x59: {  	_ =	shalt  }
0x5a: {  	_ =	shalt  }
0x5b: {  	_ =	shalt  }
0x5c: {  	_ =	shalt  }
0x5d: {  	_ =	shalt  }
0x5e: {  	_ =	shalt  }
0x5f: {  	_ =	shalt  }
0x60: {  	_ =	shalt  }
0x61: {  	_ =	shalt  }
0x62: {  	_ =	shalt  }
0x63: {  	_ =	shalt  }
0x64: {  	_ =	shalt  }
0x65: {  	_ =	shalt  }
0x66: {  	_ =	shalt  }
0x67: {  	_ =	shalt  }
0x68: {  	_ =	shalt  }
0x69: {  	_ =	shalt  }
0x6a: {  	_ =	shalt  }
0x6b: {  	_ =	shalt  }
0x6c: {  	_ =	shalt  }
0x6d: {  	_ =	shalt  }
0x6e: {  	_ =	shalt  }
0x6f: {  	_ =	shalt  }
0x70: {  	_ =	shalt  }
0x71: {  	_ =	shalt  }
0x72: {  	_ =	shalt  }
0x73: {  	_ =	shalt  }
0x74: {  	_ =	shalt  }
0x75: {  	_ =	shalt  }
0x76: {  	_ =	shalt  }
0x77: {  	_ =	shalt  }
0x78: {  	_ =	shalt  }
0x79: {  	_ =	shalt  }
0x7a: {  	_ =	shalt  }
0x7b: {  	_ =	shalt  }
0x7c: {  	_ =	shalt  }
0x7d: {  	_ =	shalt  }
0x7e: {  	_ =	shalt  }
0x7f: {  	_ =	shalt  }
0x80: {  	_ =	shalt  }
0x81: {  	_ =	shalt  }
0x82: {  	_ =	shalt  }
0x83: {  	_ =	shalt  }
0x84: {  	_ =	shalt  }
0x85: {  	_ =	shalt  }
0x86: {  	_ =	shalt  }
0x87: {  	_ =	shalt  }
.Lfunc_end0:
.L_simem_size_0:
called_computation.2_lowered:
.L_overlay_start_0:
0x88: {  	s2 =	sld [smem:$0x3FD9]  }
0x89: {  	s3 =	sld [smem:$0x3FFE];
	_ =	sdelay $0x1  }
0x8a: {  	s1 =	srdreg.scid  }
0x8b: {  	s0 =	sand.u32 $0x1, s1  }
0x8c: {  	s16 =	sshll.u32 s0, $0xA;
	s2 =	sadd.s32 s3, s2  }
0x8d: {  	s2 =	sadd.s32 s2, s16  }
0x8e: {  	[smem:$0x3FBE] =	sst s2  }
0x8f: {  	_ = 	snop  }
0x90: {  	(tm) =	ssettm $0x1  }
0x91: {  	s17 =	sld [smem:$0x3FFB];
	_ =	sdelay $0x3  }
0x92: {  	_ =	strace s17  }
0x93: {  	s2 =	sld [smem:$0x3FFC];
	_ =	sdelay $0x3  }
0x94: {  	_ =	strace s2  }
0x95: {  	s2 =	sld [smem:$0x3FFD];
	_ =	sdelay $0x3  }
0x96: {  	_ =	strace s2  }
0x97: {  	_ =	strace $0x8FFFFFFF  }
0x98: {  	s18 =	sld [smem:$0x3FDB];
	_ =	sdelay $0x1  }
0x99: {  	s19 =	simm.s32 $_scs_section_size  }
0x9a: {  	s4 =	simm.s32 $_size__tile_overlayer_lowered;
	s5 =	simm.s32 $_tile_overlayer_lowered  }
0x9b: {  	s22 =	simm.s32 $0x1BFF;
	s21 =	sshll.u32 s5, $0x1;
	s2 =	sadd.s32 s19, s18  }
0x9c: {  	s6 =	simm.s32 $0x0;
	s20 =	sshll.u32 s4, $0x1;
	s4 =	sadd.s32 s21, s2  }
0x9d: {  	[timem:s6], [sflag:s22] =	dma.local [hbm:s4], s20  }
0x9e: {  	_ =	swait.ge [sflag:s22], s20  }
0x9f: {  	s3 =	ssub.s32 $0x0, s20;
	[sflag:s22] =	ssyncset.done $0x0  }
0xa0: {  	[sflag:s22] =	ssyncadd.s32 s3;
	_ =	sdelay $0x1  }
0xa1: {  	s23 =	simm.s32 $0x1B8B  }
0xa2: {  	_ =	swait.ge [sflag:s23], $0x1  }
0xa3: {  	[sflag:s23] =	ssyncset.done $0x0  }
0xa4: {  	s25 =	simm.s32 $0x1B8E;
	s24 =	sld [smem:$0x3FFE];
	[sflag:s23] =	ssyncadd.s32 $0xFFFFFFFF  }
0xa5: {  	s26 =	simm.s32 $execute0_lowered;
	[smem:$0x3FD2] =	sst s25  }
0xa6: {  	s4 =	sshll.u32 s26, $0x1;
	_ =	strace $0x8000004C;
	[dreg:$0x1] =	wrdreg $0xFFFFFFFF  }
0xa7: {  	s28 =	simm.s32 $_size_execute0_lowered;
	s2 =	sadd.s32 s2, s4;
	[dreg:$0x0] =	wrdreg $0x0  }
0xa8: {  	s4 =	sshll.u32 s28, $0x1;
	[dreg:$0x2] =	wrdreg s2  }
0xa9: {  	[dreg:$0x3] =	wrdreg s4  }
0xaa: {  	[dreg:$0x4] =	wrdreg $0xC0  }
0xab: {  	_ =	task [dreg:s6], $0x5FFFF  }
0xac: {  	[dreg:$0x1] =	wrdreg $0xFFFFFFFF  }
0xad: {  	[dreg:$0x0] =	wrdreg $0x60  }
0xae: {  	[dreg:$0x2] =	wrdreg s24  }
0xaf: {  	[dreg:$0x3] =	wrdreg $0x80200  }
0xb0: {  	[dreg:$0x4] =	wrdreg $0x9  }
0xb1: {  	_ =	task.clear_ibuf [dreg:s6], $0x5FFFF;
	_ =	strace $0x9000004C  }
0xb2: {  	s29 =	simm.s32 $0x9;
	_ =	strace $0x8000004E  }
0xb3: {  	_ =	swait.ge [sflag:s29], $0x1  }
0xb4: {  	[sflag:s29] =	ssyncadd.s32 $0xFFFFFFFF  }
0xb5: {  	_ =	strace $0x9000004E  }
0xb6: {  	_ =	sfence  }
0xb7: {  	s30 =	sld [smem:$0x0];
	_ =	sdelay $0x2  }
0xb8: {  	s31 =	sshll.u32 s1, $0xD;
	s1 =	sshrl.u32 s1, $0x2  }
0xb9: {  	s3 =	sand.u32 $0x4000, s31;
	s1 =	sadd.s32 s1, s30  }
0xba: {  	s0 =	sor.u32 s3, s0;
	s1 =	sshll.u32 s1, $0x11  }
0xbb: {  	s0 =	sor.u32 s1, s0  }
0xbc: {  	s0 =	sadd.s32 $0x8F2B, s0  }
0xbd: {  	[sflag:s0] =	ssyncadd.remote.s32 $0x1  }
0xbe: {  	_ =	sfence.sel $0xFFFF  }
0xbf: {  	[dreg:$0x0] =	wrdreg $0xFFFFFFFF;
	(pc) =	sbr.abs _section_cstart, $3  }
0xc0: {  	[dreg:$0x1] =	wrdreg $0xFFFFFFFF  }
0xc1: {  	_ =	task.clear_ibuf [dreg:s6], $0x2FFFF;
	_ =	strace $0x9FFFFFFF  }
0xc2: {  	(tm) =	ssettm $0x7FFFFFFF  }
0xc3: {  	_ =	shalt  }
tec
execute0_lowered:
.L_overlay_start_1:
0x0: {  	(tag) =	ssettag $0x1  }
0x1: {  	s0 =	srdreg.scid;
	s5 =	rddreg [dreg:$0x0]  }
0x2: {  	s4 =	stileid.u32;
	s2 =	rddreg [dreg:$0x1]  }
0x3: {  	s3 =	simm.s32 $0x0;
	s17 =	simm.s32 $0x6720;
	s18 =	simm.s32 $0x5  }
0x4: {  	s20 =	simm.s32 $0x1;
	s21 =	simm.s32 $0x50;
	s28 =	simm.s32 $0x6C20  }
0x5: {  	s29 =	simm.s32 $0x7120;
	s30 =	simm.s32 $0x7620;
	s31 =	simm.s32 $0x7B20  }
0x6: {  	s19 =	simm.s32 $0x3;
	s0 =	sand.u32 $0x1, s0;
	s6 =	smul.u32 $0x2800, s4  }
0x7: {  	[smem:$0x7FF] =	sst s3;
	s8 =	smul.u32 $0xA000, s4;
	s1 =	sshll.u32 s0, $0x4  }
0x8: {  	s7 =	smul.u32 $0x28000, s0;
	_ =	strace $0x8000004D;
	s0 =	ssub.s32 $0x2, s0  }
0x9: {  	s1 =	sor.u32 s4, s1;
	s4 =	sadd.s32 $0x16400, s5;
	s9 =	sshrl.u32 s0, $0x1  }
0xa: {  	s8 =	sshrl.u32 s8, $0x2;
	s1 =	smul.u32 $0x2710, s1;
	s7 =	sadd.s32 s6, s7  }
0xb: {  	s0 =	ssub.s32 s0, s9;
	s8 =	sadd.s32 s8, s2;
	s7 =	sshrl.u32 s7, $0x3  }
0xc: {  	s22 =	sadd.s32 $0x500, s8;
	s23 =	sadd.s32 $0xA00, s8;
	s24 =	sadd.s32 $0xF00, s8  }
0xd: {  	s25 =	sadd.s32 $0x1400, s8;
	s26 =	sadd.s32 $0x1900, s8;
	[dreg:$0x3] =	wrdreg s22  }
0xe: {  	s11 =	sadd.s32 $0x1E00, s8;
	s12 =	sadd.s32 $0x2300, s8;
	[dreg:$0x4] =	wrdreg s23  }
0xf: {  	s16 =	smax.u32 s0, $0x1;
	s0 =	simm.s32 $0x4;
	[dreg:$0x5] =	wrdreg s24  }
0x10: {  	s1 =	sshrl.u32 s1, $0x3;
	s7 =	sadd.s32 s7, s5;
	[dreg:$0x6] =	wrdreg s25  }
0x11: {  	[dreg:$0x7] =	wrdreg s26;
	s22 =	simm.s32 $0x4E20;
	s23 =	simm.s32 $0x5320  }
0x12: {  	s24 =	simm.s32 $0x5820;
	s25 =	simm.s32 $0x5D20;
	s26 =	simm.s32 $0x6220  }
0x13: {  	s1 =	sadd.s32 s1, s5;
	s5 =	sadd.s32 s6, s2;
	s15 =	sadd.s32 $0x1B400, s7  }
0x14: {  	v0 =	vimm.f32 $0.0e+00;
	s13 =	sadd.s32 $0x2A00, s1;
	s14 =	sadd.s32 $0xC640, s1;
	s1 =	simm.s32 $0x2  }
.LBB2_1:
0x15: {  	s6 =	simm.s32 $0x40;
	s7 =	simm.s32 $0x0  }
.LBB2_2:
0x16: {  	p0 =	sne.s32 s6, $0x13C0;
	[tilespmem:s7+$0x6720] =	vst v0;
	s7 =	smov.u32 s6;
	s6 =	sadd.s32 $0x40, s6  }
.Ltmp0:
0x17: {  	(pc) =	sbr.rel @p0 .LBB2_2-.Ltmp0, $2  }
0x18: {  	_ =	sdelay $0x2  }
0x19: {  	s7 =	sshra.s32 s7, $0x2  }
0x1a: {  	[tilespmem:s7+$0x6720] =	vst v0  }
0x1b: {  	[spmem:s5] =	stream.linear.scatter [tilespmem:s17], [sflag:$0x1], $0x500, $0x38;
	[tilespmem:$0xA820] =	vst v63  }
0x1c: {  	s6 =	rddreg [dreg:$0x3]  }
0x1d: {  	[spmem:s6] =	stream.linear.scatter [tilespmem:s17], [sflag:$0x1], $0x500, $0x38;
	[tilespmem:$0xA820] =	vst v63  }
0x1e: {  	s9 =	rddreg [dreg:$0x4]  }
0x1f: {  	[spmem:s9] =	stream.linear.scatter [tilespmem:s17], [sflag:$0x1], $0x500, $0x38;
	[tilespmem:$0xA820] =	vst v63  }
0x20: {  	s10 =	rddreg [dreg:$0x5]  }
0x21: {  	[spmem:s10] =	stream.linear.scatter [tilespmem:s17], [sflag:$0x1], $0x500, $0x38;
	[tilespmem:$0xA820] =	vst v63  }
0x22: {  	s7 =	rddreg [dreg:$0x6]  }
0x23: {  	[spmem:s7] =	stream.linear.scatter [tilespmem:s17], [sflag:$0x1], $0x500, $0x38;
	[tilespmem:$0xA820] =	vst v63  }
0x24: {  	s8 =	rddreg [dreg:$0x7]  }
0x25: {  	[spmem:s8] =	stream.linear.scatter [tilespmem:s17], [sflag:$0x1], $0x500, $0x38;
	[tilespmem:$0xA820] =	vst v63  }
0x26: {  	_ = 	snop  }
0x27: {  	[spmem:s11] =	stream.linear.scatter [tilespmem:s17], [sflag:$0x1], $0x500, $0x38;
	[tilespmem:$0xA820] =	vst v63  }
0x28: {  	_ = 	snop  }
0x29: {  	[spmem:s12] =	stream.linear.scatter [tilespmem:s17], [sflag:$0x1], $0x500, $0x38;
	[tilespmem:$0xA820] =	vst v63  }
0x2a: {  	s9 =	simm.s32 $0x0  }
0x2b: {  	[tilespmem:s9], [sflag:$0x5] =	stream.linear.gather [hbm4b:s13+s9], $0x2710, $0x38;
	[tilespmem:$0xA820] =	vst v63  }
0x2c: {  	_ =	swait.ge [sflag:s18], $0x2710  }
0x2d: {  	[sflag:s18] =	ssyncset.done $0x0  }
0x2e: {  	s10 =	simm.s32 $0x2710;
	[sflag:s18] =	ssyncadd.s32 $0xFFFFD8F0  }
0x2f: {  	[tilespmem:s10], [sflag:$0x5] =	stream.linear.gather [hbm4b:s14+s9], $0x2710, $0x38;
	[tilespmem:$0xA820] =	vst v63  }
0x30: {  	_ =	swait.ge [sflag:s18], $0x2710  }
0x31: {  	[sflag:s18] =	ssyncset.done $0x0  }
0x32: {  	[sflag:s18] =	ssyncadd.s32 $0xFFFFD8F0  }
0x33: {  	_ =	swait.ge [sflag:s20], $0x500  }
0x34: {  	[sflag:s20] =	ssyncset.done $0x0  }
0x35: {  	[sflag:s20] =	ssyncadd.s32 $0xFFFFFB00  }
0x36: {  	_ =	swait.ge [sflag:s20], $0x500  }
0x37: {  	[sflag:s20] =	ssyncset.done $0x0  }
0x38: {  	[sflag:s20] =	ssyncadd.s32 $0xFFFFFB00  }
0x39: {  	_ =	swait.ge [sflag:s20], $0x500  }
0x3a: {  	[sflag:s20] =	ssyncset.done $0x0  }
0x3b: {  	[sflag:s20] =	ssyncadd.s32 $0xFFFFFB00  }
0x3c: {  	_ =	swait.ge [sflag:s20], $0x500  }
0x3d: {  	[sflag:s20] =	ssyncset.done $0x0  }
0x3e: {  	[sflag:s20] =	ssyncadd.s32 $0xFFFFFB00  }
0x3f: {  	_ =	swait.ge [sflag:s20], $0x500  }
0x40: {  	[sflag:s20] =	ssyncset.done $0x0  }
0x41: {  	[sflag:s20] =	ssyncadd.s32 $0xFFFFFB00  }
0x42: {  	_ =	swait.ge [sflag:s20], $0x500  }
0x43: {  	[sflag:s20] =	ssyncset.done $0x0  }
0x44: {  	[sflag:s20] =	ssyncadd.s32 $0xFFFFFB00  }
0x45: {  	_ =	swait.ge [sflag:s20], $0x500  }
0x46: {  	[sflag:s20] =	ssyncset.done $0x0  }
0x47: {  	[sflag:s20] =	ssyncadd.s32 $0xFFFFFB00  }
0x48: {  	_ =	swait.ge [sflag:s20], $0x500  }
0x49: {  	p0 =	por $0x1, $0x1;
	[sflag:s20] =	ssyncset.done $0x0  }
0x4a: {  	p0 =	por p0, p0;
	[sflag:s20] =	ssyncadd.s32 $0xFFFFFB00  }
0x4b: {  	s6 =	simm.s32 @!p0 $0x3;
	[bflag:$0x0] =	sbarrier.arrive $0xFFFF  }
0x4c: {  	_ =	swait.ge @!p0 [sflag:s6], $0x500  }
0x4d: {  	[sflag:s6] =	ssyncset.done @!p0 $0x0  }
0x4e: {  	[sflag:s6] =	ssyncadd.s32 @!p0 $0xFFFFFB00  }
0x4f: {  	_ =	swait.ge @!p0 [sflag:s6], $0x500  }
0x50: {  	[sflag:s6] =	ssyncset.done @!p0 $0x0  }
0x51: {  	[sflag:s6] =	ssyncadd.s32 @!p0 $0xFFFFFB00  }
0x52: {  	_ =	swait.ge @!p0 [sflag:s6], $0x500  }
0x53: {  	[sflag:s6] =	ssyncset.done @!p0 $0x0  }
0x54: {  	[sflag:s6] =	ssyncadd.s32 @!p0 $0xFFFFFB00  }
0x55: {  	_ =	swait.ge @!p0 [sflag:s6], $0x500  }
0x56: {  	[sflag:s6] =	ssyncset.done @!p0 $0x0  }
0x57: {  	[sflag:s6] =	ssyncadd.s32 @!p0 $0xFFFFFB00  }
0x58: {  	_ =	swait.ge @!p0 [sflag:s6], $0x500  }
0x59: {  	[sflag:s6] =	ssyncset.done @!p0 $0x0  }
0x5a: {  	s8 =	simm.s32 $0x0;
	[sflag:s6] =	ssyncadd.s32 @!p0 $0xFFFFFB00  }
0x5b: {  	[tilespmem:s22], [sflag:$0x1] =	stream.indirect.gather [hbm4b:s4+s21], $0x10, s8, s21, $0xb8;
	[tilespmem:$0xA820] =	vst v63  }
0x5c: {  	s9 =	simm.s32 $0x50  }
0x5d: {  	[tilespmem:s23], [sflag:$0x1] =	stream.indirect.gather [hbm4b:s4+s21], $0x10, s9, s21, $0xb8;
	[tilespmem:$0xA820] =	vst v63  }
0x5e: {  	s10 =	simm.s32 $0xA0  }
0x5f: {  	[tilespmem:s24], [sflag:$0x1] =	stream.indirect.gather [hbm4b:s4+s21], $0x10, s10, s21, $0xb8;
	[tilespmem:$0xA820] =	vst v63  }
0x60: {  	s7 =	simm.s32 $0xF0  }
0x61: {  	[tilespmem:s25], [sflag:$0x1] =	stream.indirect.gather [hbm4b:s4+s21], $0x10, s7, s21, $0xb8;
	[tilespmem:$0xA820] =	vst v63  }
0x62: {  	s8 =	simm.s32 $0x140  }
0x63: {  	[tilespmem:s26], [sflag:$0x1] =	stream.indirect.gather [hbm4b:s4+s21], $0x10, s8, s21, $0xb8;
	[tilespmem:$0xA820] =	vst v63  }
0x64: {  	_ =	swait.ge [sflag:s20], $0x500  }
0x65: {  	[sflag:s20] =	ssyncset.done $0x0  }
0x66: {  	[sflag:s20] =	ssyncadd.s32 $0xFFFFFB00  }
0x67: {  	_ =	swait.ge [sflag:s20], $0x500  }
0x68: {  	[sflag:s20] =	ssyncset.done $0x0  }
0x69: {  	[sflag:s20] =	ssyncadd.s32 $0xFFFFFB00  }
0x6a: {  	_ =	swait.ge [sflag:s20], $0x500  }
0x6b: {  	[sflag:s20] =	ssyncset.done $0x0  }
0x6c: {  	[sflag:s20] =	ssyncadd.s32 $0xFFFFFB00  }
0x6d: {  	_ =	swait.ge [sflag:s20], $0x500  }
0x6e: {  	[sflag:s20] =	ssyncset.done $0x0  }
0x6f: {  	[sflag:s20] =	ssyncadd.s32 $0xFFFFFB00  }
0x70: {  	_ =	swait.ge [sflag:s20], $0x500  }
0x71: {  	[sflag:s20] =	ssyncset.done $0x0  }
0x72: {  	s9 =	simm.s32 $0x2710;
	[sflag:s20] =	ssyncadd.s32 $0xFFFFFB00  }
0x73: {  	[spmem:s2] =	stream.indirect.scatter.add.f32 [tilespmem:s22], [sflag:$0x3], $0x10, s9, s21, $0xb8;
	[tilespmem:$0xA820] =	vst v63  }
0x74: {  	s10 =	simm.s32 $0x2760  }
0x75: {  	[spmem:s2] =	stream.indirect.scatter.add.f32 [tilespmem:s23], [sflag:$0x3], $0x10, s10, s21, $0xb8;
	[tilespmem:$0xA820] =	vst v63  }
0x76: {  	s7 =	simm.s32 $0x27B0  }
0x77: {  	[spmem:s2] =	stream.indirect.scatter.add.f32 [tilespmem:s24], [sflag:$0x3], $0x10, s7, s21, $0xb8;
	[tilespmem:$0xA820] =	vst v63  }
0x78: {  	s8 =	simm.s32 $0x2800  }
0x79: {  	[spmem:s2] =	stream.indirect.scatter.add.f32 [tilespmem:s25], [sflag:$0x3], $0x10, s8, s21, $0xb8;
	[tilespmem:$0xA820] =	vst v63  }
0x7a: {  	s9 =	simm.s32 $0x2850;
	s7 =	simm.s32 @!p0 $0x4  }
0x7b: {  	[spmem:s2] =	stream.indirect.scatter.add.f32 [tilespmem:s26], [sflag:$0x3], $0x10, s9, s21, $0xb8;
	[tilespmem:$0xA820] =	vst v63  }
0x7c: {  	_ =	swait.ge @!p0 [sflag:s7], $0x500  }
0x7d: {  	[sflag:s7] =	ssyncset.done @!p0 $0x0  }
0x7e: {  	[sflag:s7] =	ssyncadd.s32 @!p0 $0xFFFFFB00  }
0x7f: {  	_ =	swait.ge @!p0 [sflag:s7], $0x500  }
0x80: {  	[sflag:s7] =	ssyncset.done @!p0 $0x0  }
0x81: {  	[sflag:s7] =	ssyncadd.s32 @!p0 $0xFFFFFB00  }
0x82: {  	_ =	swait.ge @!p0 [sflag:s7], $0x500  }
0x83: {  	[sflag:s7] =	ssyncset.done @!p0 $0x0  }
0x84: {  	[sflag:s7] =	ssyncadd.s32 @!p0 $0xFFFFFB00  }
0x85: {  	_ =	swait.ge @!p0 [sflag:s7], $0x500  }
0x86: {  	[sflag:s7] =	ssyncset.done @!p0 $0x0  }
0x87: {  	[sflag:s7] =	ssyncadd.s32 @!p0 $0xFFFFFB00  }
0x88: {  	_ =	swait.ge @!p0 [sflag:s7], $0x500  }
0x89: {  	[sflag:s7] =	ssyncset.done @!p0 $0x0  }
0x8a: {  	s10 =	simm.s32 $0x190;
	[sflag:s7] =	ssyncadd.s32 @!p0 $0xFFFFFB00  }
0x8b: {  	[tilespmem:s17], [sflag:$0x2] =	stream.indirect.gather [hbm4b:s4+s21], $0x10, s10, s21, $0xb8;
	[tilespmem:$0xA820] =	vst v63  }
0x8c: {  	s7 =	simm.s32 $0x1E0  }
0x8d: {  	[tilespmem:s28], [sflag:$0x2] =	stream.indirect.gather [hbm4b:s4+s21], $0x10, s7, s21, $0xb8;
	[tilespmem:$0xA820] =	vst v63  }
0x8e: {  	s8 =	simm.s32 $0x230  }
0x8f: {  	[tilespmem:s29], [sflag:$0x2] =	stream.indirect.gather [hbm4b:s4+s21], $0x10, s8, s21, $0xb8;
	[tilespmem:$0xA820] =	vst v63  }
0x90: {  	s9 =	simm.s32 $0x280  }
0x91: {  	[tilespmem:s30], [sflag:$0x2] =	stream.indirect.gather [hbm4b:s4+s21], $0x10, s9, s21, $0xb8;
	[tilespmem:$0xA820] =	vst v63  }
0x92: {  	s10 =	simm.s32 $0x2D0  }
0x93: {  	[tilespmem:s31], [sflag:$0x2] =	stream.indirect.gather [hbm4b:s4+s21], $0x10, s10, s21, $0xb8;
	[tilespmem:$0xA820] =	vst v63  }
0x94: {  	_ =	swait.ge [sflag:s1], $0x500  }
0x95: {  	[sflag:s1] =	ssyncset.done $0x0  }
0x96: {  	[sflag:s1] =	ssyncadd.s32 $0xFFFFFB00  }
0x97: {  	_ =	swait.ge [sflag:s1], $0x500  }
0x98: {  	[sflag:s1] =	ssyncset.done $0x0  }
0x99: {  	[sflag:s1] =	ssyncadd.s32 $0xFFFFFB00  }
0x9a: {  	_ =	swait.ge [sflag:s1], $0x500  }
0x9b: {  	[sflag:s1] =	ssyncset.done $0x0  }
0x9c: {  	[sflag:s1] =	ssyncadd.s32 $0xFFFFFB00  }
0x9d: {  	_ =	swait.ge [sflag:s1], $0x500  }
0x9e: {  	[sflag:s1] =	ssyncset.done $0x0  }
0x9f: {  	[sflag:s1] =	ssyncadd.s32 $0xFFFFFB00  }
0xa0: {  	_ =	swait.ge [sflag:s1], $0x500  }
0xa1: {  	[sflag:s1] =	ssyncset.done $0x0  }
0xa2: {  	s7 =	simm.s32 $0x28A0;
	[sflag:s1] =	ssyncadd.s32 $0xFFFFFB00  }
0xa3: {  	[spmem:s2] =	stream.indirect.scatter.add.f32 [tilespmem:s17], [sflag:$0x4], $0x10, s7, s21, $0xb8;
	[tilespmem:$0xA820] =	vst v63  }
0xa4: {  	p6 =	por $0x0, $0x0;
	s8 =	simm.s32 $0x28F0  }
0xa5: {  	[spmem:s2] =	stream.indirect.scatter.add.f32 [tilespmem:s28], [sflag:$0x4], $0x10, s8, s21, $0xb8;
	[tilespmem:$0xA820] =	vst v63  }
0xa6: {  	s6 =	simm.s32 $0xC80;
	p0 =	por p6, p6;
	s9 =	simm.s32 $0x2940  }
0xa7: {  	[spmem:s2] =	stream.indirect.scatter.add.f32 [tilespmem:s29], [sflag:$0x4], $0x10, s9, s21, $0xb8;
	[tilespmem:$0xA820] =	vst v63  }
0xa8: {  	s10 =	simm.s32 $0x2990;
	s7 =	simm.s32 $0x1900;
	s8 =	simm.s32 $0x29E0  }
0xa9: {  	[spmem:s2] =	stream.indirect.scatter.add.f32 [tilespmem:s30], [sflag:$0x4], $0x10, s10, s21, $0xb8;
	[tilespmem:$0xA820] =	vst v63  }
.LBB2_4:
0xaa: {  	[spmem:s2] =	stream.indirect.scatter.add.f32 [tilespmem:s31], [sflag:$0x4], $0x10, s8, s21, $0xb8;
	[tilespmem:$0xA820] =	vst v63  }
0xab: {  	s9 =	smov.u32 s7  }
0xac: {  	s7 =	sadd.s32 $0xC80, s7;
	s8 =	simm.s32 @!p0 $0x3;
	p2 =	seq.s32 s9, $0x0  }
0xad: {  	p1 =	sne.s32 s7, $0x9600;
	_ =	swait.ge @!p0 [sflag:s8], $0x500  }
0xae: {  	[sflag:s8] =	ssyncset.done @!p0 $0x0  }
0xaf: {  	[sflag:s8] =	ssyncadd.s32 @!p0 $0xFFFFFB00  }
0xb0: {  	_ =	swait.ge @!p0 [sflag:s8], $0x500  }
0xb1: {  	[sflag:s8] =	ssyncset.done @!p0 $0x0  }
0xb2: {  	[sflag:s8] =	ssyncadd.s32 @!p0 $0xFFFFFB00  }
0xb3: {  	_ =	swait.ge @!p0 [sflag:s8], $0x500  }
0xb4: {  	[sflag:s8] =	ssyncset.done @!p0 $0x0  }
0xb5: {  	[sflag:s8] =	ssyncadd.s32 @!p0 $0xFFFFFB00  }
0xb6: {  	_ =	swait.ge @!p0 [sflag:s8], $0x500  }
0xb7: {  	[sflag:s8] =	ssyncset.done @!p0 $0x0  }
0xb8: {  	[sflag:s8] =	ssyncadd.s32 @!p0 $0xFFFFFB00  }
0xb9: {  	_ =	swait.ge @!p0 [sflag:s8], $0x500  }
0xba: {  	[sflag:s8] =	ssyncset.done @!p0 $0x0  }
0xbb: {  	[sflag:s8] =	ssyncadd.s32 @!p0 $0xFFFFFB00;
	s8 =	sshra.s32 s6, $0x2;
	s6 =	smov.u32 s9  }
0xbc: {  	[tilespmem:s22], [sflag:$0x1] =	stream.indirect.gather [hbm4b:s4+s21], $0x10, s8, s21, $0xb8;
	[tilespmem:$0xA820] =	vst v63  }
0xbd: {  	s9 =	sadd.s32 $0x50, s8  }
0xbe: {  	[tilespmem:s23], [sflag:$0x1] =	stream.indirect.gather [hbm4b:s4+s21], $0x10, s9, s21, $0xb8;
	[tilespmem:$0xA820] =	vst v63  }
0xbf: {  	s9 =	sadd.s32 $0xA0, s8  }
0xc0: {  	[tilespmem:s24], [sflag:$0x1] =	stream.indirect.gather [hbm4b:s4+s21], $0x10, s9, s21, $0xb8;
	[tilespmem:$0xA820] =	vst v63  }
0xc1: {  	s9 =	sadd.s32 $0xF0, s8  }
0xc2: {  	[tilespmem:s25], [sflag:$0x1] =	stream.indirect.gather [hbm4b:s4+s21], $0x10, s9, s21, $0xb8;
	[tilespmem:$0xA820] =	vst v63  }
0xc3: {  	s9 =	sadd.s32 $0x140, s8  }
0xc4: {  	[tilespmem:s26], [sflag:$0x1] =	stream.indirect.gather [hbm4b:s4+s21], $0x10, s9, s21, $0xb8;
	[tilespmem:$0xA820] =	vst v63  }
0xc5: {  	_ =	swait.ge [sflag:s20], $0x500  }
0xc6: {  	[sflag:s20] =	ssyncset.done $0x0  }
0xc7: {  	[sflag:s20] =	ssyncadd.s32 $0xFFFFFB00  }
0xc8: {  	_ =	swait.ge [sflag:s20], $0x500  }
0xc9: {  	[sflag:s20] =	ssyncset.done $0x0  }
0xca: {  	[sflag:s20] =	ssyncadd.s32 $0xFFFFFB00  }
0xcb: {  	_ =	swait.ge [sflag:s20], $0x500  }
0xcc: {  	[sflag:s20] =	ssyncset.done $0x0  }
0xcd: {  	[sflag:s20] =	ssyncadd.s32 $0xFFFFFB00  }
0xce: {  	_ =	swait.ge [sflag:s20], $0x500  }
0xcf: {  	[sflag:s20] =	ssyncset.done $0x0  }
0xd0: {  	[sflag:s20] =	ssyncadd.s32 $0xFFFFFB00  }
0xd1: {  	_ =	swait.ge [sflag:s20], $0x500  }
0xd2: {  	[sflag:s20] =	ssyncset.done $0x0  }
0xd3: {  	s9 =	sadd.s32 $0x2710, s8;
	[sflag:s20] =	ssyncadd.s32 $0xFFFFFB00  }
0xd4: {  	[spmem:s2] =	stream.indirect.scatter.add.f32 [tilespmem:s22], [sflag:$0x3], $0x10, s9, s21, $0xb8;
	[tilespmem:$0xA820] =	vst v63  }
0xd5: {  	s9 =	sadd.s32 $0x2760, s8  }
0xd6: {  	[spmem:s2] =	stream.indirect.scatter.add.f32 [tilespmem:s23], [sflag:$0x3], $0x10, s9, s21, $0xb8;
	[tilespmem:$0xA820] =	vst v63  }
0xd7: {  	s9 =	sadd.s32 $0x27B0, s8  }
0xd8: {  	[spmem:s2] =	stream.indirect.scatter.add.f32 [tilespmem:s24], [sflag:$0x3], $0x10, s9, s21, $0xb8;
	[tilespmem:$0xA820] =	vst v63  }
0xd9: {  	s9 =	sadd.s32 $0x2800, s8  }
0xda: {  	[spmem:s2] =	stream.indirect.scatter.add.f32 [tilespmem:s25], [sflag:$0x3], $0x10, s9, s21, $0xb8;
	[tilespmem:$0xA820] =	vst v63  }
0xdb: {  	s10 =	simm.s32 @!p0 $0x4;
	s9 =	sadd.s32 $0x2850, s8  }
0xdc: {  	[spmem:s2] =	stream.indirect.scatter.add.f32 [tilespmem:s26], [sflag:$0x3], $0x10, s9, s21, $0xb8;
	[tilespmem:$0xA820] =	vst v63  }
0xdd: {  	_ =	swait.ge @!p0 [sflag:s10], $0x500  }
0xde: {  	[sflag:s10] =	ssyncset.done @!p0 $0x0  }
0xdf: {  	[sflag:s10] =	ssyncadd.s32 @!p0 $0xFFFFFB00  }
0xe0: {  	_ =	swait.ge @!p0 [sflag:s10], $0x500  }
0xe1: {  	[sflag:s10] =	ssyncset.done @!p0 $0x0  }
0xe2: {  	[sflag:s10] =	ssyncadd.s32 @!p0 $0xFFFFFB00  }
0xe3: {  	_ =	swait.ge @!p0 [sflag:s10], $0x500  }
0xe4: {  	[sflag:s10] =	ssyncset.done @!p0 $0x0  }
0xe5: {  	[sflag:s10] =	ssyncadd.s32 @!p0 $0xFFFFFB00  }
0xe6: {  	_ =	swait.ge @!p0 [sflag:s10], $0x500  }
0xe7: {  	[sflag:s10] =	ssyncset.done @!p0 $0x0  }
0xe8: {  	[sflag:s10] =	ssyncadd.s32 @!p0 $0xFFFFFB00  }
0xe9: {  	_ =	swait.ge @!p0 [sflag:s10], $0x500  }
0xea: {  	[sflag:s10] =	ssyncset.done @!p0 $0x0  }
0xeb: {  	s9 =	sadd.s32 $0x190, s8;
	[sflag:s10] =	ssyncadd.s32 @!p0 $0xFFFFFB00;
	p0 =	por p2, p2  }
0xec: {  	[tilespmem:s17], [sflag:$0x2] =	stream.indirect.gather [hbm4b:s4+s21], $0x10, s9, s21, $0xb8;
	[tilespmem:$0xA820] =	vst v63  }
0xed: {  	s9 =	sadd.s32 $0x1E0, s8  }
0xee: {  	[tilespmem:s28], [sflag:$0x2] =	stream.indirect.gather [hbm4b:s4+s21], $0x10, s9, s21, $0xb8;
	[tilespmem:$0xA820] =	vst v63  }
0xef: {  	s9 =	sadd.s32 $0x230, s8  }
0xf0: {  	[tilespmem:s29], [sflag:$0x2] =	stream.indirect.gather [hbm4b:s4+s21], $0x10, s9, s21, $0xb8;
	[tilespmem:$0xA820] =	vst v63  }
0xf1: {  	s9 =	sadd.s32 $0x280, s8  }
0xf2: {  	[tilespmem:s30], [sflag:$0x2] =	stream.indirect.gather [hbm4b:s4+s21], $0x10, s9, s21, $0xb8;
	[tilespmem:$0xA820] =	vst v63  }
0xf3: {  	s9 =	sadd.s32 $0x2D0, s8  }
0xf4: {  	[tilespmem:s31], [sflag:$0x2] =	stream.indirect.gather [hbm4b:s4+s21], $0x10, s9, s21, $0xb8;
	[tilespmem:$0xA820] =	vst v63  }
0xf5: {  	_ =	swait.ge [sflag:s1], $0x500  }
0xf6: {  	[sflag:s1] =	ssyncset.done $0x0  }
0xf7: {  	[sflag:s1] =	ssyncadd.s32 $0xFFFFFB00  }
0xf8: {  	_ =	swait.ge [sflag:s1], $0x500  }
0xf9: {  	[sflag:s1] =	ssyncset.done $0x0  }
0xfa: {  	[sflag:s1] =	ssyncadd.s32 $0xFFFFFB00  }
0xfb: {  	_ =	swait.ge [sflag:s1], $0x500  }
0xfc: {  	[sflag:s1] =	ssyncset.done $0x0  }
0xfd: {  	[sflag:s1] =	ssyncadd.s32 $0xFFFFFB00  }
0xfe: {  	_ =	swait.ge [sflag:s1], $0x500  }
0xff: {  	[sflag:s1] =	ssyncset.done $0x0  }
0x100: {  	[sflag:s1] =	ssyncadd.s32 $0xFFFFFB00  }
0x101: {  	_ =	swait.ge [sflag:s1], $0x500  }
0x102: {  	[sflag:s1] =	ssyncset.done $0x0  }
0x103: {  	s9 =	sadd.s32 $0x28A0, s8;
	[sflag:s1] =	ssyncadd.s32 $0xFFFFFB00  }
0x104: {  	[spmem:s2] =	stream.indirect.scatter.add.f32 [tilespmem:s17], [sflag:$0x4], $0x10, s9, s21, $0xb8;
	[tilespmem:$0xA820] =	vst v63  }
0x105: {  	s9 =	sadd.s32 $0x28F0, s8  }
0x106: {  	[spmem:s2] =	stream.indirect.scatter.add.f32 [tilespmem:s28], [sflag:$0x4], $0x10, s9, s21, $0xb8;
	[tilespmem:$0xA820] =	vst v63  }
.Ltmp1:
0x107: {  	s9 =	sadd.s32 $0x2940, s8;
	(pc) =	sbr.rel @p1 .LBB2_4-.Ltmp1, $4  }
0x108: {  	[spmem:s2] =	stream.indirect.scatter.add.f32 [tilespmem:s29], [sflag:$0x4], $0x10, s9, s21, $0xb8;
	[tilespmem:$0xA820] =	vst v63  }
0x109: {  	s9 =	sadd.s32 $0x2990, s8  }
0x10a: {  	[spmem:s2] =	stream.indirect.scatter.add.f32 [tilespmem:s30], [sflag:$0x4], $0x10, s9, s21, $0xb8;
	[tilespmem:$0xA820] =	vst v63  }
0x10b: {  	s8 =	sadd.s32 $0x29E0, s8  }
0x10c: {  	[spmem:s2] =	stream.indirect.scatter.add.f32 [tilespmem:s31], [sflag:$0x4], $0x10, s8, s21, $0xb8;
	[tilespmem:$0xA820] =	vst v63  }
0x10d: {  	s7 =	simm.s32 @!p0 $0x3  }
0x10e: {  	_ =	swait.ge @!p0 [sflag:s7], $0x500  }
0x10f: {  	[sflag:s7] =	ssyncset.done @!p0 $0x0  }
0x110: {  	[sflag:s7] =	ssyncadd.s32 @!p0 $0xFFFFFB00  }
0x111: {  	_ =	swait.ge @!p0 [sflag:s7], $0x500  }
0x112: {  	[sflag:s7] =	ssyncset.done @!p0 $0x0  }
0x113: {  	[sflag:s7] =	ssyncadd.s32 @!p0 $0xFFFFFB00  }
0x114: {  	_ =	swait.ge @!p0 [sflag:s7], $0x500  }
0x115: {  	[sflag:s7] =	ssyncset.done @!p0 $0x0  }
0x116: {  	[sflag:s7] =	ssyncadd.s32 @!p0 $0xFFFFFB00  }
0x117: {  	_ =	swait.ge @!p0 [sflag:s7], $0x500  }
0x118: {  	[sflag:s7] =	ssyncset.done @!p0 $0x0  }
0x119: {  	[sflag:s7] =	ssyncadd.s32 @!p0 $0xFFFFFB00  }
0x11a: {  	_ =	swait.ge @!p0 [sflag:s7], $0x500  }
0x11b: {  	[sflag:s7] =	ssyncset.done @!p0 $0x0  }
0x11c: {  	s6 =	sshra.s32 s6, $0x2;
	[sflag:s7] =	ssyncadd.s32 @!p0 $0xFFFFFB00  }
0x11d: {  	[tilespmem:s22], [sflag:$0x1] =	stream.indirect.gather [hbm4b:s4+s21], $0x10, s6, s21, $0xb8;
	[tilespmem:$0xA820] =	vst v63  }
0x11e: {  	s8 =	sadd.s32 $0x50, s6  }
0x11f: {  	[tilespmem:s23], [sflag:$0x1] =	stream.indirect.gather [hbm4b:s4+s21], $0x10, s8, s21, $0xb8;
	[tilespmem:$0xA820] =	vst v63  }
0x120: {  	s9 =	sadd.s32 $0xA0, s6  }
0x121: {  	[tilespmem:s24], [sflag:$0x1] =	stream.indirect.gather [hbm4b:s4+s21], $0x10, s9, s21, $0xb8;
	[tilespmem:$0xA820] =	vst v63  }
0x122: {  	s10 =	sadd.s32 $0xF0, s6  }
0x123: {  	[tilespmem:s25], [sflag:$0x1] =	stream.indirect.gather [hbm4b:s4+s21], $0x10, s10, s21, $0xb8;
	[tilespmem:$0xA820] =	vst v63  }
0x124: {  	s8 =	sadd.s32 $0x140, s6  }
0x125: {  	[tilespmem:s26], [sflag:$0x1] =	stream.indirect.gather [hbm4b:s4+s21], $0x10, s8, s21, $0xb8;
	[tilespmem:$0xA820] =	vst v63  }
0x126: {  	_ =	swait.ge [sflag:s20], $0x500  }
0x127: {  	[sflag:s20] =	ssyncset.done $0x0  }
0x128: {  	[sflag:s20] =	ssyncadd.s32 $0xFFFFFB00  }
0x129: {  	_ =	swait.ge [sflag:s20], $0x500  }
0x12a: {  	[sflag:s20] =	ssyncset.done $0x0  }
0x12b: {  	[sflag:s20] =	ssyncadd.s32 $0xFFFFFB00  }
0x12c: {  	_ =	swait.ge [sflag:s20], $0x500  }
0x12d: {  	[sflag:s20] =	ssyncset.done $0x0  }
0x12e: {  	[sflag:s20] =	ssyncadd.s32 $0xFFFFFB00  }
0x12f: {  	_ =	swait.ge [sflag:s20], $0x500  }
0x130: {  	[sflag:s20] =	ssyncset.done $0x0  }
0x131: {  	[sflag:s20] =	ssyncadd.s32 $0xFFFFFB00  }
0x132: {  	_ =	swait.ge [sflag:s20], $0x500  }
0x133: {  	[sflag:s20] =	ssyncset.done $0x0  }
0x134: {  	s9 =	sadd.s32 $0x2710, s6;
	[sflag:s20] =	ssyncadd.s32 $0xFFFFFB00  }
0x135: {  	[spmem:s2] =	stream.indirect.scatter.add.f32 [tilespmem:s22], [sflag:$0x3], $0x10, s9, s21, $0xb8;
	[tilespmem:$0xA820] =	vst v63  }
0x136: {  	s10 =	sadd.s32 $0x2760, s6  }
0x137: {  	[spmem:s2] =	stream.indirect.scatter.add.f32 [tilespmem:s23], [sflag:$0x3], $0x10, s10, s21, $0xb8;
	[tilespmem:$0xA820] =	vst v63  }
0x138: {  	s8 =	sadd.s32 $0x27B0, s6  }
0x139: {  	[spmem:s2] =	stream.indirect.scatter.add.f32 [tilespmem:s24], [sflag:$0x3], $0x10, s8, s21, $0xb8;
	[tilespmem:$0xA820] =	vst v63  }
0x13a: {  	s9 =	sadd.s32 $0x2800, s6  }
0x13b: {  	[spmem:s2] =	stream.indirect.scatter.add.f32 [tilespmem:s25], [sflag:$0x3], $0x10, s9, s21, $0xb8;
	[tilespmem:$0xA820] =	vst v63  }
0x13c: {  	s7 =	simm.s32 @!p0 $0x4;
	s10 =	sadd.s32 $0x2850, s6  }
0x13d: {  	[spmem:s2] =	stream.indirect.scatter.add.f32 [tilespmem:s26], [sflag:$0x3], $0x10, s10, s21, $0xb8;
	[tilespmem:$0xA820] =	vst v63  }
0x13e: {  	_ =	swait.ge @!p0 [sflag:s7], $0x500  }
0x13f: {  	[sflag:s7] =	ssyncset.done @!p0 $0x0  }
0x140: {  	[sflag:s7] =	ssyncadd.s32 @!p0 $0xFFFFFB00  }
0x141: {  	_ =	swait.ge @!p0 [sflag:s7], $0x500  }
0x142: {  	[sflag:s7] =	ssyncset.done @!p0 $0x0  }
0x143: {  	[sflag:s7] =	ssyncadd.s32 @!p0 $0xFFFFFB00  }
0x144: {  	_ =	swait.ge @!p0 [sflag:s7], $0x500  }
0x145: {  	[sflag:s7] =	ssyncset.done @!p0 $0x0  }
0x146: {  	[sflag:s7] =	ssyncadd.s32 @!p0 $0xFFFFFB00  }
0x147: {  	_ =	swait.ge @!p0 [sflag:s7], $0x500  }
0x148: {  	[sflag:s7] =	ssyncset.done @!p0 $0x0  }
0x149: {  	[sflag:s7] =	ssyncadd.s32 @!p0 $0xFFFFFB00  }
0x14a: {  	_ =	swait.ge @!p0 [sflag:s7], $0x500  }
0x14b: {  	[sflag:s7] =	ssyncset.done @!p0 $0x0  }
0x14c: {  	s8 =	sadd.s32 $0x190, s6;
	[sflag:s7] =	ssyncadd.s32 @!p0 $0xFFFFFB00  }
0x14d: {  	[tilespmem:s17], [sflag:$0x2] =	stream.indirect.gather [hbm4b:s4+s21], $0x10, s8, s21, $0xb8;
	[tilespmem:$0xA820] =	vst v63  }
0x14e: {  	s9 =	sadd.s32 $0x1E0, s6  }
0x14f: {  	[tilespmem:s28], [sflag:$0x2] =	stream.indirect.gather [hbm4b:s4+s21], $0x10, s9, s21, $0xb8;
	[tilespmem:$0xA820] =	vst v63  }
0x150: {  	s10 =	sadd.s32 $0x230, s6  }
0x151: {  	[tilespmem:s29], [sflag:$0x2] =	stream.indirect.gather [hbm4b:s4+s21], $0x10, s10, s21, $0xb8;
	[tilespmem:$0xA820] =	vst v63  }
0x152: {  	s8 =	sadd.s32 $0x280, s6  }
0x153: {  	[tilespmem:s30], [sflag:$0x2] =	stream.indirect.gather [hbm4b:s4+s21], $0x10, s8, s21, $0xb8;
	[tilespmem:$0xA820] =	vst v63  }
0x154: {  	s9 =	sadd.s32 $0x2D0, s6  }
0x155: {  	[tilespmem:s31], [sflag:$0x2] =	stream.indirect.gather [hbm4b:s4+s21], $0x10, s9, s21, $0xb8;
	[tilespmem:$0xA820] =	vst v63  }
0x156: {  	_ =	swait.ge [sflag:s1], $0x500  }
0x157: {  	[sflag:s1] =	ssyncset.done $0x0  }
0x158: {  	[sflag:s1] =	ssyncadd.s32 $0xFFFFFB00  }
0x159: {  	_ =	swait.ge [sflag:s1], $0x500  }
0x15a: {  	[sflag:s1] =	ssyncset.done $0x0  }
0x15b: {  	[sflag:s1] =	ssyncadd.s32 $0xFFFFFB00  }
0x15c: {  	_ =	swait.ge [sflag:s1], $0x500  }
0x15d: {  	[sflag:s1] =	ssyncset.done $0x0  }
0x15e: {  	[sflag:s1] =	ssyncadd.s32 $0xFFFFFB00  }
0x15f: {  	_ =	swait.ge [sflag:s1], $0x500  }
0x160: {  	[sflag:s1] =	ssyncset.done $0x0  }
0x161: {  	[sflag:s1] =	ssyncadd.s32 $0xFFFFFB00  }
0x162: {  	_ =	swait.ge [sflag:s1], $0x500  }
0x163: {  	[sflag:s1] =	ssyncset.done $0x0  }
0x164: {  	s10 =	sadd.s32 $0x28A0, s6;
	[sflag:s1] =	ssyncadd.s32 $0xFFFFFB00  }
0x165: {  	[spmem:s2] =	stream.indirect.scatter.add.f32 [tilespmem:s17], [sflag:$0x4], $0x10, s10, s21, $0xb8;
	[tilespmem:$0xA820] =	vst v63  }
0x166: {  	s8 =	sadd.s32 $0x28F0, s6  }
0x167: {  	[spmem:s2] =	stream.indirect.scatter.add.f32 [tilespmem:s28], [sflag:$0x4], $0x10, s8, s21, $0xb8;
	[tilespmem:$0xA820] =	vst v63  }
0x168: {  	s9 =	sadd.s32 $0x2940, s6  }
0x169: {  	[spmem:s2] =	stream.indirect.scatter.add.f32 [tilespmem:s29], [sflag:$0x4], $0x10, s9, s21, $0xb8;
	[tilespmem:$0xA820] =	vst v63  }
0x16a: {  	s10 =	sadd.s32 $0x2990, s6  }
0x16b: {  	[spmem:s2] =	stream.indirect.scatter.add.f32 [tilespmem:s30], [sflag:$0x4], $0x10, s10, s21, $0xb8;
	[tilespmem:$0xA820] =	vst v63  }
0x16c: {  	s6 =	sadd.s32 $0x29E0, s6  }
0x16d: {  	[spmem:s2] =	stream.indirect.scatter.add.f32 [tilespmem:s31], [sflag:$0x4], $0x10, s6, s21, $0xb8;
	[tilespmem:$0xA820] =	vst v63  }
0x16e: {  	_ =	swait.ge [sflag:s19], $0x500  }
0x16f: {  	[sflag:s19] =	ssyncset.done $0x0  }
0x170: {  	[sflag:s19] =	ssyncadd.s32 $0xFFFFFB00  }
0x171: {  	_ =	swait.ge [sflag:s19], $0x500  }
0x172: {  	[sflag:s19] =	ssyncset.done $0x0  }
0x173: {  	[sflag:s19] =	ssyncadd.s32 $0xFFFFFB00  }
0x174: {  	_ =	swait.ge [sflag:s19], $0x500  }
0x175: {  	[sflag:s19] =	ssyncset.done $0x0  }
0x176: {  	[sflag:s19] =	ssyncadd.s32 $0xFFFFFB00  }
0x177: {  	_ =	swait.ge [sflag:s19], $0x500  }
0x178: {  	[sflag:s19] =	ssyncset.done $0x0  }
0x179: {  	[sflag:s19] =	ssyncadd.s32 $0xFFFFFB00  }
0x17a: {  	_ =	swait.ge [sflag:s19], $0x500  }
0x17b: {  	[sflag:s19] =	ssyncset.done $0x0  }
0x17c: {  	s7 =	simm.s32 $0x2580;
	[sflag:s19] =	ssyncadd.s32 $0xFFFFFB00  }
0x17d: {  	[tilespmem:s22], [sflag:$0x1] =	stream.indirect.gather [hbm4b:s4+s21], $0x10, s7, s21, $0xb8;
	[tilespmem:$0xA820] =	vst v63  }
0x17e: {  	s8 =	simm.s32 $0x25D0  }
0x17f: {  	[tilespmem:s23], [sflag:$0x1] =	stream.indirect.gather [hbm4b:s4+s21], $0x10, s8, s21, $0xb8;
	[tilespmem:$0xA820] =	vst v63  }
0x180: {  	s9 =	simm.s32 $0x2620  }
0x181: {  	[tilespmem:s24], [sflag:$0x1] =	stream.indirect.gather [hbm4b:s4+s21], $0x10, s9, s21, $0xb8;
	[tilespmem:$0xA820] =	vst v63  }
0x182: {  	s10 =	simm.s32 $0x2670  }
0x183: {  	[tilespmem:s25], [sflag:$0x1] =	stream.indirect.gather [hbm4b:s4+s21], $0x10, s10, s21, $0xb8;
	[tilespmem:$0xA820] =	vst v63  }
0x184: {  	s7 =	simm.s32 $0x26C0  }
0x185: {  	[tilespmem:s26], [sflag:$0x1] =	stream.indirect.gather [hbm4b:s4+s21], $0x10, s7, s21, $0xb8;
	[tilespmem:$0xA820] =	vst v63  }
0x186: {  	_ =	swait.ge [sflag:s20], $0x500  }
0x187: {  	[sflag:s20] =	ssyncset.done $0x0  }
0x188: {  	[sflag:s20] =	ssyncadd.s32 $0xFFFFFB00  }
0x189: {  	_ =	swait.ge [sflag:s20], $0x500  }
0x18a: {  	[sflag:s20] =	ssyncset.done $0x0  }
0x18b: {  	[sflag:s20] =	ssyncadd.s32 $0xFFFFFB00  }
0x18c: {  	_ =	swait.ge [sflag:s20], $0x500  }
0x18d: {  	[sflag:s20] =	ssyncset.done $0x0  }
0x18e: {  	[sflag:s20] =	ssyncadd.s32 $0xFFFFFB00  }
0x18f: {  	_ =	swait.ge [sflag:s20], $0x500  }
0x190: {  	[sflag:s20] =	ssyncset.done $0x0  }
0x191: {  	[sflag:s20] =	ssyncadd.s32 $0xFFFFFB00  }
0x192: {  	_ =	swait.ge [sflag:s20], $0x500  }
0x193: {  	[sflag:s20] =	ssyncset.done $0x0  }
0x194: {  	s8 =	simm.s32 $0x4C90;
	[sflag:s20] =	ssyncadd.s32 $0xFFFFFB00  }
0x195: {  	[spmem:s2] =	stream.indirect.scatter.add.f32 [tilespmem:s22], [sflag:$0x3], $0x10, s8, s21, $0xb8;
	[tilespmem:$0xA820] =	vst v63  }
0x196: {  	s9 =	simm.s32 $0x4CE0  }
0x197: {  	[spmem:s2] =	stream.indirect.scatter.add.f32 [tilespmem:s23], [sflag:$0x3], $0x10, s9, s21, $0xb8;
	[tilespmem:$0xA820] =	vst v63  }
0x198: {  	s10 =	simm.s32 $0x4D30  }
0x199: {  	[spmem:s2] =	stream.indirect.scatter.add.f32 [tilespmem:s24], [sflag:$0x3], $0x10, s10, s21, $0xb8;
	[tilespmem:$0xA820] =	vst v63  }
0x19a: {  	s7 =	simm.s32 $0x4D80  }
0x19b: {  	[spmem:s2] =	stream.indirect.scatter.add.f32 [tilespmem:s25], [sflag:$0x3], $0x10, s7, s21, $0xb8;
	[tilespmem:$0xA820] =	vst v63  }
0x19c: {  	s8 =	simm.s32 $0x4DD0  }
0x19d: {  	[spmem:s2] =	stream.indirect.scatter.add.f32 [tilespmem:s26], [sflag:$0x3], $0x10, s8, s21, $0xb8;
	[tilespmem:$0xA820] =	vst v63  }
0x19e: {  	_ =	swait.ge [sflag:s19], $0x500  }
0x19f: {  	[sflag:s19] =	ssyncset.done $0x0  }
0x1a0: {  	[sflag:s19] =	ssyncadd.s32 $0xFFFFFB00  }
0x1a1: {  	_ =	swait.ge [sflag:s19], $0x500  }
0x1a2: {  	[sflag:s19] =	ssyncset.done $0x0  }
0x1a3: {  	[sflag:s19] =	ssyncadd.s32 $0xFFFFFB00  }
0x1a4: {  	_ =	swait.ge [sflag:s19], $0x500  }
0x1a5: {  	[sflag:s19] =	ssyncset.done $0x0  }
0x1a6: {  	[sflag:s19] =	ssyncadd.s32 $0xFFFFFB00  }
0x1a7: {  	_ =	swait.ge [sflag:s19], $0x500  }
0x1a8: {  	[sflag:s19] =	ssyncset.done $0x0  }
0x1a9: {  	[sflag:s19] =	ssyncadd.s32 $0xFFFFFB00  }
0x1aa: {  	_ =	swait.ge [sflag:s19], $0x500  }
0x1ab: {  	[sflag:s19] =	ssyncset.done $0x0  }
0x1ac: {  	[sflag:s19] =	ssyncadd.s32 $0xFFFFFB00  }
0x1ad: {  	_ =	swait.ge [sflag:s0], $0x500  }
0x1ae: {  	[sflag:s0] =	ssyncset.done $0x0  }
0x1af: {  	[sflag:s0] =	ssyncadd.s32 $0xFFFFFB00  }
0x1b0: {  	_ =	swait.ge [sflag:s0], $0x500  }
0x1b1: {  	[sflag:s0] =	ssyncset.done $0x0  }
0x1b2: {  	[sflag:s0] =	ssyncadd.s32 $0xFFFFFB00  }
0x1b3: {  	_ =	swait.ge [sflag:s0], $0x500  }
0x1b4: {  	[sflag:s0] =	ssyncset.done $0x0  }
0x1b5: {  	[sflag:s0] =	ssyncadd.s32 $0xFFFFFB00  }
0x1b6: {  	_ =	swait.ge [sflag:s0], $0x500  }
0x1b7: {  	[sflag:s0] =	ssyncset.done $0x0  }
0x1b8: {  	[sflag:s0] =	ssyncadd.s32 $0xFFFFFB00  }
0x1b9: {  	s9 =	stileid.u32;
	_ =	swait.ge [sflag:s0], $0x500  }
0x1ba: {  	s3 =	sadd.s32 $0x1, s3;
	s6 =	sshll.u32 s9, $0x6;
	[sflag:s0] =	ssyncset.done $0x0  }
0x1bb: {  	p0 =	sne.s32 s3, s16;
	s6 =	sor.u32 $0x1C05, s6;
	[sflag:s0] =	ssyncadd.s32 $0xFFFFFB00  }
.Ltmp2:
0x1bc: {  	s10 =	sshrl.u32 s5, $0x3;
	[bflag:$0x0] =	sbarrier.arrive $0xFFFF;
	(pc) =	sbr.rel @p0 .LBB2_1-.Ltmp2, $4  }
0x1bd: {  	[hbm:s15], [sflag:s6] =	dma.local [spmem:s10], $0x500  }
0x1be: {  	_ =	swait.ge [sflag:s18], $0x500  }
0x1bf: {  	[sflag:s18] =	ssyncset.done $0x0  }
0x1c0: {  	[sflag:s18] =	ssyncadd.s32 $0xFFFFFB00  }
0x1c1: {  	_ =	sfence.sel $0x180000  }
0x1c2: {  	[bflag:$0x0] =	sbarrier.arrive $0xFFFF  }
0x1c3: {  	_ =	strace $0x9000004D  }
0x1c4: {  	s0 =	stileid.u32;
	[bflag:$0x2] =	sbarrier.arrive $0xFFFF  }
0x1c5: {  	p0 =	sne.s32 s0, $0x0;
	s0 =	rddreg [dreg:$0x2]  }
0x1c6: {  	s0 =	sadd.s32 @!p0 $0x100000, s0  }
0x1c7: {  	[sflag:s0] =	ssyncadd.tile.s32 @!p0 $0x1;
	_ =	shalt  }
.Lfunc_end2:
_tile_overlayer_lowered:
.L_overlay_start_2:
0x1c8: {  	(tag) =	ssettag $0x2  }
0x1c9: {  	s0 =	rddreg [dreg:$0x0];
	s2 =	stileid.u32  }
0x1ca: {  	s1 =	rddreg [dreg:$0x1];
	p0 =	sne.s32 s2, $0x0  }
0x1cb: {  	s3 =	rddreg [dreg:$0x2];
	[bflag:$0x3] =	sbarrier.arrive $0xFFFF;
	s2 =	simm.s32 @!p0 $0x1C05  }
0x1cc: {  	[timem:s3], [sflag:s2] =	dma.local @!p0 [hbm:s0], s1  }
0x1cd: {  	s0 =	simm.s32 @!p0 $0x5  }
0x1ce: {  	_ =	swait.ge @!p0 [sflag:s0], s1  }
0x1cf: {  	s1 =	ssub.s32 @!p0 $0x0, s1;
	[sflag:s0] =	ssyncset.done @!p0 $0x0  }
0x1d0: {  	[sflag:s0] =	ssyncadd.s32 @!p0 s1  }
0x1d1: {  	[bflag:$0x3] =	sbarrier.arrive $0xFFFF  }
0x1d2: {  	_ =	shalt  }

// kernel: kernel.9.cloned.1.call-start
scs
__scs_entry_jumppad:
0x0: {  	(pc) =	sbr.rel $0x88, $3  }
0x1: {  	(tag) =	ssettag $0x0;
	lr =	simm.s32 $0x1  }
0x2: {  	[smem:$0x3F97] =	sst lr;
	_ =	strace $0xD0000000  }
0x3: {  	_ = 	snop  }
0x4: {  	_ = 	snop  }
0x5: {  	_ = 	snop  }
0x6: {  	_ = 	snop  }
0x7: {  	_ = 	snop  }
__scs_overlays_trampoline_lowered:
0x8: {  	[smem:$0x3FA6] =	sst s0  }
0x9: {  	[smem:$0x3FA7] =	sst s1  }
0xa: {  	[smem:$0x3FA8] =	sst s2  }
0xb: {  	[smem:$0x3FA9] =	sst s3  }
0xc: {  	[smem:$0x3FAA] =	sst s4  }
0xd: {  	[smem:$0x3FAB] =	sst s5  }
0xe: {  	[smem:$0x3FAC] =	sst s6  }
0xf: {  	[smem:$0x3FAD] =	sst s7  }
0x10: {  	[smem:$0x3FAE] =	sst s8  }
0x11: {  	[smem:$0x3FAF] =	sst s9;
	s0 =	simm.s32 @!p0 $0x0  }
0x12: {  	s1 =	sld [smem:$0x3F95];
	s0 =	simm.s32 @p0 $0x1  }
0x13: {  	[smem:$0x3FB0] =	sst s0;
	s0 =	simm.s32 @!p1 $0x0  }
0x14: {  	s2 =	sld [smem:$0x3F94];
	s0 =	simm.s32 @p1 $0x1  }
0x15: {  	[smem:$0x3FB1] =	sst s0;
	s0 =	simm.s32 @!p2 $0x0  }
0x16: {  	s3 =	sld [smem:$0x3FDB];
	s0 =	simm.s32 @p2 $0x1  }
0x17: {  	s4 =	simm.s32 $0x1BF5;
	[smem:$0x3FB3] =	sst s0  }
0x18: {  	s0 =	sld [smem:$0x3F96];
	_ =	swait.ge [sflag:s4], $0x0  }
0x19: {  	s7 =	sld [smem:$0x3F97]  }
0x1a: {  	s8 =	sadd.s32 $0xFFFFE003, lr  }
0x1b: {  	s9 =	sadd.s32 $0xFFFFFEF7, lr;
	s5 =	simm.s32 $0xFFFFFFFF;
	p2 =	slt.u32 s8, $0xFFFFF086  }
0x1c: {  	p1 =	slt.u32 s9, $0xF7A;
	s5 =	simm.s32 @!p2 $0x0  }
0x1d: {  	s5 =	simm.s32 @p1 $0x1;
	p0 =	seq.s32 s7, s2  }
0x1e: {  	s7 =	smul.u32 @!p0 $0xF7A, s2;
	p2 =	seq.s32 @!p0 s5, $0x0  }
0x1f: {  	s9 =	smul.u32 $0xF7A, s1;
	s8 =	simm.s32 @!p0 $0x1BF5;
	p2 =	por !p2, p0  }
0x20: {  	[sflag:s8] =	ssyncset.s32 @!p0 $0xFFFFF086;
	s6 =	sadd.s32 @!p0 s3, s7;
	s7 =	simm.s32 @!p0 $0x108  }
0x21: {  	s3 =	sadd.s32 s3, s9;
	s6 =	sadd.s32 @!p0 $0x88, s6;
	s7 =	simm.s32 @p2 $0x1082  }
0x22: {  	[simem:s7], [sflag:s8] =	dma.local @!p0 [hbm:s6], $0xF7A  }
0x23: {  	s9 =	sor.u32 $0xD0000000, s2;
	s6 =	simm.s32 $0x108;
	_ =	swait.ge @!p0 [sflag:s8], $0x0  }
0x24: {  	s3 =	sadd.s32 $0x88, s3;
	s6 =	simm.s32 @!p1 $0x1082;
	[sflag:s4] =	ssyncset.s32 $0xFFFFF086  }
0x25: {  	[simem:s6], [sflag:s4] =	dma.local [hbm:s3], $0xF7A  }
0x26: {  	[smem:$0x3F97] =	sst s1;
	(tag) =	ssettag s2;
	_ =	strace s9  }
0x27: {  	s1 =	sld [smem:$0x3FA7]  }
0x28: {  	s2 =	sld [smem:$0x3FA8]  }
0x29: {  	s4 =	sld [smem:$0x3FAA]  }
0x2a: {  	p0 =	seq.s32 s5, $0x0;
	s5 =	sld [smem:$0x3FAB]  }
0x2b: {  	s6 =	sld [smem:$0x3FAC]  }
0x2c: {  	s7 =	sld [smem:$0x3FAD]  }
0x2d: {  	s3 =	simm.s32 $0x108;
	s8 =	sld [smem:$0x3FAE]  }
0x2e: {  	s3 =	simm.s32 @!p0 $0x1082;
	s9 =	sld [smem:$0x3FAF]  }
0x2f: {  	lr =	sadd.s32 s0, s3;
	s0 =	sld [smem:$0x3FA6]  }
0x30: {  	s3 =	sld [smem:$0x3FA9]  }
0x31: {  	[smem:$0x3FB2] =	sst s10  }
0x32: {  	s10 =	sld [smem:$0x3FB0];
	_ =	sdelay $0x3  }
0x33: {  	p0 =	seq.s32 s10, $0x1;
	s10 =	sld [smem:$0x3FB2];
	_ =	sdelay $0x3  }
0x34: {  	[smem:$0x3FB2] =	sst s10  }
0x35: {  	s10 =	sld [smem:$0x3FB1];
	_ =	sdelay $0x3  }
0x36: {  	p1 =	seq.s32 s10, $0x1;
	s10 =	sld [smem:$0x3FB2];
	_ =	sdelay $0x3  }
0x37: {  	[smem:$0x3FB2] =	sst s10  }
0x38: {  	s10 =	sld [smem:$0x3FB3]  }
0x39: {  	_ = 	snop;
	(pc) =	sbr.ind lr, $3  }
0x3a: {  	_ = 	snop  }
0x3b: {  	_ = 	snop  }
0x3c: {  	p2 =	seq.s32 s10, $0x1;
	s10 =	sld [smem:$0x3FB2]  }
0x3d: {  	_ =	shalt  }
0x3e: {  	_ =	shalt  }
0x3f: {  	_ =	shalt  }
0x40: {  	_ =	shalt  }
0x41: {  	_ =	shalt  }
0x42: {  	_ =	shalt  }
0x43: {  	_ =	shalt  }
0x44: {  	_ =	shalt  }
0x45: {  	_ =	shalt  }
0x46: {  	_ =	shalt  }
0x47: {  	_ =	shalt  }
0x48: {  	_ =	shalt  }
0x49: {  	_ =	shalt  }
0x4a: {  	_ =	shalt  }
0x4b: {  	_ =	shalt  }
0x4c: {  	_ =	shalt  }
0x4d: {  	_ =	shalt  }
0x4e: {  	_ =	shalt  }
0x4f: {  	_ =	shalt  }
0x50: {  	_ =	shalt  }
0x51: {  	_ =	shalt  }
0x52: {  	_ =	shalt  }
0x53: {  	_ =	shalt  }
0x54: {  	_ =	shalt  }
0x55: {  	_ =	shalt  }
0x56: {  	_ =	shalt  }
0x57: {  	_ =	shalt  }
0x58: {  	_ =	shalt  }
0x59: {  	_ =	shalt  }
0x5a: {  	_ =	shalt  }
0x5b: {  	_ =	shalt  }
0x5c: {  	_ =	shalt  }
0x5d: {  	_ =	shalt  }
0x5e: {  	_ =	shalt  }
0x5f: {  	_ =	shalt  }
0x60: {  	_ =	shalt  }
0x61: {  	_ =	shalt  }
0x62: {  	_ =	shalt  }
0x63: {  	_ =	shalt  }
0x64: {  	_ =	shalt  }
0x65: {  	_ =	shalt  }
0x66: {  	_ =	shalt  }
0x67: {  	_ =	shalt  }
0x68: {  	_ =	shalt  }
0x69: {  	_ =	shalt  }
0x6a: {  	_ =	shalt  }
0x6b: {  	_ =	shalt  }
0x6c: {  	_ =	shalt  }
0x6d: {  	_ =	shalt  }
0x6e: {  	_ =	shalt  }
0x6f: {  	_ =	shalt  }
0x70: {  	_ =	shalt  }
0x71: {  	_ =	shalt  }
0x72: {  	_ =	shalt  }
0x73: {  	_ =	shalt  }
0x74: {  	_ =	shalt  }
0x75: {  	_ =	shalt  }
0x76: {  	_ =	shalt  }
0x77: {  	_ =	shalt  }
0x78: {  	_ =	shalt  }
0x79: {  	_ =	shalt  }
0x7a: {  	_ =	shalt  }
0x7b: {  	_ =	shalt  }
0x7c: {  	_ =	shalt  }
0x7d: {  	_ =	shalt  }
0x7e: {  	_ =	shalt  }
0x7f: {  	_ =	shalt  }
0x80: {  	_ =	shalt  }
0x81: {  	_ =	shalt  }
0x82: {  	_ =	shalt  }
0x83: {  	_ =	shalt  }
0x84: {  	_ =	shalt  }
0x85: {  	_ =	shalt  }
0x86: {  	_ =	shalt  }
0x87: {  	_ =	shalt  }
.Lfunc_end0:
.L_simem_size_0:
called_computation_lowered:
.L_overlay_start_0:
0x88: {  	s2 =	sld [smem:$0x3FD9]  }
0x89: {  	s3 =	sld [smem:$0x3FFE];
	_ =	sdelay $0x1  }
0x8a: {  	s1 =	srdreg.scid  }
0x8b: {  	s0 =	sand.u32 $0x1, s1  }
0x8c: {  	s17 =	sshll.u32 s0, $0xA;
	s2 =	sadd.s32 s3, s2  }
0x8d: {  	s2 =	sadd.s32 s2, s17  }
0x8e: {  	[smem:$0x3FBE] =	sst s2  }
0x8f: {  	_ = 	snop  }
0x90: {  	s2 =	sld [smem:$0x3FD0];
	(tm) =	ssettm $0x1  }
0x91: {  	s18 =	sld [smem:$0x3FFB];
	_ =	sdelay $0x3  }
0x92: {  	_ =	strace s18  }
0x93: {  	s3 =	sld [smem:$0x3FFC];
	_ =	sdelay $0x3  }
0x94: {  	_ =	strace s3  }
0x95: {  	s3 =	sld [smem:$0x3FFD];
	_ =	sdelay $0x3  }
0x96: {  	_ =	strace s3  }
0x97: {  	_ =	strace $0x8FFFFFFF  }
0x98: {  	s19 =	sld [smem:$0x3FDB];
	_ =	sdelay $0x1  }
0x99: {  	s4 =	simm.s32 $_scs_section_size  }
0x9a: {  	s5 =	simm.s32 $_size__tile_overlayer_lowered;
	s6 =	simm.s32 $_tile_overlayer_lowered  }
0x9b: {  	s22 =	simm.s32 $0x1BFF;
	s21 =	sshll.u32 s6, $0x1;
	s3 =	sadd.s32 s4, s19  }
0x9c: {  	s7 =	simm.s32 $0x0;
	s20 =	sshll.u32 s5, $0x1;
	s5 =	sadd.s32 s21, s3  }
0x9d: {  	[timem:s7], [sflag:s22] =	dma.local [hbm:s5], s20  }
0x9e: {  	_ =	swait.ge [sflag:s22], s20  }
0x9f: {  	s4 =	ssub.s32 $0x0, s20;
	[sflag:s22] =	ssyncset.done $0x0  }
0xa0: {  	[sflag:s22] =	ssyncadd.s32 s4;
	_ =	sdelay $0x1  }
0xa1: {  	s23 =	simm.s32 $0x1B8B  }
0xa2: {  	_ =	swait.ge [sflag:s23], $0x1  }
0xa3: {  	[sflag:s23] =	ssyncset.done $0x0  }
0xa4: {  	s25 =	simm.s32 $0x1B8E;
	s24 =	sld [smem:$0x3FFE];
	[sflag:s23] =	ssyncadd.s32 $0xFFFFFFFF  }
0xa5: {  	s26 =	simm.s32 $execute0_lowered;
	[smem:$0x3FD2] =	sst s25  }
0xa6: {  	s5 =	sshll.u32 s26, $0x1;
	_ =	strace $0x80000046;
	[dreg:$0x1] =	wrdreg $0xFFFFFFFF  }
0xa7: {  	s28 =	simm.s32 $_size_execute0_lowered;
	s3 =	sadd.s32 s3, s5;
	[dreg:$0x0] =	wrdreg $0x0  }
0xa8: {  	s5 =	sshll.u32 s28, $0x1;
	[dreg:$0x2] =	wrdreg s3  }
0xa9: {  	[dreg:$0x3] =	wrdreg s5  }
0xaa: {  	[dreg:$0x4] =	wrdreg $0xC0  }
0xab: {  	_ =	task [dreg:s7], $0x5FFFF  }
0xac: {  	[dreg:$0x1] =	wrdreg $0xFFFFFFFF  }
0xad: {  	[dreg:$0x0] =	wrdreg $0x60  }
0xae: {  	[dreg:$0x2] =	wrdreg s24  }
0xaf: {  	[dreg:$0x3] =	wrdreg s2  }
0xb0: {  	[dreg:$0x4] =	wrdreg $0x59100  }
0xb1: {  	[dreg:$0x5] =	wrdreg $0x9  }
0xb2: {  	_ =	task.clear_ibuf [dreg:s7], $0x6FFFF;
	_ =	strace $0x90000046  }
0xb3: {  	s29 =	simm.s32 $0x9;
	_ =	strace $0x80000048  }
0xb4: {  	_ =	swait.ge [sflag:s29], $0x1  }
0xb5: {  	[sflag:s29] =	ssyncadd.s32 $0xFFFFFFFF  }
0xb6: {  	_ =	strace $0x90000048  }
0xb7: {  	_ =	sfence  }
0xb8: {  	s30 =	sld [smem:$0x0];
	_ =	sdelay $0x2  }
0xb9: {  	s31 =	sshll.u32 s1, $0xD;
	s1 =	sshrl.u32 s1, $0x2  }
0xba: {  	s3 =	sand.u32 $0x4000, s31;
	s1 =	sadd.s32 s1, s30  }
0xbb: {  	s0 =	sor.u32 s3, s0;
	s1 =	sshll.u32 s1, $0x11  }
0xbc: {  	s0 =	sor.u32 s1, s0  }
0xbd: {  	s0 =	sadd.s32 $0x8F2B, s0  }
0xbe: {  	[sflag:s0] =	ssyncadd.remote.s32 $0x1  }
0xbf: {  	_ =	sfence.sel $0xFFFF  }
0xc0: {  	[dreg:$0x0] =	wrdreg $0xFFFFFFFF;
	(pc) =	sbr.abs _section_cstart, $3  }
0xc1: {  	[dreg:$0x1] =	wrdreg $0xFFFFFFFF  }
0xc2: {  	_ =	task.clear_ibuf [dreg:s7], $0x2FFFF;
	_ =	strace $0x9FFFFFFF  }
0xc3: {  	(tm) =	ssettm $0x7FFFFFFF  }
tec
execute0_lowered:
.L_overlay_start_1:
0x0: {  	(tag) =	ssettag $0x1  }
0x1: {  	s11 =	rddreg [dreg:$0x0]  }
0x2: {  	s1 =	srdreg.scid;
	s2 =	rddreg [dreg:$0x1]  }
0x3: {  	s0 =	stileid.u32;
	s3 =	rddreg [dreg:$0x2]  }
0x4: {  	s4 =	simm.s32 $0x0;
	s16 =	simm.s32 $0x4010;
	s17 =	simm.s32 $0x2710  }
0x5: {  	s18 =	simm.s32 $0x3;
	s19 =	simm.s32 $0x1;
	s20 =	simm.s32 $0x50  }
0x6: {  	s21 =	simm.s32 $0xA0;
	s22 =	simm.s32 $0xF0;
	s23 =	simm.s32 $0x140  }
0x7: {  	s24 =	simm.s32 $0x2;
	s5 =	sand.u32 $0x1, s1;
	s6 =	smul.u32 $0x2800, s0  }
0x8: {  	s25 =	simm.s32 $0x0;
	[smem:$0x7FF] =	sst s4;
	s7 =	smul.u32 $0x28000, s5  }
0x9: {  	s1 =	rddreg [dreg:$0x3];
	s8 =	smul.u32 $0xA000, s0;
	_ =	strace $0x80000047  }
0xa: {  	s31 =	sshll.u32 s5, $0x4;
	s5 =	ssub.s32 $0x2, s5;
	s7 =	sadd.s32 s6, s7  }
0xb: {  	s8 =	sshrl.u32 s8, $0x2;
	s9 =	sshrl.u32 s5, $0x1;
	s7 =	sshrl.u32 s7, $0x3  }
0xc: {  	s12 =	sadd.s32 s8, s3;
	s14 =	sadd.s32 s7, s11;
	s7 =	sor.u32 s0, s31  }
0xd: {  	s15 =	ssub.s32 s5, s9;
	s5 =	sadd.s32 s6, s3;
	s10 =	smul.u32 $0x2710, s7  }
0xe: {  	s6 =	sadd.s32 $0x500, s12;
	s8 =	sadd.s32 $0xF00, s12;
	s9 =	sadd.s32 $0x1400, s12  }
0xf: {  	s15 =	smax.u32 s15, $0x1;
	s7 =	sadd.s32 $0xA00, s12;
	s13 =	sshrl.u32 s10, $0x3  }
0x10: {  	s14 =	sadd.s32 $0x16400, s14;
	s10 =	sadd.s32 $0x1900, s12;
	s13 =	sadd.s32 s11, s13  }
0x11: {  	v0 =	vimm.f32 $0.0e+00;
	s11 =	sadd.s32 $0x1E00, s12;
	s12 =	sadd.s32 $0x2300, s12;
	s13 =	sadd.s32 $0xC640, s13  }
.LBB2_1:
0x12: {  	s26 =	simm.s32 $0x40;
	s28 =	simm.s32 $0x0  }
.LBB2_2:
0x13: {  	p0 =	sne.s32 s26, $0x13C0;
	[tilespmem:s28+$0x4010] =	vst v0;
	s28 =	smov.u32 s26;
	s26 =	sadd.s32 $0x40, s26  }
.Ltmp0:
0x14: {  	(pc) =	sbr.rel @p0 .LBB2_2-.Ltmp0, $2  }
0x15: {  	_ =	sdelay $0x2  }
0x16: {  	s28 =	sshra.s32 s28, $0x2  }
0x17: {  	[tilespmem:s28+$0x4010] =	vst v0  }
0x18: {  	[spmem:s5] =	stream.linear.scatter [tilespmem:s16], [sflag:$0x1], $0x500, $0x38;
	[tilespmem:$0x8110] =	vst v63  }
0x19: {  	_ = 	snop  }
0x1a: {  	[spmem:s6] =	stream.linear.scatter [tilespmem:s16], [sflag:$0x1], $0x500, $0x38;
	[tilespmem:$0x8110] =	vst v63  }
0x1b: {  	_ = 	snop  }
0x1c: {  	[spmem:s7] =	stream.linear.scatter [tilespmem:s16], [sflag:$0x1], $0x500, $0x38;
	[tilespmem:$0x8110] =	vst v63  }
0x1d: {  	_ = 	snop  }
0x1e: {  	[spmem:s8] =	stream.linear.scatter [tilespmem:s16], [sflag:$0x1], $0x500, $0x38;
	[tilespmem:$0x8110] =	vst v63  }
0x1f: {  	_ = 	snop  }
0x20: {  	[spmem:s9] =	stream.linear.scatter [tilespmem:s16], [sflag:$0x1], $0x500, $0x38;
	[tilespmem:$0x8110] =	vst v63  }
0x21: {  	_ = 	snop  }
0x22: {  	[spmem:s10] =	stream.linear.scatter [tilespmem:s16], [sflag:$0x1], $0x500, $0x38;
	[tilespmem:$0x8110] =	vst v63  }
0x23: {  	_ = 	snop  }
0x24: {  	[spmem:s11] =	stream.linear.scatter [tilespmem:s16], [sflag:$0x1], $0x500, $0x38;
	[tilespmem:$0x8110] =	vst v63  }
0x25: {  	_ = 	snop  }
0x26: {  	[spmem:s12] =	stream.linear.scatter [tilespmem:s16], [sflag:$0x1], $0x500, $0x38;
	[tilespmem:$0x8110] =	vst v63  }
0x27: {  	_ = 	snop  }
0x28: {  	[tilespmem:s17], [sflag:$0x3] =	stream.linear.gather [hbm4b:s2+s4], $0x500, $0x38;
	[tilespmem:$0x8110] =	vst v63  }
0x29: {  	_ =	swait.ge [sflag:s18], $0x500  }
0x2a: {  	[sflag:s18] =	ssyncset.done $0x0  }
0x2b: {  	[sflag:s18] =	ssyncadd.s32 $0xFFFFFB00  }
0x2c: {  	[tilespmem:s4], [sflag:$0x3] =	stream.linear.gather [hbm4b:s13+s4], $0x2710, $0x38;
	[tilespmem:$0x8110] =	vst v63  }
0x2d: {  	_ =	swait.ge [sflag:s18], $0x2710  }
0x2e: {  	[sflag:s18] =	ssyncset.done $0x0  }
0x2f: {  	[sflag:s18] =	ssyncadd.s32 $0xFFFFD8F0  }
0x30: {  	_ =	swait.ge [sflag:s19], $0x500  }
0x31: {  	[sflag:s19] =	ssyncset.done $0x0  }
0x32: {  	[sflag:s19] =	ssyncadd.s32 $0xFFFFFB00  }
0x33: {  	_ =	swait.ge [sflag:s19], $0x500  }
0x34: {  	[sflag:s19] =	ssyncset.done $0x0  }
0x35: {  	[sflag:s19] =	ssyncadd.s32 $0xFFFFFB00  }
0x36: {  	_ =	swait.ge [sflag:s19], $0x500  }
0x37: {  	[sflag:s19] =	ssyncset.done $0x0  }
0x38: {  	[sflag:s19] =	ssyncadd.s32 $0xFFFFFB00  }
0x39: {  	_ =	swait.ge [sflag:s19], $0x500  }
0x3a: {  	[sflag:s19] =	ssyncset.done $0x0  }
0x3b: {  	[sflag:s19] =	ssyncadd.s32 $0xFFFFFB00  }
0x3c: {  	_ =	swait.ge [sflag:s19], $0x500  }
0x3d: {  	[sflag:s19] =	ssyncset.done $0x0  }
0x3e: {  	[sflag:s19] =	ssyncadd.s32 $0xFFFFFB00  }
0x3f: {  	_ =	swait.ge [sflag:s19], $0x500  }
0x40: {  	[sflag:s19] =	ssyncset.done $0x0  }
0x41: {  	[sflag:s19] =	ssyncadd.s32 $0xFFFFFB00  }
0x42: {  	_ =	swait.ge [sflag:s19], $0x500  }
0x43: {  	[sflag:s19] =	ssyncset.done $0x0  }
0x44: {  	[sflag:s19] =	ssyncadd.s32 $0xFFFFFB00  }
0x45: {  	_ =	swait.ge [sflag:s19], $0x500  }
0x46: {  	[sflag:s19] =	ssyncset.done $0x0  }
0x47: {  	[sflag:s19] =	ssyncadd.s32 $0xFFFFFB00  }
0x48: {  	[bflag:$0x0] =	sbarrier.arrive $0xFFFF  }
0x49: {  	[spmem:s3] =	stream.indirect.scatter.add.f32 [tilespmem:s17], [sflag:$0x2], $0x10, s4, s20, $0xb8;
	[tilespmem:$0x8110] =	vst v63  }
0x4a: {  	_ = 	snop  }
0x4b: {  	[spmem:s3] =	stream.indirect.scatter.add.f32 [tilespmem:s17], [sflag:$0x2], $0x10, s20, s20, $0xb8;
	[tilespmem:$0x8110] =	vst v63  }
0x4c: {  	_ = 	snop  }
0x4d: {  	[spmem:s3] =	stream.indirect.scatter.add.f32 [tilespmem:s17], [sflag:$0x2], $0x10, s21, s20, $0xb8;
	[tilespmem:$0x8110] =	vst v63  }
0x4e: {  	_ = 	snop  }
0x4f: {  	[spmem:s3] =	stream.indirect.scatter.add.f32 [tilespmem:s17], [sflag:$0x2], $0x10, s22, s20, $0xb8;
	[tilespmem:$0x8110] =	vst v63  }
0x50: {  	_ = 	snop  }
0x51: {  	[spmem:s3] =	stream.indirect.scatter.add.f32 [tilespmem:s17], [sflag:$0x2], $0x10, s23, s20, $0xb8;
	[tilespmem:$0x8110] =	vst v63  }
0x52: {  	s26 =	simm.s32 $0x190  }
0x53: {  	[spmem:s3] =	stream.indirect.scatter.add.f32 [tilespmem:s17], [sflag:$0x2], $0x10, s26, s20, $0xb8;
	[tilespmem:$0x8110] =	vst v63  }
0x54: {  	s31 =	simm.s32 $0x1E0  }
0x55: {  	[spmem:s3] =	stream.indirect.scatter.add.f32 [tilespmem:s17], [sflag:$0x2], $0x10, s31, s20, $0xb8;
	[tilespmem:$0x8110] =	vst v63  }
0x56: {  	s29 =	simm.s32 $0x230  }
0x57: {  	[spmem:s3] =	stream.indirect.scatter.add.f32 [tilespmem:s17], [sflag:$0x2], $0x10, s29, s20, $0xb8;
	[tilespmem:$0x8110] =	vst v63  }
0x58: {  	s30 =	simm.s32 $0x280  }
0x59: {  	[spmem:s3] =	stream.indirect.scatter.add.f32 [tilespmem:s17], [sflag:$0x2], $0x10, s30, s20, $0xb8;
	[tilespmem:$0x8110] =	vst v63  }
0x5a: {  	s31 =	simm.s32 $0x2D0  }
0x5b: {  	[spmem:s3] =	stream.indirect.scatter.add.f32 [tilespmem:s17], [sflag:$0x2], $0x10, s31, s20, $0xb8;
	[tilespmem:$0x8110] =	vst v63  }
0x5c: {  	_ =	swait.ge [sflag:s24], $0x500  }
0x5d: {  	[sflag:s24] =	ssyncset.done $0x0  }
0x5e: {  	[sflag:s24] =	ssyncadd.s32 $0xFFFFFB00  }
0x5f: {  	_ =	swait.ge [sflag:s24], $0x500  }
0x60: {  	[sflag:s24] =	ssyncset.done $0x0  }
0x61: {  	[sflag:s24] =	ssyncadd.s32 $0xFFFFFB00  }
0x62: {  	_ =	swait.ge [sflag:s24], $0x500  }
0x63: {  	[sflag:s24] =	ssyncset.done $0x0  }
0x64: {  	[sflag:s24] =	ssyncadd.s32 $0xFFFFFB00  }
0x65: {  	_ =	swait.ge [sflag:s24], $0x500  }
0x66: {  	[sflag:s24] =	ssyncset.done $0x0  }
0x67: {  	[sflag:s24] =	ssyncadd.s32 $0xFFFFFB00  }
0x68: {  	_ =	swait.ge [sflag:s24], $0x500  }
0x69: {  	s28 =	simm.s32 $0xFFFF7680;
	s26 =	simm.s32 $0xFFFFDC10;
	[sflag:s24] =	ssyncset.done $0x0  }
.LBB2_4:
0x6a: {  	s29 =	sadd.s32 $0x2710, s26  }
0x6b: {  	[sflag:s24] =	ssyncadd.s32 $0xFFFFFB00;
	s30 =	smov.u32 s28;
	s31 =	sadd.s32 $0x640, s28  }
0x6c: {  	[spmem:s3] =	stream.indirect.scatter.add.f32 [tilespmem:s17], [sflag:$0x2], $0x10, s29, s20, $0xb8;
	[tilespmem:$0x8110] =	vst v63  }
0x6d: {  	p0 =	sne.s32 s28, $0xFFFFF9C0;
	s28 =	sadd.s32 $0x2760, s26  }
0x6e: {  	[spmem:s3] =	stream.indirect.scatter.add.f32 [tilespmem:s17], [sflag:$0x2], $0x10, s28, s20, $0xb8;
	[tilespmem:$0x8110] =	vst v63  }
0x6f: {  	s28 =	sadd.s32 $0x27B0, s26  }
0x70: {  	[spmem:s3] =	stream.indirect.scatter.add.f32 [tilespmem:s17], [sflag:$0x2], $0x10, s28, s20, $0xb8;
	[tilespmem:$0x8110] =	vst v63  }
0x71: {  	s28 =	sadd.s32 $0x2800, s26  }
0x72: {  	[spmem:s3] =	stream.indirect.scatter.add.f32 [tilespmem:s17], [sflag:$0x2], $0x10, s28, s20, $0xb8;
	[tilespmem:$0x8110] =	vst v63  }
0x73: {  	s26 =	sadd.s32 $0x2850, s26  }
0x74: {  	[spmem:s3] =	stream.indirect.scatter.add.f32 [tilespmem:s17], [sflag:$0x2], $0x10, s26, s20, $0xb8;
	[tilespmem:$0x8110] =	vst v63  }
0x75: {  	_ =	swait.ge [sflag:s24], $0x500  }
0x76: {  	[sflag:s24] =	ssyncset.done $0x0  }
0x77: {  	[sflag:s24] =	ssyncadd.s32 $0xFFFFFB00  }
0x78: {  	_ =	swait.ge [sflag:s24], $0x500  }
0x79: {  	[sflag:s24] =	ssyncset.done $0x0  }
0x7a: {  	[sflag:s24] =	ssyncadd.s32 $0xFFFFFB00  }
0x7b: {  	_ =	swait.ge [sflag:s24], $0x500  }
0x7c: {  	[sflag:s24] =	ssyncset.done $0x0  }
0x7d: {  	[sflag:s24] =	ssyncadd.s32 $0xFFFFFB00  }
.Ltmp1:
0x7e: {  	_ =	swait.ge [sflag:s24], $0x500;
	(pc) =	sbr.rel @p0 .LBB2_4-.Ltmp1, $4  }
0x7f: {  	[sflag:s24] =	ssyncset.done $0x0  }
0x80: {  	[sflag:s24] =	ssyncadd.s32 $0xFFFFFB00  }
0x81: {  	_ =	swait.ge [sflag:s24], $0x500  }
0x82: {  	s28 =	smov.u32 s31;
	s26 =	sshra.s32 s30, $0x2;
	[sflag:s24] =	ssyncset.done $0x0  }
0x83: {  	s28 =	sadd.s32 $0x2710, s26;
	[sflag:s24] =	ssyncadd.s32 $0xFFFFFB00  }
0x84: {  	[spmem:s3] =	stream.indirect.scatter.add.f32 [tilespmem:s17], [sflag:$0x2], $0x10, s28, s20, $0xb8;
	[tilespmem:$0x8110] =	vst v63  }
0x85: {  	s29 =	sadd.s32 $0x2760, s26  }
0x86: {  	[spmem:s3] =	stream.indirect.scatter.add.f32 [tilespmem:s17], [sflag:$0x2], $0x10, s29, s20, $0xb8;
	[tilespmem:$0x8110] =	vst v63  }
0x87: {  	s30 =	sadd.s32 $0x27B0, s26  }
0x88: {  	[spmem:s3] =	stream.indirect.scatter.add.f32 [tilespmem:s17], [sflag:$0x2], $0x10, s30, s20, $0xb8;
	[tilespmem:$0x8110] =	vst v63  }
0x89: {  	s31 =	sadd.s32 $0x2800, s26  }
0x8a: {  	[spmem:s3] =	stream.indirect.scatter.add.f32 [tilespmem:s17], [sflag:$0x2], $0x10, s31, s20, $0xb8;
	[tilespmem:$0x8110] =	vst v63  }
0x8b: {  	s29 =	sadd.s32 $0x2850, s26  }
0x8c: {  	[spmem:s3] =	stream.indirect.scatter.add.f32 [tilespmem:s17], [sflag:$0x2], $0x10, s29, s20, $0xb8;
	[tilespmem:$0x8110] =	vst v63  }
0x8d: {  	_ =	swait.ge [sflag:s24], $0x500  }
0x8e: {  	[sflag:s24] =	ssyncset.done $0x0  }
0x8f: {  	[sflag:s24] =	ssyncadd.s32 $0xFFFFFB00  }
0x90: {  	_ =	swait.ge [sflag:s24], $0x500  }
0x91: {  	[sflag:s24] =	ssyncset.done $0x0  }
0x92: {  	[sflag:s24] =	ssyncadd.s32 $0xFFFFFB00  }
0x93: {  	_ =	swait.ge [sflag:s24], $0x500  }
0x94: {  	[sflag:s24] =	ssyncset.done $0x0  }
0x95: {  	[sflag:s24] =	ssyncadd.s32 $0xFFFFFB00  }
0x96: {  	_ =	swait.ge [sflag:s24], $0x500  }
0x97: {  	[sflag:s24] =	ssyncset.done $0x0  }
0x98: {  	[sflag:s24] =	ssyncadd.s32 $0xFFFFFB00  }
0x99: {  	_ =	swait.ge [sflag:s24], $0x500  }
0x9a: {  	[sflag:s24] =	ssyncset.done $0x0  }
0x9b: {  	[sflag:s24] =	ssyncadd.s32 $0xFFFFFB00  }
0x9c: {  	_ =	swait.ge [sflag:s24], $0x500  }
0x9d: {  	[sflag:s24] =	ssyncset.done $0x0  }
0x9e: {  	[sflag:s24] =	ssyncadd.s32 $0xFFFFFB00  }
0x9f: {  	_ =	swait.ge [sflag:s24], $0x500  }
0xa0: {  	[sflag:s24] =	ssyncset.done $0x0  }
0xa1: {  	[sflag:s24] =	ssyncadd.s32 $0xFFFFFB00  }
0xa2: {  	_ =	swait.ge [sflag:s24], $0x500  }
0xa3: {  	[sflag:s24] =	ssyncset.done $0x0  }
0xa4: {  	[sflag:s24] =	ssyncadd.s32 $0xFFFFFB00  }
0xa5: {  	_ =	swait.ge [sflag:s24], $0x500  }
0xa6: {  	[sflag:s24] =	ssyncset.done $0x0  }
0xa7: {  	[sflag:s24] =	ssyncadd.s32 $0xFFFFFB00  }
0xa8: {  	_ =	swait.ge [sflag:s24], $0x500  }
0xa9: {  	s25 =	sadd.s32 $0x1, s25;
	s30 =	sshll.u32 s0, $0x6;
	[sflag:s24] =	ssyncset.done $0x0  }
0xaa: {  	p0 =	sne.s32 s25, s15;
	s26 =	sor.u32 $0x1C03, s30;
	[sflag:s24] =	ssyncadd.s32 $0xFFFFFB00  }
.Ltmp2:
0xab: {  	s31 =	sshrl.u32 s5, $0x3;
	[bflag:$0x0] =	sbarrier.arrive $0xFFFF;
	(pc) =	sbr.rel @p0 .LBB2_1-.Ltmp2, $4  }
0xac: {  	[hbm:s14], [sflag:s26] =	dma.local [spmem:s31], $0x500  }
0xad: {  	_ =	swait.ge [sflag:s18], $0x500  }
0xae: {  	[sflag:s18] =	ssyncset.done $0x0  }
0xaf: {  	[sflag:s18] =	ssyncadd.s32 $0xFFFFFB00  }
0xb0: {  	_ =	sfence.sel $0x180000  }
0xb1: {  	[bflag:$0x0] =	sbarrier.arrive $0xFFFF  }
0xb2: {  	p0 =	sne.s32 s0, $0x0;
	_ =	strace $0x90000047  }
0xb3: {  	s0 =	sadd.s32 @!p0 $0x100000, s1;
	[bflag:$0x2] =	sbarrier.arrive $0xFFFF  }
0xb4: {  	[sflag:s0] =	ssyncadd.tile.s32 @!p0 $0x1;
	_ =	shalt  }
.Lfunc_end2:
_tile_overlayer_lowered:
.L_overlay_start_2:
0xb5: {  	(tag) =	ssettag $0x2  }
0xb6: {  	s0 =	rddreg [dreg:$0x0];
	s2 =	stileid.u32  }
0xb7: {  	s1 =	rddreg [dreg:$0x1];
	p0 =	sne.s32 s2, $0x0  }
0xb8: {  	s3 =	rddreg [dreg:$0x2];
	[bflag:$0x3] =	sbarrier.arrive $0xFFFF;
	s2 =	simm.s32 @!p0 $0x1C03  }
0xb9: {  	[timem:s3], [sflag:s2] =	dma.local @!p0 [hbm:s0], s1  }
0xba: {  	s0 =	simm.s32 @!p0 $0x3  }
0xbb: {  	_ =	swait.ge @!p0 [sflag:s0], s1  }
0xbc: {  	s1 =	ssub.s32 @!p0 $0x0, s1;
	[sflag:s0] =	ssyncset.done @!p0 $0x0  }
0xbd: {  	[sflag:s0] =	ssyncadd.s32 @!p0 s1  }
0xbe: {  	[bflag:$0x3] =	sbarrier.arrive $0xFFFF  }
0xbf: {  	_ =	shalt  }

</sc_bundles>
